<compile_context>
chip_gen: v7x
topology: tpu7x:2x2x1
jax: 0.10.2.dev20260603
libtpu: 0.0.44.dev20260713+nightly
codegen_flags: <defaults>
</compile_context>

<pallas_src>
import dataclasses
import functools

import jax
import jax.numpy as jnp
from jax import lax
from jax.experimental import pallas as pl
from jax.experimental.pallas import tpu as pltpu
from jax.experimental.pallas import tpu_sc as plsc

N = 10000
E = 320000
NC, NS = 2, 16
NW = NC * NS
EPW = E // NW
L = 16

_mesh = plsc.VectorSubcoreMesh(
    core_axis_name="c", subcore_axis_name="s", num_cores=NC, num_subcores=NS)

_cp = pltpu.CompilerParams()
if "needs_layout_passes" in pltpu.CompilerParams.__dataclass_fields__:
    _cp = dataclasses.replace(_cp, needs_layout_passes=False)


def _wid():
    return lax.axis_index("c") * NS + lax.axis_index("s")



RED = 640
NPAD = NS * RED


def _rsqrt_newton(x):
    i = plsc.bitcast(x, jnp.int32)
    seed = jnp.full((L,), 0x5F3759DF, jnp.int32) - lax.shift_right_logical(
        i, jnp.ones((L,), jnp.int32))
    y = plsc.bitcast(seed, jnp.float32)
    for _ in range(3):
        y = y * (1.5 - 0.5 * x * y * y)
    return y


@functools.partial(
    pl.kernel,
    out_type=(jax.ShapeDtypeStruct((NW, 16, N), jnp.float32),
              jax.ShapeDtypeStruct((E,), jnp.float32),
              jax.ShapeDtypeStruct((NC * NPAD,), jnp.float32),
              jax.ShapeDtypeStruct((NC * NS * N,), jnp.float32)),
    mesh=_mesh,
    compiler_params=_cp,
    name="sc_layer1",
    scratch_types=[
        pltpu.VMEM((N,), jnp.float32),
        pltpu.VMEM((EPW,), jnp.float32),
        pltpu.VMEM((EPW,), jnp.int32),
        pltpu.VMEM((EPW,), jnp.int32),
        pltpu.VMEM((NS * (RED // 2),), jnp.float32),
        pltpu.SemaphoreType.DMA,
    ] + [pltpu.VMEM((N,), jnp.float32)] * 8,
)
def _sc_layer1(eix_hbm, ew_hbm, hT_hbm,
               out_hbm, norm_hbm, dis_hbm, degs_hbm,
               dis_v, nrm_v, src_v, dst_v, red_blk, dma_sem,
               *rows):
    h_fs = rows[:4]
    acc_fs = rows[4:]
    sid = lax.axis_index("s")
    wid = _wid()
    z16 = jnp.zeros((L,), jnp.float32)

    @plsc.parallel_loop(0, N, step=L, unroll=8)
    def _(i):
        dis_v[pl.ds(i, L)] = z16

    for half in range(2):
        dbase = sid * (2 * EPW) + half * EPW
        pltpu.sync_copy(eix_hbm.at[pl.ds(E + dbase, EPW)], src_v)
        pltpu.sync_copy(ew_hbm.at[pl.ds(dbase, EPW)], nrm_v)

        @plsc.parallel_loop(0, EPW, step=L, unroll=4)
        def _(g):
            plsc.addupdate_scatter(
                dis_v, [src_v[pl.ds(g, L)]], nrm_v[pl.ds(g, L)])

    cid = lax.axis_index("c")
    pltpu.sync_copy(dis_v, degs_hbm.at[pl.ds((cid * NS + sid) * N, N)])
    plsc.subcore_barrier()
    tstart = sid * RED
    hw = RED // 2
    for half in range(2):
        copies = [
            pltpu.async_copy(
                degs_hbm.at[pl.ds((cid * NS + j) * N + tstart + half * hw, hw)],
                red_blk.at[pl.ds(j * hw, hw)], dma_sem)
            for j in range(NS)
        ]
        for c in copies:
            c.wait()

        @plsc.parallel_loop(0, hw, step=L, unroll=2)
        def _(k):
            acc = red_blk[pl.ds(k, L)]
            for j in range(1, NS):
                acc = acc + red_blk[pl.ds(j * hw + k, L)]
            dis_v[pl.ds(half * hw + k, L)] = _rsqrt_newton(acc + 1.0)

    pltpu.sync_copy(dis_v.at[pl.ds(0, RED)],
                    dis_hbm.at[pl.ds(cid * NPAD + tstart, RED)])
    plsc.subcore_barrier()
    pltpu.sync_copy(dis_hbm.at[pl.ds(cid * NPAD, N)], dis_v)

    base = wid * EPW
    pltpu.sync_copy(eix_hbm.at[pl.ds(base, EPW)], src_v)
    pltpu.sync_copy(eix_hbm.at[pl.ds(E + base, EPW)], dst_v)
    pltpu.sync_copy(ew_hbm.at[pl.ds(base, EPW)], nrm_v)

    @plsc.parallel_loop(0, EPW, step=L, unroll=8)
    def _(g):
        dsv = plsc.load_gather(dis_v, [src_v[pl.ds(g, L)]])
        ddv = plsc.load_gather(dis_v, [dst_v[pl.ds(g, L)]])
        nrm_v[pl.ds(g, L)] = dsv * nrm_v[pl.ds(g, L)] * ddv

    pltpu.sync_copy(nrm_v, norm_hbm.at[pl.ds(base, EPW)])

    for p in range(4):
        for f in range(4):
            pltpu.sync_copy(hT_hbm.at[p * 4 + f], h_fs[f])

        @plsc.parallel_loop(0, N, step=L, unroll=8)
        def _(i):
            for f in range(4):
                acc_fs[f][pl.ds(i, L)] = z16

        @plsc.parallel_loop(0, EPW, step=L, unroll=8)
        def _(g):
            s16 = src_v[pl.ds(g, L)]
            d16 = dst_v[pl.ds(g, L)]
            n16 = nrm_v[pl.ds(g, L)]
            for f in range(4):
                hf = plsc.load_gather(h_fs[f], [s16])
                plsc.addupdate_scatter(acc_fs[f], [d16], hf * n16)

        for f in range(4):
            pltpu.sync_copy(acc_fs[f], out_hbm.at[wid, p * 4 + f])


@functools.partial(
    pl.kernel,
    out_type=jax.ShapeDtypeStruct((NW, 2, N), jnp.float32),
    mesh=_mesh,
    compiler_params=_cp,
    name="sc_agg2",
    scratch_types=[
        pltpu.VMEM((EPW,), jnp.float32),
        pltpu.VMEM((EPW,), jnp.int32),
        pltpu.VMEM((EPW,), jnp.int32),
    ] + [pltpu.VMEM((N,), jnp.float32)] * 4,
)
def _sc_agg2(eix_hbm, norm_in_hbm, hT_hbm, out_hbm,
             nrm_v, src_v, dst_v, h0, h1, a0, a1):
    h_fs = (h0, h1)
    acc_fs = (a0, a1)
    wid = _wid()
    base = wid * EPW
    pltpu.sync_copy(eix_hbm.at[pl.ds(base, EPW)], src_v)
    pltpu.sync_copy(eix_hbm.at[pl.ds(E + base, EPW)], dst_v)
    pltpu.sync_copy(norm_in_hbm.at[pl.ds(base, EPW)], nrm_v)
    for f in range(2):
        pltpu.sync_copy(hT_hbm.at[f], h_fs[f])

    z16 = jnp.zeros((L,), jnp.float32)

    @plsc.parallel_loop(0, N, step=L, unroll=8)
    def _(i):
        for f in range(2):
            acc_fs[f][pl.ds(i, L)] = z16

    @plsc.parallel_loop(0, EPW, step=L, unroll=8)
    def _(g):
        s16 = src_v[pl.ds(g, L)]
        d16 = dst_v[pl.ds(g, L)]
        n16 = nrm_v[pl.ds(g, L)]
        for f in range(2):
            hf = plsc.load_gather(h_fs[f], [s16])
            plsc.addupdate_scatter(acc_fs[f], [d16], hf * n16)

    for f in range(2):
        pltpu.sync_copy(acc_fs[f], out_hbm.at[wid, f])



def _tc_h1T(W1, x):
    def body(w_ref, x_ref, h_ref):
        h_ref[...] = lax.dot_general(
            w_ref[...], x_ref[...], (((0,), (1,)), ((), ())),
            preferred_element_type=jnp.float32)

    return pl.pallas_call(
        body, out_shape=jax.ShapeDtypeStruct((16, N), jnp.float32),
    )(W1, x)


def _tc_layer2_prep(agg1p, h1T, dis2d, b1c, W2):
    def body(a_ref, h_ref, d_ref, b_ref, w_ref, o_ref):
        aggsum = jnp.sum(a_ref[...], axis=0)
        dis2 = d_ref[...] * d_ref[...]
        out1 = aggsum + h_ref[...] * dis2 + b_ref[...]
        r = jnp.maximum(out1, 0.0)
        o_ref[...] = lax.dot_general(
            w_ref[...], r, (((0,), (0,)), ((), ())),
            preferred_element_type=jnp.float32)

    return pl.pallas_call(
        body, out_shape=jax.ShapeDtypeStruct((2, N), jnp.float32),
    )(agg1p, h1T, dis2d, b1c, W2)


def _tc_final(agg2p, h2T, dis2d, b2c):
    def body(a_ref, h_ref, d_ref, b_ref, o_ref):
        aggsum = jnp.sum(a_ref[...], axis=0)
        dis2 = d_ref[...] * d_ref[...]
        o2 = aggsum + h_ref[...] * dis2 + b_ref[...]
        m = jnp.max(o2, axis=0, keepdims=True)
        lse = m + jnp.log(jnp.sum(jnp.exp(o2 - m), axis=0, keepdims=True))
        o_ref[...] = o2 - lse

    return pl.pallas_call(
        body, out_shape=jax.ShapeDtypeStruct((2, N), jnp.float32),
    )(agg2p, h2T, dis2d, b2c)


@jax.jit
def kernel(x, edge_index, edge_weight, W1, b1, W2, b2):
    eix = edge_index.astype(jnp.int32).reshape(2 * E)

    h1T = _tc_h1T(W1, x)
    agg1p, norm, disp, _ = _sc_layer1(eix, edge_weight, h1T)
    dis2d = disp[:N].reshape(1, N)
    h2T = _tc_layer2_prep(agg1p, h1T, dis2d, b1.reshape(16, 1), W2)
    agg2p = _sc_agg2(eix, norm, h2T)
    lsmT = _tc_final(agg2p, h2T, dis2d, b2.reshape(2, 1))
    return lsmT.T

# --- scband reference (transcript-rebuilt; emitter-appended) ---
"""Pipeline reference for scband-net-21706764714346 (READ-ONLY COPY).

The authoritative reference and input builder live on the scoring server;
editing this copy changes nothing except your own understanding.
"""

import jax, jax.numpy as jnp
import numpy as np

N_NODES = 10000


def gcn_conv(x, src, dst, ew, W, b):
    # linear transform first (matches GCNConv)
    h = x @ W
    # symmetric normalization with self-loops already appended by caller
    deg = jnp.zeros((N_NODES,), dtype=x.dtype).at[dst].add(ew)
    deg_inv_sqrt = jnp.where(deg > 0, 1.0 / jnp.sqrt(deg), 0.0)
    norm = deg_inv_sqrt[src] * ew * deg_inv_sqrt[dst]
    msg = h[src] * norm[:, None]
    out = jnp.zeros((N_NODES, W.shape[1]), dtype=x.dtype).at[dst].add(msg)
    return out + b


def setup_inputs(seed: int = 0) -> dict:
    key = jax.random.key(seed)
    k1, k2, k3, k4, k5, k6, k7 = jax.random.split(key, 7)
    x = jax.random.normal(k1, (N_NODES, 128), dtype=jnp.float32)
    edge_index = jax.random.randint(k2, (2, 320000), 0, N_NODES, dtype=jnp.int64)
    edge_weight = jax.random.uniform(k3, (320000,), dtype=jnp.float32)
    # GCNConv params: glorot-style weights, zero bias
    W1 = jax.random.normal(k4, (128, 16), dtype=jnp.float32) * (1.0 / np.sqrt(128))
    b1 = jnp.zeros((16,), dtype=jnp.float32)
    W2 = jax.random.normal(k5, (16, 2), dtype=jnp.float32) * (1.0 / np.sqrt(16))
    b2 = jnp.zeros((2,), dtype=jnp.float32)
    return {"x": x, "edge_index": edge_index, "edge_weight": edge_weight,
            "W1": W1, "b1": b1, "W2": W2, "b2": b2}


def reference(x, edge_index, edge_weight, W1, b1, W2, b2):
    # add self-loops with weight 1 (GCNConv default fill_value=1)
    loop = jnp.arange(N_NODES, dtype=edge_index.dtype)
    src = jnp.concatenate([edge_index[0], loop])
    dst = jnp.concatenate([edge_index[1], loop])
    ew = jnp.concatenate([edge_weight, jnp.ones((N_NODES,), dtype=edge_weight.dtype)])
    h = gcn_conv(x, src, dst, ew, W1, b1)
    h = jax.nn.relu(h)
    h = gcn_conv(h, src, dst, ew, W2, b2)
    return jax.nn.log_softmax(h, axis=1)

if __name__ == "__main__":
    import jax
    _d = setup_inputs()
    print(jax.jit(kernel)(*tuple(_d.values())))

</pallas_src>

<mosaic_0001>
#map = affine_map<(d0, d1) -> (0)>
#map1 = affine_map<(d0, d1) -> (0, 0)>
#map2 = affine_map<(d0, d1) -> (0, 0, 0)>
module attributes {stable_mosaic.version = 14 : i64} {
  func.func @sc_layer1(%arg0: i32, %arg1: i32, %arg2: memref<640000xi32, #tpu.memory_space<hbm>>, %arg3: memref<320000xf32, #tpu.memory_space<hbm>>, %arg4: memref<16x10000xf32, #tpu.memory_space<hbm>>, %arg5: memref<32x16x10000xf32, #tpu.memory_space<hbm>>, %arg6: memref<320000xf32, #tpu.memory_space<hbm>>, %arg7: memref<20480xf32, #tpu.memory_space<hbm>>, %arg8: memref<320000xf32, #tpu.memory_space<hbm>>, %arg9: memref<10000xf32, #tpu.memory_space<vmem>>, %arg10: memref<10000xf32, #tpu.memory_space<vmem>>, %arg11: memref<10000xi32, #tpu.memory_space<vmem>>, %arg12: memref<10000xi32, #tpu.memory_space<vmem>>, %arg13: memref<5120xf32, #tpu.memory_space<vmem>>, %arg14: memref<!tpu.dma_semaphore, #tpu.memory_space<semaphore_mem>>, %arg15: memref<10000xf32, #tpu.memory_space<vmem>>, %arg16: memref<10000xf32, #tpu.memory_space<vmem>>, %arg17: memref<10000xf32, #tpu.memory_space<vmem>>, %arg18: memref<10000xf32, #tpu.memory_space<vmem>>, %arg19: memref<10000xf32, #tpu.memory_space<vmem>>, %arg20: memref<10000xf32, #tpu.memory_space<vmem>>, %arg21: memref<10000xf32, #tpu.memory_space<vmem>>, %arg22: memref<10000xf32, #tpu.memory_space<vmem>>) attributes {dimension_semantics = [#tpu.dimension_semantics<core_parallel>, #tpu.dimension_semantics<subcore_parallel>], iteration_bounds = array<i64: 2, 16>, scalar_prefetch = 0 : i64, scratch_operands = 14 : i64, tpu.core_type = #tpu.core_type<sc_vector_subcore>, window_params = [{transform_indices = #map}, {transform_indices = #map}, {transform_indices = #map1}, {transform_indices = #map2}, {transform_indices = #map}, {transform_indices = #map}, {transform_indices = #map}]} {
    %mul3A = arith.constant 16 : i32
    %mul3A_0 = arith.muli %arg0, %mul3A : i32
    %add3A = arith.addi %mul3A_0, %arg1 : i32
    %broadcast_in_dim3A = arith.constant 0.000000e+00 : f32
    %broadcast_in_dim3A_1 = vector.broadcast %broadcast_in_dim3A : f32 to vector<16xf32>
    %parallel_loop3A = arith.constant 0 : i32
    %parallel_loop3A_2 = arith.constant 10000 : i32
    %parallel_loop3A_3 = arith.constant 16 : i32
    scf.for %parallel_loop3A_773 = %parallel_loop3A to %parallel_loop3A_2 step %parallel_loop3A_3  : i32 {
      %parallel_loop3A_774 = arith.index_cast %parallel_loop3A_773 : i32 to index
      %parallel_loop3A_775 = tpu.vector_load %arg9[%parallel_loop3A_774] {strides = array<i32>} : memref<10000xf32, #tpu.memory_space<vmem>>, vector<16xf32>,
      tpu.vector_store %arg9[%parallel_loop3A_774], %broadcast_in_dim3A_1 {strides = array<i32>} : memref<10000xf32, #tpu.memory_space<vmem>>, vector<16xf32>,
    } {sc.loop_unroll_factor = 8 : i64, sc.parallel_access}
    %mul3A_4 = arith.constant 20000 : i32
    %mul3A_5 = arith.muli %arg1, %mul3A_4 : i32
    %add3A_6 = arith.constant 0 : i32
    %add3A_7 = arith.addi %mul3A_5, %add3A_6 : i32
    %add3A_8 = arith.constant 320000 : i32
    %add3A_9 = arith.addi %add3A_8, %add3A_7 : i32
    "tpu.region"() ({
      %run_scoped3A_773 = tpu.sem_alloc : memref<!tpu.dma_semaphore, #tpu.memory_space<semaphore_mem>>
      %dma_start3A_774 = tpu.memref_slice %arg2[%add3A_9] : memref<640000xi32, #tpu.memory_space<hbm>> -> memref<10000xi32, #tpu.memory_space<hbm>>
      %dma_start3A_775 = tpu.memref_slice %arg2[%add3A_9] : memref<640000xi32, #tpu.memory_space<hbm>> -> memref<10000xi32, #tpu.memory_space<hbm>>
      tpu.enqueue_dma source(%dma_start3A_775 : memref<10000xi32, #tpu.memory_space<hbm>>) target(%arg11 : memref<10000xi32, #tpu.memory_space<vmem>>) target_semaphore(%run_scoped3A_773 : memref<!tpu.dma_semaphore, #tpu.memory_space<semaphore_mem>>)
      %dma_wait3A_776 = tpu.memref_slice %arg2[%add3A_9] : memref<640000xi32, #tpu.memory_space<hbm>> -> memref<10000xi32, #tpu.memory_space<hbm>>
      %dma_wait3A_777 = tpu.memref_slice %arg2[%add3A_9] : memref<640000xi32, #tpu.memory_space<hbm>> -> memref<10000xi32, #tpu.memory_space<hbm>>
      tpu.wait_dma2 semaphore(%run_scoped3A_773 : memref<!tpu.dma_semaphore, #tpu.memory_space<semaphore_mem>>) src(%dma_wait3A_777 : memref<10000xi32, #tpu.memory_space<hbm>>) dst(%arg11 : memref<10000xi32, #tpu.memory_space<vmem>>)
      tpu.yield
    }) : () -> ()
    "tpu.region"() ({
      %run_scoped3A_773 = tpu.sem_alloc : memref<!tpu.dma_semaphore, #tpu.memory_space<semaphore_mem>>
      %dma_start3A_774 = tpu.memref_slice %arg3[%add3A_7] : memref<320000xf32, #tpu.memory_space<hbm>> -> memref<10000xf32, #tpu.memory_space<hbm>>
      %dma_start3A_775 = tpu.memref_slice %arg3[%add3A_7] : memref<320000xf32, #tpu.memory_space<hbm>> -> memref<10000xf32, #tpu.memory_space<hbm>>
      tpu.enqueue_dma source(%dma_start3A_775 : memref<10000xf32, #tpu.memory_space<hbm>>) target(%arg10 : memref<10000xf32, #tpu.memory_space<vmem>>) target_semaphore(%run_scoped3A_773 : memref<!tpu.dma_semaphore, #tpu.memory_space<semaphore_mem>>)
      %dma_wait3A_776 = tpu.memref_slice %arg3[%add3A_7] : memref<320000xf32, #tpu.memory_space<hbm>> -> memref<10000xf32, #tpu.memory_space<hbm>>
      %dma_wait3A_777 = tpu.memref_slice %arg3[%add3A_7] : memref<320000xf32, #tpu.memory_space<hbm>> -> memref<10000xf32, #tpu.memory_space<hbm>>
      tpu.wait_dma2 semaphore(%run_scoped3A_773 : memref<!tpu.dma_semaphore, #tpu.memory_space<semaphore_mem>>) src(%dma_wait3A_777 : memref<10000xf32, #tpu.memory_space<hbm>>) dst(%arg10 : memref<10000xf32, #tpu.memory_space<vmem>>)
      tpu.yield
    }) : () -> ()
    %parallel_loop3A_10 = arith.constant 0 : i32
    %parallel_loop3A_11 = arith.constant 10000 : i32
    %parallel_loop3A_12 = arith.constant 16 : i32
    scf.for %parallel_loop3A_773 = %parallel_loop3A_10 to %parallel_loop3A_11 step %parallel_loop3A_12  : i32 {
      %parallel_loop3A_774 = arith.index_cast %parallel_loop3A_773 : i32 to index
      %parallel_loop3A_775 = tpu.vector_load %arg11[%parallel_loop3A_774] {strides = array<i32>} : memref<10000xi32, #tpu.memory_space<vmem>>, vector<16xi32>,
      %parallel_loop3A_776 = arith.index_cast %parallel_loop3A_773 : i32 to index
      %parallel_loop3A_777 = tpu.vector_load %arg10[%parallel_loop3A_776] {strides = array<i32>} : memref<10000xf32, #tpu.memory_space<vmem>>, vector<16xf32>,
      tpu.vector_store_idx %arg9[%parallel_loop3A_775], %parallel_loop3A_777 {add = true} : memref<10000xf32, #tpu.memory_space<vmem>>[vector<16xi32>], vector<16xf32>,
    } {sc.loop_unroll_factor = 4 : i64, sc.parallel_access}
    %mul3A_13 = arith.constant 20000 : i32
    %mul3A_14 = arith.muli %arg1, %mul3A_13 : i32
    %add3A_15 = arith.constant 10000 : i32
    %add3A_16 = arith.addi %mul3A_14, %add3A_15 : i32
    %add3A_17 = arith.constant 320000 : i32
    %add3A_18 = arith.addi %add3A_17, %add3A_16 : i32
    "tpu.region"() ({
      %run_scoped3A_773 = tpu.sem_alloc : memref<!tpu.dma_semaphore, #tpu.memory_space<semaphore_mem>>
      %dma_start3A_774 = tpu.memref_slice %arg2[%add3A_18] : memref<640000xi32, #tpu.memory_space<hbm>> -> memref<10000xi32, #tpu.memory_space<hbm>>
      %dma_start3A_775 = tpu.memref_slice %arg2[%add3A_18] : memref<640000xi32, #tpu.memory_space<hbm>> -> memref<10000xi32, #tpu.memory_space<hbm>>
      tpu.enqueue_dma source(%dma_start3A_775 : memref<10000xi32, #tpu.memory_space<hbm>>) target(%arg11 : memref<10000xi32, #tpu.memory_space<vmem>>) target_semaphore(%run_scoped3A_773 : memref<!tpu.dma_semaphore, #tpu.memory_space<semaphore_mem>>)
      %dma_wait3A_776 = tpu.memref_slice %arg2[%add3A_18] : memref<640000xi32, #tpu.memory_space<hbm>> -> memref<10000xi32, #tpu.memory_space<hbm>>
      %dma_wait3A_777 = tpu.memref_slice %arg2[%add3A_18] : memref<640000xi32, #tpu.memory_space<hbm>> -> memref<10000xi32, #tpu.memory_space<hbm>>
      tpu.wait_dma2 semaphore(%run_scoped3A_773 : memref<!tpu.dma_semaphore, #tpu.memory_space<semaphore_mem>>) src(%dma_wait3A_777 : memref<10000xi32, #tpu.memory_space<hbm>>) dst(%arg11 : memref<10000xi32, #tpu.memory_space<vmem>>)
      tpu.yield
    }) : () -> ()
    "tpu.region"() ({
      %run_scoped3A_773 = tpu.sem_alloc : memref<!tpu.dma_semaphore, #tpu.memory_space<semaphore_mem>>
      %dma_start3A_774 = tpu.memref_slice %arg3[%add3A_16] : memref<320000xf32, #tpu.memory_space<hbm>> -> memref<10000xf32, #tpu.memory_space<hbm>>
      %dma_start3A_775 = tpu.memref_slice %arg3[%add3A_16] : memref<320000xf32, #tpu.memory_space<hbm>> -> memref<10000xf32, #tpu.memory_space<hbm>>
      tpu.enqueue_dma source(%dma_start3A_775 : memref<10000xf32, #tpu.memory_space<hbm>>) target(%arg10 : memref<10000xf32, #tpu.memory_space<vmem>>) target_semaphore(%run_scoped3A_773 : memref<!tpu.dma_semaphore, #tpu.memory_space<semaphore_mem>>)
      %dma_wait3A_776 = tpu.memref_slice %arg3[%add3A_16] : memref<320000xf32, #tpu.memory_space<hbm>> -> memref<10000xf32, #tpu.memory_space<hbm>>
      %dma_wait3A_777 = tpu.memref_slice %arg3[%add3A_16] : memref<320000xf32, #tpu.memory_space<hbm>> -> memref<10000xf32, #tpu.memory_space<hbm>>
      tpu.wait_dma2 semaphore(%run_scoped3A_773 : memref<!tpu.dma_semaphore, #tpu.memory_space<semaphore_mem>>) src(%dma_wait3A_777 : memref<10000xf32, #tpu.memory_space<hbm>>) dst(%arg10 : memref<10000xf32, #tpu.memory_space<vmem>>)
      tpu.yield
    }) : () -> ()
    %parallel_loop3A_19 = arith.constant 0 : i32
    %parallel_loop3A_20 = arith.constant 10000 : i32
    %parallel_loop3A_21 = arith.constant 16 : i32
    scf.for %parallel_loop3A_773 = %parallel_loop3A_19 to %parallel_loop3A_20 step %parallel_loop3A_21  : i32 {
      %parallel_loop3A_774 = arith.index_cast %parallel_loop3A_773 : i32 to index
      %parallel_loop3A_775 = tpu.vector_load %arg11[%parallel_loop3A_774] {strides = array<i32>} : memref<10000xi32, #tpu.memory_space<vmem>>, vector<16xi32>,
      %parallel_loop3A_776 = arith.index_cast %parallel_loop3A_773 : i32 to index
      %parallel_loop3A_777 = tpu.vector_load %arg10[%parallel_loop3A_776] {strides = array<i32>} : memref<10000xf32, #tpu.memory_space<vmem>>, vector<16xf32>,
      tpu.vector_store_idx %arg9[%parallel_loop3A_775], %parallel_loop3A_777 {add = true} : memref<10000xf32, #tpu.memory_space<vmem>>[vector<16xi32>], vector<16xf32>,
    } {sc.loop_unroll_factor = 4 : i64, sc.parallel_access}
    %mul3A_22 = arith.constant 16 : i32
    %mul3A_23 = arith.muli %arg0, %mul3A_22 : i32
    %add3A_24 = arith.addi %mul3A_23, %arg1 : i32
    %mul3A_25 = arith.constant 10000 : i32
    %mul3A_26 = arith.muli %add3A_24, %mul3A_25 : i32
    "tpu.region"() ({
      %run_scoped3A_773 = tpu.sem_alloc : memref<!tpu.dma_semaphore, #tpu.memory_space<semaphore_mem>>
      %dma_start3A_774 = tpu.memref_slice %arg8[%mul3A_26] : memref<320000xf32, #tpu.memory_space<hbm>> -> memref<10000xf32, #tpu.memory_space<hbm>>
      %dma_start3A_775 = tpu.memref_slice %arg8[%mul3A_26] : memref<320000xf32, #tpu.memory_space<hbm>> -> memref<10000xf32, #tpu.memory_space<hbm>>
      tpu.enqueue_dma source(%arg9 : memref<10000xf32, #tpu.memory_space<vmem>>) target(%dma_start3A_775 : memref<10000xf32, #tpu.memory_space<hbm>>) target_semaphore(%run_scoped3A_773 : memref<!tpu.dma_semaphore, #tpu.memory_space<semaphore_mem>>)
      %dma_wait3A_776 = tpu.memref_slice %arg8[%mul3A_26] : memref<320000xf32, #tpu.memory_space<hbm>> -> memref<10000xf32, #tpu.memory_space<hbm>>
      %dma_wait3A_777 = tpu.memref_slice %arg8[%mul3A_26] : memref<320000xf32, #tpu.memory_space<hbm>> -> memref<10000xf32, #tpu.memory_space<hbm>>
      tpu.wait_dma2 semaphore(%run_scoped3A_773 : memref<!tpu.dma_semaphore, #tpu.memory_space<semaphore_mem>>) src(%arg9 : memref<10000xf32, #tpu.memory_space<vmem>>) dst(%dma_wait3A_777 : memref<10000xf32, #tpu.memory_space<hbm>>)
      tpu.yield
    }) : () -> ()
    %barrier3A = arith.constant 0 : index
    tpu.barrier barrier_id(%barrier3A)
    %mul3A_27 = arith.constant 640 : i32
    %mul3A_28 = arith.muli %arg1, %mul3A_27 : i32
    %mul3A_29 = arith.constant 16 : i32
    %mul3A_30 = arith.muli %arg0, %mul3A_29 : i32
    %add3A_31 = arith.constant 0 : i32
    %add3A_32 = arith.addi %mul3A_30, %add3A_31 : i32
    %mul3A_33 = arith.constant 10000 : i32
    %mul3A_34 = arith.muli %add3A_32, %mul3A_33 : i32
    %add3A_35 = arith.addi %mul3A_34, %mul3A_28 : i32
    %add3A_36 = arith.constant 0 : i32
    %add3A_37 = arith.addi %add3A_35, %add3A_36 : i32
    %dma_start3A = arith.constant 0 : i32
    %dma_start3A_38 = tpu.memref_slice %arg13[%dma_start3A] : memref<5120xf32, #tpu.memory_space<vmem>> -> memref<320xf32, #tpu.memory_space<vmem>>
    %dma_start3A_39 = tpu.memref_slice %arg8[%add3A_37] : memref<320000xf32, #tpu.memory_space<hbm>> -> memref<320xf32, #tpu.memory_space<hbm>>
    %dma_start3A_40 = arith.constant 0 : i32
    %dma_start3A_41 = tpu.memref_slice %arg13[%dma_start3A_40] : memref<5120xf32, #tpu.memory_space<vmem>> -> memref<320xf32, #tpu.memory_space<vmem>>
    %dma_start3A_42 = tpu.memref_slice %arg8[%add3A_37] : memref<320000xf32, #tpu.memory_space<hbm>> -> memref<320xf32, #tpu.memory_space<hbm>>
    tpu.enqueue_dma source(%dma_start3A_42 : memref<320xf32, #tpu.memory_space<hbm>>) target(%dma_start3A_41 : memref<320xf32, #tpu.memory_space<vmem>>) target_semaphore(%arg14 : memref<!tpu.dma_semaphore, #tpu.memory_space<semaphore_mem>>)
    %mul3A_43 = arith.constant 16 : i32
    %mul3A_44 = arith.muli %arg0, %mul3A_43 : i32
    %add3A_45 = arith.constant 1 : i32
    %add3A_46 = arith.addi %mul3A_44, %add3A_45 : i32
    %mul3A_47 = arith.constant 10000 : i32
    %mul3A_48 = arith.muli %add3A_46, %mul3A_47 : i32
    %add3A_49 = arith.addi %mul3A_48, %mul3A_28 : i32
    %add3A_50 = arith.constant 0 : i32
    %add3A_51 = arith.addi %add3A_49, %add3A_50 : i32
    %dma_start3A_52 = arith.constant 320 : i32
    %dma_start3A_53 = tpu.memref_slice %arg13[%dma_start3A_52] : memref<5120xf32, #tpu.memory_space<vmem>> -> memref<320xf32, #tpu.memory_space<vmem>>
    %dma_start3A_54 = tpu.memref_slice %arg8[%add3A_51] : memref<320000xf32, #tpu.memory_space<hbm>> -> memref<320xf32, #tpu.memory_space<hbm>>
    %dma_start3A_55 = arith.constant 320 : i32
    %dma_start3A_56 = tpu.memref_slice %arg13[%dma_start3A_55] : memref<5120xf32, #tpu.memory_space<vmem>> -> memref<320xf32, #tpu.memory_space<vmem>>
    %dma_start3A_57 = tpu.memref_slice %arg8[%add3A_51] : memref<320000xf32, #tpu.memory_space<hbm>> -> memref<320xf32, #tpu.memory_space<hbm>>
    tpu.enqueue_dma source(%dma_start3A_57 : memref<320xf32, #tpu.memory_space<hbm>>) target(%dma_start3A_56 : memref<320xf32, #tpu.memory_space<vmem>>) target_semaphore(%arg14 : memref<!tpu.dma_semaphore, #tpu.memory_space<semaphore_mem>>)
    %mul3A_58 = arith.constant 16 : i32
    %mul3A_59 = arith.muli %arg0, %mul3A_58 : i32
    %add3A_60 = arith.constant 2 : i32
    %add3A_61 = arith.addi %mul3A_59, %add3A_60 : i32
    %mul3A_62 = arith.constant 10000 : i32
    %mul3A_63 = arith.muli %add3A_61, %mul3A_62 : i32
    %add3A_64 = arith.addi %mul3A_63, %mul3A_28 : i32
    %add3A_65 = arith.constant 0 : i32
    %add3A_66 = arith.addi %add3A_64, %add3A_65 : i32
    %dma_start3A_67 = arith.constant 640 : i32
    %dma_start3A_68 = tpu.memref_slice %arg13[%dma_start3A_67] : memref<5120xf32, #tpu.memory_space<vmem>> -> memref<320xf32, #tpu.memory_space<vmem>>
    %dma_start3A_69 = tpu.memref_slice %arg8[%add3A_66] : memref<320000xf32, #tpu.memory_space<hbm>> -> memref<320xf32, #tpu.memory_space<hbm>>
    %dma_start3A_70 = arith.constant 640 : i32
    %dma_start3A_71 = tpu.memref_slice %arg13[%dma_start3A_70] : memref<5120xf32, #tpu.memory_space<vmem>> -> memref<320xf32, #tpu.memory_space<vmem>>
    %dma_start3A_72 = tpu.memref_slice %arg8[%add3A_66] : memref<320000xf32, #tpu.memory_space<hbm>> -> memref<320xf32, #tpu.memory_space<hbm>>
    tpu.enqueue_dma source(%dma_start3A_72 : memref<320xf32, #tpu.memory_space<hbm>>) target(%dma_start3A_71 : memref<320xf32, #tpu.memory_space<vmem>>) target_semaphore(%arg14 : memref<!tpu.dma_semaphore, #tpu.memory_space<semaphore_mem>>)
    %mul3A_73 = arith.constant 16 : i32
    %mul3A_74 = arith.muli %arg0, %mul3A_73 : i32
    %add3A_75 = arith.constant 3 : i32
    %add3A_76 = arith.addi %mul3A_74, %add3A_75 : i32
    %mul3A_77 = arith.constant 10000 : i32
    %mul3A_78 = arith.muli %add3A_76, %mul3A_77 : i32
    %add3A_79 = arith.addi %mul3A_78, %mul3A_28 : i32
    %add3A_80 = arith.constant 0 : i32
    %add3A_81 = arith.addi %add3A_79, %add3A_80 : i32
    %dma_start3A_82 = arith.constant 960 : i32
    %dma_start3A_83 = tpu.memref_slice %arg13[%dma_start3A_82] : memref<5120xf32, #tpu.memory_space<vmem>> -> memref<320xf32, #tpu.memory_space<vmem>>
    %dma_start3A_84 = tpu.memref_slice %arg8[%add3A_81] : memref<320000xf32, #tpu.memory_space<hbm>> -> memref<320xf32, #tpu.memory_space<hbm>>
    %dma_start3A_85 = arith.constant 960 : i32
    %dma_start3A_86 = tpu.memref_slice %arg13[%dma_start3A_85] : memref<5120xf32, #tpu.memory_space<vmem>> -> memref<320xf32, #tpu.memory_space<vmem>>
    %dma_start3A_87 = tpu.memref_slice %arg8[%add3A_81] : memref<320000xf32, #tpu.memory_space<hbm>> -> memref<320xf32, #tpu.memory_space<hbm>>
    tpu.enqueue_dma source(%dma_start3A_87 : memref<320xf32, #tpu.memory_space<hbm>>) target(%dma_start3A_86 : memref<320xf32, #tpu.memory_space<vmem>>) target_semaphore(%arg14 : memref<!tpu.dma_semaphore, #tpu.memory_space<semaphore_mem>>)
    %mul3A_88 = arith.constant 16 : i32
    %mul3A_89 = arith.muli %arg0, %mul3A_88 : i32
    %add3A_90 = arith.constant 4 : i32
    %add3A_91 = arith.addi %mul3A_89, %add3A_90 : i32
    %mul3A_92 = arith.constant 10000 : i32
    %mul3A_93 = arith.muli %add3A_91, %mul3A_92 : i32
    %add3A_94 = arith.addi %mul3A_93, %mul3A_28 : i32
    %add3A_95 = arith.constant 0 : i32
    %add3A_96 = arith.addi %add3A_94, %add3A_95 : i32
    %dma_start3A_97 = arith.constant 1280 : i32
    %dma_start3A_98 = tpu.memref_slice %arg13[%dma_start3A_97] : memref<5120xf32, #tpu.memory_space<vmem>> -> memref<320xf32, #tpu.memory_space<vmem>>
    %dma_start3A_99 = tpu.memref_slice %arg8[%add3A_96] : memref<320000xf32, #tpu.memory_space<hbm>> -> memref<320xf32, #tpu.memory_space<hbm>>
    %dma_start3A_100 = arith.constant 1280 : i32
    %dma_start3A_101 = tpu.memref_slice %arg13[%dma_start3A_100] : memref<5120xf32, #tpu.memory_space<vmem>> -> memref<320xf32, #tpu.memory_space<vmem>>
    %dma_start3A_102 = tpu.memref_slice %arg8[%add3A_96] : memref<320000xf32, #tpu.memory_space<hbm>> -> memref<320xf32, #tpu.memory_space<hbm>>
    tpu.enqueue_dma source(%dma_start3A_102 : memref<320xf32, #tpu.memory_space<hbm>>) target(%dma_start3A_101 : memref<320xf32, #tpu.memory_space<vmem>>) target_semaphore(%arg14 : memref<!tpu.dma_semaphore, #tpu.memory_space<semaphore_mem>>)
    %mul3A_103 = arith.constant 16 : i32
    %mul3A_104 = arith.muli %arg0, %mul3A_103 : i32
    %add3A_105 = arith.constant 5 : i32
    %add3A_106 = arith.addi %mul3A_104, %add3A_105 : i32
    %mul3A_107 = arith.constant 10000 : i32
    %mul3A_108 = arith.muli %add3A_106, %mul3A_107 : i32
    %add3A_109 = arith.addi %mul3A_108, %mul3A_28 : i32
    %add3A_110 = arith.constant 0 : i32
    %add3A_111 = arith.addi %add3A_109, %add3A_110 : i32
    %dma_start3A_112 = arith.constant 1600 : i32
    %dma_start3A_113 = tpu.memref_slice %arg13[%dma_start3A_112] : memref<5120xf32, #tpu.memory_space<vmem>> -> memref<320xf32, #tpu.memory_space<vmem>>
    %dma_start3A_114 = tpu.memref_slice %arg8[%add3A_111] : memref<320000xf32, #tpu.memory_space<hbm>> -> memref<320xf32, #tpu.memory_space<hbm>>
    %dma_start3A_115 = arith.constant 1600 : i32
    %dma_start3A_116 = tpu.memref_slice %arg13[%dma_start3A_115] : memref<5120xf32, #tpu.memory_space<vmem>> -> memref<320xf32, #tpu.memory_space<vmem>>
    %dma_start3A_117 = tpu.memref_slice %arg8[%add3A_111] : memref<320000xf32, #tpu.memory_space<hbm>> -> memref<320xf32, #tpu.memory_space<hbm>>
    tpu.enqueue_dma source(%dma_start3A_117 : memref<320xf32, #tpu.memory_space<hbm>>) target(%dma_start3A_116 : memref<320xf32, #tpu.memory_space<vmem>>) target_semaphore(%arg14 : memref<!tpu.dma_semaphore, #tpu.memory_space<semaphore_mem>>)
    %mul3A_118 = arith.constant 16 : i32
    %mul3A_119 = arith.muli %arg0, %mul3A_118 : i32
    %add3A_120 = arith.constant 6 : i32
    %add3A_121 = arith.addi %mul3A_119, %add3A_120 : i32
    %mul3A_122 = arith.constant 10000 : i32
    %mul3A_123 = arith.muli %add3A_121, %mul3A_122 : i32
    %add3A_124 = arith.addi %mul3A_123, %mul3A_28 : i32
    %add3A_125 = arith.constant 0 : i32
    %add3A_126 = arith.addi %add3A_124, %add3A_125 : i32
    %dma_start3A_127 = arith.constant 1920 : i32
    %dma_start3A_128 = tpu.memref_slice %arg13[%dma_start3A_127] : memref<5120xf32, #tpu.memory_space<vmem>> -> memref<320xf32, #tpu.memory_space<vmem>>
    %dma_start3A_129 = tpu.memref_slice %arg8[%add3A_126] : memref<320000xf32, #tpu.memory_space<hbm>> -> memref<320xf32, #tpu.memory_space<hbm>>
    %dma_start3A_130 = arith.constant 1920 : i32
    %dma_start3A_131 = tpu.memref_slice %arg13[%dma_start3A_130] : memref<5120xf32, #tpu.memory_space<vmem>> -> memref<320xf32, #tpu.memory_space<vmem>>
    %dma_start3A_132 = tpu.memref_slice %arg8[%add3A_126] : memref<320000xf32, #tpu.memory_space<hbm>> -> memref<320xf32, #tpu.memory_space<hbm>>
    tpu.enqueue_dma source(%dma_start3A_132 : memref<320xf32, #tpu.memory_space<hbm>>) target(%dma_start3A_131 : memref<320xf32, #tpu.memory_space<vmem>>) target_semaphore(%arg14 : memref<!tpu.dma_semaphore, #tpu.memory_space<semaphore_mem>>)
    %mul3A_133 = arith.constant 16 : i32
    %mul3A_134 = arith.muli %arg0, %mul3A_133 : i32
    %add3A_135 = arith.constant 7 : i32
    %add3A_136 = arith.addi %mul3A_134, %add3A_135 : i32
    %mul3A_137 = arith.constant 10000 : i32
    %mul3A_138 = arith.muli %add3A_136, %mul3A_137 : i32
    %add3A_139 = arith.addi %mul3A_138, %mul3A_28 : i32
    %add3A_140 = arith.constant 0 : i32
    %add3A_141 = arith.addi %add3A_139, %add3A_140 : i32
    %dma_start3A_142 = arith.constant 2240 : i32
    %dma_start3A_143 = tpu.memref_slice %arg13[%dma_start3A_142] : memref<5120xf32, #tpu.memory_space<vmem>> -> memref<320xf32, #tpu.memory_space<vmem>>
    %dma_start3A_144 = tpu.memref_slice %arg8[%add3A_141] : memref<320000xf32, #tpu.memory_space<hbm>> -> memref<320xf32, #tpu.memory_space<hbm>>
    %dma_start3A_145 = arith.constant 2240 : i32
    %dma_start3A_146 = tpu.memref_slice %arg13[%dma_start3A_145] : memref<5120xf32, #tpu.memory_space<vmem>> -> memref<320xf32, #tpu.memory_space<vmem>>
    %dma_start3A_147 = tpu.memref_slice %arg8[%add3A_141] : memref<320000xf32, #tpu.memory_space<hbm>> -> memref<320xf32, #tpu.memory_space<hbm>>
    tpu.enqueue_dma source(%dma_start3A_147 : memref<320xf32, #tpu.memory_space<hbm>>) target(%dma_start3A_146 : memref<320xf32, #tpu.memory_space<vmem>>) target_semaphore(%arg14 : memref<!tpu.dma_semaphore, #tpu.memory_space<semaphore_mem>>)
    %mul3A_148 = arith.constant 16 : i32
    %mul3A_149 = arith.muli %arg0, %mul3A_148 : i32
    %add3A_150 = arith.constant 8 : i32
    %add3A_151 = arith.addi %mul3A_149, %add3A_150 : i32
    %mul3A_152 = arith.constant 10000 : i32
    %mul3A_153 = arith.muli %add3A_151, %mul3A_152 : i32
    %add3A_154 = arith.addi %mul3A_153, %mul3A_28 : i32
    %add3A_155 = arith.constant 0 : i32
    %add3A_156 = arith.addi %add3A_154, %add3A_155 : i32
    %dma_start3A_157 = arith.constant 2560 : i32
    %dma_start3A_158 = tpu.memref_slice %arg13[%dma_start3A_157] : memref<5120xf32, #tpu.memory_space<vmem>> -> memref<320xf32, #tpu.memory_space<vmem>>
    %dma_start3A_159 = tpu.memref_slice %arg8[%add3A_156] : memref<320000xf32, #tpu.memory_space<hbm>> -> memref<320xf32, #tpu.memory_space<hbm>>
    %dma_start3A_160 = arith.constant 2560 : i32
    %dma_start3A_161 = tpu.memref_slice %arg13[%dma_start3A_160] : memref<5120xf32, #tpu.memory_space<vmem>> -> memref<320xf32, #tpu.memory_space<vmem>>
    %dma_start3A_162 = tpu.memref_slice %arg8[%add3A_156] : memref<320000xf32, #tpu.memory_space<hbm>> -> memref<320xf32, #tpu.memory_space<hbm>>
    tpu.enqueue_dma source(%dma_start3A_162 : memref<320xf32, #tpu.memory_space<hbm>>) target(%dma_start3A_161 : memref<320xf32, #tpu.memory_space<vmem>>) target_semaphore(%arg14 : memref<!tpu.dma_semaphore, #tpu.memory_space<semaphore_mem>>)
    %mul3A_163 = arith.constant 16 : i32
    %mul3A_164 = arith.muli %arg0, %mul3A_163 : i32
    %add3A_165 = arith.constant 9 : i32
    %add3A_166 = arith.addi %mul3A_164, %add3A_165 : i32
    %mul3A_167 = arith.constant 10000 : i32
    %mul3A_168 = arith.muli %add3A_166, %mul3A_167 : i32
    %add3A_169 = arith.addi %mul3A_168, %mul3A_28 : i32
    %add3A_170 = arith.constant 0 : i32
    %add3A_171 = arith.addi %add3A_169, %add3A_170 : i32
    %dma_start3A_172 = arith.constant 2880 : i32
    %dma_start3A_173 = tpu.memref_slice %arg13[%dma_start3A_172] : memref<5120xf32, #tpu.memory_space<vmem>> -> memref<320xf32, #tpu.memory_space<vmem>>
    %dma_start3A_174 = tpu.memref_slice %arg8[%add3A_171] : memref<320000xf32, #tpu.memory_space<hbm>> -> memref<320xf32, #tpu.memory_space<hbm>>
    %dma_start3A_175 = arith.constant 2880 : i32
    %dma_start3A_176 = tpu.memref_slice %arg13[%dma_start3A_175] : memref<5120xf32, #tpu.memory_space<vmem>> -> memref<320xf32, #tpu.memory_space<vmem>>
    %dma_start3A_177 = tpu.memref_slice %arg8[%add3A_171] : memref<320000xf32, #tpu.memory_space<hbm>> -> memref<320xf32, #tpu.memory_space<hbm>>
    tpu.enqueue_dma source(%dma_start3A_177 : memref<320xf32, #tpu.memory_space<hbm>>) target(%dma_start3A_176 : memref<320xf32, #tpu.memory_space<vmem>>) target_semaphore(%arg14 : memref<!tpu.dma_semaphore, #tpu.memory_space<semaphore_mem>>)
    %mul3A_178 = arith.constant 16 : i32
    %mul3A_179 = arith.muli %arg0, %mul3A_178 : i32
    %add3A_180 = arith.constant 10 : i32
    %add3A_181 = arith.addi %mul3A_179, %add3A_180 : i32
    %mul3A_182 = arith.constant 10000 : i32
    %mul3A_183 = arith.muli %add3A_181, %mul3A_182 : i32
    %add3A_184 = arith.addi %mul3A_183, %mul3A_28 : i32
    %add3A_185 = arith.constant 0 : i32
    %add3A_186 = arith.addi %add3A_184, %add3A_185 : i32
    %dma_start3A_187 = arith.constant 3200 : i32
    %dma_start3A_188 = tpu.memref_slice %arg13[%dma_start3A_187] : memref<5120xf32, #tpu.memory_space<vmem>> -> memref<320xf32, #tpu.memory_space<vmem>>
    %dma_start3A_189 = tpu.memref_slice %arg8[%add3A_186] : memref<320000xf32, #tpu.memory_space<hbm>> -> memref<320xf32, #tpu.memory_space<hbm>>
    %dma_start3A_190 = arith.constant 3200 : i32
    %dma_start3A_191 = tpu.memref_slice %arg13[%dma_start3A_190] : memref<5120xf32, #tpu.memory_space<vmem>> -> memref<320xf32, #tpu.memory_space<vmem>>
    %dma_start3A_192 = tpu.memref_slice %arg8[%add3A_186] : memref<320000xf32, #tpu.memory_space<hbm>> -> memref<320xf32, #tpu.memory_space<hbm>>
    tpu.enqueue_dma source(%dma_start3A_192 : memref<320xf32, #tpu.memory_space<hbm>>) target(%dma_start3A_191 : memref<320xf32, #tpu.memory_space<vmem>>) target_semaphore(%arg14 : memref<!tpu.dma_semaphore, #tpu.memory_space<semaphore_mem>>)
    %mul3A_193 = arith.constant 16 : i32
    %mul3A_194 = arith.muli %arg0, %mul3A_193 : i32
    %add3A_195 = arith.constant 11 : i32
    %add3A_196 = arith.addi %mul3A_194, %add3A_195 : i32
    %mul3A_197 = arith.constant 10000 : i32
    %mul3A_198 = arith.muli %add3A_196, %mul3A_197 : i32
    %add3A_199 = arith.addi %mul3A_198, %mul3A_28 : i32
    %add3A_200 = arith.constant 0 : i32
    %add3A_201 = arith.addi %add3A_199, %add3A_200 : i32
    %dma_start3A_202 = arith.constant 3520 : i32
    %dma_start3A_203 = tpu.memref_slice %arg13[%dma_start3A_202] : memref<5120xf32, #tpu.memory_space<vmem>> -> memref<320xf32, #tpu.memory_space<vmem>>
    %dma_start3A_204 = tpu.memref_slice %arg8[%add3A_201] : memref<320000xf32, #tpu.memory_space<hbm>> -> memref<320xf32, #tpu.memory_space<hbm>>
    %dma_start3A_205 = arith.constant 3520 : i32
    %dma_start3A_206 = tpu.memref_slice %arg13[%dma_start3A_205] : memref<5120xf32, #tpu.memory_space<vmem>> -> memref<320xf32, #tpu.memory_space<vmem>>
    %dma_start3A_207 = tpu.memref_slice %arg8[%add3A_201] : memref<320000xf32, #tpu.memory_space<hbm>> -> memref<320xf32, #tpu.memory_space<hbm>>
    tpu.enqueue_dma source(%dma_start3A_207 : memref<320xf32, #tpu.memory_space<hbm>>) target(%dma_start3A_206 : memref<320xf32, #tpu.memory_space<vmem>>) target_semaphore(%arg14 : memref<!tpu.dma_semaphore, #tpu.memory_space<semaphore_mem>>)
    %mul3A_208 = arith.constant 16 : i32
    %mul3A_209 = arith.muli %arg0, %mul3A_208 : i32
    %add3A_210 = arith.constant 12 : i32
    %add3A_211 = arith.addi %mul3A_209, %add3A_210 : i32
    %mul3A_212 = arith.constant 10000 : i32
    %mul3A_213 = arith.muli %add3A_211, %mul3A_212 : i32
    %add3A_214 = arith.addi %mul3A_213, %mul3A_28 : i32
    %add3A_215 = arith.constant 0 : i32
    %add3A_216 = arith.addi %add3A_214, %add3A_215 : i32
    %dma_start3A_217 = arith.constant 3840 : i32
    %dma_start3A_218 = tpu.memref_slice %arg13[%dma_start3A_217] : memref<5120xf32, #tpu.memory_space<vmem>> -> memref<320xf32, #tpu.memory_space<vmem>>
    %dma_start3A_219 = tpu.memref_slice %arg8[%add3A_216] : memref<320000xf32, #tpu.memory_space<hbm>> -> memref<320xf32, #tpu.memory_space<hbm>>
    %dma_start3A_220 = arith.constant 3840 : i32
    %dma_start3A_221 = tpu.memref_slice %arg13[%dma_start3A_220] : memref<5120xf32, #tpu.memory_space<vmem>> -> memref<320xf32, #tpu.memory_space<vmem>>
    %dma_start3A_222 = tpu.memref_slice %arg8[%add3A_216] : memref<320000xf32, #tpu.memory_space<hbm>> -> memref<320xf32, #tpu.memory_space<hbm>>
    tpu.enqueue_dma source(%dma_start3A_222 : memref<320xf32, #tpu.memory_space<hbm>>) target(%dma_start3A_221 : memref<320xf32, #tpu.memory_space<vmem>>) target_semaphore(%arg14 : memref<!tpu.dma_semaphore, #tpu.memory_space<semaphore_mem>>)
    %mul3A_223 = arith.constant 16 : i32
    %mul3A_224 = arith.muli %arg0, %mul3A_223 : i32
    %add3A_225 = arith.constant 13 : i32
    %add3A_226 = arith.addi %mul3A_224, %add3A_225 : i32
    %mul3A_227 = arith.constant 10000 : i32
    %mul3A_228 = arith.muli %add3A_226, %mul3A_227 : i32
    %add3A_229 = arith.addi %mul3A_228, %mul3A_28 : i32
    %add3A_230 = arith.constant 0 : i32
    %add3A_231 = arith.addi %add3A_229, %add3A_230 : i32
    %dma_start3A_232 = arith.constant 4160 : i32
    %dma_start3A_233 = tpu.memref_slice %arg13[%dma_start3A_232] : memref<5120xf32, #tpu.memory_space<vmem>> -> memref<320xf32, #tpu.memory_space<vmem>>
    %dma_start3A_234 = tpu.memref_slice %arg8[%add3A_231] : memref<320000xf32, #tpu.memory_space<hbm>> -> memref<320xf32, #tpu.memory_space<hbm>>
    %dma_start3A_235 = arith.constant 4160 : i32
    %dma_start3A_236 = tpu.memref_slice %arg13[%dma_start3A_235] : memref<5120xf32, #tpu.memory_space<vmem>> -> memref<320xf32, #tpu.memory_space<vmem>>
    %dma_start3A_237 = tpu.memref_slice %arg8[%add3A_231] : memref<320000xf32, #tpu.memory_space<hbm>> -> memref<320xf32, #tpu.memory_space<hbm>>
    tpu.enqueue_dma source(%dma_start3A_237 : memref<320xf32, #tpu.memory_space<hbm>>) target(%dma_start3A_236 : memref<320xf32, #tpu.memory_space<vmem>>) target_semaphore(%arg14 : memref<!tpu.dma_semaphore, #tpu.memory_space<semaphore_mem>>)
    %mul3A_238 = arith.constant 16 : i32
    %mul3A_239 = arith.muli %arg0, %mul3A_238 : i32
    %add3A_240 = arith.constant 14 : i32
    %add3A_241 = arith.addi %mul3A_239, %add3A_240 : i32
    %mul3A_242 = arith.constant 10000 : i32
    %mul3A_243 = arith.muli %add3A_241, %mul3A_242 : i32
    %add3A_244 = arith.addi %mul3A_243, %mul3A_28 : i32
    %add3A_245 = arith.constant 0 : i32
    %add3A_246 = arith.addi %add3A_244, %add3A_245 : i32
    %dma_start3A_247 = arith.constant 4480 : i32
    %dma_start3A_248 = tpu.memref_slice %arg13[%dma_start3A_247] : memref<5120xf32, #tpu.memory_space<vmem>> -> memref<320xf32, #tpu.memory_space<vmem>>
    %dma_start3A_249 = tpu.memref_slice %arg8[%add3A_246] : memref<320000xf32, #tpu.memory_space<hbm>> -> memref<320xf32, #tpu.memory_space<hbm>>
    %dma_start3A_250 = arith.constant 4480 : i32
    %dma_start3A_251 = tpu.memref_slice %arg13[%dma_start3A_250] : memref<5120xf32, #tpu.memory_space<vmem>> -> memref<320xf32, #tpu.memory_space<vmem>>
    %dma_start3A_252 = tpu.memref_slice %arg8[%add3A_246] : memref<320000xf32, #tpu.memory_space<hbm>> -> memref<320xf32, #tpu.memory_space<hbm>>
    tpu.enqueue_dma source(%dma_start3A_252 : memref<320xf32, #tpu.memory_space<hbm>>) target(%dma_start3A_251 : memref<320xf32, #tpu.memory_space<vmem>>) target_semaphore(%arg14 : memref<!tpu.dma_semaphore, #tpu.memory_space<semaphore_mem>>)
    %mul3A_253 = arith.constant 16 : i32
    %mul3A_254 = arith.muli %arg0, %mul3A_253 : i32
    %add3A_255 = arith.constant 15 : i32
    %add3A_256 = arith.addi %mul3A_254, %add3A_255 : i32
    %mul3A_257 = arith.constant 10000 : i32
    %mul3A_258 = arith.muli %add3A_256, %mul3A_257 : i32
    %add3A_259 = arith.addi %mul3A_258, %mul3A_28 : i32
    %add3A_260 = arith.constant 0 : i32
    %add3A_261 = arith.addi %add3A_259, %add3A_260 : i32
    %dma_start3A_262 = arith.constant 4800 : i32
    %dma_start3A_263 = tpu.memref_slice %arg13[%dma_start3A_262] : memref<5120xf32, #tpu.memory_space<vmem>> -> memref<320xf32, #tpu.memory_space<vmem>>
    %dma_start3A_264 = tpu.memref_slice %arg8[%add3A_261] : memref<320000xf32, #tpu.memory_space<hbm>> -> memref<320xf32, #tpu.memory_space<hbm>>
    %dma_start3A_265 = arith.constant 4800 : i32
    %dma_start3A_266 = tpu.memref_slice %arg13[%dma_start3A_265] : memref<5120xf32, #tpu.memory_space<vmem>> -> memref<320xf32, #tpu.memory_space<vmem>>
    %dma_start3A_267 = tpu.memref_slice %arg8[%add3A_261] : memref<320000xf32, #tpu.memory_space<hbm>> -> memref<320xf32, #tpu.memory_space<hbm>>
    tpu.enqueue_dma source(%dma_start3A_267 : memref<320xf32, #tpu.memory_space<hbm>>) target(%dma_start3A_266 : memref<320xf32, #tpu.memory_space<vmem>>) target_semaphore(%arg14 : memref<!tpu.dma_semaphore, #tpu.memory_space<semaphore_mem>>)
    %dma_wait3A = arith.constant 0 : i32
    %dma_wait3A_268 = tpu.memref_slice %arg13[%dma_wait3A] : memref<5120xf32, #tpu.memory_space<vmem>> -> memref<320xf32, #tpu.memory_space<vmem>>
    %dma_wait3A_269 = tpu.memref_slice %arg8[%add3A_37] : memref<320000xf32, #tpu.memory_space<hbm>> -> memref<320xf32, #tpu.memory_space<hbm>>
    %dma_wait3A_270 = arith.constant 0 : i32
    %dma_wait3A_271 = tpu.memref_slice %arg13[%dma_wait3A_270] : memref<5120xf32, #tpu.memory_space<vmem>> -> memref<320xf32, #tpu.memory_space<vmem>>
    %dma_wait3A_272 = tpu.memref_slice %arg8[%add3A_37] : memref<320000xf32, #tpu.memory_space<hbm>> -> memref<320xf32, #tpu.memory_space<hbm>>
    tpu.wait_dma2 semaphore(%arg14 : memref<!tpu.dma_semaphore, #tpu.memory_space<semaphore_mem>>) src(%dma_wait3A_272 : memref<320xf32, #tpu.memory_space<hbm>>) dst(%dma_wait3A_271 : memref<320xf32, #tpu.memory_space<vmem>>)
    %dma_wait3A_273 = arith.constant 320 : i32
    %dma_wait3A_274 = tpu.memref_slice %arg13[%dma_wait3A_273] : memref<5120xf32, #tpu.memory_space<vmem>> -> memref<320xf32, #tpu.memory_space<vmem>>
    %dma_wait3A_275 = tpu.memref_slice %arg8[%add3A_51] : memref<320000xf32, #tpu.memory_space<hbm>> -> memref<320xf32, #tpu.memory_space<hbm>>
    %dma_wait3A_276 = arith.constant 320 : i32
    %dma_wait3A_277 = tpu.memref_slice %arg13[%dma_wait3A_276] : memref<5120xf32, #tpu.memory_space<vmem>> -> memref<320xf32, #tpu.memory_space<vmem>>
    %dma_wait3A_278 = tpu.memref_slice %arg8[%add3A_51] : memref<320000xf32, #tpu.memory_space<hbm>> -> memref<320xf32, #tpu.memory_space<hbm>>
    tpu.wait_dma2 semaphore(%arg14 : memref<!tpu.dma_semaphore, #tpu.memory_space<semaphore_mem>>) src(%dma_wait3A_278 : memref<320xf32, #tpu.memory_space<hbm>>) dst(%dma_wait3A_277 : memref<320xf32, #tpu.memory_space<vmem>>)
    %dma_wait3A_279 = arith.constant 640 : i32
    %dma_wait3A_280 = tpu.memref_slice %arg13[%dma_wait3A_279] : memref<5120xf32, #tpu.memory_space<vmem>> -> memref<320xf32, #tpu.memory_space<vmem>>
    %dma_wait3A_281 = tpu.memref_slice %arg8[%add3A_66] : memref<320000xf32, #tpu.memory_space<hbm>> -> memref<320xf32, #tpu.memory_space<hbm>>
    %dma_wait3A_282 = arith.constant 640 : i32
    %dma_wait3A_283 = tpu.memref_slice %arg13[%dma_wait3A_282] : memref<5120xf32, #tpu.memory_space<vmem>> -> memref<320xf32, #tpu.memory_space<vmem>>
    %dma_wait3A_284 = tpu.memref_slice %arg8[%add3A_66] : memref<320000xf32, #tpu.memory_space<hbm>> -> memref<320xf32, #tpu.memory_space<hbm>>
    tpu.wait_dma2 semaphore(%arg14 : memref<!tpu.dma_semaphore, #tpu.memory_space<semaphore_mem>>) src(%dma_wait3A_284 : memref<320xf32, #tpu.memory_space<hbm>>) dst(%dma_wait3A_283 : memref<320xf32, #tpu.memory_space<vmem>>)
    %dma_wait3A_285 = arith.constant 960 : i32
    %dma_wait3A_286 = tpu.memref_slice %arg13[%dma_wait3A_285] : memref<5120xf32, #tpu.memory_space<vmem>> -> memref<320xf32, #tpu.memory_space<vmem>>
    %dma_wait3A_287 = tpu.memref_slice %arg8[%add3A_81] : memref<320000xf32, #tpu.memory_space<hbm>> -> memref<320xf32, #tpu.memory_space<hbm>>
    %dma_wait3A_288 = arith.constant 960 : i32
    %dma_wait3A_289 = tpu.memref_slice %arg13[%dma_wait3A_288] : memref<5120xf32, #tpu.memory_space<vmem>> -> memref<320xf32, #tpu.memory_space<vmem>>
    %dma_wait3A_290 = tpu.memref_slice %arg8[%add3A_81] : memref<320000xf32, #tpu.memory_space<hbm>> -> memref<320xf32, #tpu.memory_space<hbm>>
    tpu.wait_dma2 semaphore(%arg14 : memref<!tpu.dma_semaphore, #tpu.memory_space<semaphore_mem>>) src(%dma_wait3A_290 : memref<320xf32, #tpu.memory_space<hbm>>) dst(%dma_wait3A_289 : memref<320xf32, #tpu.memory_space<vmem>>)
    %dma_wait3A_291 = arith.constant 1280 : i32
    %dma_wait3A_292 = tpu.memref_slice %arg13[%dma_wait3A_291] : memref<5120xf32, #tpu.memory_space<vmem>> -> memref<320xf32, #tpu.memory_space<vmem>>
    %dma_wait3A_293 = tpu.memref_slice %arg8[%add3A_96] : memref<320000xf32, #tpu.memory_space<hbm>> -> memref<320xf32, #tpu.memory_space<hbm>>
    %dma_wait3A_294 = arith.constant 1280 : i32
    %dma_wait3A_295 = tpu.memref_slice %arg13[%dma_wait3A_294] : memref<5120xf32, #tpu.memory_space<vmem>> -> memref<320xf32, #tpu.memory_space<vmem>>
    %dma_wait3A_296 = tpu.memref_slice %arg8[%add3A_96] : memref<320000xf32, #tpu.memory_space<hbm>> -> memref<320xf32, #tpu.memory_space<hbm>>
    tpu.wait_dma2 semaphore(%arg14 : memref<!tpu.dma_semaphore, #tpu.memory_space<semaphore_mem>>) src(%dma_wait3A_296 : memref<320xf32, #tpu.memory_space<hbm>>) dst(%dma_wait3A_295 : memref<320xf32, #tpu.memory_space<vmem>>)
    %dma_wait3A_297 = arith.constant 1600 : i32
    %dma_wait3A_298 = tpu.memref_slice %arg13[%dma_wait3A_297] : memref<5120xf32, #tpu.memory_space<vmem>> -> memref<320xf32, #tpu.memory_space<vmem>>
    %dma_wait3A_299 = tpu.memref_slice %arg8[%add3A_111] : memref<320000xf32, #tpu.memory_space<hbm>> -> memref<320xf32, #tpu.memory_space<hbm>>
    %dma_wait3A_300 = arith.constant 1600 : i32
    %dma_wait3A_301 = tpu.memref_slice %arg13[%dma_wait3A_300] : memref<5120xf32, #tpu.memory_space<vmem>> -> memref<320xf32, #tpu.memory_space<vmem>>
    %dma_wait3A_302 = tpu.memref_slice %arg8[%add3A_111] : memref<320000xf32, #tpu.memory_space<hbm>> -> memref<320xf32, #tpu.memory_space<hbm>>
    tpu.wait_dma2 semaphore(%arg14 : memref<!tpu.dma_semaphore, #tpu.memory_space<semaphore_mem>>) src(%dma_wait3A_302 : memref<320xf32, #tpu.memory_space<hbm>>) dst(%dma_wait3A_301 : memref<320xf32, #tpu.memory_space<vmem>>)
    %dma_wait3A_303 = arith.constant 1920 : i32
    %dma_wait3A_304 = tpu.memref_slice %arg13[%dma_wait3A_303] : memref<5120xf32, #tpu.memory_space<vmem>> -> memref<320xf32, #tpu.memory_space<vmem>>
    %dma_wait3A_305 = tpu.memref_slice %arg8[%add3A_126] : memref<320000xf32, #tpu.memory_space<hbm>> -> memref<320xf32, #tpu.memory_space<hbm>>
    %dma_wait3A_306 = arith.constant 1920 : i32
    %dma_wait3A_307 = tpu.memref_slice %arg13[%dma_wait3A_306] : memref<5120xf32, #tpu.memory_space<vmem>> -> memref<320xf32, #tpu.memory_space<vmem>>
    %dma_wait3A_308 = tpu.memref_slice %arg8[%add3A_126] : memref<320000xf32, #tpu.memory_space<hbm>> -> memref<320xf32, #tpu.memory_space<hbm>>
    tpu.wait_dma2 semaphore(%arg14 : memref<!tpu.dma_semaphore, #tpu.memory_space<semaphore_mem>>) src(%dma_wait3A_308 : memref<320xf32, #tpu.memory_space<hbm>>) dst(%dma_wait3A_307 : memref<320xf32, #tpu.memory_space<vmem>>)
    %dma_wait3A_309 = arith.constant 2240 : i32
    %dma_wait3A_310 = tpu.memref_slice %arg13[%dma_wait3A_309] : memref<5120xf32, #tpu.memory_space<vmem>> -> memref<320xf32, #tpu.memory_space<vmem>>
    %dma_wait3A_311 = tpu.memref_slice %arg8[%add3A_141] : memref<320000xf32, #tpu.memory_space<hbm>> -> memref<320xf32, #tpu.memory_space<hbm>>
    %dma_wait3A_312 = arith.constant 2240 : i32
    %dma_wait3A_313 = tpu.memref_slice %arg13[%dma_wait3A_312] : memref<5120xf32, #tpu.memory_space<vmem>> -> memref<320xf32, #tpu.memory_space<vmem>>
    %dma_wait3A_314 = tpu.memref_slice %arg8[%add3A_141] : memref<320000xf32, #tpu.memory_space<hbm>> -> memref<320xf32, #tpu.memory_space<hbm>>
    tpu.wait_dma2 semaphore(%arg14 : memref<!tpu.dma_semaphore, #tpu.memory_space<semaphore_mem>>) src(%dma_wait3A_314 : memref<320xf32, #tpu.memory_space<hbm>>) dst(%dma_wait3A_313 : memref<320xf32, #tpu.memory_space<vmem>>)
    %dma_wait3A_315 = arith.constant 2560 : i32
    %dma_wait3A_316 = tpu.memref_slice %arg13[%dma_wait3A_315] : memref<5120xf32, #tpu.memory_space<vmem>> -> memref<320xf32, #tpu.memory_space<vmem>>
    %dma_wait3A_317 = tpu.memref_slice %arg8[%add3A_156] : memref<320000xf32, #tpu.memory_space<hbm>> -> memref<320xf32, #tpu.memory_space<hbm>>
    %dma_wait3A_318 = arith.constant 2560 : i32
    %dma_wait3A_319 = tpu.memref_slice %arg13[%dma_wait3A_318] : memref<5120xf32, #tpu.memory_space<vmem>> -> memref<320xf32, #tpu.memory_space<vmem>>
    %dma_wait3A_320 = tpu.memref_slice %arg8[%add3A_156] : memref<320000xf32, #tpu.memory_space<hbm>> -> memref<320xf32, #tpu.memory_space<hbm>>
    tpu.wait_dma2 semaphore(%arg14 : memref<!tpu.dma_semaphore, #tpu.memory_space<semaphore_mem>>) src(%dma_wait3A_320 : memref<320xf32, #tpu.memory_space<hbm>>) dst(%dma_wait3A_319 : memref<320xf32, #tpu.memory_space<vmem>>)
    %dma_wait3A_321 = arith.constant 2880 : i32
    %dma_wait3A_322 = tpu.memref_slice %arg13[%dma_wait3A_321] : memref<5120xf32, #tpu.memory_space<vmem>> -> memref<320xf32, #tpu.memory_space<vmem>>
    %dma_wait3A_323 = tpu.memref_slice %arg8[%add3A_171] : memref<320000xf32, #tpu.memory_space<hbm>> -> memref<320xf32, #tpu.memory_space<hbm>>
    %dma_wait3A_324 = arith.constant 2880 : i32
    %dma_wait3A_325 = tpu.memref_slice %arg13[%dma_wait3A_324] : memref<5120xf32, #tpu.memory_space<vmem>> -> memref<320xf32, #tpu.memory_space<vmem>>
    %dma_wait3A_326 = tpu.memref_slice %arg8[%add3A_171] : memref<320000xf32, #tpu.memory_space<hbm>> -> memref<320xf32, #tpu.memory_space<hbm>>
    tpu.wait_dma2 semaphore(%arg14 : memref<!tpu.dma_semaphore, #tpu.memory_space<semaphore_mem>>) src(%dma_wait3A_326 : memref<320xf32, #tpu.memory_space<hbm>>) dst(%dma_wait3A_325 : memref<320xf32, #tpu.memory_space<vmem>>)
    %dma_wait3A_327 = arith.constant 3200 : i32
    %dma_wait3A_328 = tpu.memref_slice %arg13[%dma_wait3A_327] : memref<5120xf32, #tpu.memory_space<vmem>> -> memref<320xf32, #tpu.memory_space<vmem>>
    %dma_wait3A_329 = tpu.memref_slice %arg8[%add3A_186] : memref<320000xf32, #tpu.memory_space<hbm>> -> memref<320xf32, #tpu.memory_space<hbm>>
    %dma_wait3A_330 = arith.constant 3200 : i32
    %dma_wait3A_331 = tpu.memref_slice %arg13[%dma_wait3A_330] : memref<5120xf32, #tpu.memory_space<vmem>> -> memref<320xf32, #tpu.memory_space<vmem>>
    %dma_wait3A_332 = tpu.memref_slice %arg8[%add3A_186] : memref<320000xf32, #tpu.memory_space<hbm>> -> memref<320xf32, #tpu.memory_space<hbm>>
    tpu.wait_dma2 semaphore(%arg14 : memref<!tpu.dma_semaphore, #tpu.memory_space<semaphore_mem>>) src(%dma_wait3A_332 : memref<320xf32, #tpu.memory_space<hbm>>) dst(%dma_wait3A_331 : memref<320xf32, #tpu.memory_space<vmem>>)
    %dma_wait3A_333 = arith.constant 3520 : i32
    %dma_wait3A_334 = tpu.memref_slice %arg13[%dma_wait3A_333] : memref<5120xf32, #tpu.memory_space<vmem>> -> memref<320xf32, #tpu.memory_space<vmem>>
    %dma_wait3A_335 = tpu.memref_slice %arg8[%add3A_201] : memref<320000xf32, #tpu.memory_space<hbm>> -> memref<320xf32, #tpu.memory_space<hbm>>
    %dma_wait3A_336 = arith.constant 3520 : i32
    %dma_wait3A_337 = tpu.memref_slice %arg13[%dma_wait3A_336] : memref<5120xf32, #tpu.memory_space<vmem>> -> memref<320xf32, #tpu.memory_space<vmem>>
    %dma_wait3A_338 = tpu.memref_slice %arg8[%add3A_201] : memref<320000xf32, #tpu.memory_space<hbm>> -> memref<320xf32, #tpu.memory_space<hbm>>
    tpu.wait_dma2 semaphore(%arg14 : memref<!tpu.dma_semaphore, #tpu.memory_space<semaphore_mem>>) src(%dma_wait3A_338 : memref<320xf32, #tpu.memory_space<hbm>>) dst(%dma_wait3A_337 : memref<320xf32, #tpu.memory_space<vmem>>)
    %dma_wait3A_339 = arith.constant 3840 : i32
    %dma_wait3A_340 = tpu.memref_slice %arg13[%dma_wait3A_339] : memref<5120xf32, #tpu.memory_space<vmem>> -> memref<320xf32, #tpu.memory_space<vmem>>
    %dma_wait3A_341 = tpu.memref_slice %arg8[%add3A_216] : memref<320000xf32, #tpu.memory_space<hbm>> -> memref<320xf32, #tpu.memory_space<hbm>>
    %dma_wait3A_342 = arith.constant 3840 : i32
    %dma_wait3A_343 = tpu.memref_slice %arg13[%dma_wait3A_342] : memref<5120xf32, #tpu.memory_space<vmem>> -> memref<320xf32, #tpu.memory_space<vmem>>
    %dma_wait3A_344 = tpu.memref_slice %arg8[%add3A_216] : memref<320000xf32, #tpu.memory_space<hbm>> -> memref<320xf32, #tpu.memory_space<hbm>>
    tpu.wait_dma2 semaphore(%arg14 : memref<!tpu.dma_semaphore, #tpu.memory_space<semaphore_mem>>) src(%dma_wait3A_344 : memref<320xf32, #tpu.memory_space<hbm>>) dst(%dma_wait3A_343 : memref<320xf32, #tpu.memory_space<vmem>>)
    %dma_wait3A_345 = arith.constant 4160 : i32
    %dma_wait3A_346 = tpu.memref_slice %arg13[%dma_wait3A_345] : memref<5120xf32, #tpu.memory_space<vmem>> -> memref<320xf32, #tpu.memory_space<vmem>>
    %dma_wait3A_347 = tpu.memref_slice %arg8[%add3A_231] : memref<320000xf32, #tpu.memory_space<hbm>> -> memref<320xf32, #tpu.memory_space<hbm>>
    %dma_wait3A_348 = arith.constant 4160 : i32
    %dma_wait3A_349 = tpu.memref_slice %arg13[%dma_wait3A_348] : memref<5120xf32, #tpu.memory_space<vmem>> -> memref<320xf32, #tpu.memory_space<vmem>>
    %dma_wait3A_350 = tpu.memref_slice %arg8[%add3A_231] : memref<320000xf32, #tpu.memory_space<hbm>> -> memref<320xf32, #tpu.memory_space<hbm>>
    tpu.wait_dma2 semaphore(%arg14 : memref<!tpu.dma_semaphore, #tpu.memory_space<semaphore_mem>>) src(%dma_wait3A_350 : memref<320xf32, #tpu.memory_space<hbm>>) dst(%dma_wait3A_349 : memref<320xf32, #tpu.memory_space<vmem>>)
    %dma_wait3A_351 = arith.constant 4480 : i32
    %dma_wait3A_352 = tpu.memref_slice %arg13[%dma_wait3A_351] : memref<5120xf32, #tpu.memory_space<vmem>> -> memref<320xf32, #tpu.memory_space<vmem>>
    %dma_wait3A_353 = tpu.memref_slice %arg8[%add3A_246] : memref<320000xf32, #tpu.memory_space<hbm>> -> memref<320xf32, #tpu.memory_space<hbm>>
    %dma_wait3A_354 = arith.constant 4480 : i32
    %dma_wait3A_355 = tpu.memref_slice %arg13[%dma_wait3A_354] : memref<5120xf32, #tpu.memory_space<vmem>> -> memref<320xf32, #tpu.memory_space<vmem>>
    %dma_wait3A_356 = tpu.memref_slice %arg8[%add3A_246] : memref<320000xf32, #tpu.memory_space<hbm>> -> memref<320xf32, #tpu.memory_space<hbm>>
    tpu.wait_dma2 semaphore(%arg14 : memref<!tpu.dma_semaphore, #tpu.memory_space<semaphore_mem>>) src(%dma_wait3A_356 : memref<320xf32, #tpu.memory_space<hbm>>) dst(%dma_wait3A_355 : memref<320xf32, #tpu.memory_space<vmem>>)
    %dma_wait3A_357 = arith.constant 4800 : i32
    %dma_wait3A_358 = tpu.memref_slice %arg13[%dma_wait3A_357] : memref<5120xf32, #tpu.memory_space<vmem>> -> memref<320xf32, #tpu.memory_space<vmem>>
    %dma_wait3A_359 = tpu.memref_slice %arg8[%add3A_261] : memref<320000xf32, #tpu.memory_space<hbm>> -> memref<320xf32, #tpu.memory_space<hbm>>
    %dma_wait3A_360 = arith.constant 4800 : i32
    %dma_wait3A_361 = tpu.memref_slice %arg13[%dma_wait3A_360] : memref<5120xf32, #tpu.memory_space<vmem>> -> memref<320xf32, #tpu.memory_space<vmem>>
    %dma_wait3A_362 = tpu.memref_slice %arg8[%add3A_261] : memref<320000xf32, #tpu.memory_space<hbm>> -> memref<320xf32, #tpu.memory_space<hbm>>
    tpu.wait_dma2 semaphore(%arg14 : memref<!tpu.dma_semaphore, #tpu.memory_space<semaphore_mem>>) src(%dma_wait3A_362 : memref<320xf32, #tpu.memory_space<hbm>>) dst(%dma_wait3A_361 : memref<320xf32, #tpu.memory_space<vmem>>)
    %parallel_loop3A_363 = arith.constant 0 : i32
    %parallel_loop3A_364 = arith.constant 320 : i32
    %parallel_loop3A_365 = arith.constant 16 : i32
    scf.for %parallel_loop3A_773 = %parallel_loop3A_363 to %parallel_loop3A_364 step %parallel_loop3A_365  : i32 {
      %parallel_loop3A_774 = arith.index_cast %parallel_loop3A_773 : i32 to index
      %parallel_loop3A_775 = tpu.vector_load %arg13[%parallel_loop3A_774] {strides = array<i32>} : memref<5120xf32, #tpu.memory_space<vmem>>, vector<16xf32>,
      %parallel_loop3A_776 = arith.constant 320 : i32
      %parallel_loop3A_777 = arith.addi %parallel_loop3A_776, %parallel_loop3A_773 : i32
      %parallel_loop3A_778 = arith.index_cast %parallel_loop3A_777 : i32 to index
      %parallel_loop3A_779 = tpu.vector_load %arg13[%parallel_loop3A_778] {strides = array<i32>} : memref<5120xf32, #tpu.memory_space<vmem>>, vector<16xf32>,
      %parallel_loop3A_780 = arith.addf %parallel_loop3A_775, %parallel_loop3A_779 : vector<16xf32>
      %parallel_loop3A_781 = arith.constant 640 : i32
      %parallel_loop3A_782 = arith.addi %parallel_loop3A_781, %parallel_loop3A_773 : i32
      %parallel_loop3A_783 = arith.index_cast %parallel_loop3A_782 : i32 to index
      %parallel_loop3A_784 = tpu.vector_load %arg13[%parallel_loop3A_783] {strides = array<i32>} : memref<5120xf32, #tpu.memory_space<vmem>>, vector<16xf32>,
      %parallel_loop3A_785 = arith.addf %parallel_loop3A_780, %parallel_loop3A_784 : vector<16xf32>
      %parallel_loop3A_786 = arith.constant 960 : i32
      %parallel_loop3A_787 = arith.addi %parallel_loop3A_786, %parallel_loop3A_773 : i32
      %parallel_loop3A_788 = arith.index_cast %parallel_loop3A_787 : i32 to index
      %parallel_loop3A_789 = tpu.vector_load %arg13[%parallel_loop3A_788] {strides = array<i32>} : memref<5120xf32, #tpu.memory_space<vmem>>, vector<16xf32>,
      %parallel_loop3A_790 = arith.addf %parallel_loop3A_785, %parallel_loop3A_789 : vector<16xf32>
      %parallel_loop3A_791 = arith.constant 1280 : i32
      %parallel_loop3A_792 = arith.addi %parallel_loop3A_791, %parallel_loop3A_773 : i32
      %parallel_loop3A_793 = arith.index_cast %parallel_loop3A_792 : i32 to index
      %parallel_loop3A_794 = tpu.vector_load %arg13[%parallel_loop3A_793] {strides = array<i32>} : memref<5120xf32, #tpu.memory_space<vmem>>, vector<16xf32>,
      %parallel_loop3A_795 = arith.addf %parallel_loop3A_790, %parallel_loop3A_794 : vector<16xf32>
      %parallel_loop3A_796 = arith.constant 1600 : i32
      %parallel_loop3A_797 = arith.addi %parallel_loop3A_796, %parallel_loop3A_773 : i32
      %parallel_loop3A_798 = arith.index_cast %parallel_loop3A_797 : i32 to index
      %parallel_loop3A_799 = tpu.vector_load %arg13[%parallel_loop3A_798] {strides = array<i32>} : memref<5120xf32, #tpu.memory_space<vmem>>, vector<16xf32>,
      %parallel_loop3A_800 = arith.addf %parallel_loop3A_795, %parallel_loop3A_799 : vector<16xf32>
      %parallel_loop3A_801 = arith.constant 1920 : i32
      %parallel_loop3A_802 = arith.addi %parallel_loop3A_801, %parallel_loop3A_773 : i32
      %parallel_loop3A_803 = arith.index_cast %parallel_loop3A_802 : i32 to index
      %parallel_loop3A_804 = tpu.vector_load %arg13[%parallel_loop3A_803] {strides = array<i32>} : memref<5120xf32, #tpu.memory_space<vmem>>, vector<16xf32>,
      %parallel_loop3A_805 = arith.addf %parallel_loop3A_800, %parallel_loop3A_804 : vector<16xf32>
      %parallel_loop3A_806 = arith.constant 2240 : i32
      %parallel_loop3A_807 = arith.addi %parallel_loop3A_806, %parallel_loop3A_773 : i32
      %parallel_loop3A_808 = arith.index_cast %parallel_loop3A_807 : i32 to index
      %parallel_loop3A_809 = tpu.vector_load %arg13[%parallel_loop3A_808] {strides = array<i32>} : memref<5120xf32, #tpu.memory_space<vmem>>, vector<16xf32>,
      %parallel_loop3A_810 = arith.addf %parallel_loop3A_805, %parallel_loop3A_809 : vector<16xf32>
      %parallel_loop3A_811 = arith.constant 2560 : i32
      %parallel_loop3A_812 = arith.addi %parallel_loop3A_811, %parallel_loop3A_773 : i32
      %parallel_loop3A_813 = arith.index_cast %parallel_loop3A_812 : i32 to index
      %parallel_loop3A_814 = tpu.vector_load %arg13[%parallel_loop3A_813] {strides = array<i32>} : memref<5120xf32, #tpu.memory_space<vmem>>, vector<16xf32>,
      %parallel_loop3A_815 = arith.addf %parallel_loop3A_810, %parallel_loop3A_814 : vector<16xf32>
      %parallel_loop3A_816 = arith.constant 2880 : i32
      %parallel_loop3A_817 = arith.addi %parallel_loop3A_816, %parallel_loop3A_773 : i32
      %parallel_loop3A_818 = arith.index_cast %parallel_loop3A_817 : i32 to index
      %parallel_loop3A_819 = tpu.vector_load %arg13[%parallel_loop3A_818] {strides = array<i32>} : memref<5120xf32, #tpu.memory_space<vmem>>, vector<16xf32>,
      %parallel_loop3A_820 = arith.addf %parallel_loop3A_815, %parallel_loop3A_819 : vector<16xf32>
      %parallel_loop3A_821 = arith.constant 3200 : i32
      %parallel_loop3A_822 = arith.addi %parallel_loop3A_821, %parallel_loop3A_773 : i32
      %parallel_loop3A_823 = arith.index_cast %parallel_loop3A_822 : i32 to index
      %parallel_loop3A_824 = tpu.vector_load %arg13[%parallel_loop3A_823] {strides = array<i32>} : memref<5120xf32, #tpu.memory_space<vmem>>, vector<16xf32>,
      %parallel_loop3A_825 = arith.addf %parallel_loop3A_820, %parallel_loop3A_824 : vector<16xf32>
      %parallel_loop3A_826 = arith.constant 3520 : i32
      %parallel_loop3A_827 = arith.addi %parallel_loop3A_826, %parallel_loop3A_773 : i32
      %parallel_loop3A_828 = arith.index_cast %parallel_loop3A_827 : i32 to index
      %parallel_loop3A_829 = tpu.vector_load %arg13[%parallel_loop3A_828] {strides = array<i32>} : memref<5120xf32, #tpu.memory_space<vmem>>, vector<16xf32>,
      %parallel_loop3A_830 = arith.addf %parallel_loop3A_825, %parallel_loop3A_829 : vector<16xf32>
      %parallel_loop3A_831 = arith.constant 3840 : i32
      %parallel_loop3A_832 = arith.addi %parallel_loop3A_831, %parallel_loop3A_773 : i32
      %parallel_loop3A_833 = arith.index_cast %parallel_loop3A_832 : i32 to index
      %parallel_loop3A_834 = tpu.vector_load %arg13[%parallel_loop3A_833] {strides = array<i32>} : memref<5120xf32, #tpu.memory_space<vmem>>, vector<16xf32>,
      %parallel_loop3A_835 = arith.addf %parallel_loop3A_830, %parallel_loop3A_834 : vector<16xf32>
      %parallel_loop3A_836 = arith.constant 4160 : i32
      %parallel_loop3A_837 = arith.addi %parallel_loop3A_836, %parallel_loop3A_773 : i32
      %parallel_loop3A_838 = arith.index_cast %parallel_loop3A_837 : i32 to index
      %parallel_loop3A_839 = tpu.vector_load %arg13[%parallel_loop3A_838] {strides = array<i32>} : memref<5120xf32, #tpu.memory_space<vmem>>, vector<16xf32>,
      %parallel_loop3A_840 = arith.addf %parallel_loop3A_835, %parallel_loop3A_839 : vector<16xf32>
      %parallel_loop3A_841 = arith.constant 4480 : i32
      %parallel_loop3A_842 = arith.addi %parallel_loop3A_841, %parallel_loop3A_773 : i32
      %parallel_loop3A_843 = arith.index_cast %parallel_loop3A_842 : i32 to index
      %parallel_loop3A_844 = tpu.vector_load %arg13[%parallel_loop3A_843] {strides = array<i32>} : memref<5120xf32, #tpu.memory_space<vmem>>, vector<16xf32>,
      %parallel_loop3A_845 = arith.addf %parallel_loop3A_840, %parallel_loop3A_844 : vector<16xf32>
      %parallel_loop3A_846 = arith.constant 4800 : i32
      %parallel_loop3A_847 = arith.addi %parallel_loop3A_846, %parallel_loop3A_773 : i32
      %parallel_loop3A_848 = arith.index_cast %parallel_loop3A_847 : i32 to index
      %parallel_loop3A_849 = tpu.vector_load %arg13[%parallel_loop3A_848] {strides = array<i32>} : memref<5120xf32, #tpu.memory_space<vmem>>, vector<16xf32>,
      %parallel_loop3A_850 = arith.addf %parallel_loop3A_845, %parallel_loop3A_849 : vector<16xf32>
      %parallel_loop3A_851 = arith.constant 1.000000e+00 : f32
      %parallel_loop3A_852 = vector.broadcast %parallel_loop3A_851 : f32 to vector<16xf32>
      %parallel_loop3A_853 = arith.addf %parallel_loop3A_850, %parallel_loop3A_852 : vector<16xf32>
      %parallel_loop3A_854 = vector.bitcast %parallel_loop3A_853 : vector<16xf32> to vector<16xi32>
      %parallel_loop3A_855 = arith.constant 1597463007 : i32
      %parallel_loop3A_856 = vector.broadcast %parallel_loop3A_855 : i32 to vector<16xi32>
      %parallel_loop3A_857 = arith.constant 1 : i32
      %parallel_loop3A_858 = vector.broadcast %parallel_loop3A_857 : i32 to vector<16xi32>
      %parallel_loop3A_859 = arith.shrui %parallel_loop3A_854, %parallel_loop3A_858 : vector<16xi32>
      %parallel_loop3A_860 = arith.subi %parallel_loop3A_856, %parallel_loop3A_859 : vector<16xi32>
      %parallel_loop3A_861 = vector.bitcast %parallel_loop3A_860 : vector<16xi32> to vector<16xf32>
      %parallel_loop3A_862 = arith.constant 5.000000e-01 : f32
      %parallel_loop3A_863 = vector.broadcast %parallel_loop3A_862 : f32 to vector<16xf32>
      %parallel_loop3A_864 = arith.mulf %parallel_loop3A_863, %parallel_loop3A_853 : vector<16xf32>
      %parallel_loop3A_865 = arith.mulf %parallel_loop3A_864, %parallel_loop3A_861 : vector<16xf32>
      %parallel_loop3A_866 = arith.mulf %parallel_loop3A_865, %parallel_loop3A_861 : vector<16xf32>
      %parallel_loop3A_867 = arith.constant 1.500000e+00 : f32
      %parallel_loop3A_868 = vector.broadcast %parallel_loop3A_867 : f32 to vector<16xf32>
      %parallel_loop3A_869 = arith.subf %parallel_loop3A_868, %parallel_loop3A_866 : vector<16xf32>
      %parallel_loop3A_870 = arith.mulf %parallel_loop3A_861, %parallel_loop3A_869 : vector<16xf32>
      %parallel_loop3A_871 = arith.constant 5.000000e-01 : f32
      %parallel_loop3A_872 = vector.broadcast %parallel_loop3A_871 : f32 to vector<16xf32>
      %parallel_loop3A_873 = arith.mulf %parallel_loop3A_872, %parallel_loop3A_853 : vector<16xf32>
      %parallel_loop3A_874 = arith.mulf %parallel_loop3A_873, %parallel_loop3A_870 : vector<16xf32>
      %parallel_loop3A_875 = arith.mulf %parallel_loop3A_874, %parallel_loop3A_870 : vector<16xf32>
      %parallel_loop3A_876 = arith.constant 1.500000e+00 : f32
      %parallel_loop3A_877 = vector.broadcast %parallel_loop3A_876 : f32 to vector<16xf32>
      %parallel_loop3A_878 = arith.subf %parallel_loop3A_877, %parallel_loop3A_875 : vector<16xf32>
      %parallel_loop3A_879 = arith.mulf %parallel_loop3A_870, %parallel_loop3A_878 : vector<16xf32>
      %parallel_loop3A_880 = arith.constant 5.000000e-01 : f32
      %parallel_loop3A_881 = vector.broadcast %parallel_loop3A_880 : f32 to vector<16xf32>
      %parallel_loop3A_882 = arith.mulf %parallel_loop3A_881, %parallel_loop3A_853 : vector<16xf32>
      %parallel_loop3A_883 = arith.mulf %parallel_loop3A_882, %parallel_loop3A_879 : vector<16xf32>
      %parallel_loop3A_884 = arith.mulf %parallel_loop3A_883, %parallel_loop3A_879 : vector<16xf32>
      %parallel_loop3A_885 = arith.constant 1.500000e+00 : f32
      %parallel_loop3A_886 = vector.broadcast %parallel_loop3A_885 : f32 to vector<16xf32>
      %parallel_loop3A_887 = arith.subf %parallel_loop3A_886, %parallel_loop3A_884 : vector<16xf32>
      %parallel_loop3A_888 = arith.mulf %parallel_loop3A_879, %parallel_loop3A_887 : vector<16xf32>
      %parallel_loop3A_889 = arith.constant 0 : i32
      %parallel_loop3A_890 = arith.addi %parallel_loop3A_889, %parallel_loop3A_773 : i32
      %parallel_loop3A_891 = arith.index_cast %parallel_loop3A_890 : i32 to index
      %parallel_loop3A_892 = tpu.vector_load %arg9[%parallel_loop3A_891] {strides = array<i32>} : memref<10000xf32, #tpu.memory_space<vmem>>, vector<16xf32>,
      tpu.vector_store %arg9[%parallel_loop3A_891], %parallel_loop3A_888 {strides = array<i32>} : memref<10000xf32, #tpu.memory_space<vmem>>, vector<16xf32>,
    } {sc.loop_unroll_factor = 2 : i64, sc.parallel_access}
    %mul3A_366 = arith.constant 16 : i32
    %mul3A_367 = arith.muli %arg0, %mul3A_366 : i32
    %add3A_368 = arith.constant 0 : i32
    %add3A_369 = arith.addi %mul3A_367, %add3A_368 : i32
    %mul3A_370 = arith.constant 10000 : i32
    %mul3A_371 = arith.muli %add3A_369, %mul3A_370 : i32
    %add3A_372 = arith.addi %mul3A_371, %mul3A_28 : i32
    %add3A_373 = arith.constant 320 : i32
    %add3A_374 = arith.addi %add3A_372, %add3A_373 : i32
    %dma_start3A_375 = arith.constant 0 : i32
    %dma_start3A_376 = tpu.memref_slice %arg13[%dma_start3A_375] : memref<5120xf32, #tpu.memory_space<vmem>> -> memref<320xf32, #tpu.memory_space<vmem>>
    %dma_start3A_377 = tpu.memref_slice %arg8[%add3A_374] : memref<320000xf32, #tpu.memory_space<hbm>> -> memref<320xf32, #tpu.memory_space<hbm>>
    %dma_start3A_378 = arith.constant 0 : i32
    %dma_start3A_379 = tpu.memref_slice %arg13[%dma_start3A_378] : memref<5120xf32, #tpu.memory_space<vmem>> -> memref<320xf32, #tpu.memory_space<vmem>>
    %dma_start3A_380 = tpu.memref_slice %arg8[%add3A_374] : memref<320000xf32, #tpu.memory_space<hbm>> -> memref<320xf32, #tpu.memory_space<hbm>>
    tpu.enqueue_dma source(%dma_start3A_380 : memref<320xf32, #tpu.memory_space<hbm>>) target(%dma_start3A_379 : memref<320xf32, #tpu.memory_space<vmem>>) target_semaphore(%arg14 : memref<!tpu.dma_semaphore, #tpu.memory_space<semaphore_mem>>)
    %mul3A_381 = arith.constant 16 : i32
    %mul3A_382 = arith.muli %arg0, %mul3A_381 : i32
    %add3A_383 = arith.constant 1 : i32
    %add3A_384 = arith.addi %mul3A_382, %add3A_383 : i32
    %mul3A_385 = arith.constant 10000 : i32
    %mul3A_386 = arith.muli %add3A_384, %mul3A_385 : i32
    %add3A_387 = arith.addi %mul3A_386, %mul3A_28 : i32
    %add3A_388 = arith.constant 320 : i32
    %add3A_389 = arith.addi %add3A_387, %add3A_388 : i32
    %dma_start3A_390 = arith.constant 320 : i32
    %dma_start3A_391 = tpu.memref_slice %arg13[%dma_start3A_390] : memref<5120xf32, #tpu.memory_space<vmem>> -> memref<320xf32, #tpu.memory_space<vmem>>
    %dma_start3A_392 = tpu.memref_slice %arg8[%add3A_389] : memref<320000xf32, #tpu.memory_space<hbm>> -> memref<320xf32, #tpu.memory_space<hbm>>
    %dma_start3A_393 = arith.constant 320 : i32
    %dma_start3A_394 = tpu.memref_slice %arg13[%dma_start3A_393] : memref<5120xf32, #tpu.memory_space<vmem>> -> memref<320xf32, #tpu.memory_space<vmem>>
    %dma_start3A_395 = tpu.memref_slice %arg8[%add3A_389] : memref<320000xf32, #tpu.memory_space<hbm>> -> memref<320xf32, #tpu.memory_space<hbm>>
    tpu.enqueue_dma source(%dma_start3A_395 : memref<320xf32, #tpu.memory_space<hbm>>) target(%dma_start3A_394 : memref<320xf32, #tpu.memory_space<vmem>>) target_semaphore(%arg14 : memref<!tpu.dma_semaphore, #tpu.memory_space<semaphore_mem>>)
    %mul3A_396 = arith.constant 16 : i32
    %mul3A_397 = arith.muli %arg0, %mul3A_396 : i32
    %add3A_398 = arith.constant 2 : i32
    %add3A_399 = arith.addi %mul3A_397, %add3A_398 : i32
    %mul3A_400 = arith.constant 10000 : i32
    %mul3A_401 = arith.muli %add3A_399, %mul3A_400 : i32
    %add3A_402 = arith.addi %mul3A_401, %mul3A_28 : i32
    %add3A_403 = arith.constant 320 : i32
    %add3A_404 = arith.addi %add3A_402, %add3A_403 : i32
    %dma_start3A_405 = arith.constant 640 : i32
    %dma_start3A_406 = tpu.memref_slice %arg13[%dma_start3A_405] : memref<5120xf32, #tpu.memory_space<vmem>> -> memref<320xf32, #tpu.memory_space<vmem>>
    %dma_start3A_407 = tpu.memref_slice %arg8[%add3A_404] : memref<320000xf32, #tpu.memory_space<hbm>> -> memref<320xf32, #tpu.memory_space<hbm>>
    %dma_start3A_408 = arith.constant 640 : i32
    %dma_start3A_409 = tpu.memref_slice %arg13[%dma_start3A_408] : memref<5120xf32, #tpu.memory_space<vmem>> -> memref<320xf32, #tpu.memory_space<vmem>>
    %dma_start3A_410 = tpu.memref_slice %arg8[%add3A_404] : memref<320000xf32, #tpu.memory_space<hbm>> -> memref<320xf32, #tpu.memory_space<hbm>>
    tpu.enqueue_dma source(%dma_start3A_410 : memref<320xf32, #tpu.memory_space<hbm>>) target(%dma_start3A_409 : memref<320xf32, #tpu.memory_space<vmem>>) target_semaphore(%arg14 : memref<!tpu.dma_semaphore, #tpu.memory_space<semaphore_mem>>)
    %mul3A_411 = arith.constant 16 : i32
    %mul3A_412 = arith.muli %arg0, %mul3A_411 : i32
    %add3A_413 = arith.constant 3 : i32
    %add3A_414 = arith.addi %mul3A_412, %add3A_413 : i32
    %mul3A_415 = arith.constant 10000 : i32
    %mul3A_416 = arith.muli %add3A_414, %mul3A_415 : i32
    %add3A_417 = arith.addi %mul3A_416, %mul3A_28 : i32
    %add3A_418 = arith.constant 320 : i32
    %add3A_419 = arith.addi %add3A_417, %add3A_418 : i32
    %dma_start3A_420 = arith.constant 960 : i32
    %dma_start3A_421 = tpu.memref_slice %arg13[%dma_start3A_420] : memref<5120xf32, #tpu.memory_space<vmem>> -> memref<320xf32, #tpu.memory_space<vmem>>
    %dma_start3A_422 = tpu.memref_slice %arg8[%add3A_419] : memref<320000xf32, #tpu.memory_space<hbm>> -> memref<320xf32, #tpu.memory_space<hbm>>
    %dma_start3A_423 = arith.constant 960 : i32
    %dma_start3A_424 = tpu.memref_slice %arg13[%dma_start3A_423] : memref<5120xf32, #tpu.memory_space<vmem>> -> memref<320xf32, #tpu.memory_space<vmem>>
    %dma_start3A_425 = tpu.memref_slice %arg8[%add3A_419] : memref<320000xf32, #tpu.memory_space<hbm>> -> memref<320xf32, #tpu.memory_space<hbm>>
    tpu.enqueue_dma source(%dma_start3A_425 : memref<320xf32, #tpu.memory_space<hbm>>) target(%dma_start3A_424 : memref<320xf32, #tpu.memory_space<vmem>>) target_semaphore(%arg14 : memref<!tpu.dma_semaphore, #tpu.memory_space<semaphore_mem>>)
    %mul3A_426 = arith.constant 16 : i32
    %mul3A_427 = arith.muli %arg0, %mul3A_426 : i32
    %add3A_428 = arith.constant 4 : i32
    %add3A_429 = arith.addi %mul3A_427, %add3A_428 : i32
    %mul3A_430 = arith.constant 10000 : i32
    %mul3A_431 = arith.muli %add3A_429, %mul3A_430 : i32
    %add3A_432 = arith.addi %mul3A_431, %mul3A_28 : i32
    %add3A_433 = arith.constant 320 : i32
    %add3A_434 = arith.addi %add3A_432, %add3A_433 : i32
    %dma_start3A_435 = arith.constant 1280 : i32
    %dma_start3A_436 = tpu.memref_slice %arg13[%dma_start3A_435] : memref<5120xf32, #tpu.memory_space<vmem>> -> memref<320xf32, #tpu.memory_space<vmem>>
    %dma_start3A_437 = tpu.memref_slice %arg8[%add3A_434] : memref<320000xf32, #tpu.memory_space<hbm>> -> memref<320xf32, #tpu.memory_space<hbm>>
    %dma_start3A_438 = arith.constant 1280 : i32
    %dma_start3A_439 = tpu.memref_slice %arg13[%dma_start3A_438] : memref<5120xf32, #tpu.memory_space<vmem>> -> memref<320xf32, #tpu.memory_space<vmem>>
    %dma_start3A_440 = tpu.memref_slice %arg8[%add3A_434] : memref<320000xf32, #tpu.memory_space<hbm>> -> memref<320xf32, #tpu.memory_space<hbm>>
    tpu.enqueue_dma source(%dma_start3A_440 : memref<320xf32, #tpu.memory_space<hbm>>) target(%dma_start3A_439 : memref<320xf32, #tpu.memory_space<vmem>>) target_semaphore(%arg14 : memref<!tpu.dma_semaphore, #tpu.memory_space<semaphore_mem>>)
    %mul3A_441 = arith.constant 16 : i32
    %mul3A_442 = arith.muli %arg0, %mul3A_441 : i32
    %add3A_443 = arith.constant 5 : i32
    %add3A_444 = arith.addi %mul3A_442, %add3A_443 : i32
    %mul3A_445 = arith.constant 10000 : i32
    %mul3A_446 = arith.muli %add3A_444, %mul3A_445 : i32
    %add3A_447 = arith.addi %mul3A_446, %mul3A_28 : i32
    %add3A_448 = arith.constant 320 : i32
    %add3A_449 = arith.addi %add3A_447, %add3A_448 : i32
    %dma_start3A_450 = arith.constant 1600 : i32
    %dma_start3A_451 = tpu.memref_slice %arg13[%dma_start3A_450] : memref<5120xf32, #tpu.memory_space<vmem>> -> memref<320xf32, #tpu.memory_space<vmem>>
    %dma_start3A_452 = tpu.memref_slice %arg8[%add3A_449] : memref<320000xf32, #tpu.memory_space<hbm>> -> memref<320xf32, #tpu.memory_space<hbm>>
    %dma_start3A_453 = arith.constant 1600 : i32
    %dma_start3A_454 = tpu.memref_slice %arg13[%dma_start3A_453] : memref<5120xf32, #tpu.memory_space<vmem>> -> memref<320xf32, #tpu.memory_space<vmem>>
    %dma_start3A_455 = tpu.memref_slice %arg8[%add3A_449] : memref<320000xf32, #tpu.memory_space<hbm>> -> memref<320xf32, #tpu.memory_space<hbm>>
    tpu.enqueue_dma source(%dma_start3A_455 : memref<320xf32, #tpu.memory_space<hbm>>) target(%dma_start3A_454 : memref<320xf32, #tpu.memory_space<vmem>>) target_semaphore(%arg14 : memref<!tpu.dma_semaphore, #tpu.memory_space<semaphore_mem>>)
    %mul3A_456 = arith.constant 16 : i32
    %mul3A_457 = arith.muli %arg0, %mul3A_456 : i32
    %add3A_458 = arith.constant 6 : i32
    %add3A_459 = arith.addi %mul3A_457, %add3A_458 : i32
    %mul3A_460 = arith.constant 10000 : i32
    %mul3A_461 = arith.muli %add3A_459, %mul3A_460 : i32
    %add3A_462 = arith.addi %mul3A_461, %mul3A_28 : i32
    %add3A_463 = arith.constant 320 : i32
    %add3A_464 = arith.addi %add3A_462, %add3A_463 : i32
    %dma_start3A_465 = arith.constant 1920 : i32
    %dma_start3A_466 = tpu.memref_slice %arg13[%dma_start3A_465] : memref<5120xf32, #tpu.memory_space<vmem>> -> memref<320xf32, #tpu.memory_space<vmem>>
    %dma_start3A_467 = tpu.memref_slice %arg8[%add3A_464] : memref<320000xf32, #tpu.memory_space<hbm>> -> memref<320xf32, #tpu.memory_space<hbm>>
    %dma_start3A_468 = arith.constant 1920 : i32
    %dma_start3A_469 = tpu.memref_slice %arg13[%dma_start3A_468] : memref<5120xf32, #tpu.memory_space<vmem>> -> memref<320xf32, #tpu.memory_space<vmem>>
    %dma_start3A_470 = tpu.memref_slice %arg8[%add3A_464] : memref<320000xf32, #tpu.memory_space<hbm>> -> memref<320xf32, #tpu.memory_space<hbm>>
    tpu.enqueue_dma source(%dma_start3A_470 : memref<320xf32, #tpu.memory_space<hbm>>) target(%dma_start3A_469 : memref<320xf32, #tpu.memory_space<vmem>>) target_semaphore(%arg14 : memref<!tpu.dma_semaphore, #tpu.memory_space<semaphore_mem>>)
    %mul3A_471 = arith.constant 16 : i32
    %mul3A_472 = arith.muli %arg0, %mul3A_471 : i32
    %add3A_473 = arith.constant 7 : i32
    %add3A_474 = arith.addi %mul3A_472, %add3A_473 : i32
    %mul3A_475 = arith.constant 10000 : i32
    %mul3A_476 = arith.muli %add3A_474, %mul3A_475 : i32
    %add3A_477 = arith.addi %mul3A_476, %mul3A_28 : i32
    %add3A_478 = arith.constant 320 : i32
    %add3A_479 = arith.addi %add3A_477, %add3A_478 : i32
    %dma_start3A_480 = arith.constant 2240 : i32
    %dma_start3A_481 = tpu.memref_slice %arg13[%dma_start3A_480] : memref<5120xf32, #tpu.memory_space<vmem>> -> memref<320xf32, #tpu.memory_space<vmem>>
    %dma_start3A_482 = tpu.memref_slice %arg8[%add3A_479] : memref<320000xf32, #tpu.memory_space<hbm>> -> memref<320xf32, #tpu.memory_space<hbm>>
    %dma_start3A_483 = arith.constant 2240 : i32
    %dma_start3A_484 = tpu.memref_slice %arg13[%dma_start3A_483] : memref<5120xf32, #tpu.memory_space<vmem>> -> memref<320xf32, #tpu.memory_space<vmem>>
    %dma_start3A_485 = tpu.memref_slice %arg8[%add3A_479] : memref<320000xf32, #tpu.memory_space<hbm>> -> memref<320xf32, #tpu.memory_space<hbm>>
    tpu.enqueue_dma source(%dma_start3A_485 : memref<320xf32, #tpu.memory_space<hbm>>) target(%dma_start3A_484 : memref<320xf32, #tpu.memory_space<vmem>>) target_semaphore(%arg14 : memref<!tpu.dma_semaphore, #tpu.memory_space<semaphore_mem>>)
    %mul3A_486 = arith.constant 16 : i32
    %mul3A_487 = arith.muli %arg0, %mul3A_486 : i32
    %add3A_488 = arith.constant 8 : i32
    %add3A_489 = arith.addi %mul3A_487, %add3A_488 : i32
    %mul3A_490 = arith.constant 10000 : i32
    %mul3A_491 = arith.muli %add3A_489, %mul3A_490 : i32
    %add3A_492 = arith.addi %mul3A_491, %mul3A_28 : i32
    %add3A_493 = arith.constant 320 : i32
    %add3A_494 = arith.addi %add3A_492, %add3A_493 : i32
    %dma_start3A_495 = arith.constant 2560 : i32
    %dma_start3A_496 = tpu.memref_slice %arg13[%dma_start3A_495] : memref<5120xf32, #tpu.memory_space<vmem>> -> memref<320xf32, #tpu.memory_space<vmem>>
    %dma_start3A_497 = tpu.memref_slice %arg8[%add3A_494] : memref<320000xf32, #tpu.memory_space<hbm>> -> memref<320xf32, #tpu.memory_space<hbm>>
    %dma_start3A_498 = arith.constant 2560 : i32
    %dma_start3A_499 = tpu.memref_slice %arg13[%dma_start3A_498] : memref<5120xf32, #tpu.memory_space<vmem>> -> memref<320xf32, #tpu.memory_space<vmem>>
    %dma_start3A_500 = tpu.memref_slice %arg8[%add3A_494] : memref<320000xf32, #tpu.memory_space<hbm>> -> memref<320xf32, #tpu.memory_space<hbm>>
    tpu.enqueue_dma source(%dma_start3A_500 : memref<320xf32, #tpu.memory_space<hbm>>) target(%dma_start3A_499 : memref<320xf32, #tpu.memory_space<vmem>>) target_semaphore(%arg14 : memref<!tpu.dma_semaphore, #tpu.memory_space<semaphore_mem>>)
    %mul3A_501 = arith.constant 16 : i32
    %mul3A_502 = arith.muli %arg0, %mul3A_501 : i32
    %add3A_503 = arith.constant 9 : i32
    %add3A_504 = arith.addi %mul3A_502, %add3A_503 : i32
    %mul3A_505 = arith.constant 10000 : i32
    %mul3A_506 = arith.muli %add3A_504, %mul3A_505 : i32
    %add3A_507 = arith.addi %mul3A_506, %mul3A_28 : i32
    %add3A_508 = arith.constant 320 : i32
    %add3A_509 = arith.addi %add3A_507, %add3A_508 : i32
    %dma_start3A_510 = arith.constant 2880 : i32
    %dma_start3A_511 = tpu.memref_slice %arg13[%dma_start3A_510] : memref<5120xf32, #tpu.memory_space<vmem>> -> memref<320xf32, #tpu.memory_space<vmem>>
    %dma_start3A_512 = tpu.memref_slice %arg8[%add3A_509] : memref<320000xf32, #tpu.memory_space<hbm>> -> memref<320xf32, #tpu.memory_space<hbm>>
    %dma_start3A_513 = arith.constant 2880 : i32
    %dma_start3A_514 = tpu.memref_slice %arg13[%dma_start3A_513] : memref<5120xf32, #tpu.memory_space<vmem>> -> memref<320xf32, #tpu.memory_space<vmem>>
    %dma_start3A_515 = tpu.memref_slice %arg8[%add3A_509] : memref<320000xf32, #tpu.memory_space<hbm>> -> memref<320xf32, #tpu.memory_space<hbm>>
    tpu.enqueue_dma source(%dma_start3A_515 : memref<320xf32, #tpu.memory_space<hbm>>) target(%dma_start3A_514 : memref<320xf32, #tpu.memory_space<vmem>>) target_semaphore(%arg14 : memref<!tpu.dma_semaphore, #tpu.memory_space<semaphore_mem>>)
    %mul3A_516 = arith.constant 16 : i32
    %mul3A_517 = arith.muli %arg0, %mul3A_516 : i32
    %add3A_518 = arith.constant 10 : i32
    %add3A_519 = arith.addi %mul3A_517, %add3A_518 : i32
    %mul3A_520 = arith.constant 10000 : i32
    %mul3A_521 = arith.muli %add3A_519, %mul3A_520 : i32
    %add3A_522 = arith.addi %mul3A_521, %mul3A_28 : i32
    %add3A_523 = arith.constant 320 : i32
    %add3A_524 = arith.addi %add3A_522, %add3A_523 : i32
    %dma_start3A_525 = arith.constant 3200 : i32
    %dma_start3A_526 = tpu.memref_slice %arg13[%dma_start3A_525] : memref<5120xf32, #tpu.memory_space<vmem>> -> memref<320xf32, #tpu.memory_space<vmem>>
    %dma_start3A_527 = tpu.memref_slice %arg8[%add3A_524] : memref<320000xf32, #tpu.memory_space<hbm>> -> memref<320xf32, #tpu.memory_space<hbm>>
    %dma_start3A_528 = arith.constant 3200 : i32
    %dma_start3A_529 = tpu.memref_slice %arg13[%dma_start3A_528] : memref<5120xf32, #tpu.memory_space<vmem>> -> memref<320xf32, #tpu.memory_space<vmem>>
    %dma_start3A_530 = tpu.memref_slice %arg8[%add3A_524] : memref<320000xf32, #tpu.memory_space<hbm>> -> memref<320xf32, #tpu.memory_space<hbm>>
    tpu.enqueue_dma source(%dma_start3A_530 : memref<320xf32, #tpu.memory_space<hbm>>) target(%dma_start3A_529 : memref<320xf32, #tpu.memory_space<vmem>>) target_semaphore(%arg14 : memref<!tpu.dma_semaphore, #tpu.memory_space<semaphore_mem>>)
    %mul3A_531 = arith.constant 16 : i32
    %mul3A_532 = arith.muli %arg0, %mul3A_531 : i32
    %add3A_533 = arith.constant 11 : i32
    %add3A_534 = arith.addi %mul3A_532, %add3A_533 : i32
    %mul3A_535 = arith.constant 10000 : i32
    %mul3A_536 = arith.muli %add3A_534, %mul3A_535 : i32
    %add3A_537 = arith.addi %mul3A_536, %mul3A_28 : i32
    %add3A_538 = arith.constant 320 : i32
    %add3A_539 = arith.addi %add3A_537, %add3A_538 : i32
    %dma_start3A_540 = arith.constant 3520 : i32
    %dma_start3A_541 = tpu.memref_slice %arg13[%dma_start3A_540] : memref<5120xf32, #tpu.memory_space<vmem>> -> memref<320xf32, #tpu.memory_space<vmem>>
    %dma_start3A_542 = tpu.memref_slice %arg8[%add3A_539] : memref<320000xf32, #tpu.memory_space<hbm>> -> memref<320xf32, #tpu.memory_space<hbm>>
    %dma_start3A_543 = arith.constant 3520 : i32
    %dma_start3A_544 = tpu.memref_slice %arg13[%dma_start3A_543] : memref<5120xf32, #tpu.memory_space<vmem>> -> memref<320xf32, #tpu.memory_space<vmem>>
    %dma_start3A_545 = tpu.memref_slice %arg8[%add3A_539] : memref<320000xf32, #tpu.memory_space<hbm>> -> memref<320xf32, #tpu.memory_space<hbm>>
    tpu.enqueue_dma source(%dma_start3A_545 : memref<320xf32, #tpu.memory_space<hbm>>) target(%dma_start3A_544 : memref<320xf32, #tpu.memory_space<vmem>>) target_semaphore(%arg14 : memref<!tpu.dma_semaphore, #tpu.memory_space<semaphore_mem>>)
    %mul3A_546 = arith.constant 16 : i32
    %mul3A_547 = arith.muli %arg0, %mul3A_546 : i32
    %add3A_548 = arith.constant 12 : i32
    %add3A_549 = arith.addi %mul3A_547, %add3A_548 : i32
    %mul3A_550 = arith.constant 10000 : i32
    %mul3A_551 = arith.muli %add3A_549, %mul3A_550 : i32
    %add3A_552 = arith.addi %mul3A_551, %mul3A_28 : i32
    %add3A_553 = arith.constant 320 : i32
    %add3A_554 = arith.addi %add3A_552, %add3A_553 : i32
    %dma_start3A_555 = arith.constant 3840 : i32
    %dma_start3A_556 = tpu.memref_slice %arg13[%dma_start3A_555] : memref<5120xf32, #tpu.memory_space<vmem>> -> memref<320xf32, #tpu.memory_space<vmem>>
    %dma_start3A_557 = tpu.memref_slice %arg8[%add3A_554] : memref<320000xf32, #tpu.memory_space<hbm>> -> memref<320xf32, #tpu.memory_space<hbm>>
    %dma_start3A_558 = arith.constant 3840 : i32
    %dma_start3A_559 = tpu.memref_slice %arg13[%dma_start3A_558] : memref<5120xf32, #tpu.memory_space<vmem>> -> memref<320xf32, #tpu.memory_space<vmem>>
    %dma_start3A_560 = tpu.memref_slice %arg8[%add3A_554] : memref<320000xf32, #tpu.memory_space<hbm>> -> memref<320xf32, #tpu.memory_space<hbm>>
    tpu.enqueue_dma source(%dma_start3A_560 : memref<320xf32, #tpu.memory_space<hbm>>) target(%dma_start3A_559 : memref<320xf32, #tpu.memory_space<vmem>>) target_semaphore(%arg14 : memref<!tpu.dma_semaphore, #tpu.memory_space<semaphore_mem>>)
    %mul3A_561 = arith.constant 16 : i32
    %mul3A_562 = arith.muli %arg0, %mul3A_561 : i32
    %add3A_563 = arith.constant 13 : i32
    %add3A_564 = arith.addi %mul3A_562, %add3A_563 : i32
    %mul3A_565 = arith.constant 10000 : i32
    %mul3A_566 = arith.muli %add3A_564, %mul3A_565 : i32
    %add3A_567 = arith.addi %mul3A_566, %mul3A_28 : i32
    %add3A_568 = arith.constant 320 : i32
    %add3A_569 = arith.addi %add3A_567, %add3A_568 : i32
    %dma_start3A_570 = arith.constant 4160 : i32
    %dma_start3A_571 = tpu.memref_slice %arg13[%dma_start3A_570] : memref<5120xf32, #tpu.memory_space<vmem>> -> memref<320xf32, #tpu.memory_space<vmem>>
    %dma_start3A_572 = tpu.memref_slice %arg8[%add3A_569] : memref<320000xf32, #tpu.memory_space<hbm>> -> memref<320xf32, #tpu.memory_space<hbm>>
    %dma_start3A_573 = arith.constant 4160 : i32
    %dma_start3A_574 = tpu.memref_slice %arg13[%dma_start3A_573] : memref<5120xf32, #tpu.memory_space<vmem>> -> memref<320xf32, #tpu.memory_space<vmem>>
    %dma_start3A_575 = tpu.memref_slice %arg8[%add3A_569] : memref<320000xf32, #tpu.memory_space<hbm>> -> memref<320xf32, #tpu.memory_space<hbm>>
    tpu.enqueue_dma source(%dma_start3A_575 : memref<320xf32, #tpu.memory_space<hbm>>) target(%dma_start3A_574 : memref<320xf32, #tpu.memory_space<vmem>>) target_semaphore(%arg14 : memref<!tpu.dma_semaphore, #tpu.memory_space<semaphore_mem>>)
    %mul3A_576 = arith.constant 16 : i32
    %mul3A_577 = arith.muli %arg0, %mul3A_576 : i32
    %add3A_578 = arith.constant 14 : i32
    %add3A_579 = arith.addi %mul3A_577, %add3A_578 : i32
    %mul3A_580 = arith.constant 10000 : i32
    %mul3A_581 = arith.muli %add3A_579, %mul3A_580 : i32
    %add3A_582 = arith.addi %mul3A_581, %mul3A_28 : i32
    %add3A_583 = arith.constant 320 : i32
    %add3A_584 = arith.addi %add3A_582, %add3A_583 : i32
    %dma_start3A_585 = arith.constant 4480 : i32
    %dma_start3A_586 = tpu.memref_slice %arg13[%dma_start3A_585] : memref<5120xf32, #tpu.memory_space<vmem>> -> memref<320xf32, #tpu.memory_space<vmem>>
    %dma_start3A_587 = tpu.memref_slice %arg8[%add3A_584] : memref<320000xf32, #tpu.memory_space<hbm>> -> memref<320xf32, #tpu.memory_space<hbm>>
    %dma_start3A_588 = arith.constant 4480 : i32
    %dma_start3A_589 = tpu.memref_slice %arg13[%dma_start3A_588] : memref<5120xf32, #tpu.memory_space<vmem>> -> memref<320xf32, #tpu.memory_space<vmem>>
    %dma_start3A_590 = tpu.memref_slice %arg8[%add3A_584] : memref<320000xf32, #tpu.memory_space<hbm>> -> memref<320xf32, #tpu.memory_space<hbm>>
    tpu.enqueue_dma source(%dma_start3A_590 : memref<320xf32, #tpu.memory_space<hbm>>) target(%dma_start3A_589 : memref<320xf32, #tpu.memory_space<vmem>>) target_semaphore(%arg14 : memref<!tpu.dma_semaphore, #tpu.memory_space<semaphore_mem>>)
    %mul3A_591 = arith.constant 16 : i32
    %mul3A_592 = arith.muli %arg0, %mul3A_591 : i32
    %add3A_593 = arith.constant 15 : i32
    %add3A_594 = arith.addi %mul3A_592, %add3A_593 : i32
    %mul3A_595 = arith.constant 10000 : i32
    %mul3A_596 = arith.muli %add3A_594, %mul3A_595 : i32
    %add3A_597 = arith.addi %mul3A_596, %mul3A_28 : i32
    %add3A_598 = arith.constant 320 : i32
    %add3A_599 = arith.addi %add3A_597, %add3A_598 : i32
    %dma_start3A_600 = arith.constant 4800 : i32
    %dma_start3A_601 = tpu.memref_slice %arg13[%dma_start3A_600] : memref<5120xf32, #tpu.memory_space<vmem>> -> memref<320xf32, #tpu.memory_space<vmem>>
    %dma_start3A_602 = tpu.memref_slice %arg8[%add3A_599] : memref<320000xf32, #tpu.memory_space<hbm>> -> memref<320xf32, #tpu.memory_space<hbm>>
    %dma_start3A_603 = arith.constant 4800 : i32
    %dma_start3A_604 = tpu.memref_slice %arg13[%dma_start3A_603] : memref<5120xf32, #tpu.memory_space<vmem>> -> memref<320xf32, #tpu.memory_space<vmem>>
    %dma_start3A_605 = tpu.memref_slice %arg8[%add3A_599] : memref<320000xf32, #tpu.memory_space<hbm>> -> memref<320xf32, #tpu.memory_space<hbm>>
    tpu.enqueue_dma source(%dma_start3A_605 : memref<320xf32, #tpu.memory_space<hbm>>) target(%dma_start3A_604 : memref<320xf32, #tpu.memory_space<vmem>>) target_semaphore(%arg14 : memref<!tpu.dma_semaphore, #tpu.memory_space<semaphore_mem>>)
    %dma_wait3A_606 = arith.constant 0 : i32
    %dma_wait3A_607 = tpu.memref_slice %arg13[%dma_wait3A_606] : memref<5120xf32, #tpu.memory_space<vmem>> -> memref<320xf32, #tpu.memory_space<vmem>>
    %dma_wait3A_608 = tpu.memref_slice %arg8[%add3A_374] : memref<320000xf32, #tpu.memory_space<hbm>> -> memref<320xf32, #tpu.memory_space<hbm>>
    %dma_wait3A_609 = arith.constant 0 : i32
    %dma_wait3A_610 = tpu.memref_slice %arg13[%dma_wait3A_609] : memref<5120xf32, #tpu.memory_space<vmem>> -> memref<320xf32, #tpu.memory_space<vmem>>
    %dma_wait3A_611 = tpu.memref_slice %arg8[%add3A_374] : memref<320000xf32, #tpu.memory_space<hbm>> -> memref<320xf32, #tpu.memory_space<hbm>>
    tpu.wait_dma2 semaphore(%arg14 : memref<!tpu.dma_semaphore, #tpu.memory_space<semaphore_mem>>) src(%dma_wait3A_611 : memref<320xf32, #tpu.memory_space<hbm>>) dst(%dma_wait3A_610 : memref<320xf32, #tpu.memory_space<vmem>>)
    %dma_wait3A_612 = arith.constant 320 : i32
    %dma_wait3A_613 = tpu.memref_slice %arg13[%dma_wait3A_612] : memref<5120xf32, #tpu.memory_space<vmem>> -> memref<320xf32, #tpu.memory_space<vmem>>
    %dma_wait3A_614 = tpu.memref_slice %arg8[%add3A_389] : memref<320000xf32, #tpu.memory_space<hbm>> -> memref<320xf32, #tpu.memory_space<hbm>>
    %dma_wait3A_615 = arith.constant 320 : i32
    %dma_wait3A_616 = tpu.memref_slice %arg13[%dma_wait3A_615] : memref<5120xf32, #tpu.memory_space<vmem>> -> memref<320xf32, #tpu.memory_space<vmem>>
    %dma_wait3A_617 = tpu.memref_slice %arg8[%add3A_389] : memref<320000xf32, #tpu.memory_space<hbm>> -> memref<320xf32, #tpu.memory_space<hbm>>
    tpu.wait_dma2 semaphore(%arg14 : memref<!tpu.dma_semaphore, #tpu.memory_space<semaphore_mem>>) src(%dma_wait3A_617 : memref<320xf32, #tpu.memory_space<hbm>>) dst(%dma_wait3A_616 : memref<320xf32, #tpu.memory_space<vmem>>)
    %dma_wait3A_618 = arith.constant 640 : i32
    %dma_wait3A_619 = tpu.memref_slice %arg13[%dma_wait3A_618] : memref<5120xf32, #tpu.memory_space<vmem>> -> memref<320xf32, #tpu.memory_space<vmem>>
    %dma_wait3A_620 = tpu.memref_slice %arg8[%add3A_404] : memref<320000xf32, #tpu.memory_space<hbm>> -> memref<320xf32, #tpu.memory_space<hbm>>
    %dma_wait3A_621 = arith.constant 640 : i32
    %dma_wait3A_622 = tpu.memref_slice %arg13[%dma_wait3A_621] : memref<5120xf32, #tpu.memory_space<vmem>> -> memref<320xf32, #tpu.memory_space<vmem>>
    %dma_wait3A_623 = tpu.memref_slice %arg8[%add3A_404] : memref<320000xf32, #tpu.memory_space<hbm>> -> memref<320xf32, #tpu.memory_space<hbm>>
    tpu.wait_dma2 semaphore(%arg14 : memref<!tpu.dma_semaphore, #tpu.memory_space<semaphore_mem>>) src(%dma_wait3A_623 : memref<320xf32, #tpu.memory_space<hbm>>) dst(%dma_wait3A_622 : memref<320xf32, #tpu.memory_space<vmem>>)
    %dma_wait3A_624 = arith.constant 960 : i32
    %dma_wait3A_625 = tpu.memref_slice %arg13[%dma_wait3A_624] : memref<5120xf32, #tpu.memory_space<vmem>> -> memref<320xf32, #tpu.memory_space<vmem>>
    %dma_wait3A_626 = tpu.memref_slice %arg8[%add3A_419] : memref<320000xf32, #tpu.memory_space<hbm>> -> memref<320xf32, #tpu.memory_space<hbm>>
    %dma_wait3A_627 = arith.constant 960 : i32
    %dma_wait3A_628 = tpu.memref_slice %arg13[%dma_wait3A_627] : memref<5120xf32, #tpu.memory_space<vmem>> -> memref<320xf32, #tpu.memory_space<vmem>>
    %dma_wait3A_629 = tpu.memref_slice %arg8[%add3A_419] : memref<320000xf32, #tpu.memory_space<hbm>> -> memref<320xf32, #tpu.memory_space<hbm>>
    tpu.wait_dma2 semaphore(%arg14 : memref<!tpu.dma_semaphore, #tpu.memory_space<semaphore_mem>>) src(%dma_wait3A_629 : memref<320xf32, #tpu.memory_space<hbm>>) dst(%dma_wait3A_628 : memref<320xf32, #tpu.memory_space<vmem>>)
    %dma_wait3A_630 = arith.constant 1280 : i32
    %dma_wait3A_631 = tpu.memref_slice %arg13[%dma_wait3A_630] : memref<5120xf32, #tpu.memory_space<vmem>> -> memref<320xf32, #tpu.memory_space<vmem>>
    %dma_wait3A_632 = tpu.memref_slice %arg8[%add3A_434] : memref<320000xf32, #tpu.memory_space<hbm>> -> memref<320xf32, #tpu.memory_space<hbm>>
    %dma_wait3A_633 = arith.constant 1280 : i32
    %dma_wait3A_634 = tpu.memref_slice %arg13[%dma_wait3A_633] : memref<5120xf32, #tpu.memory_space<vmem>> -> memref<320xf32, #tpu.memory_space<vmem>>
    %dma_wait3A_635 = tpu.memref_slice %arg8[%add3A_434] : memref<320000xf32, #tpu.memory_space<hbm>> -> memref<320xf32, #tpu.memory_space<hbm>>
    tpu.wait_dma2 semaphore(%arg14 : memref<!tpu.dma_semaphore, #tpu.memory_space<semaphore_mem>>) src(%dma_wait3A_635 : memref<320xf32, #tpu.memory_space<hbm>>) dst(%dma_wait3A_634 : memref<320xf32, #tpu.memory_space<vmem>>)
    %dma_wait3A_636 = arith.constant 1600 : i32
    %dma_wait3A_637 = tpu.memref_slice %arg13[%dma_wait3A_636] : memref<5120xf32, #tpu.memory_space<vmem>> -> memref<320xf32, #tpu.memory_space<vmem>>
    %dma_wait3A_638 = tpu.memref_slice %arg8[%add3A_449] : memref<320000xf32, #tpu.memory_space<hbm>> -> memref<320xf32, #tpu.memory_space<hbm>>
    %dma_wait3A_639 = arith.constant 1600 : i32
    %dma_wait3A_640 = tpu.memref_slice %arg13[%dma_wait3A_639] : memref<5120xf32, #tpu.memory_space<vmem>> -> memref<320xf32, #tpu.memory_space<vmem>>
    %dma_wait3A_641 = tpu.memref_slice %arg8[%add3A_449] : memref<320000xf32, #tpu.memory_space<hbm>> -> memref<320xf32, #tpu.memory_space<hbm>>
    tpu.wait_dma2 semaphore(%arg14 : memref<!tpu.dma_semaphore, #tpu.memory_space<semaphore_mem>>) src(%dma_wait3A_641 : memref<320xf32, #tpu.memory_space<hbm>>) dst(%dma_wait3A_640 : memref<320xf32, #tpu.memory_space<vmem>>)
    %dma_wait3A_642 = arith.constant 1920 : i32
    %dma_wait3A_643 = tpu.memref_slice %arg13[%dma_wait3A_642] : memref<5120xf32, #tpu.memory_space<vmem>> -> memref<320xf32, #tpu.memory_space<vmem>>
    %dma_wait3A_644 = tpu.memref_slice %arg8[%add3A_464] : memref<320000xf32, #tpu.memory_space<hbm>> -> memref<320xf32, #tpu.memory_space<hbm>>
    %dma_wait3A_645 = arith.constant 1920 : i32
    %dma_wait3A_646 = tpu.memref_slice %arg13[%dma_wait3A_645] : memref<5120xf32, #tpu.memory_space<vmem>> -> memref<320xf32, #tpu.memory_space<vmem>>
    %dma_wait3A_647 = tpu.memref_slice %arg8[%add3A_464] : memref<320000xf32, #tpu.memory_space<hbm>> -> memref<320xf32, #tpu.memory_space<hbm>>
    tpu.wait_dma2 semaphore(%arg14 : memref<!tpu.dma_semaphore, #tpu.memory_space<semaphore_mem>>) src(%dma_wait3A_647 : memref<320xf32, #tpu.memory_space<hbm>>) dst(%dma_wait3A_646 : memref<320xf32, #tpu.memory_space<vmem>>)
    %dma_wait3A_648 = arith.constant 2240 : i32
    %dma_wait3A_649 = tpu.memref_slice %arg13[%dma_wait3A_648] : memref<5120xf32, #tpu.memory_space<vmem>> -> memref<320xf32, #tpu.memory_space<vmem>>
    %dma_wait3A_650 = tpu.memref_slice %arg8[%add3A_479] : memref<320000xf32, #tpu.memory_space<hbm>> -> memref<320xf32, #tpu.memory_space<hbm>>
    %dma_wait3A_651 = arith.constant 2240 : i32
    %dma_wait3A_652 = tpu.memref_slice %arg13[%dma_wait3A_651] : memref<5120xf32, #tpu.memory_space<vmem>> -> memref<320xf32, #tpu.memory_space<vmem>>
    %dma_wait3A_653 = tpu.memref_slice %arg8[%add3A_479] : memref<320000xf32, #tpu.memory_space<hbm>> -> memref<320xf32, #tpu.memory_space<hbm>>
    tpu.wait_dma2 semaphore(%arg14 : memref<!tpu.dma_semaphore, #tpu.memory_space<semaphore_mem>>) src(%dma_wait3A_653 : memref<320xf32, #tpu.memory_space<hbm>>) dst(%dma_wait3A_652 : memref<320xf32, #tpu.memory_space<vmem>>)
    %dma_wait3A_654 = arith.constant 2560 : i32
    %dma_wait3A_655 = tpu.memref_slice %arg13[%dma_wait3A_654] : memref<5120xf32, #tpu.memory_space<vmem>> -> memref<320xf32, #tpu.memory_space<vmem>>
    %dma_wait3A_656 = tpu.memref_slice %arg8[%add3A_494] : memref<320000xf32, #tpu.memory_space<hbm>> -> memref<320xf32, #tpu.memory_space<hbm>>
    %dma_wait3A_657 = arith.constant 2560 : i32
    %dma_wait3A_658 = tpu.memref_slice %arg13[%dma_wait3A_657] : memref<5120xf32, #tpu.memory_space<vmem>> -> memref<320xf32, #tpu.memory_space<vmem>>
    %dma_wait3A_659 = tpu.memref_slice %arg8[%add3A_494] : memref<320000xf32, #tpu.memory_space<hbm>> -> memref<320xf32, #tpu.memory_space<hbm>>
    tpu.wait_dma2 semaphore(%arg14 : memref<!tpu.dma_semaphore, #tpu.memory_space<semaphore_mem>>) src(%dma_wait3A_659 : memref<320xf32, #tpu.memory_space<hbm>>) dst(%dma_wait3A_658 : memref<320xf32, #tpu.memory_space<vmem>>)
    %dma_wait3A_660 = arith.constant 2880 : i32
    %dma_wait3A_661 = tpu.memref_slice %arg13[%dma_wait3A_660] : memref<5120xf32, #tpu.memory_space<vmem>> -> memref<320xf32, #tpu.memory_space<vmem>>
    %dma_wait3A_662 = tpu.memref_slice %arg8[%add3A_509] : memref<320000xf32, #tpu.memory_space<hbm>> -> memref<320xf32, #tpu.memory_space<hbm>>
    %dma_wait3A_663 = arith.constant 2880 : i32
    %dma_wait3A_664 = tpu.memref_slice %arg13[%dma_wait3A_663] : memref<5120xf32, #tpu.memory_space<vmem>> -> memref<320xf32, #tpu.memory_space<vmem>>
    %dma_wait3A_665 = tpu.memref_slice %arg8[%add3A_509] : memref<320000xf32, #tpu.memory_space<hbm>> -> memref<320xf32, #tpu.memory_space<hbm>>
    tpu.wait_dma2 semaphore(%arg14 : memref<!tpu.dma_semaphore, #tpu.memory_space<semaphore_mem>>) src(%dma_wait3A_665 : memref<320xf32, #tpu.memory_space<hbm>>) dst(%dma_wait3A_664 : memref<320xf32, #tpu.memory_space<vmem>>)
    %dma_wait3A_666 = arith.constant 3200 : i32
    %dma_wait3A_667 = tpu.memref_slice %arg13[%dma_wait3A_666] : memref<5120xf32, #tpu.memory_space<vmem>> -> memref<320xf32, #tpu.memory_space<vmem>>
    %dma_wait3A_668 = tpu.memref_slice %arg8[%add3A_524] : memref<320000xf32, #tpu.memory_space<hbm>> -> memref<320xf32, #tpu.memory_space<hbm>>
    %dma_wait3A_669 = arith.constant 3200 : i32
    %dma_wait3A_670 = tpu.memref_slice %arg13[%dma_wait3A_669] : memref<5120xf32, #tpu.memory_space<vmem>> -> memref<320xf32, #tpu.memory_space<vmem>>
    %dma_wait3A_671 = tpu.memref_slice %arg8[%add3A_524] : memref<320000xf32, #tpu.memory_space<hbm>> -> memref<320xf32, #tpu.memory_space<hbm>>
    tpu.wait_dma2 semaphore(%arg14 : memref<!tpu.dma_semaphore, #tpu.memory_space<semaphore_mem>>) src(%dma_wait3A_671 : memref<320xf32, #tpu.memory_space<hbm>>) dst(%dma_wait3A_670 : memref<320xf32, #tpu.memory_space<vmem>>)
    %dma_wait3A_672 = arith.constant 3520 : i32
    %dma_wait3A_673 = tpu.memref_slice %arg13[%dma_wait3A_672] : memref<5120xf32, #tpu.memory_space<vmem>> -> memref<320xf32, #tpu.memory_space<vmem>>
    %dma_wait3A_674 = tpu.memref_slice %arg8[%add3A_539] : memref<320000xf32, #tpu.memory_space<hbm>> -> memref<320xf32, #tpu.memory_space<hbm>>
    %dma_wait3A_675 = arith.constant 3520 : i32
    %dma_wait3A_676 = tpu.memref_slice %arg13[%dma_wait3A_675] : memref<5120xf32, #tpu.memory_space<vmem>> -> memref<320xf32, #tpu.memory_space<vmem>>
    %dma_wait3A_677 = tpu.memref_slice %arg8[%add3A_539] : memref<320000xf32, #tpu.memory_space<hbm>> -> memref<320xf32, #tpu.memory_space<hbm>>
    tpu.wait_dma2 semaphore(%arg14 : memref<!tpu.dma_semaphore, #tpu.memory_space<semaphore_mem>>) src(%dma_wait3A_677 : memref<320xf32, #tpu.memory_space<hbm>>) dst(%dma_wait3A_676 : memref<320xf32, #tpu.memory_space<vmem>>)
    %dma_wait3A_678 = arith.constant 3840 : i32
    %dma_wait3A_679 = tpu.memref_slice %arg13[%dma_wait3A_678] : memref<5120xf32, #tpu.memory_space<vmem>> -> memref<320xf32, #tpu.memory_space<vmem>>
    %dma_wait3A_680 = tpu.memref_slice %arg8[%add3A_554] : memref<320000xf32, #tpu.memory_space<hbm>> -> memref<320xf32, #tpu.memory_space<hbm>>
    %dma_wait3A_681 = arith.constant 3840 : i32
    %dma_wait3A_682 = tpu.memref_slice %arg13[%dma_wait3A_681] : memref<5120xf32, #tpu.memory_space<vmem>> -> memref<320xf32, #tpu.memory_space<vmem>>
    %dma_wait3A_683 = tpu.memref_slice %arg8[%add3A_554] : memref<320000xf32, #tpu.memory_space<hbm>> -> memref<320xf32, #tpu.memory_space<hbm>>
    tpu.wait_dma2 semaphore(%arg14 : memref<!tpu.dma_semaphore, #tpu.memory_space<semaphore_mem>>) src(%dma_wait3A_683 : memref<320xf32, #tpu.memory_space<hbm>>) dst(%dma_wait3A_682 : memref<320xf32, #tpu.memory_space<vmem>>)
    %dma_wait3A_684 = arith.constant 4160 : i32
    %dma_wait3A_685 = tpu.memref_slice %arg13[%dma_wait3A_684] : memref<5120xf32, #tpu.memory_space<vmem>> -> memref<320xf32, #tpu.memory_space<vmem>>
    %dma_wait3A_686 = tpu.memref_slice %arg8[%add3A_569] : memref<320000xf32, #tpu.memory_space<hbm>> -> memref<320xf32, #tpu.memory_space<hbm>>
    %dma_wait3A_687 = arith.constant 4160 : i32
    %dma_wait3A_688 = tpu.memref_slice %arg13[%dma_wait3A_687] : memref<5120xf32, #tpu.memory_space<vmem>> -> memref<320xf32, #tpu.memory_space<vmem>>
    %dma_wait3A_689 = tpu.memref_slice %arg8[%add3A_569] : memref<320000xf32, #tpu.memory_space<hbm>> -> memref<320xf32, #tpu.memory_space<hbm>>
    tpu.wait_dma2 semaphore(%arg14 : memref<!tpu.dma_semaphore, #tpu.memory_space<semaphore_mem>>) src(%dma_wait3A_689 : memref<320xf32, #tpu.memory_space<hbm>>) dst(%dma_wait3A_688 : memref<320xf32, #tpu.memory_space<vmem>>)
    %dma_wait3A_690 = arith.constant 4480 : i32
    %dma_wait3A_691 = tpu.memref_slice %arg13[%dma_wait3A_690] : memref<5120xf32, #tpu.memory_space<vmem>> -> memref<320xf32, #tpu.memory_space<vmem>>
    %dma_wait3A_692 = tpu.memref_slice %arg8[%add3A_584] : memref<320000xf32, #tpu.memory_space<hbm>> -> memref<320xf32, #tpu.memory_space<hbm>>
    %dma_wait3A_693 = arith.constant 4480 : i32
    %dma_wait3A_694 = tpu.memref_slice %arg13[%dma_wait3A_693] : memref<5120xf32, #tpu.memory_space<vmem>> -> memref<320xf32, #tpu.memory_space<vmem>>
    %dma_wait3A_695 = tpu.memref_slice %arg8[%add3A_584] : memref<320000xf32, #tpu.memory_space<hbm>> -> memref<320xf32, #tpu.memory_space<hbm>>
    tpu.wait_dma2 semaphore(%arg14 : memref<!tpu.dma_semaphore, #tpu.memory_space<semaphore_mem>>) src(%dma_wait3A_695 : memref<320xf32, #tpu.memory_space<hbm>>) dst(%dma_wait3A_694 : memref<320xf32, #tpu.memory_space<vmem>>)
    %dma_wait3A_696 = arith.constant 4800 : i32
    %dma_wait3A_697 = tpu.memref_slice %arg13[%dma_wait3A_696] : memref<5120xf32, #tpu.memory_space<vmem>> -> memref<320xf32, #tpu.memory_space<vmem>>
    %dma_wait3A_698 = tpu.memref_slice %arg8[%add3A_599] : memref<320000xf32, #tpu.memory_space<hbm>> -> memref<320xf32, #tpu.memory_space<hbm>>
    %dma_wait3A_699 = arith.constant 4800 : i32
    %dma_wait3A_700 = tpu.memref_slice %arg13[%dma_wait3A_699] : memref<5120xf32, #tpu.memory_space<vmem>> -> memref<320xf32, #tpu.memory_space<vmem>>
    %dma_wait3A_701 = tpu.memref_slice %arg8[%add3A_599] : memref<320000xf32, #tpu.memory_space<hbm>> -> memref<320xf32, #tpu.memory_space<hbm>>
    tpu.wait_dma2 semaphore(%arg14 : memref<!tpu.dma_semaphore, #tpu.memory_space<semaphore_mem>>) src(%dma_wait3A_701 : memref<320xf32, #tpu.memory_space<hbm>>) dst(%dma_wait3A_700 : memref<320xf32, #tpu.memory_space<vmem>>)
    %parallel_loop3A_702 = arith.constant 0 : i32
    %parallel_loop3A_703 = arith.constant 320 : i32
    %parallel_loop3A_704 = arith.constant 16 : i32
    scf.for %parallel_loop3A_773 = %parallel_loop3A_702 to %parallel_loop3A_703 step %parallel_loop3A_704  : i32 {
      %parallel_loop3A_774 = arith.index_cast %parallel_loop3A_773 : i32 to index
      %parallel_loop3A_775 = tpu.vector_load %arg13[%parallel_loop3A_774] {strides = array<i32>} : memref<5120xf32, #tpu.memory_space<vmem>>, vector<16xf32>,
      %parallel_loop3A_776 = arith.constant 320 : i32
      %parallel_loop3A_777 = arith.addi %parallel_loop3A_776, %parallel_loop3A_773 : i32
      %parallel_loop3A_778 = arith.index_cast %parallel_loop3A_777 : i32 to index
      %parallel_loop3A_779 = tpu.vector_load %arg13[%parallel_loop3A_778] {strides = array<i32>} : memref<5120xf32, #tpu.memory_space<vmem>>, vector<16xf32>,
      %parallel_loop3A_780 = arith.addf %parallel_loop3A_775, %parallel_loop3A_779 : vector<16xf32>
      %parallel_loop3A_781 = arith.constant 640 : i32
      %parallel_loop3A_782 = arith.addi %parallel_loop3A_781, %parallel_loop3A_773 : i32
      %parallel_loop3A_783 = arith.index_cast %parallel_loop3A_782 : i32 to index
      %parallel_loop3A_784 = tpu.vector_load %arg13[%parallel_loop3A_783] {strides = array<i32>} : memref<5120xf32, #tpu.memory_space<vmem>>, vector<16xf32>,
      %parallel_loop3A_785 = arith.addf %parallel_loop3A_780, %parallel_loop3A_784 : vector<16xf32>
      %parallel_loop3A_786 = arith.constant 960 : i32
      %parallel_loop3A_787 = arith.addi %parallel_loop3A_786, %parallel_loop3A_773 : i32
      %parallel_loop3A_788 = arith.index_cast %parallel_loop3A_787 : i32 to index
      %parallel_loop3A_789 = tpu.vector_load %arg13[%parallel_loop3A_788] {strides = array<i32>} : memref<5120xf32, #tpu.memory_space<vmem>>, vector<16xf32>,
      %parallel_loop3A_790 = arith.addf %parallel_loop3A_785, %parallel_loop3A_789 : vector<16xf32>
      %parallel_loop3A_791 = arith.constant 1280 : i32
      %parallel_loop3A_792 = arith.addi %parallel_loop3A_791, %parallel_loop3A_773 : i32
      %parallel_loop3A_793 = arith.index_cast %parallel_loop3A_792 : i32 to index
      %parallel_loop3A_794 = tpu.vector_load %arg13[%parallel_loop3A_793] {strides = array<i32>} : memref<5120xf32, #tpu.memory_space<vmem>>, vector<16xf32>,
      %parallel_loop3A_795 = arith.addf %parallel_loop3A_790, %parallel_loop3A_794 : vector<16xf32>
      %parallel_loop3A_796 = arith.constant 1600 : i32
      %parallel_loop3A_797 = arith.addi %parallel_loop3A_796, %parallel_loop3A_773 : i32
      %parallel_loop3A_798 = arith.index_cast %parallel_loop3A_797 : i32 to index
      %parallel_loop3A_799 = tpu.vector_load %arg13[%parallel_loop3A_798] {strides = array<i32>} : memref<5120xf32, #tpu.memory_space<vmem>>, vector<16xf32>,
      %parallel_loop3A_800 = arith.addf %parallel_loop3A_795, %parallel_loop3A_799 : vector<16xf32>
      %parallel_loop3A_801 = arith.constant 1920 : i32
      %parallel_loop3A_802 = arith.addi %parallel_loop3A_801, %parallel_loop3A_773 : i32
      %parallel_loop3A_803 = arith.index_cast %parallel_loop3A_802 : i32 to index
      %parallel_loop3A_804 = tpu.vector_load %arg13[%parallel_loop3A_803] {strides = array<i32>} : memref<5120xf32, #tpu.memory_space<vmem>>, vector<16xf32>,
      %parallel_loop3A_805 = arith.addf %parallel_loop3A_800, %parallel_loop3A_804 : vector<16xf32>
      %parallel_loop3A_806 = arith.constant 2240 : i32
      %parallel_loop3A_807 = arith.addi %parallel_loop3A_806, %parallel_loop3A_773 : i32
      %parallel_loop3A_808 = arith.index_cast %parallel_loop3A_807 : i32 to index
      %parallel_loop3A_809 = tpu.vector_load %arg13[%parallel_loop3A_808] {strides = array<i32>} : memref<5120xf32, #tpu.memory_space<vmem>>, vector<16xf32>,
      %parallel_loop3A_810 = arith.addf %parallel_loop3A_805, %parallel_loop3A_809 : vector<16xf32>
      %parallel_loop3A_811 = arith.constant 2560 : i32
      %parallel_loop3A_812 = arith.addi %parallel_loop3A_811, %parallel_loop3A_773 : i32
      %parallel_loop3A_813 = arith.index_cast %parallel_loop3A_812 : i32 to index
      %parallel_loop3A_814 = tpu.vector_load %arg13[%parallel_loop3A_813] {strides = array<i32>} : memref<5120xf32, #tpu.memory_space<vmem>>, vector<16xf32>,
      %parallel_loop3A_815 = arith.addf %parallel_loop3A_810, %parallel_loop3A_814 : vector<16xf32>
      %parallel_loop3A_816 = arith.constant 2880 : i32
      %parallel_loop3A_817 = arith.addi %parallel_loop3A_816, %parallel_loop3A_773 : i32
      %parallel_loop3A_818 = arith.index_cast %parallel_loop3A_817 : i32 to index
      %parallel_loop3A_819 = tpu.vector_load %arg13[%parallel_loop3A_818] {strides = array<i32>} : memref<5120xf32, #tpu.memory_space<vmem>>, vector<16xf32>,
      %parallel_loop3A_820 = arith.addf %parallel_loop3A_815, %parallel_loop3A_819 : vector<16xf32>
      %parallel_loop3A_821 = arith.constant 3200 : i32
      %parallel_loop3A_822 = arith.addi %parallel_loop3A_821, %parallel_loop3A_773 : i32
      %parallel_loop3A_823 = arith.index_cast %parallel_loop3A_822 : i32 to index
      %parallel_loop3A_824 = tpu.vector_load %arg13[%parallel_loop3A_823] {strides = array<i32>} : memref<5120xf32, #tpu.memory_space<vmem>>, vector<16xf32>,
      %parallel_loop3A_825 = arith.addf %parallel_loop3A_820, %parallel_loop3A_824 : vector<16xf32>
      %parallel_loop3A_826 = arith.constant 3520 : i32
      %parallel_loop3A_827 = arith.addi %parallel_loop3A_826, %parallel_loop3A_773 : i32
      %parallel_loop3A_828 = arith.index_cast %parallel_loop3A_827 : i32 to index
      %parallel_loop3A_829 = tpu.vector_load %arg13[%parallel_loop3A_828] {strides = array<i32>} : memref<5120xf32, #tpu.memory_space<vmem>>, vector<16xf32>,
      %parallel_loop3A_830 = arith.addf %parallel_loop3A_825, %parallel_loop3A_829 : vector<16xf32>
      %parallel_loop3A_831 = arith.constant 3840 : i32
      %parallel_loop3A_832 = arith.addi %parallel_loop3A_831, %parallel_loop3A_773 : i32
      %parallel_loop3A_833 = arith.index_cast %parallel_loop3A_832 : i32 to index
      %parallel_loop3A_834 = tpu.vector_load %arg13[%parallel_loop3A_833] {strides = array<i32>} : memref<5120xf32, #tpu.memory_space<vmem>>, vector<16xf32>,
      %parallel_loop3A_835 = arith.addf %parallel_loop3A_830, %parallel_loop3A_834 : vector<16xf32>
      %parallel_loop3A_836 = arith.constant 4160 : i32
      %parallel_loop3A_837 = arith.addi %parallel_loop3A_836, %parallel_loop3A_773 : i32
      %parallel_loop3A_838 = arith.index_cast %parallel_loop3A_837 : i32 to index
      %parallel_loop3A_839 = tpu.vector_load %arg13[%parallel_loop3A_838] {strides = array<i32>} : memref<5120xf32, #tpu.memory_space<vmem>>, vector<16xf32>,
      %parallel_loop3A_840 = arith.addf %parallel_loop3A_835, %parallel_loop3A_839 : vector<16xf32>
      %parallel_loop3A_841 = arith.constant 4480 : i32
      %parallel_loop3A_842 = arith.addi %parallel_loop3A_841, %parallel_loop3A_773 : i32
      %parallel_loop3A_843 = arith.index_cast %parallel_loop3A_842 : i32 to index
      %parallel_loop3A_844 = tpu.vector_load %arg13[%parallel_loop3A_843] {strides = array<i32>} : memref<5120xf32, #tpu.memory_space<vmem>>, vector<16xf32>,
      %parallel_loop3A_845 = arith.addf %parallel_loop3A_840, %parallel_loop3A_844 : vector<16xf32>
      %parallel_loop3A_846 = arith.constant 4800 : i32
      %parallel_loop3A_847 = arith.addi %parallel_loop3A_846, %parallel_loop3A_773 : i32
      %parallel_loop3A_848 = arith.index_cast %parallel_loop3A_847 : i32 to index
      %parallel_loop3A_849 = tpu.vector_load %arg13[%parallel_loop3A_848] {strides = array<i32>} : memref<5120xf32, #tpu.memory_space<vmem>>, vector<16xf32>,
      %parallel_loop3A_850 = arith.addf %parallel_loop3A_845, %parallel_loop3A_849 : vector<16xf32>
      %parallel_loop3A_851 = arith.constant 1.000000e+00 : f32
      %parallel_loop3A_852 = vector.broadcast %parallel_loop3A_851 : f32 to vector<16xf32>
      %parallel_loop3A_853 = arith.addf %parallel_loop3A_850, %parallel_loop3A_852 : vector<16xf32>
      %parallel_loop3A_854 = vector.bitcast %parallel_loop3A_853 : vector<16xf32> to vector<16xi32>
      %parallel_loop3A_855 = arith.constant 1597463007 : i32
      %parallel_loop3A_856 = vector.broadcast %parallel_loop3A_855 : i32 to vector<16xi32>
      %parallel_loop3A_857 = arith.constant 1 : i32
      %parallel_loop3A_858 = vector.broadcast %parallel_loop3A_857 : i32 to vector<16xi32>
      %parallel_loop3A_859 = arith.shrui %parallel_loop3A_854, %parallel_loop3A_858 : vector<16xi32>
      %parallel_loop3A_860 = arith.subi %parallel_loop3A_856, %parallel_loop3A_859 : vector<16xi32>
      %parallel_loop3A_861 = vector.bitcast %parallel_loop3A_860 : vector<16xi32> to vector<16xf32>
      %parallel_loop3A_862 = arith.constant 5.000000e-01 : f32
      %parallel_loop3A_863 = vector.broadcast %parallel_loop3A_862 : f32 to vector<16xf32>
      %parallel_loop3A_864 = arith.mulf %parallel_loop3A_863, %parallel_loop3A_853 : vector<16xf32>
      %parallel_loop3A_865 = arith.mulf %parallel_loop3A_864, %parallel_loop3A_861 : vector<16xf32>
      %parallel_loop3A_866 = arith.mulf %parallel_loop3A_865, %parallel_loop3A_861 : vector<16xf32>
      %parallel_loop3A_867 = arith.constant 1.500000e+00 : f32
      %parallel_loop3A_868 = vector.broadcast %parallel_loop3A_867 : f32 to vector<16xf32>
      %parallel_loop3A_869 = arith.subf %parallel_loop3A_868, %parallel_loop3A_866 : vector<16xf32>
      %parallel_loop3A_870 = arith.mulf %parallel_loop3A_861, %parallel_loop3A_869 : vector<16xf32>
      %parallel_loop3A_871 = arith.constant 5.000000e-01 : f32
      %parallel_loop3A_872 = vector.broadcast %parallel_loop3A_871 : f32 to vector<16xf32>
      %parallel_loop3A_873 = arith.mulf %parallel_loop3A_872, %parallel_loop3A_853 : vector<16xf32>
      %parallel_loop3A_874 = arith.mulf %parallel_loop3A_873, %parallel_loop3A_870 : vector<16xf32>
      %parallel_loop3A_875 = arith.mulf %parallel_loop3A_874, %parallel_loop3A_870 : vector<16xf32>
      %parallel_loop3A_876 = arith.constant 1.500000e+00 : f32
      %parallel_loop3A_877 = vector.broadcast %parallel_loop3A_876 : f32 to vector<16xf32>
      %parallel_loop3A_878 = arith.subf %parallel_loop3A_877, %parallel_loop3A_875 : vector<16xf32>
      %parallel_loop3A_879 = arith.mulf %parallel_loop3A_870, %parallel_loop3A_878 : vector<16xf32>
      %parallel_loop3A_880 = arith.constant 5.000000e-01 : f32
      %parallel_loop3A_881 = vector.broadcast %parallel_loop3A_880 : f32 to vector<16xf32>
      %parallel_loop3A_882 = arith.mulf %parallel_loop3A_881, %parallel_loop3A_853 : vector<16xf32>
      %parallel_loop3A_883 = arith.mulf %parallel_loop3A_882, %parallel_loop3A_879 : vector<16xf32>
      %parallel_loop3A_884 = arith.mulf %parallel_loop3A_883, %parallel_loop3A_879 : vector<16xf32>
      %parallel_loop3A_885 = arith.constant 1.500000e+00 : f32
      %parallel_loop3A_886 = vector.broadcast %parallel_loop3A_885 : f32 to vector<16xf32>
      %parallel_loop3A_887 = arith.subf %parallel_loop3A_886, %parallel_loop3A_884 : vector<16xf32>
      %parallel_loop3A_888 = arith.mulf %parallel_loop3A_879, %parallel_loop3A_887 : vector<16xf32>
      %parallel_loop3A_889 = arith.constant 320 : i32
      %parallel_loop3A_890 = arith.addi %parallel_loop3A_889, %parallel_loop3A_773 : i32
      %parallel_loop3A_891 = arith.index_cast %parallel_loop3A_890 : i32 to index
      %parallel_loop3A_892 = tpu.vector_load %arg9[%parallel_loop3A_891] {strides = array<i32>} : memref<10000xf32, #tpu.memory_space<vmem>>, vector<16xf32>,
      tpu.vector_store %arg9[%parallel_loop3A_891], %parallel_loop3A_888 {strides = array<i32>} : memref<10000xf32, #tpu.memory_space<vmem>>, vector<16xf32>,
    } {sc.loop_unroll_factor = 2 : i64, sc.parallel_access}
    %mul3A_705 = arith.constant 10240 : i32
    %mul3A_706 = arith.muli %arg0, %mul3A_705 : i32
    %add3A_707 = arith.addi %mul3A_706, %mul3A_28 : i32
    "tpu.region"() ({
      %run_scoped3A_773 = tpu.sem_alloc : memref<!tpu.dma_semaphore, #tpu.memory_space<semaphore_mem>>
      %dma_start3A_774 = arith.constant 0 : i32
      %dma_start3A_775 = tpu.memref_slice %arg9[%dma_start3A_774] : memref<10000xf32, #tpu.memory_space<vmem>> -> memref<640xf32, #tpu.memory_space<vmem>>
      %dma_start3A_776 = tpu.memref_slice %arg7[%add3A_707] : memref<20480xf32, #tpu.memory_space<hbm>> -> memref<640xf32, #tpu.memory_space<hbm>>
      %dma_start3A_777 = tpu.memref_slice %arg7[%add3A_707] : memref<20480xf32, #tpu.memory_space<hbm>> -> memref<640xf32, #tpu.memory_space<hbm>>
      %dma_start3A_778 = arith.constant 0 : i32
      %dma_start3A_779 = tpu.memref_slice %arg9[%dma_start3A_778] : memref<10000xf32, #tpu.memory_space<vmem>> -> memref<640xf32, #tpu.memory_space<vmem>>
      tpu.enqueue_dma source(%dma_start3A_779 : memref<640xf32, #tpu.memory_space<vmem>>) target(%dma_start3A_777 : memref<640xf32, #tpu.memory_space<hbm>>) target_semaphore(%run_scoped3A_773 : memref<!tpu.dma_semaphore, #tpu.memory_space<semaphore_mem>>)
      %dma_wait3A_780 = arith.constant 0 : i32
      %dma_wait3A_781 = tpu.memref_slice %arg9[%dma_wait3A_780] : memref<10000xf32, #tpu.memory_space<vmem>> -> memref<640xf32, #tpu.memory_space<vmem>>
      %dma_wait3A_782 = tpu.memref_slice %arg7[%add3A_707] : memref<20480xf32, #tpu.memory_space<hbm>> -> memref<640xf32, #tpu.memory_space<hbm>>
      %dma_wait3A_783 = tpu.memref_slice %arg7[%add3A_707] : memref<20480xf32, #tpu.memory_space<hbm>> -> memref<640xf32, #tpu.memory_space<hbm>>
      %dma_wait3A_784 = arith.constant 0 : i32
      %dma_wait3A_785 = tpu.memref_slice %arg9[%dma_wait3A_784] : memref<10000xf32, #tpu.memory_space<vmem>> -> memref<640xf32, #tpu.memory_space<vmem>>
      tpu.wait_dma2 semaphore(%run_scoped3A_773 : memref<!tpu.dma_semaphore, #tpu.memory_space<semaphore_mem>>) src(%dma_wait3A_785 : memref<640xf32, #tpu.memory_space<vmem>>) dst(%dma_wait3A_783 : memref<640xf32, #tpu.memory_space<hbm>>)
      tpu.yield
    }) : () -> ()
    %barrier3A_708 = arith.constant 0 : index
    tpu.barrier barrier_id(%barrier3A_708)
    %mul3A_709 = arith.constant 10240 : i32
    %mul3A_710 = arith.muli %arg0, %mul3A_709 : i32
    "tpu.region"() ({
      %run_scoped3A_773 = tpu.sem_alloc : memref<!tpu.dma_semaphore, #tpu.memory_space<semaphore_mem>>
      %dma_start3A_774 = tpu.memref_slice %arg7[%mul3A_710] : memref<20480xf32, #tpu.memory_space<hbm>> -> memref<10000xf32, #tpu.memory_space<hbm>>
      %dma_start3A_775 = tpu.memref_slice %arg7[%mul3A_710] : memref<20480xf32, #tpu.memory_space<hbm>> -> memref<10000xf32, #tpu.memory_space<hbm>>
      tpu.enqueue_dma source(%dma_start3A_775 : memref<10000xf32, #tpu.memory_space<hbm>>) target(%arg9 : memref<10000xf32, #tpu.memory_space<vmem>>) target_semaphore(%run_scoped3A_773 : memref<!tpu.dma_semaphore, #tpu.memory_space<semaphore_mem>>)
      %dma_wait3A_776 = tpu.memref_slice %arg7[%mul3A_710] : memref<20480xf32, #tpu.memory_space<hbm>> -> memref<10000xf32, #tpu.memory_space<hbm>>
      %dma_wait3A_777 = tpu.memref_slice %arg7[%mul3A_710] : memref<20480xf32, #tpu.memory_space<hbm>> -> memref<10000xf32, #tpu.memory_space<hbm>>
      tpu.wait_dma2 semaphore(%run_scoped3A_773 : memref<!tpu.dma_semaphore, #tpu.memory_space<semaphore_mem>>) src(%dma_wait3A_777 : memref<10000xf32, #tpu.memory_space<hbm>>) dst(%arg9 : memref<10000xf32, #tpu.memory_space<vmem>>)
      tpu.yield
    }) : () -> ()
    %mul3A_711 = arith.constant 10000 : i32
    %mul3A_712 = arith.muli %add3A, %mul3A_711 : i32
    "tpu.region"() ({
      %run_scoped3A_773 = tpu.sem_alloc : memref<!tpu.dma_semaphore, #tpu.memory_space<semaphore_mem>>
      %dma_start3A_774 = tpu.memref_slice %arg2[%mul3A_712] : memref<640000xi32, #tpu.memory_space<hbm>> -> memref<10000xi32, #tpu.memory_space<hbm>>
      %dma_start3A_775 = tpu.memref_slice %arg2[%mul3A_712] : memref<640000xi32, #tpu.memory_space<hbm>> -> memref<10000xi32, #tpu.memory_space<hbm>>
      tpu.enqueue_dma source(%dma_start3A_775 : memref<10000xi32, #tpu.memory_space<hbm>>) target(%arg11 : memref<10000xi32, #tpu.memory_space<vmem>>) target_semaphore(%run_scoped3A_773 : memref<!tpu.dma_semaphore, #tpu.memory_space<semaphore_mem>>)
      %dma_wait3A_776 = tpu.memref_slice %arg2[%mul3A_712] : memref<640000xi32, #tpu.memory_space<hbm>> -> memref<10000xi32, #tpu.memory_space<hbm>>
      %dma_wait3A_777 = tpu.memref_slice %arg2[%mul3A_712] : memref<640000xi32, #tpu.memory_space<hbm>> -> memref<10000xi32, #tpu.memory_space<hbm>>
      tpu.wait_dma2 semaphore(%run_scoped3A_773 : memref<!tpu.dma_semaphore, #tpu.memory_space<semaphore_mem>>) src(%dma_wait3A_777 : memref<10000xi32, #tpu.memory_space<hbm>>) dst(%arg11 : memref<10000xi32, #tpu.memory_space<vmem>>)
      tpu.yield
    }) : () -> ()
    %add3A_713 = arith.constant 320000 : i32
    %add3A_714 = arith.addi %add3A_713, %mul3A_712 : i32
    "tpu.region"() ({
      %run_scoped3A_773 = tpu.sem_alloc : memref<!tpu.dma_semaphore, #tpu.memory_space<semaphore_mem>>
      %dma_start3A_774 = tpu.memref_slice %arg2[%add3A_714] : memref<640000xi32, #tpu.memory_space<hbm>> -> memref<10000xi32, #tpu.memory_space<hbm>>
      %dma_start3A_775 = tpu.memref_slice %arg2[%add3A_714] : memref<640000xi32, #tpu.memory_space<hbm>> -> memref<10000xi32, #tpu.memory_space<hbm>>
      tpu.enqueue_dma source(%dma_start3A_775 : memref<10000xi32, #tpu.memory_space<hbm>>) target(%arg12 : memref<10000xi32, #tpu.memory_space<vmem>>) target_semaphore(%run_scoped3A_773 : memref<!tpu.dma_semaphore, #tpu.memory_space<semaphore_mem>>)
      %dma_wait3A_776 = tpu.memref_slice %arg2[%add3A_714] : memref<640000xi32, #tpu.memory_space<hbm>> -> memref<10000xi32, #tpu.memory_space<hbm>>
      %dma_wait3A_777 = tpu.memref_slice %arg2[%add3A_714] : memref<640000xi32, #tpu.memory_space<hbm>> -> memref<10000xi32, #tpu.memory_space<hbm>>
      tpu.wait_dma2 semaphore(%run_scoped3A_773 : memref<!tpu.dma_semaphore, #tpu.memory_space<semaphore_mem>>) src(%dma_wait3A_777 : memref<10000xi32, #tpu.memory_space<hbm>>) dst(%arg12 : memref<10000xi32, #tpu.memory_space<vmem>>)
      tpu.yield
    }) : () -> ()
    "tpu.region"() ({
      %run_scoped3A_773 = tpu.sem_alloc : memref<!tpu.dma_semaphore, #tpu.memory_space<semaphore_mem>>
      %dma_start3A_774 = tpu.memref_slice %arg3[%mul3A_712] : memref<320000xf32, #tpu.memory_space<hbm>> -> memref<10000xf32, #tpu.memory_space<hbm>>
      %dma_start3A_775 = tpu.memref_slice %arg3[%mul3A_712] : memref<320000xf32, #tpu.memory_space<hbm>> -> memref<10000xf32, #tpu.memory_space<hbm>>
      tpu.enqueue_dma source(%dma_start3A_775 : memref<10000xf32, #tpu.memory_space<hbm>>) target(%arg10 : memref<10000xf32, #tpu.memory_space<vmem>>) target_semaphore(%run_scoped3A_773 : memref<!tpu.dma_semaphore, #tpu.memory_space<semaphore_mem>>)
      %dma_wait3A_776 = tpu.memref_slice %arg3[%mul3A_712] : memref<320000xf32, #tpu.memory_space<hbm>> -> memref<10000xf32, #tpu.memory_space<hbm>>
      %dma_wait3A_777 = tpu.memref_slice %arg3[%mul3A_712] : memref<320000xf32, #tpu.memory_space<hbm>> -> memref<10000xf32, #tpu.memory_space<hbm>>
      tpu.wait_dma2 semaphore(%run_scoped3A_773 : memref<!tpu.dma_semaphore, #tpu.memory_space<semaphore_mem>>) src(%dma_wait3A_777 : memref<10000xf32, #tpu.memory_space<hbm>>) dst(%arg10 : memref<10000xf32, #tpu.memory_space<vmem>>)
      tpu.yield
    }) : () -> ()
    %parallel_loop3A_715 = arith.constant 0 : i32
    %parallel_loop3A_716 = arith.constant 10000 : i32
    %parallel_loop3A_717 = arith.constant 16 : i32
    scf.for %parallel_loop3A_773 = %parallel_loop3A_715 to %parallel_loop3A_716 step %parallel_loop3A_717  : i32 {
      %parallel_loop3A_774 = arith.index_cast %parallel_loop3A_773 : i32 to index
      %parallel_loop3A_775 = tpu.vector_load %arg11[%parallel_loop3A_774] {strides = array<i32>} : memref<10000xi32, #tpu.memory_space<vmem>>, vector<16xi32>,
      %parallel_loop3A_776 = tpu.vector_load_idx %arg9[%parallel_loop3A_775] : memref<10000xf32, #tpu.memory_space<vmem>>[vector<16xi32>], vector<16xf32>,
      %parallel_loop3A_777 = arith.index_cast %parallel_loop3A_773 : i32 to index
      %parallel_loop3A_778 = tpu.vector_load %arg12[%parallel_loop3A_777] {strides = array<i32>} : memref<10000xi32, #tpu.memory_space<vmem>>, vector<16xi32>,
      %parallel_loop3A_779 = tpu.vector_load_idx %arg9[%parallel_loop3A_778] : memref<10000xf32, #tpu.memory_space<vmem>>[vector<16xi32>], vector<16xf32>,
      %parallel_loop3A_780 = arith.index_cast %parallel_loop3A_773 : i32 to index
      %parallel_loop3A_781 = tpu.vector_load %arg10[%parallel_loop3A_780] {strides = array<i32>} : memref<10000xf32, #tpu.memory_space<vmem>>, vector<16xf32>,
      %parallel_loop3A_782 = arith.mulf %parallel_loop3A_776, %parallel_loop3A_781 : vector<16xf32>
      %parallel_loop3A_783 = arith.mulf %parallel_loop3A_782, %parallel_loop3A_779 : vector<16xf32>
      %parallel_loop3A_784 = arith.index_cast %parallel_loop3A_773 : i32 to index
      %parallel_loop3A_785 = tpu.vector_load %arg10[%parallel_loop3A_784] {strides = array<i32>} : memref<10000xf32, #tpu.memory_space<vmem>>, vector<16xf32>,
      tpu.vector_store %arg10[%parallel_loop3A_784], %parallel_loop3A_783 {strides = array<i32>} : memref<10000xf32, #tpu.memory_space<vmem>>, vector<16xf32>,
    } {sc.loop_unroll_factor = 8 : i64, sc.parallel_access}
    "tpu.region"() ({
      %run_scoped3A_773 = tpu.sem_alloc : memref<!tpu.dma_semaphore, #tpu.memory_space<semaphore_mem>>
      %dma_start3A_774 = tpu.memref_slice %arg6[%mul3A_712] : memref<320000xf32, #tpu.memory_space<hbm>> -> memref<10000xf32, #tpu.memory_space<hbm>>
      %dma_start3A_775 = tpu.memref_slice %arg6[%mul3A_712] : memref<320000xf32, #tpu.memory_space<hbm>> -> memref<10000xf32, #tpu.memory_space<hbm>>
      tpu.enqueue_dma source(%arg10 : memref<10000xf32, #tpu.memory_space<vmem>>) target(%dma_start3A_775 : memref<10000xf32, #tpu.memory_space<hbm>>) target_semaphore(%run_scoped3A_773 : memref<!tpu.dma_semaphore, #tpu.memory_space<semaphore_mem>>)
      %dma_wait3A_776 = tpu.memref_slice %arg6[%mul3A_712] : memref<320000xf32, #tpu.memory_space<hbm>> -> memref<10000xf32, #tpu.memory_space<hbm>>
      %dma_wait3A_777 = tpu.memref_slice %arg6[%mul3A_712] : memref<320000xf32, #tpu.memory_space<hbm>> -> memref<10000xf32, #tpu.memory_space<hbm>>
      tpu.wait_dma2 semaphore(%run_scoped3A_773 : memref<!tpu.dma_semaphore, #tpu.memory_space<semaphore_mem>>) src(%arg10 : memref<10000xf32, #tpu.memory_space<vmem>>) dst(%dma_wait3A_777 : memref<10000xf32, #tpu.memory_space<hbm>>)
      tpu.yield
    }) : () -> ()
    %run_scoped3A = arith.constant 0 : i32
    "tpu.region"() ({
      %run_scoped3A_773 = tpu.sem_alloc : memref<!tpu.dma_semaphore, #tpu.memory_space<semaphore_mem>>
      %dma_start3A_774 = arith.constant 0 : i32
      %dma_start3A_775 = tpu.memref_slice %arg4[%run_scoped3A, %dma_start3A_774] : memref<16x10000xf32, #tpu.memory_space<hbm>> -> memref<1x10000xf32, #tpu.memory_space<hbm>>
      %dma_start3A_776 = tpu.memref_squeeze %dma_start3A_775 : memref<1x10000xf32, #tpu.memory_space<hbm>> -> memref<10000xf32, #tpu.memory_space<hbm>>
      %dma_start3A_777 = arith.constant 0 : i32
      %dma_start3A_778 = tpu.memref_slice %arg4[%run_scoped3A, %dma_start3A_777] : memref<16x10000xf32, #tpu.memory_space<hbm>> -> memref<1x10000xf32, #tpu.memory_space<hbm>>
      %dma_start3A_779 = tpu.memref_squeeze %dma_start3A_778 : memref<1x10000xf32, #tpu.memory_space<hbm>> -> memref<10000xf32, #tpu.memory_space<hbm>>
      tpu.enqueue_dma source(%dma_start3A_779 : memref<10000xf32, #tpu.memory_space<hbm>>) target(%arg15 : memref<10000xf32, #tpu.memory_space<vmem>>) target_semaphore(%run_scoped3A_773 : memref<!tpu.dma_semaphore, #tpu.memory_space<semaphore_mem>>)
      %dma_wait3A_780 = arith.constant 0 : i32
      %dma_wait3A_781 = tpu.memref_slice %arg4[%run_scoped3A, %dma_wait3A_780] : memref<16x10000xf32, #tpu.memory_space<hbm>> -> memref<1x10000xf32, #tpu.memory_space<hbm>>
      %dma_wait3A_782 = tpu.memref_squeeze %dma_wait3A_781 : memref<1x10000xf32, #tpu.memory_space<hbm>> -> memref<10000xf32, #tpu.memory_space<hbm>>
      %dma_wait3A_783 = arith.constant 0 : i32
      %dma_wait3A_784 = tpu.memref_slice %arg4[%run_scoped3A, %dma_wait3A_783] : memref<16x10000xf32, #tpu.memory_space<hbm>> -> memref<1x10000xf32, #tpu.memory_space<hbm>>
      %dma_wait3A_785 = tpu.memref_squeeze %dma_wait3A_784 : memref<1x10000xf32, #tpu.memory_space<hbm>> -> memref<10000xf32, #tpu.memory_space<hbm>>
      tpu.wait_dma2 semaphore(%run_scoped3A_773 : memref<!tpu.dma_semaphore, #tpu.memory_space<semaphore_mem>>) src(%dma_wait3A_785 : memref<10000xf32, #tpu.memory_space<hbm>>) dst(%arg15 : memref<10000xf32, #tpu.memory_space<vmem>>)
      tpu.yield
    }) : () -> ()
    %run_scoped3A_718 = arith.constant 1 : i32
    "tpu.region"() ({
      %run_scoped3A_773 = tpu.sem_alloc : memref<!tpu.dma_semaphore, #tpu.memory_space<semaphore_mem>>
      %dma_start3A_774 = arith.constant 0 : i32
      %dma_start3A_775 = tpu.memref_slice %arg4[%run_scoped3A_718, %dma_start3A_774] : memref<16x10000xf32, #tpu.memory_space<hbm>> -> memref<1x10000xf32, #tpu.memory_space<hbm>>
      %dma_start3A_776 = tpu.memref_squeeze %dma_start3A_775 : memref<1x10000xf32, #tpu.memory_space<hbm>> -> memref<10000xf32, #tpu.memory_space<hbm>>
      %dma_start3A_777 = arith.constant 0 : i32
      %dma_start3A_778 = tpu.memref_slice %arg4[%run_scoped3A_718, %dma_start3A_777] : memref<16x10000xf32, #tpu.memory_space<hbm>> -> memref<1x10000xf32, #tpu.memory_space<hbm>>
      %dma_start3A_779 = tpu.memref_squeeze %dma_start3A_778 : memref<1x10000xf32, #tpu.memory_space<hbm>> -> memref<10000xf32, #tpu.memory_space<hbm>>
      tpu.enqueue_dma source(%dma_start3A_779 : memref<10000xf32, #tpu.memory_space<hbm>>) target(%arg16 : memref<10000xf32, #tpu.memory_space<vmem>>) target_semaphore(%run_scoped3A_773 : memref<!tpu.dma_semaphore, #tpu.memory_space<semaphore_mem>>)
      %dma_wait3A_780 = arith.constant 0 : i32
      %dma_wait3A_781 = tpu.memref_slice %arg4[%run_scoped3A_718, %dma_wait3A_780] : memref<16x10000xf32, #tpu.memory_space<hbm>> -> memref<1x10000xf32, #tpu.memory_space<hbm>>
      %dma_wait3A_782 = tpu.memref_squeeze %dma_wait3A_781 : memref<1x10000xf32, #tpu.memory_space<hbm>> -> memref<10000xf32, #tpu.memory_space<hbm>>
      %dma_wait3A_783 = arith.constant 0 : i32
      %dma_wait3A_784 = tpu.memref_slice %arg4[%run_scoped3A_718, %dma_wait3A_783] : memref<16x10000xf32, #tpu.memory_space<hbm>> -> memref<1x10000xf32, #tpu.memory_space<hbm>>
      %dma_wait3A_785 = tpu.memref_squeeze %dma_wait3A_784 : memref<1x10000xf32, #tpu.memory_space<hbm>> -> memref<10000xf32, #tpu.memory_space<hbm>>
      tpu.wait_dma2 semaphore(%run_scoped3A_773 : memref<!tpu.dma_semaphore, #tpu.memory_space<semaphore_mem>>) src(%dma_wait3A_785 : memref<10000xf32, #tpu.memory_space<hbm>>) dst(%arg16 : memref<10000xf32, #tpu.memory_space<vmem>>)
      tpu.yield
    }) : () -> ()
    %run_scoped3A_719 = arith.constant 2 : i32
    "tpu.region"() ({
      %run_scoped3A_773 = tpu.sem_alloc : memref<!tpu.dma_semaphore, #tpu.memory_space<semaphore_mem>>
      %dma_start3A_774 = arith.constant 0 : i32
      %dma_start3A_775 = tpu.memref_slice %arg4[%run_scoped3A_719, %dma_start3A_774] : memref<16x10000xf32, #tpu.memory_space<hbm>> -> memref<1x10000xf32, #tpu.memory_space<hbm>>
      %dma_start3A_776 = tpu.memref_squeeze %dma_start3A_775 : memref<1x10000xf32, #tpu.memory_space<hbm>> -> memref<10000xf32, #tpu.memory_space<hbm>>
      %dma_start3A_777 = arith.constant 0 : i32
      %dma_start3A_778 = tpu.memref_slice %arg4[%run_scoped3A_719, %dma_start3A_777] : memref<16x10000xf32, #tpu.memory_space<hbm>> -> memref<1x10000xf32, #tpu.memory_space<hbm>>
      %dma_start3A_779 = tpu.memref_squeeze %dma_start3A_778 : memref<1x10000xf32, #tpu.memory_space<hbm>> -> memref<10000xf32, #tpu.memory_space<hbm>>
      tpu.enqueue_dma source(%dma_start3A_779 : memref<10000xf32, #tpu.memory_space<hbm>>) target(%arg17 : memref<10000xf32, #tpu.memory_space<vmem>>) target_semaphore(%run_scoped3A_773 : memref<!tpu.dma_semaphore, #tpu.memory_space<semaphore_mem>>)
      %dma_wait3A_780 = arith.constant 0 : i32
      %dma_wait3A_781 = tpu.memref_slice %arg4[%run_scoped3A_719, %dma_wait3A_780] : memref<16x10000xf32, #tpu.memory_space<hbm>> -> memref<1x10000xf32, #tpu.memory_space<hbm>>
      %dma_wait3A_782 = tpu.memref_squeeze %dma_wait3A_781 : memref<1x10000xf32, #tpu.memory_space<hbm>> -> memref<10000xf32, #tpu.memory_space<hbm>>
      %dma_wait3A_783 = arith.constant 0 : i32
      %dma_wait3A_784 = tpu.memref_slice %arg4[%run_scoped3A_719, %dma_wait3A_783] : memref<16x10000xf32, #tpu.memory_space<hbm>> -> memref<1x10000xf32, #tpu.memory_space<hbm>>
      %dma_wait3A_785 = tpu.memref_squeeze %dma_wait3A_784 : memref<1x10000xf32, #tpu.memory_space<hbm>> -> memref<10000xf32, #tpu.memory_space<hbm>>
      tpu.wait_dma2 semaphore(%run_scoped3A_773 : memref<!tpu.dma_semaphore, #tpu.memory_space<semaphore_mem>>) src(%dma_wait3A_785 : memref<10000xf32, #tpu.memory_space<hbm>>) dst(%arg17 : memref<10000xf32, #tpu.memory_space<vmem>>)
      tpu.yield
    }) : () -> ()
    %run_scoped3A_720 = arith.constant 3 : i32
    "tpu.region"() ({
      %run_scoped3A_773 = tpu.sem_alloc : memref<!tpu.dma_semaphore, #tpu.memory_space<semaphore_mem>>
      %dma_start3A_774 = arith.constant 0 : i32
      %dma_start3A_775 = tpu.memref_slice %arg4[%run_scoped3A_720, %dma_start3A_774] : memref<16x10000xf32, #tpu.memory_space<hbm>> -> memref<1x10000xf32, #tpu.memory_space<hbm>>
      %dma_start3A_776 = tpu.memref_squeeze %dma_start3A_775 : memref<1x10000xf32, #tpu.memory_space<hbm>> -> memref<10000xf32, #tpu.memory_space<hbm>>
      %dma_start3A_777 = arith.constant 0 : i32
      %dma_start3A_778 = tpu.memref_slice %arg4[%run_scoped3A_720, %dma_start3A_777] : memref<16x10000xf32, #tpu.memory_space<hbm>> -> memref<1x10000xf32, #tpu.memory_space<hbm>>
      %dma_start3A_779 = tpu.memref_squeeze %dma_start3A_778 : memref<1x10000xf32, #tpu.memory_space<hbm>> -> memref<10000xf32, #tpu.memory_space<hbm>>
      tpu.enqueue_dma source(%dma_start3A_779 : memref<10000xf32, #tpu.memory_space<hbm>>) target(%arg18 : memref<10000xf32, #tpu.memory_space<vmem>>) target_semaphore(%run_scoped3A_773 : memref<!tpu.dma_semaphore, #tpu.memory_space<semaphore_mem>>)
      %dma_wait3A_780 = arith.constant 0 : i32
      %dma_wait3A_781 = tpu.memref_slice %arg4[%run_scoped3A_720, %dma_wait3A_780] : memref<16x10000xf32, #tpu.memory_space<hbm>> -> memref<1x10000xf32, #tpu.memory_space<hbm>>
      %dma_wait3A_782 = tpu.memref_squeeze %dma_wait3A_781 : memref<1x10000xf32, #tpu.memory_space<hbm>> -> memref<10000xf32, #tpu.memory_space<hbm>>
      %dma_wait3A_783 = arith.constant 0 : i32
      %dma_wait3A_784 = tpu.memref_slice %arg4[%run_scoped3A_720, %dma_wait3A_783] : memref<16x10000xf32, #tpu.memory_space<hbm>> -> memref<1x10000xf32, #tpu.memory_space<hbm>>
      %dma_wait3A_785 = tpu.memref_squeeze %dma_wait3A_784 : memref<1x10000xf32, #tpu.memory_space<hbm>> -> memref<10000xf32, #tpu.memory_space<hbm>>
      tpu.wait_dma2 semaphore(%run_scoped3A_773 : memref<!tpu.dma_semaphore, #tpu.memory_space<semaphore_mem>>) src(%dma_wait3A_785 : memref<10000xf32, #tpu.memory_space<hbm>>) dst(%arg18 : memref<10000xf32, #tpu.memory_space<vmem>>)
      tpu.yield
    }) : () -> ()
    %parallel_loop3A_721 = arith.constant 0 : i32
    %parallel_loop3A_722 = arith.constant 10000 : i32
    %parallel_loop3A_723 = arith.constant 16 : i32
    scf.for %parallel_loop3A_773 = %parallel_loop3A_721 to %parallel_loop3A_722 step %parallel_loop3A_723  : i32 {
      %parallel_loop3A_774 = arith.index_cast %parallel_loop3A_773 : i32 to index
      %parallel_loop3A_775 = tpu.vector_load %arg19[%parallel_loop3A_774] {strides = array<i32>} : memref<10000xf32, #tpu.memory_space<vmem>>, vector<16xf32>,
      tpu.vector_store %arg19[%parallel_loop3A_774], %broadcast_in_dim3A_1 {strides = array<i32>} : memref<10000xf32, #tpu.memory_space<vmem>>, vector<16xf32>,
      %parallel_loop3A_776 = arith.index_cast %parallel_loop3A_773 : i32 to index
      %parallel_loop3A_777 = tpu.vector_load %arg20[%parallel_loop3A_776] {strides = array<i32>} : memref<10000xf32, #tpu.memory_space<vmem>>, vector<16xf32>,
      tpu.vector_store %arg20[%parallel_loop3A_776], %broadcast_in_dim3A_1 {strides = array<i32>} : memref<10000xf32, #tpu.memory_space<vmem>>, vector<16xf32>,
      %parallel_loop3A_778 = arith.index_cast %parallel_loop3A_773 : i32 to index
      %parallel_loop3A_779 = tpu.vector_load %arg21[%parallel_loop3A_778] {strides = array<i32>} : memref<10000xf32, #tpu.memory_space<vmem>>, vector<16xf32>,
      tpu.vector_store %arg21[%parallel_loop3A_778], %broadcast_in_dim3A_1 {strides = array<i32>} : memref<10000xf32, #tpu.memory_space<vmem>>, vector<16xf32>,
      %parallel_loop3A_780 = arith.index_cast %parallel_loop3A_773 : i32 to index
      %parallel_loop3A_781 = tpu.vector_load %arg22[%parallel_loop3A_780] {strides = array<i32>} : memref<10000xf32, #tpu.memory_space<vmem>>, vector<16xf32>,
      tpu.vector_store %arg22[%parallel_loop3A_780], %broadcast_in_dim3A_1 {strides = array<i32>} : memref<10000xf32, #tpu.memory_space<vmem>>, vector<16xf32>,
    } {sc.loop_unroll_factor = 8 : i64, sc.parallel_access}
    %parallel_loop3A_724 = arith.constant 0 : i32
    %parallel_loop3A_725 = arith.constant 10000 : i32
    %parallel_loop3A_726 = arith.constant 16 : i32
    scf.for %parallel_loop3A_773 = %parallel_loop3A_724 to %parallel_loop3A_725 step %parallel_loop3A_726  : i32 {
      %parallel_loop3A_774 = arith.index_cast %parallel_loop3A_773 : i32 to index
      %parallel_loop3A_775 = tpu.vector_load %arg11[%parallel_loop3A_774] {strides = array<i32>} : memref<10000xi32, #tpu.memory_space<vmem>>, vector<16xi32>,
      %parallel_loop3A_776 = arith.index_cast %parallel_loop3A_773 : i32 to index
      %parallel_loop3A_777 = tpu.vector_load %arg12[%parallel_loop3A_776] {strides = array<i32>} : memref<10000xi32, #tpu.memory_space<vmem>>, vector<16xi32>,
      %parallel_loop3A_778 = arith.index_cast %parallel_loop3A_773 : i32 to index
      %parallel_loop3A_779 = tpu.vector_load %arg10[%parallel_loop3A_778] {strides = array<i32>} : memref<10000xf32, #tpu.memory_space<vmem>>, vector<16xf32>,
      %parallel_loop3A_780 = tpu.vector_load_idx %arg15[%parallel_loop3A_775] : memref<10000xf32, #tpu.memory_space<vmem>>[vector<16xi32>], vector<16xf32>,
      %parallel_loop3A_781 = arith.mulf %parallel_loop3A_780, %parallel_loop3A_779 : vector<16xf32>
      tpu.vector_store_idx %arg19[%parallel_loop3A_777], %parallel_loop3A_781 {add = true} : memref<10000xf32, #tpu.memory_space<vmem>>[vector<16xi32>], vector<16xf32>,
      %parallel_loop3A_782 = tpu.vector_load_idx %arg16[%parallel_loop3A_775] : memref<10000xf32, #tpu.memory_space<vmem>>[vector<16xi32>], vector<16xf32>,
      %parallel_loop3A_783 = arith.mulf %parallel_loop3A_782, %parallel_loop3A_779 : vector<16xf32>
      tpu.vector_store_idx %arg20[%parallel_loop3A_777], %parallel_loop3A_783 {add = true} : memref<10000xf32, #tpu.memory_space<vmem>>[vector<16xi32>], vector<16xf32>,
      %parallel_loop3A_784 = tpu.vector_load_idx %arg17[%parallel_loop3A_775] : memref<10000xf32, #tpu.memory_space<vmem>>[vector<16xi32>], vector<16xf32>,
      %parallel_loop3A_785 = arith.mulf %parallel_loop3A_784, %parallel_loop3A_779 : vector<16xf32>
      tpu.vector_store_idx %arg21[%parallel_loop3A_777], %parallel_loop3A_785 {add = true} : memref<10000xf32, #tpu.memory_space<vmem>>[vector<16xi32>], vector<16xf32>,
      %parallel_loop3A_786 = tpu.vector_load_idx %arg18[%parallel_loop3A_775] : memref<10000xf32, #tpu.memory_space<vmem>>[vector<16xi32>], vector<16xf32>,
      %parallel_loop3A_787 = arith.mulf %parallel_loop3A_786, %parallel_loop3A_779 : vector<16xf32>
      tpu.vector_store_idx %arg22[%parallel_loop3A_777], %parallel_loop3A_787 {add = true} : memref<10000xf32, #tpu.memory_space<vmem>>[vector<16xi32>], vector<16xf32>,
    } {sc.loop_unroll_factor = 8 : i64, sc.parallel_access}
    %run_scoped3A_727 = arith.constant 0 : i32
    "tpu.region"() ({
      %run_scoped3A_773 = tpu.sem_alloc : memref<!tpu.dma_semaphore, #tpu.memory_space<semaphore_mem>>
      %dma_start3A_774 = arith.constant 0 : i32
      %dma_start3A_775 = tpu.memref_slice %arg5[%add3A, %run_scoped3A_727, %dma_start3A_774] : memref<32x16x10000xf32, #tpu.memory_space<hbm>> -> memref<1x1x10000xf32, #tpu.memory_space<hbm>>
      %dma_start3A_776 = tpu.memref_squeeze %dma_start3A_775 : memref<1x1x10000xf32, #tpu.memory_space<hbm>> -> memref<10000xf32, #tpu.memory_space<hbm>>
      %dma_start3A_777 = arith.constant 0 : i32
      %dma_start3A_778 = tpu.memref_slice %arg5[%add3A, %run_scoped3A_727, %dma_start3A_777] : memref<32x16x10000xf32, #tpu.memory_space<hbm>> -> memref<1x1x10000xf32, #tpu.memory_space<hbm>>
      %dma_start3A_779 = tpu.memref_squeeze %dma_start3A_778 : memref<1x1x10000xf32, #tpu.memory_space<hbm>> -> memref<10000xf32, #tpu.memory_space<hbm>>
      tpu.enqueue_dma source(%arg19 : memref<10000xf32, #tpu.memory_space<vmem>>) target(%dma_start3A_779 : memref<10000xf32, #tpu.memory_space<hbm>>) target_semaphore(%run_scoped3A_773 : memref<!tpu.dma_semaphore, #tpu.memory_space<semaphore_mem>>)
      %dma_wait3A_780 = arith.constant 0 : i32
      %dma_wait3A_781 = tpu.memref_slice %arg5[%add3A, %run_scoped3A_727, %dma_wait3A_780] : memref<32x16x10000xf32, #tpu.memory_space<hbm>> -> memref<1x1x10000xf32, #tpu.memory_space<hbm>>
      %dma_wait3A_782 = tpu.memref_squeeze %dma_wait3A_781 : memref<1x1x10000xf32, #tpu.memory_space<hbm>> -> memref<10000xf32, #tpu.memory_space<hbm>>
      %dma_wait3A_783 = arith.constant 0 : i32
      %dma_wait3A_784 = tpu.memref_slice %arg5[%add3A, %run_scoped3A_727, %dma_wait3A_783] : memref<32x16x10000xf32, #tpu.memory_space<hbm>> -> memref<1x1x10000xf32, #tpu.memory_space<hbm>>
      %dma_wait3A_785 = tpu.memref_squeeze %dma_wait3A_784 : memref<1x1x10000xf32, #tpu.memory_space<hbm>> -> memref<10000xf32, #tpu.memory_space<hbm>>
      tpu.wait_dma2 semaphore(%run_scoped3A_773 : memref<!tpu.dma_semaphore, #tpu.memory_space<semaphore_mem>>) src(%arg19 : memref<10000xf32, #tpu.memory_space<vmem>>) dst(%dma_wait3A_785 : memref<10000xf32, #tpu.memory_space<hbm>>)
      tpu.yield
    }) : () -> ()
    %run_scoped3A_728 = arith.constant 1 : i32
    "tpu.region"() ({
      %run_scoped3A_773 = tpu.sem_alloc : memref<!tpu.dma_semaphore, #tpu.memory_space<semaphore_mem>>
      %dma_start3A_774 = arith.constant 0 : i32
      %dma_start3A_775 = tpu.memref_slice %arg5[%add3A, %run_scoped3A_728, %dma_start3A_774] : memref<32x16x10000xf32, #tpu.memory_space<hbm>> -> memref<1x1x10000xf32, #tpu.memory_space<hbm>>
      %dma_start3A_776 = tpu.memref_squeeze %dma_start3A_775 : memref<1x1x10000xf32, #tpu.memory_space<hbm>> -> memref<10000xf32, #tpu.memory_space<hbm>>
      %dma_start3A_777 = arith.constant 0 : i32
      %dma_start3A_778 = tpu.memref_slice %arg5[%add3A, %run_scoped3A_728, %dma_start3A_777] : memref<32x16x10000xf32, #tpu.memory_space<hbm>> -> memref<1x1x10000xf32, #tpu.memory_space<hbm>>
      %dma_start3A_779 = tpu.memref_squeeze %dma_start3A_778 : memref<1x1x10000xf32, #tpu.memory_space<hbm>> -> memref<10000xf32, #tpu.memory_space<hbm>>
      tpu.enqueue_dma source(%arg20 : memref<10000xf32, #tpu.memory_space<vmem>>) target(%dma_start3A_779 : memref<10000xf32, #tpu.memory_space<hbm>>) target_semaphore(%run_scoped3A_773 : memref<!tpu.dma_semaphore, #tpu.memory_space<semaphore_mem>>)
      %dma_wait3A_780 = arith.constant 0 : i32
      %dma_wait3A_781 = tpu.memref_slice %arg5[%add3A, %run_scoped3A_728, %dma_wait3A_780] : memref<32x16x10000xf32, #tpu.memory_space<hbm>> -> memref<1x1x10000xf32, #tpu.memory_space<hbm>>
      %dma_wait3A_782 = tpu.memref_squeeze %dma_wait3A_781 : memref<1x1x10000xf32, #tpu.memory_space<hbm>> -> memref<10000xf32, #tpu.memory_space<hbm>>
      %dma_wait3A_783 = arith.constant 0 : i32
      %dma_wait3A_784 = tpu.memref_slice %arg5[%add3A, %run_scoped3A_728, %dma_wait3A_783] : memref<32x16x10000xf32, #tpu.memory_space<hbm>> -> memref<1x1x10000xf32, #tpu.memory_space<hbm>>
      %dma_wait3A_785 = tpu.memref_squeeze %dma_wait3A_784 : memref<1x1x10000xf32, #tpu.memory_space<hbm>> -> memref<10000xf32, #tpu.memory_space<hbm>>
      tpu.wait_dma2 semaphore(%run_scoped3A_773 : memref<!tpu.dma_semaphore, #tpu.memory_space<semaphore_mem>>) src(%arg20 : memref<10000xf32, #tpu.memory_space<vmem>>) dst(%dma_wait3A_785 : memref<10000xf32, #tpu.memory_space<hbm>>)
      tpu.yield
    }) : () -> ()
    %run_scoped3A_729 = arith.constant 2 : i32
    "tpu.region"() ({
      %run_scoped3A_773 = tpu.sem_alloc : memref<!tpu.dma_semaphore, #tpu.memory_space<semaphore_mem>>
      %dma_start3A_774 = arith.constant 0 : i32
      %dma_start3A_775 = tpu.memref_slice %arg5[%add3A, %run_scoped3A_729, %dma_start3A_774] : memref<32x16x10000xf32, #tpu.memory_space<hbm>> -> memref<1x1x10000xf32, #tpu.memory_space<hbm>>
      %dma_start3A_776 = tpu.memref_squeeze %dma_start3A_775 : memref<1x1x10000xf32, #tpu.memory_space<hbm>> -> memref<10000xf32, #tpu.memory_space<hbm>>
      %dma_start3A_777 = arith.constant 0 : i32
      %dma_start3A_778 = tpu.memref_slice %arg5[%add3A, %run_scoped3A_729, %dma_start3A_777] : memref<32x16x10000xf32, #tpu.memory_space<hbm>> -> memref<1x1x10000xf32, #tpu.memory_space<hbm>>
      %dma_start3A_779 = tpu.memref_squeeze %dma_start3A_778 : memref<1x1x10000xf32, #tpu.memory_space<hbm>> -> memref<10000xf32, #tpu.memory_space<hbm>>
      tpu.enqueue_dma source(%arg21 : memref<10000xf32, #tpu.memory_space<vmem>>) target(%dma_start3A_779 : memref<10000xf32, #tpu.memory_space<hbm>>) target_semaphore(%run_scoped3A_773 : memref<!tpu.dma_semaphore, #tpu.memory_space<semaphore_mem>>)
      %dma_wait3A_780 = arith.constant 0 : i32
      %dma_wait3A_781 = tpu.memref_slice %arg5[%add3A, %run_scoped3A_729, %dma_wait3A_780] : memref<32x16x10000xf32, #tpu.memory_space<hbm>> -> memref<1x1x10000xf32, #tpu.memory_space<hbm>>
      %dma_wait3A_782 = tpu.memref_squeeze %dma_wait3A_781 : memref<1x1x10000xf32, #tpu.memory_space<hbm>> -> memref<10000xf32, #tpu.memory_space<hbm>>
      %dma_wait3A_783 = arith.constant 0 : i32
      %dma_wait3A_784 = tpu.memref_slice %arg5[%add3A, %run_scoped3A_729, %dma_wait3A_783] : memref<32x16x10000xf32, #tpu.memory_space<hbm>> -> memref<1x1x10000xf32, #tpu.memory_space<hbm>>
      %dma_wait3A_785 = tpu.memref_squeeze %dma_wait3A_784 : memref<1x1x10000xf32, #tpu.memory_space<hbm>> -> memref<10000xf32, #tpu.memory_space<hbm>>
      tpu.wait_dma2 semaphore(%run_scoped3A_773 : memref<!tpu.dma_semaphore, #tpu.memory_space<semaphore_mem>>) src(%arg21 : memref<10000xf32, #tpu.memory_space<vmem>>) dst(%dma_wait3A_785 : memref<10000xf32, #tpu.memory_space<hbm>>)
      tpu.yield
    }) : () -> ()
    %run_scoped3A_730 = arith.constant 3 : i32
    "tpu.region"() ({
      %run_scoped3A_773 = tpu.sem_alloc : memref<!tpu.dma_semaphore, #tpu.memory_space<semaphore_mem>>
      %dma_start3A_774 = arith.constant 0 : i32
      %dma_start3A_775 = tpu.memref_slice %arg5[%add3A, %run_scoped3A_730, %dma_start3A_774] : memref<32x16x10000xf32, #tpu.memory_space<hbm>> -> memref<1x1x10000xf32, #tpu.memory_space<hbm>>
      %dma_start3A_776 = tpu.memref_squeeze %dma_start3A_775 : memref<1x1x10000xf32, #tpu.memory_space<hbm>> -> memref<10000xf32, #tpu.memory_space<hbm>>
      %dma_start3A_777 = arith.constant 0 : i32
      %dma_start3A_778 = tpu.memref_slice %arg5[%add3A, %run_scoped3A_730, %dma_start3A_777] : memref<32x16x10000xf32, #tpu.memory_space<hbm>> -> memref<1x1x10000xf32, #tpu.memory_space<hbm>>
      %dma_start3A_779 = tpu.memref_squeeze %dma_start3A_778 : memref<1x1x10000xf32, #tpu.memory_space<hbm>> -> memref<10000xf32, #tpu.memory_space<hbm>>
      tpu.enqueue_dma source(%arg22 : memref<10000xf32, #tpu.memory_space<vmem>>) target(%dma_start3A_779 : memref<10000xf32, #tpu.memory_space<hbm>>) target_semaphore(%run_scoped3A_773 : memref<!tpu.dma_semaphore, #tpu.memory_space<semaphore_mem>>)
      %dma_wait3A_780 = arith.constant 0 : i32
      %dma_wait3A_781 = tpu.memref_slice %arg5[%add3A, %run_scoped3A_730, %dma_wait3A_780] : memref<32x16x10000xf32, #tpu.memory_space<hbm>> -> memref<1x1x10000xf32, #tpu.memory_space<hbm>>
      %dma_wait3A_782 = tpu.memref_squeeze %dma_wait3A_781 : memref<1x1x10000xf32, #tpu.memory_space<hbm>> -> memref<10000xf32, #tpu.memory_space<hbm>>
      %dma_wait3A_783 = arith.constant 0 : i32
      %dma_wait3A_784 = tpu.memref_slice %arg5[%add3A, %run_scoped3A_730, %dma_wait3A_783] : memref<32x16x10000xf32, #tpu.memory_space<hbm>> -> memref<1x1x10000xf32, #tpu.memory_space<hbm>>
      %dma_wait3A_785 = tpu.memref_squeeze %dma_wait3A_784 : memref<1x1x10000xf32, #tpu.memory_space<hbm>> -> memref<10000xf32, #tpu.memory_space<hbm>>
      tpu.wait_dma2 semaphore(%run_scoped3A_773 : memref<!tpu.dma_semaphore, #tpu.memory_space<semaphore_mem>>) src(%arg22 : memref<10000xf32, #tpu.memory_space<vmem>>) dst(%dma_wait3A_785 : memref<10000xf32, #tpu.memory_space<hbm>>)
      tpu.yield
    }) : () -> ()
    %run_scoped3A_731 = arith.constant 4 : i32
    "tpu.region"() ({
      %run_scoped3A_773 = tpu.sem_alloc : memref<!tpu.dma_semaphore, #tpu.memory_space<semaphore_mem>>
      %dma_start3A_774 = arith.constant 0 : i32
      %dma_start3A_775 = tpu.memref_slice %arg4[%run_scoped3A_731, %dma_start3A_774] : memref<16x10000xf32, #tpu.memory_space<hbm>> -> memref<1x10000xf32, #tpu.memory_space<hbm>>
      %dma_start3A_776 = tpu.memref_squeeze %dma_start3A_775 : memref<1x10000xf32, #tpu.memory_space<hbm>> -> memref<10000xf32, #tpu.memory_space<hbm>>
      %dma_start3A_777 = arith.constant 0 : i32
      %dma_start3A_778 = tpu.memref_slice %arg4[%run_scoped3A_731, %dma_start3A_777] : memref<16x10000xf32, #tpu.memory_space<hbm>> -> memref<1x10000xf32, #tpu.memory_space<hbm>>
      %dma_start3A_779 = tpu.memref_squeeze %dma_start3A_778 : memref<1x10000xf32, #tpu.memory_space<hbm>> -> memref<10000xf32, #tpu.memory_space<hbm>>
      tpu.enqueue_dma source(%dma_start3A_779 : memref<10000xf32, #tpu.memory_space<hbm>>) target(%arg15 : memref<10000xf32, #tpu.memory_space<vmem>>) target_semaphore(%run_scoped3A_773 : memref<!tpu.dma_semaphore, #tpu.memory_space<semaphore_mem>>)
      %dma_wait3A_780 = arith.constant 0 : i32
      %dma_wait3A_781 = tpu.memref_slice %arg4[%run_scoped3A_731, %dma_wait3A_780] : memref<16x10000xf32, #tpu.memory_space<hbm>> -> memref<1x10000xf32, #tpu.memory_space<hbm>>
      %dma_wait3A_782 = tpu.memref_squeeze %dma_wait3A_781 : memref<1x10000xf32, #tpu.memory_space<hbm>> -> memref<10000xf32, #tpu.memory_space<hbm>>
      %dma_wait3A_783 = arith.constant 0 : i32
      %dma_wait3A_784 = tpu.memref_slice %arg4[%run_scoped3A_731, %dma_wait3A_783] : memref<16x10000xf32, #tpu.memory_space<hbm>> -> memref<1x10000xf32, #tpu.memory_space<hbm>>
      %dma_wait3A_785 = tpu.memref_squeeze %dma_wait3A_784 : memref<1x10000xf32, #tpu.memory_space<hbm>> -> memref<10000xf32, #tpu.memory_space<hbm>>
      tpu.wait_dma2 semaphore(%run_scoped3A_773 : memref<!tpu.dma_semaphore, #tpu.memory_space<semaphore_mem>>) src(%dma_wait3A_785 : memref<10000xf32, #tpu.memory_space<hbm>>) dst(%arg15 : memref<10000xf32, #tpu.memory_space<vmem>>)
      tpu.yield
    }) : () -> ()
    %run_scoped3A_732 = arith.constant 5 : i32
    "tpu.region"() ({
      %run_scoped3A_773 = tpu.sem_alloc : memref<!tpu.dma_semaphore, #tpu.memory_space<semaphore_mem>>
      %dma_start3A_774 = arith.constant 0 : i32
      %dma_start3A_775 = tpu.memref_slice %arg4[%run_scoped3A_732, %dma_start3A_774] : memref<16x10000xf32, #tpu.memory_space<hbm>> -> memref<1x10000xf32, #tpu.memory_space<hbm>>
      %dma_start3A_776 = tpu.memref_squeeze %dma_start3A_775 : memref<1x10000xf32, #tpu.memory_space<hbm>> -> memref<10000xf32, #tpu.memory_space<hbm>>
      %dma_start3A_777 = arith.constant 0 : i32
      %dma_start3A_778 = tpu.memref_slice %arg4[%run_scoped3A_732, %dma_start3A_777] : memref<16x10000xf32, #tpu.memory_space<hbm>> -> memref<1x10000xf32, #tpu.memory_space<hbm>>
      %dma_start3A_779 = tpu.memref_squeeze %dma_start3A_778 : memref<1x10000xf32, #tpu.memory_space<hbm>> -> memref<10000xf32, #tpu.memory_space<hbm>>
      tpu.enqueue_dma source(%dma_start3A_779 : memref<10000xf32, #tpu.memory_space<hbm>>) target(%arg16 : memref<10000xf32, #tpu.memory_space<vmem>>) target_semaphore(%run_scoped3A_773 : memref<!tpu.dma_semaphore, #tpu.memory_space<semaphore_mem>>)
      %dma_wait3A_780 = arith.constant 0 : i32
      %dma_wait3A_781 = tpu.memref_slice %arg4[%run_scoped3A_732, %dma_wait3A_780] : memref<16x10000xf32, #tpu.memory_space<hbm>> -> memref<1x10000xf32, #tpu.memory_space<hbm>>
      %dma_wait3A_782 = tpu.memref_squeeze %dma_wait3A_781 : memref<1x10000xf32, #tpu.memory_space<hbm>> -> memref<10000xf32, #tpu.memory_space<hbm>>
      %dma_wait3A_783 = arith.constant 0 : i32
      %dma_wait3A_784 = tpu.memref_slice %arg4[%run_scoped3A_732, %dma_wait3A_783] : memref<16x10000xf32, #tpu.memory_space<hbm>> -> memref<1x10000xf32, #tpu.memory_space<hbm>>
      %dma_wait3A_785 = tpu.memref_squeeze %dma_wait3A_784 : memref<1x10000xf32, #tpu.memory_space<hbm>> -> memref<10000xf32, #tpu.memory_space<hbm>>
      tpu.wait_dma2 semaphore(%run_scoped3A_773 : memref<!tpu.dma_semaphore, #tpu.memory_space<semaphore_mem>>) src(%dma_wait3A_785 : memref<10000xf32, #tpu.memory_space<hbm>>) dst(%arg16 : memref<10000xf32, #tpu.memory_space<vmem>>)
      tpu.yield
    }) : () -> ()
    %run_scoped3A_733 = arith.constant 6 : i32
    "tpu.region"() ({
      %run_scoped3A_773 = tpu.sem_alloc : memref<!tpu.dma_semaphore, #tpu.memory_space<semaphore_mem>>
      %dma_start3A_774 = arith.constant 0 : i32
      %dma_start3A_775 = tpu.memref_slice %arg4[%run_scoped3A_733, %dma_start3A_774] : memref<16x10000xf32, #tpu.memory_space<hbm>> -> memref<1x10000xf32, #tpu.memory_space<hbm>>
      %dma_start3A_776 = tpu.memref_squeeze %dma_start3A_775 : memref<1x10000xf32, #tpu.memory_space<hbm>> -> memref<10000xf32, #tpu.memory_space<hbm>>
      %dma_start3A_777 = arith.constant 0 : i32
      %dma_start3A_778 = tpu.memref_slice %arg4[%run_scoped3A_733, %dma_start3A_777] : memref<16x10000xf32, #tpu.memory_space<hbm>> -> memref<1x10000xf32, #tpu.memory_space<hbm>>
      %dma_start3A_779 = tpu.memref_squeeze %dma_start3A_778 : memref<1x10000xf32, #tpu.memory_space<hbm>> -> memref<10000xf32, #tpu.memory_space<hbm>>
      tpu.enqueue_dma source(%dma_start3A_779 : memref<10000xf32, #tpu.memory_space<hbm>>) target(%arg17 : memref<10000xf32, #tpu.memory_space<vmem>>) target_semaphore(%run_scoped3A_773 : memref<!tpu.dma_semaphore, #tpu.memory_space<semaphore_mem>>)
      %dma_wait3A_780 = arith.constant 0 : i32
      %dma_wait3A_781 = tpu.memref_slice %arg4[%run_scoped3A_733, %dma_wait3A_780] : memref<16x10000xf32, #tpu.memory_space<hbm>> -> memref<1x10000xf32, #tpu.memory_space<hbm>>
      %dma_wait3A_782 = tpu.memref_squeeze %dma_wait3A_781 : memref<1x10000xf32, #tpu.memory_space<hbm>> -> memref<10000xf32, #tpu.memory_space<hbm>>
      %dma_wait3A_783 = arith.constant 0 : i32
      %dma_wait3A_784 = tpu.memref_slice %arg4[%run_scoped3A_733, %dma_wait3A_783] : memref<16x10000xf32, #tpu.memory_space<hbm>> -> memref<1x10000xf32, #tpu.memory_space<hbm>>
      %dma_wait3A_785 = tpu.memref_squeeze %dma_wait3A_784 : memref<1x10000xf32, #tpu.memory_space<hbm>> -> memref<10000xf32, #tpu.memory_space<hbm>>
      tpu.wait_dma2 semaphore(%run_scoped3A_773 : memref<!tpu.dma_semaphore, #tpu.memory_space<semaphore_mem>>) src(%dma_wait3A_785 : memref<10000xf32, #tpu.memory_space<hbm>>) dst(%arg17 : memref<10000xf32, #tpu.memory_space<vmem>>)
      tpu.yield
    }) : () -> ()
    %run_scoped3A_734 = arith.constant 7 : i32
    "tpu.region"() ({
      %run_scoped3A_773 = tpu.sem_alloc : memref<!tpu.dma_semaphore, #tpu.memory_space<semaphore_mem>>
      %dma_start3A_774 = arith.constant 0 : i32
      %dma_start3A_775 = tpu.memref_slice %arg4[%run_scoped3A_734, %dma_start3A_774] : memref<16x10000xf32, #tpu.memory_space<hbm>> -> memref<1x10000xf32, #tpu.memory_space<hbm>>
      %dma_start3A_776 = tpu.memref_squeeze %dma_start3A_775 : memref<1x10000xf32, #tpu.memory_space<hbm>> -> memref<10000xf32, #tpu.memory_space<hbm>>
      %dma_start3A_777 = arith.constant 0 : i32
      %dma_start3A_778 = tpu.memref_slice %arg4[%run_scoped3A_734, %dma_start3A_777] : memref<16x10000xf32, #tpu.memory_space<hbm>> -> memref<1x10000xf32, #tpu.memory_space<hbm>>
      %dma_start3A_779 = tpu.memref_squeeze %dma_start3A_778 : memref<1x10000xf32, #tpu.memory_space<hbm>> -> memref<10000xf32, #tpu.memory_space<hbm>>
      tpu.enqueue_dma source(%dma_start3A_779 : memref<10000xf32, #tpu.memory_space<hbm>>) target(%arg18 : memref<10000xf32, #tpu.memory_space<vmem>>) target_semaphore(%run_scoped3A_773 : memref<!tpu.dma_semaphore, #tpu.memory_space<semaphore_mem>>)
      %dma_wait3A_780 = arith.constant 0 : i32
      %dma_wait3A_781 = tpu.memref_slice %arg4[%run_scoped3A_734, %dma_wait3A_780] : memref<16x10000xf32, #tpu.memory_space<hbm>> -> memref<1x10000xf32, #tpu.memory_space<hbm>>
      %dma_wait3A_782 = tpu.memref_squeeze %dma_wait3A_781 : memref<1x10000xf32, #tpu.memory_space<hbm>> -> memref<10000xf32, #tpu.memory_space<hbm>>
      %dma_wait3A_783 = arith.constant 0 : i32
      %dma_wait3A_784 = tpu.memref_slice %arg4[%run_scoped3A_734, %dma_wait3A_783] : memref<16x10000xf32, #tpu.memory_space<hbm>> -> memref<1x10000xf32, #tpu.memory_space<hbm>>
      %dma_wait3A_785 = tpu.memref_squeeze %dma_wait3A_784 : memref<1x10000xf32, #tpu.memory_space<hbm>> -> memref<10000xf32, #tpu.memory_space<hbm>>
      tpu.wait_dma2 semaphore(%run_scoped3A_773 : memref<!tpu.dma_semaphore, #tpu.memory_space<semaphore_mem>>) src(%dma_wait3A_785 : memref<10000xf32, #tpu.memory_space<hbm>>) dst(%arg18 : memref<10000xf32, #tpu.memory_space<vmem>>)
      tpu.yield
    }) : () -> ()
    %parallel_loop3A_735 = arith.constant 0 : i32
    %parallel_loop3A_736 = arith.constant 10000 : i32
    %parallel_loop3A_737 = arith.constant 16 : i32
    scf.for %parallel_loop3A_773 = %parallel_loop3A_735 to %parallel_loop3A_736 step %parallel_loop3A_737  : i32 {
      %parallel_loop3A_774 = arith.index_cast %parallel_loop3A_773 : i32 to index
      %parallel_loop3A_775 = tpu.vector_load %arg19[%parallel_loop3A_774] {strides = array<i32>} : memref<10000xf32, #tpu.memory_space<vmem>>, vector<16xf32>,
      tpu.vector_store %arg19[%parallel_loop3A_774], %broadcast_in_dim3A_1 {strides = array<i32>} : memref<10000xf32, #tpu.memory_space<vmem>>, vector<16xf32>,
      %parallel_loop3A_776 = arith.index_cast %parallel_loop3A_773 : i32 to index
      %parallel_loop3A_777 = tpu.vector_load %arg20[%parallel_loop3A_776] {strides = array<i32>} : memref<10000xf32, #tpu.memory_space<vmem>>, vector<16xf32>,
      tpu.vector_store %arg20[%parallel_loop3A_776], %broadcast_in_dim3A_1 {strides = array<i32>} : memref<10000xf32, #tpu.memory_space<vmem>>, vector<16xf32>,
      %parallel_loop3A_778 = arith.index_cast %parallel_loop3A_773 : i32 to index
      %parallel_loop3A_779 = tpu.vector_load %arg21[%parallel_loop3A_778] {strides = array<i32>} : memref<10000xf32, #tpu.memory_space<vmem>>, vector<16xf32>,
      tpu.vector_store %arg21[%parallel_loop3A_778], %broadcast_in_dim3A_1 {strides = array<i32>} : memref<10000xf32, #tpu.memory_space<vmem>>, vector<16xf32>,
      %parallel_loop3A_780 = arith.index_cast %parallel_loop3A_773 : i32 to index
      %parallel_loop3A_781 = tpu.vector_load %arg22[%parallel_loop3A_780] {strides = array<i32>} : memref<10000xf32, #tpu.memory_space<vmem>>, vector<16xf32>,
      tpu.vector_store %arg22[%parallel_loop3A_780], %broadcast_in_dim3A_1 {strides = array<i32>} : memref<10000xf32, #tpu.memory_space<vmem>>, vector<16xf32>,
    } {sc.loop_unroll_factor = 8 : i64, sc.parallel_access}
    %parallel_loop3A_738 = arith.constant 0 : i32
    %parallel_loop3A_739 = arith.constant 10000 : i32
    %parallel_loop3A_740 = arith.constant 16 : i32
    scf.for %parallel_loop3A_773 = %parallel_loop3A_738 to %parallel_loop3A_739 step %parallel_loop3A_740  : i32 {
      %parallel_loop3A_774 = arith.index_cast %parallel_loop3A_773 : i32 to index
      %parallel_loop3A_775 = tpu.vector_load %arg11[%parallel_loop3A_774] {strides = array<i32>} : memref<10000xi32, #tpu.memory_space<vmem>>, vector<16xi32>,
      %parallel_loop3A_776 = arith.index_cast %parallel_loop3A_773 : i32 to index
      %parallel_loop3A_777 = tpu.vector_load %arg12[%parallel_loop3A_776] {strides = array<i32>} : memref<10000xi32, #tpu.memory_space<vmem>>, vector<16xi32>,
      %parallel_loop3A_778 = arith.index_cast %parallel_loop3A_773 : i32 to index
      %parallel_loop3A_779 = tpu.vector_load %arg10[%parallel_loop3A_778] {strides = array<i32>} : memref<10000xf32, #tpu.memory_space<vmem>>, vector<16xf32>,
      %parallel_loop3A_780 = tpu.vector_load_idx %arg15[%parallel_loop3A_775] : memref<10000xf32, #tpu.memory_space<vmem>>[vector<16xi32>], vector<16xf32>,
      %parallel_loop3A_781 = arith.mulf %parallel_loop3A_780, %parallel_loop3A_779 : vector<16xf32>
      tpu.vector_store_idx %arg19[%parallel_loop3A_777], %parallel_loop3A_781 {add = true} : memref<10000xf32, #tpu.memory_space<vmem>>[vector<16xi32>], vector<16xf32>,
      %parallel_loop3A_782 = tpu.vector_load_idx %arg16[%parallel_loop3A_775] : memref<10000xf32, #tpu.memory_space<vmem>>[vector<16xi32>], vector<16xf32>,
      %parallel_loop3A_783 = arith.mulf %parallel_loop3A_782, %parallel_loop3A_779 : vector<16xf32>
      tpu.vector_store_idx %arg20[%parallel_loop3A_777], %parallel_loop3A_783 {add = true} : memref<10000xf32, #tpu.memory_space<vmem>>[vector<16xi32>], vector<16xf32>,
      %parallel_loop3A_784 = tpu.vector_load_idx %arg17[%parallel_loop3A_775] : memref<10000xf32, #tpu.memory_space<vmem>>[vector<16xi32>], vector<16xf32>,
      %parallel_loop3A_785 = arith.mulf %parallel_loop3A_784, %parallel_loop3A_779 : vector<16xf32>
      tpu.vector_store_idx %arg21[%parallel_loop3A_777], %parallel_loop3A_785 {add = true} : memref<10000xf32, #tpu.memory_space<vmem>>[vector<16xi32>], vector<16xf32>,
      %parallel_loop3A_786 = tpu.vector_load_idx %arg18[%parallel_loop3A_775] : memref<10000xf32, #tpu.memory_space<vmem>>[vector<16xi32>], vector<16xf32>,
      %parallel_loop3A_787 = arith.mulf %parallel_loop3A_786, %parallel_loop3A_779 : vector<16xf32>
      tpu.vector_store_idx %arg22[%parallel_loop3A_777], %parallel_loop3A_787 {add = true} : memref<10000xf32, #tpu.memory_space<vmem>>[vector<16xi32>], vector<16xf32>,
    } {sc.loop_unroll_factor = 8 : i64, sc.parallel_access}
    %run_scoped3A_741 = arith.constant 4 : i32
    "tpu.region"() ({
      %run_scoped3A_773 = tpu.sem_alloc : memref<!tpu.dma_semaphore, #tpu.memory_space<semaphore_mem>>
      %dma_start3A_774 = arith.constant 0 : i32
      %dma_start3A_775 = tpu.memref_slice %arg5[%add3A, %run_scoped3A_741, %dma_start3A_774] : memref<32x16x10000xf32, #tpu.memory_space<hbm>> -> memref<1x1x10000xf32, #tpu.memory_space<hbm>>
      %dma_start3A_776 = tpu.memref_squeeze %dma_start3A_775 : memref<1x1x10000xf32, #tpu.memory_space<hbm>> -> memref<10000xf32, #tpu.memory_space<hbm>>
      %dma_start3A_777 = arith.constant 0 : i32
      %dma_start3A_778 = tpu.memref_slice %arg5[%add3A, %run_scoped3A_741, %dma_start3A_777] : memref<32x16x10000xf32, #tpu.memory_space<hbm>> -> memref<1x1x10000xf32, #tpu.memory_space<hbm>>
      %dma_start3A_779 = tpu.memref_squeeze %dma_start3A_778 : memref<1x1x10000xf32, #tpu.memory_space<hbm>> -> memref<10000xf32, #tpu.memory_space<hbm>>
      tpu.enqueue_dma source(%arg19 : memref<10000xf32, #tpu.memory_space<vmem>>) target(%dma_start3A_779 : memref<10000xf32, #tpu.memory_space<hbm>>) target_semaphore(%run_scoped3A_773 : memref<!tpu.dma_semaphore, #tpu.memory_space<semaphore_mem>>)
      %dma_wait3A_780 = arith.constant 0 : i32
      %dma_wait3A_781 = tpu.memref_slice %arg5[%add3A, %run_scoped3A_741, %dma_wait3A_780] : memref<32x16x10000xf32, #tpu.memory_space<hbm>> -> memref<1x1x10000xf32, #tpu.memory_space<hbm>>
      %dma_wait3A_782 = tpu.memref_squeeze %dma_wait3A_781 : memref<1x1x10000xf32, #tpu.memory_space<hbm>> -> memref<10000xf32, #tpu.memory_space<hbm>>
      %dma_wait3A_783 = arith.constant 0 : i32
      %dma_wait3A_784 = tpu.memref_slice %arg5[%add3A, %run_scoped3A_741, %dma_wait3A_783] : memref<32x16x10000xf32, #tpu.memory_space<hbm>> -> memref<1x1x10000xf32, #tpu.memory_space<hbm>>
      %dma_wait3A_785 = tpu.memref_squeeze %dma_wait3A_784 : memref<1x1x10000xf32, #tpu.memory_space<hbm>> -> memref<10000xf32, #tpu.memory_space<hbm>>
      tpu.wait_dma2 semaphore(%run_scoped3A_773 : memref<!tpu.dma_semaphore, #tpu.memory_space<semaphore_mem>>) src(%arg19 : memref<10000xf32, #tpu.memory_space<vmem>>) dst(%dma_wait3A_785 : memref<10000xf32, #tpu.memory_space<hbm>>)
      tpu.yield
    }) : () -> ()
    %run_scoped3A_742 = arith.constant 5 : i32
    "tpu.region"() ({
      %run_scoped3A_773 = tpu.sem_alloc : memref<!tpu.dma_semaphore, #tpu.memory_space<semaphore_mem>>
      %dma_start3A_774 = arith.constant 0 : i32
      %dma_start3A_775 = tpu.memref_slice %arg5[%add3A, %run_scoped3A_742, %dma_start3A_774] : memref<32x16x10000xf32, #tpu.memory_space<hbm>> -> memref<1x1x10000xf32, #tpu.memory_space<hbm>>
      %dma_start3A_776 = tpu.memref_squeeze %dma_start3A_775 : memref<1x1x10000xf32, #tpu.memory_space<hbm>> -> memref<10000xf32, #tpu.memory_space<hbm>>
      %dma_start3A_777 = arith.constant 0 : i32
      %dma_start3A_778 = tpu.memref_slice %arg5[%add3A, %run_scoped3A_742, %dma_start3A_777] : memref<32x16x10000xf32, #tpu.memory_space<hbm>> -> memref<1x1x10000xf32, #tpu.memory_space<hbm>>
      %dma_start3A_779 = tpu.memref_squeeze %dma_start3A_778 : memref<1x1x10000xf32, #tpu.memory_space<hbm>> -> memref<10000xf32, #tpu.memory_space<hbm>>
      tpu.enqueue_dma source(%arg20 : memref<10000xf32, #tpu.memory_space<vmem>>) target(%dma_start3A_779 : memref<10000xf32, #tpu.memory_space<hbm>>) target_semaphore(%run_scoped3A_773 : memref<!tpu.dma_semaphore, #tpu.memory_space<semaphore_mem>>)
      %dma_wait3A_780 = arith.constant 0 : i32
      %dma_wait3A_781 = tpu.memref_slice %arg5[%add3A, %run_scoped3A_742, %dma_wait3A_780] : memref<32x16x10000xf32, #tpu.memory_space<hbm>> -> memref<1x1x10000xf32, #tpu.memory_space<hbm>>
      %dma_wait3A_782 = tpu.memref_squeeze %dma_wait3A_781 : memref<1x1x10000xf32, #tpu.memory_space<hbm>> -> memref<10000xf32, #tpu.memory_space<hbm>>
      %dma_wait3A_783 = arith.constant 0 : i32
      %dma_wait3A_784 = tpu.memref_slice %arg5[%add3A, %run_scoped3A_742, %dma_wait3A_783] : memref<32x16x10000xf32, #tpu.memory_space<hbm>> -> memref<1x1x10000xf32, #tpu.memory_space<hbm>>
      %dma_wait3A_785 = tpu.memref_squeeze %dma_wait3A_784 : memref<1x1x10000xf32, #tpu.memory_space<hbm>> -> memref<10000xf32, #tpu.memory_space<hbm>>
      tpu.wait_dma2 semaphore(%run_scoped3A_773 : memref<!tpu.dma_semaphore, #tpu.memory_space<semaphore_mem>>) src(%arg20 : memref<10000xf32, #tpu.memory_space<vmem>>) dst(%dma_wait3A_785 : memref<10000xf32, #tpu.memory_space<hbm>>)
      tpu.yield
    }) : () -> ()
    %run_scoped3A_743 = arith.constant 6 : i32
    "tpu.region"() ({
      %run_scoped3A_773 = tpu.sem_alloc : memref<!tpu.dma_semaphore, #tpu.memory_space<semaphore_mem>>
      %dma_start3A_774 = arith.constant 0 : i32
      %dma_start3A_775 = tpu.memref_slice %arg5[%add3A, %run_scoped3A_743, %dma_start3A_774] : memref<32x16x10000xf32, #tpu.memory_space<hbm>> -> memref<1x1x10000xf32, #tpu.memory_space<hbm>>
      %dma_start3A_776 = tpu.memref_squeeze %dma_start3A_775 : memref<1x1x10000xf32, #tpu.memory_space<hbm>> -> memref<10000xf32, #tpu.memory_space<hbm>>
      %dma_start3A_777 = arith.constant 0 : i32
      %dma_start3A_778 = tpu.memref_slice %arg5[%add3A, %run_scoped3A_743, %dma_start3A_777] : memref<32x16x10000xf32, #tpu.memory_space<hbm>> -> memref<1x1x10000xf32, #tpu.memory_space<hbm>>
      %dma_start3A_779 = tpu.memref_squeeze %dma_start3A_778 : memref<1x1x10000xf32, #tpu.memory_space<hbm>> -> memref<10000xf32, #tpu.memory_space<hbm>>
      tpu.enqueue_dma source(%arg21 : memref<10000xf32, #tpu.memory_space<vmem>>) target(%dma_start3A_779 : memref<10000xf32, #tpu.memory_space<hbm>>) target_semaphore(%run_scoped3A_773 : memref<!tpu.dma_semaphore, #tpu.memory_space<semaphore_mem>>)
      %dma_wait3A_780 = arith.constant 0 : i32
      %dma_wait3A_781 = tpu.memref_slice %arg5[%add3A, %run_scoped3A_743, %dma_wait3A_780] : memref<32x16x10000xf32, #tpu.memory_space<hbm>> -> memref<1x1x10000xf32, #tpu.memory_space<hbm>>
      %dma_wait3A_782 = tpu.memref_squeeze %dma_wait3A_781 : memref<1x1x10000xf32, #tpu.memory_space<hbm>> -> memref<10000xf32, #tpu.memory_space<hbm>>
      %dma_wait3A_783 = arith.constant 0 : i32
      %dma_wait3A_784 = tpu.memref_slice %arg5[%add3A, %run_scoped3A_743, %dma_wait3A_783] : memref<32x16x10000xf32, #tpu.memory_space<hbm>> -> memref<1x1x10000xf32, #tpu.memory_space<hbm>>
      %dma_wait3A_785 = tpu.memref_squeeze %dma_wait3A_784 : memref<1x1x10000xf32, #tpu.memory_space<hbm>> -> memref<10000xf32, #tpu.memory_space<hbm>>
      tpu.wait_dma2 semaphore(%run_scoped3A_773 : memref<!tpu.dma_semaphore, #tpu.memory_space<semaphore_mem>>) src(%arg21 : memref<10000xf32, #tpu.memory_space<vmem>>) dst(%dma_wait3A_785 : memref<10000xf32, #tpu.memory_space<hbm>>)
      tpu.yield
    }) : () -> ()
    %run_scoped3A_744 = arith.constant 7 : i32
    "tpu.region"() ({
      %run_scoped3A_773 = tpu.sem_alloc : memref<!tpu.dma_semaphore, #tpu.memory_space<semaphore_mem>>
      %dma_start3A_774 = arith.constant 0 : i32
      %dma_start3A_775 = tpu.memref_slice %arg5[%add3A, %run_scoped3A_744, %dma_start3A_774] : memref<32x16x10000xf32, #tpu.memory_space<hbm>> -> memref<1x1x10000xf32, #tpu.memory_space<hbm>>
      %dma_start3A_776 = tpu.memref_squeeze %dma_start3A_775 : memref<1x1x10000xf32, #tpu.memory_space<hbm>> -> memref<10000xf32, #tpu.memory_space<hbm>>
      %dma_start3A_777 = arith.constant 0 : i32
      %dma_start3A_778 = tpu.memref_slice %arg5[%add3A, %run_scoped3A_744, %dma_start3A_777] : memref<32x16x10000xf32, #tpu.memory_space<hbm>> -> memref<1x1x10000xf32, #tpu.memory_space<hbm>>
      %dma_start3A_779 = tpu.memref_squeeze %dma_start3A_778 : memref<1x1x10000xf32, #tpu.memory_space<hbm>> -> memref<10000xf32, #tpu.memory_space<hbm>>
      tpu.enqueue_dma source(%arg22 : memref<10000xf32, #tpu.memory_space<vmem>>) target(%dma_start3A_779 : memref<10000xf32, #tpu.memory_space<hbm>>) target_semaphore(%run_scoped3A_773 : memref<!tpu.dma_semaphore, #tpu.memory_space<semaphore_mem>>)
      %dma_wait3A_780 = arith.constant 0 : i32
      %dma_wait3A_781 = tpu.memref_slice %arg5[%add3A, %run_scoped3A_744, %dma_wait3A_780] : memref<32x16x10000xf32, #tpu.memory_space<hbm>> -> memref<1x1x10000xf32, #tpu.memory_space<hbm>>
      %dma_wait3A_782 = tpu.memref_squeeze %dma_wait3A_781 : memref<1x1x10000xf32, #tpu.memory_space<hbm>> -> memref<10000xf32, #tpu.memory_space<hbm>>
      %dma_wait3A_783 = arith.constant 0 : i32
      %dma_wait3A_784 = tpu.memref_slice %arg5[%add3A, %run_scoped3A_744, %dma_wait3A_783] : memref<32x16x10000xf32, #tpu.memory_space<hbm>> -> memref<1x1x10000xf32, #tpu.memory_space<hbm>>
      %dma_wait3A_785 = tpu.memref_squeeze %dma_wait3A_784 : memref<1x1x10000xf32, #tpu.memory_space<hbm>> -> memref<10000xf32, #tpu.memory_space<hbm>>
      tpu.wait_dma2 semaphore(%run_scoped3A_773 : memref<!tpu.dma_semaphore, #tpu.memory_space<semaphore_mem>>) src(%arg22 : memref<10000xf32, #tpu.memory_space<vmem>>) dst(%dma_wait3A_785 : memref<10000xf32, #tpu.memory_space<hbm>>)
      tpu.yield
    }) : () -> ()
    %run_scoped3A_745 = arith.constant 8 : i32
    "tpu.region"() ({
      %run_scoped3A_773 = tpu.sem_alloc : memref<!tpu.dma_semaphore, #tpu.memory_space<semaphore_mem>>
      %dma_start3A_774 = arith.constant 0 : i32
      %dma_start3A_775 = tpu.memref_slice %arg4[%run_scoped3A_745, %dma_start3A_774] : memref<16x10000xf32, #tpu.memory_space<hbm>> -> memref<1x10000xf32, #tpu.memory_space<hbm>>
      %dma_start3A_776 = tpu.memref_squeeze %dma_start3A_775 : memref<1x10000xf32, #tpu.memory_space<hbm>> -> memref<10000xf32, #tpu.memory_space<hbm>>
      %dma_start3A_777 = arith.constant 0 : i32
      %dma_start3A_778 = tpu.memref_slice %arg4[%run_scoped3A_745, %dma_start3A_777] : memref<16x10000xf32, #tpu.memory_space<hbm>> -> memref<1x10000xf32, #tpu.memory_space<hbm>>
      %dma_start3A_779 = tpu.memref_squeeze %dma_start3A_778 : memref<1x10000xf32, #tpu.memory_space<hbm>> -> memref<10000xf32, #tpu.memory_space<hbm>>
      tpu.enqueue_dma source(%dma_start3A_779 : memref<10000xf32, #tpu.memory_space<hbm>>) target(%arg15 : memref<10000xf32, #tpu.memory_space<vmem>>) target_semaphore(%run_scoped3A_773 : memref<!tpu.dma_semaphore, #tpu.memory_space<semaphore_mem>>)
      %dma_wait3A_780 = arith.constant 0 : i32
      %dma_wait3A_781 = tpu.memref_slice %arg4[%run_scoped3A_745, %dma_wait3A_780] : memref<16x10000xf32, #tpu.memory_space<hbm>> -> memref<1x10000xf32, #tpu.memory_space<hbm>>
      %dma_wait3A_782 = tpu.memref_squeeze %dma_wait3A_781 : memref<1x10000xf32, #tpu.memory_space<hbm>> -> memref<10000xf32, #tpu.memory_space<hbm>>
      %dma_wait3A_783 = arith.constant 0 : i32
      %dma_wait3A_784 = tpu.memref_slice %arg4[%run_scoped3A_745, %dma_wait3A_783] : memref<16x10000xf32, #tpu.memory_space<hbm>> -> memref<1x10000xf32, #tpu.memory_space<hbm>>
      %dma_wait3A_785 = tpu.memref_squeeze %dma_wait3A_784 : memref<1x10000xf32, #tpu.memory_space<hbm>> -> memref<10000xf32, #tpu.memory_space<hbm>>
      tpu.wait_dma2 semaphore(%run_scoped3A_773 : memref<!tpu.dma_semaphore, #tpu.memory_space<semaphore_mem>>) src(%dma_wait3A_785 : memref<10000xf32, #tpu.memory_space<hbm>>) dst(%arg15 : memref<10000xf32, #tpu.memory_space<vmem>>)
      tpu.yield
    }) : () -> ()
    %run_scoped3A_746 = arith.constant 9 : i32
    "tpu.region"() ({
      %run_scoped3A_773 = tpu.sem_alloc : memref<!tpu.dma_semaphore, #tpu.memory_space<semaphore_mem>>
      %dma_start3A_774 = arith.constant 0 : i32
      %dma_start3A_775 = tpu.memref_slice %arg4[%run_scoped3A_746, %dma_start3A_774] : memref<16x10000xf32, #tpu.memory_space<hbm>> -> memref<1x10000xf32, #tpu.memory_space<hbm>>
      %dma_start3A_776 = tpu.memref_squeeze %dma_start3A_775 : memref<1x10000xf32, #tpu.memory_space<hbm>> -> memref<10000xf32, #tpu.memory_space<hbm>>
      %dma_start3A_777 = arith.constant 0 : i32
      %dma_start3A_778 = tpu.memref_slice %arg4[%run_scoped3A_746, %dma_start3A_777] : memref<16x10000xf32, #tpu.memory_space<hbm>> -> memref<1x10000xf32, #tpu.memory_space<hbm>>
      %dma_start3A_779 = tpu.memref_squeeze %dma_start3A_778 : memref<1x10000xf32, #tpu.memory_space<hbm>> -> memref<10000xf32, #tpu.memory_space<hbm>>
      tpu.enqueue_dma source(%dma_start3A_779 : memref<10000xf32, #tpu.memory_space<hbm>>) target(%arg16 : memref<10000xf32, #tpu.memory_space<vmem>>) target_semaphore(%run_scoped3A_773 : memref<!tpu.dma_semaphore, #tpu.memory_space<semaphore_mem>>)
      %dma_wait3A_780 = arith.constant 0 : i32
      %dma_wait3A_781 = tpu.memref_slice %arg4[%run_scoped3A_746, %dma_wait3A_780] : memref<16x10000xf32, #tpu.memory_space<hbm>> -> memref<1x10000xf32, #tpu.memory_space<hbm>>
      %dma_wait3A_782 = tpu.memref_squeeze %dma_wait3A_781 : memref<1x10000xf32, #tpu.memory_space<hbm>> -> memref<10000xf32, #tpu.memory_space<hbm>>
      %dma_wait3A_783 = arith.constant 0 : i32
      %dma_wait3A_784 = tpu.memref_slice %arg4[%run_scoped3A_746, %dma_wait3A_783] : memref<16x10000xf32, #tpu.memory_space<hbm>> -> memref<1x10000xf32, #tpu.memory_space<hbm>>
      %dma_wait3A_785 = tpu.memref_squeeze %dma_wait3A_784 : memref<1x10000xf32, #tpu.memory_space<hbm>> -> memref<10000xf32, #tpu.memory_space<hbm>>
      tpu.wait_dma2 semaphore(%run_scoped3A_773 : memref<!tpu.dma_semaphore, #tpu.memory_space<semaphore_mem>>) src(%dma_wait3A_785 : memref<10000xf32, #tpu.memory_space<hbm>>) dst(%arg16 : memref<10000xf32, #tpu.memory_space<vmem>>)
      tpu.yield
    }) : () -> ()
    %run_scoped3A_747 = arith.constant 10 : i32
    "tpu.region"() ({
      %run_scoped3A_773 = tpu.sem_alloc : memref<!tpu.dma_semaphore, #tpu.memory_space<semaphore_mem>>
      %dma_start3A_774 = arith.constant 0 : i32
      %dma_start3A_775 = tpu.memref_slice %arg4[%run_scoped3A_747, %dma_start3A_774] : memref<16x10000xf32, #tpu.memory_space<hbm>> -> memref<1x10000xf32, #tpu.memory_space<hbm>>
      %dma_start3A_776 = tpu.memref_squeeze %dma_start3A_775 : memref<1x10000xf32, #tpu.memory_space<hbm>> -> memref<10000xf32, #tpu.memory_space<hbm>>
      %dma_start3A_777 = arith.constant 0 : i32
      %dma_start3A_778 = tpu.memref_slice %arg4[%run_scoped3A_747, %dma_start3A_777] : memref<16x10000xf32, #tpu.memory_space<hbm>> -> memref<1x10000xf32, #tpu.memory_space<hbm>>
      %dma_start3A_779 = tpu.memref_squeeze %dma_start3A_778 : memref<1x10000xf32, #tpu.memory_space<hbm>> -> memref<10000xf32, #tpu.memory_space<hbm>>
      tpu.enqueue_dma source(%dma_start3A_779 : memref<10000xf32, #tpu.memory_space<hbm>>) target(%arg17 : memref<10000xf32, #tpu.memory_space<vmem>>) target_semaphore(%run_scoped3A_773 : memref<!tpu.dma_semaphore, #tpu.memory_space<semaphore_mem>>)
      %dma_wait3A_780 = arith.constant 0 : i32
      %dma_wait3A_781 = tpu.memref_slice %arg4[%run_scoped3A_747, %dma_wait3A_780] : memref<16x10000xf32, #tpu.memory_space<hbm>> -> memref<1x10000xf32, #tpu.memory_space<hbm>>
      %dma_wait3A_782 = tpu.memref_squeeze %dma_wait3A_781 : memref<1x10000xf32, #tpu.memory_space<hbm>> -> memref<10000xf32, #tpu.memory_space<hbm>>
      %dma_wait3A_783 = arith.constant 0 : i32
      %dma_wait3A_784 = tpu.memref_slice %arg4[%run_scoped3A_747, %dma_wait3A_783] : memref<16x10000xf32, #tpu.memory_space<hbm>> -> memref<1x10000xf32, #tpu.memory_space<hbm>>
      %dma_wait3A_785 = tpu.memref_squeeze %dma_wait3A_784 : memref<1x10000xf32, #tpu.memory_space<hbm>> -> memref<10000xf32, #tpu.memory_space<hbm>>
      tpu.wait_dma2 semaphore(%run_scoped3A_773 : memref<!tpu.dma_semaphore, #tpu.memory_space<semaphore_mem>>) src(%dma_wait3A_785 : memref<10000xf32, #tpu.memory_space<hbm>>) dst(%arg17 : memref<10000xf32, #tpu.memory_space<vmem>>)
      tpu.yield
    }) : () -> ()
    %run_scoped3A_748 = arith.constant 11 : i32
    "tpu.region"() ({
      %run_scoped3A_773 = tpu.sem_alloc : memref<!tpu.dma_semaphore, #tpu.memory_space<semaphore_mem>>
      %dma_start3A_774 = arith.constant 0 : i32
      %dma_start3A_775 = tpu.memref_slice %arg4[%run_scoped3A_748, %dma_start3A_774] : memref<16x10000xf32, #tpu.memory_space<hbm>> -> memref<1x10000xf32, #tpu.memory_space<hbm>>
      %dma_start3A_776 = tpu.memref_squeeze %dma_start3A_775 : memref<1x10000xf32, #tpu.memory_space<hbm>> -> memref<10000xf32, #tpu.memory_space<hbm>>
      %dma_start3A_777 = arith.constant 0 : i32
      %dma_start3A_778 = tpu.memref_slice %arg4[%run_scoped3A_748, %dma_start3A_777] : memref<16x10000xf32, #tpu.memory_space<hbm>> -> memref<1x10000xf32, #tpu.memory_space<hbm>>
      %dma_start3A_779 = tpu.memref_squeeze %dma_start3A_778 : memref<1x10000xf32, #tpu.memory_space<hbm>> -> memref<10000xf32, #tpu.memory_space<hbm>>
      tpu.enqueue_dma source(%dma_start3A_779 : memref<10000xf32, #tpu.memory_space<hbm>>) target(%arg18 : memref<10000xf32, #tpu.memory_space<vmem>>) target_semaphore(%run_scoped3A_773 : memref<!tpu.dma_semaphore, #tpu.memory_space<semaphore_mem>>)
      %dma_wait3A_780 = arith.constant 0 : i32
      %dma_wait3A_781 = tpu.memref_slice %arg4[%run_scoped3A_748, %dma_wait3A_780] : memref<16x10000xf32, #tpu.memory_space<hbm>> -> memref<1x10000xf32, #tpu.memory_space<hbm>>
      %dma_wait3A_782 = tpu.memref_squeeze %dma_wait3A_781 : memref<1x10000xf32, #tpu.memory_space<hbm>> -> memref<10000xf32, #tpu.memory_space<hbm>>
      %dma_wait3A_783 = arith.constant 0 : i32
      %dma_wait3A_784 = tpu.memref_slice %arg4[%run_scoped3A_748, %dma_wait3A_783] : memref<16x10000xf32, #tpu.memory_space<hbm>> -> memref<1x10000xf32, #tpu.memory_space<hbm>>
      %dma_wait3A_785 = tpu.memref_squeeze %dma_wait3A_784 : memref<1x10000xf32, #tpu.memory_space<hbm>> -> memref<10000xf32, #tpu.memory_space<hbm>>
      tpu.wait_dma2 semaphore(%run_scoped3A_773 : memref<!tpu.dma_semaphore, #tpu.memory_space<semaphore_mem>>) src(%dma_wait3A_785 : memref<10000xf32, #tpu.memory_space<hbm>>) dst(%arg18 : memref<10000xf32, #tpu.memory_space<vmem>>)
      tpu.yield
    }) : () -> ()
    %parallel_loop3A_749 = arith.constant 0 : i32
    %parallel_loop3A_750 = arith.constant 10000 : i32
    %parallel_loop3A_751 = arith.constant 16 : i32
    scf.for %parallel_loop3A_773 = %parallel_loop3A_749 to %parallel_loop3A_750 step %parallel_loop3A_751  : i32 {
      %parallel_loop3A_774 = arith.index_cast %parallel_loop3A_773 : i32 to index
      %parallel_loop3A_775 = tpu.vector_load %arg19[%parallel_loop3A_774] {strides = array<i32>} : memref<10000xf32, #tpu.memory_space<vmem>>, vector<16xf32>,
      tpu.vector_store %arg19[%parallel_loop3A_774], %broadcast_in_dim3A_1 {strides = array<i32>} : memref<10000xf32, #tpu.memory_space<vmem>>, vector<16xf32>,
      %parallel_loop3A_776 = arith.index_cast %parallel_loop3A_773 : i32 to index
      %parallel_loop3A_777 = tpu.vector_load %arg20[%parallel_loop3A_776] {strides = array<i32>} : memref<10000xf32, #tpu.memory_space<vmem>>, vector<16xf32>,
      tpu.vector_store %arg20[%parallel_loop3A_776], %broadcast_in_dim3A_1 {strides = array<i32>} : memref<10000xf32, #tpu.memory_space<vmem>>, vector<16xf32>,
      %parallel_loop3A_778 = arith.index_cast %parallel_loop3A_773 : i32 to index
      %parallel_loop3A_779 = tpu.vector_load %arg21[%parallel_loop3A_778] {strides = array<i32>} : memref<10000xf32, #tpu.memory_space<vmem>>, vector<16xf32>,
      tpu.vector_store %arg21[%parallel_loop3A_778], %broadcast_in_dim3A_1 {strides = array<i32>} : memref<10000xf32, #tpu.memory_space<vmem>>, vector<16xf32>,
      %parallel_loop3A_780 = arith.index_cast %parallel_loop3A_773 : i32 to index
      %parallel_loop3A_781 = tpu.vector_load %arg22[%parallel_loop3A_780] {strides = array<i32>} : memref<10000xf32, #tpu.memory_space<vmem>>, vector<16xf32>,
      tpu.vector_store %arg22[%parallel_loop3A_780], %broadcast_in_dim3A_1 {strides = array<i32>} : memref<10000xf32, #tpu.memory_space<vmem>>, vector<16xf32>,
    } {sc.loop_unroll_factor = 8 : i64, sc.parallel_access}
    %parallel_loop3A_752 = arith.constant 0 : i32
    %parallel_loop3A_753 = arith.constant 10000 : i32
    %parallel_loop3A_754 = arith.constant 16 : i32
    scf.for %parallel_loop3A_773 = %parallel_loop3A_752 to %parallel_loop3A_753 step %parallel_loop3A_754  : i32 {
      %parallel_loop3A_774 = arith.index_cast %parallel_loop3A_773 : i32 to index
      %parallel_loop3A_775 = tpu.vector_load %arg11[%parallel_loop3A_774] {strides = array<i32>} : memref<10000xi32, #tpu.memory_space<vmem>>, vector<16xi32>,
      %parallel_loop3A_776 = arith.index_cast %parallel_loop3A_773 : i32 to index
      %parallel_loop3A_777 = tpu.vector_load %arg12[%parallel_loop3A_776] {strides = array<i32>} : memref<10000xi32, #tpu.memory_space<vmem>>, vector<16xi32>,
      %parallel_loop3A_778 = arith.index_cast %parallel_loop3A_773 : i32 to index
      %parallel_loop3A_779 = tpu.vector_load %arg10[%parallel_loop3A_778] {strides = array<i32>} : memref<10000xf32, #tpu.memory_space<vmem>>, vector<16xf32>,
      %parallel_loop3A_780 = tpu.vector_load_idx %arg15[%parallel_loop3A_775] : memref<10000xf32, #tpu.memory_space<vmem>>[vector<16xi32>], vector<16xf32>,
      %parallel_loop3A_781 = arith.mulf %parallel_loop3A_780, %parallel_loop3A_779 : vector<16xf32>
      tpu.vector_store_idx %arg19[%parallel_loop3A_777], %parallel_loop3A_781 {add = true} : memref<10000xf32, #tpu.memory_space<vmem>>[vector<16xi32>], vector<16xf32>,
      %parallel_loop3A_782 = tpu.vector_load_idx %arg16[%parallel_loop3A_775] : memref<10000xf32, #tpu.memory_space<vmem>>[vector<16xi32>], vector<16xf32>,
      %parallel_loop3A_783 = arith.mulf %parallel_loop3A_782, %parallel_loop3A_779 : vector<16xf32>
      tpu.vector_store_idx %arg20[%parallel_loop3A_777], %parallel_loop3A_783 {add = true} : memref<10000xf32, #tpu.memory_space<vmem>>[vector<16xi32>], vector<16xf32>,
      %parallel_loop3A_784 = tpu.vector_load_idx %arg17[%parallel_loop3A_775] : memref<10000xf32, #tpu.memory_space<vmem>>[vector<16xi32>], vector<16xf32>,
      %parallel_loop3A_785 = arith.mulf %parallel_loop3A_784, %parallel_loop3A_779 : vector<16xf32>
      tpu.vector_store_idx %arg21[%parallel_loop3A_777], %parallel_loop3A_785 {add = true} : memref<10000xf32, #tpu.memory_space<vmem>>[vector<16xi32>], vector<16xf32>,
      %parallel_loop3A_786 = tpu.vector_load_idx %arg18[%parallel_loop3A_775] : memref<10000xf32, #tpu.memory_space<vmem>>[vector<16xi32>], vector<16xf32>,
      %parallel_loop3A_787 = arith.mulf %parallel_loop3A_786, %parallel_loop3A_779 : vector<16xf32>
      tpu.vector_store_idx %arg22[%parallel_loop3A_777], %parallel_loop3A_787 {add = true} : memref<10000xf32, #tpu.memory_space<vmem>>[vector<16xi32>], vector<16xf32>,
    } {sc.loop_unroll_factor = 8 : i64, sc.parallel_access}
    %run_scoped3A_755 = arith.constant 8 : i32
    "tpu.region"() ({
      %run_scoped3A_773 = tpu.sem_alloc : memref<!tpu.dma_semaphore, #tpu.memory_space<semaphore_mem>>
      %dma_start3A_774 = arith.constant 0 : i32
      %dma_start3A_775 = tpu.memref_slice %arg5[%add3A, %run_scoped3A_755, %dma_start3A_774] : memref<32x16x10000xf32, #tpu.memory_space<hbm>> -> memref<1x1x10000xf32, #tpu.memory_space<hbm>>
      %dma_start3A_776 = tpu.memref_squeeze %dma_start3A_775 : memref<1x1x10000xf32, #tpu.memory_space<hbm>> -> memref<10000xf32, #tpu.memory_space<hbm>>
      %dma_start3A_777 = arith.constant 0 : i32
      %dma_start3A_778 = tpu.memref_slice %arg5[%add3A, %run_scoped3A_755, %dma_start3A_777] : memref<32x16x10000xf32, #tpu.memory_space<hbm>> -> memref<1x1x10000xf32, #tpu.memory_space<hbm>>
      %dma_start3A_779 = tpu.memref_squeeze %dma_start3A_778 : memref<1x1x10000xf32, #tpu.memory_space<hbm>> -> memref<10000xf32, #tpu.memory_space<hbm>>
      tpu.enqueue_dma source(%arg19 : memref<10000xf32, #tpu.memory_space<vmem>>) target(%dma_start3A_779 : memref<10000xf32, #tpu.memory_space<hbm>>) target_semaphore(%run_scoped3A_773 : memref<!tpu.dma_semaphore, #tpu.memory_space<semaphore_mem>>)
      %dma_wait3A_780 = arith.constant 0 : i32
      %dma_wait3A_781 = tpu.memref_slice %arg5[%add3A, %run_scoped3A_755, %dma_wait3A_780] : memref<32x16x10000xf32, #tpu.memory_space<hbm>> -> memref<1x1x10000xf32, #tpu.memory_space<hbm>>
      %dma_wait3A_782 = tpu.memref_squeeze %dma_wait3A_781 : memref<1x1x10000xf32, #tpu.memory_space<hbm>> -> memref<10000xf32, #tpu.memory_space<hbm>>
      %dma_wait3A_783 = arith.constant 0 : i32
      %dma_wait3A_784 = tpu.memref_slice %arg5[%add3A, %run_scoped3A_755, %dma_wait3A_783] : memref<32x16x10000xf32, #tpu.memory_space<hbm>> -> memref<1x1x10000xf32, #tpu.memory_space<hbm>>
      %dma_wait3A_785 = tpu.memref_squeeze %dma_wait3A_784 : memref<1x1x10000xf32, #tpu.memory_space<hbm>> -> memref<10000xf32, #tpu.memory_space<hbm>>
      tpu.wait_dma2 semaphore(%run_scoped3A_773 : memref<!tpu.dma_semaphore, #tpu.memory_space<semaphore_mem>>) src(%arg19 : memref<10000xf32, #tpu.memory_space<vmem>>) dst(%dma_wait3A_785 : memref<10000xf32, #tpu.memory_space<hbm>>)
      tpu.yield
    }) : () -> ()
    %run_scoped3A_756 = arith.constant 9 : i32
    "tpu.region"() ({
      %run_scoped3A_773 = tpu.sem_alloc : memref<!tpu.dma_semaphore, #tpu.memory_space<semaphore_mem>>
      %dma_start3A_774 = arith.constant 0 : i32
      %dma_start3A_775 = tpu.memref_slice %arg5[%add3A, %run_scoped3A_756, %dma_start3A_774] : memref<32x16x10000xf32, #tpu.memory_space<hbm>> -> memref<1x1x10000xf32, #tpu.memory_space<hbm>>
      %dma_start3A_776 = tpu.memref_squeeze %dma_start3A_775 : memref<1x1x10000xf32, #tpu.memory_space<hbm>> -> memref<10000xf32, #tpu.memory_space<hbm>>
      %dma_start3A_777 = arith.constant 0 : i32
      %dma_start3A_778 = tpu.memref_slice %arg5[%add3A, %run_scoped3A_756, %dma_start3A_777] : memref<32x16x10000xf32, #tpu.memory_space<hbm>> -> memref<1x1x10000xf32, #tpu.memory_space<hbm>>
      %dma_start3A_779 = tpu.memref_squeeze %dma_start3A_778 : memref<1x1x10000xf32, #tpu.memory_space<hbm>> -> memref<10000xf32, #tpu.memory_space<hbm>>
      tpu.enqueue_dma source(%arg20 : memref<10000xf32, #tpu.memory_space<vmem>>) target(%dma_start3A_779 : memref<10000xf32, #tpu.memory_space<hbm>>) target_semaphore(%run_scoped3A_773 : memref<!tpu.dma_semaphore, #tpu.memory_space<semaphore_mem>>)
      %dma_wait3A_780 = arith.constant 0 : i32
      %dma_wait3A_781 = tpu.memref_slice %arg5[%add3A, %run_scoped3A_756, %dma_wait3A_780] : memref<32x16x10000xf32, #tpu.memory_space<hbm>> -> memref<1x1x10000xf32, #tpu.memory_space<hbm>>
      %dma_wait3A_782 = tpu.memref_squeeze %dma_wait3A_781 : memref<1x1x10000xf32, #tpu.memory_space<hbm>> -> memref<10000xf32, #tpu.memory_space<hbm>>
      %dma_wait3A_783 = arith.constant 0 : i32
      %dma_wait3A_784 = tpu.memref_slice %arg5[%add3A, %run_scoped3A_756, %dma_wait3A_783] : memref<32x16x10000xf32, #tpu.memory_space<hbm>> -> memref<1x1x10000xf32, #tpu.memory_space<hbm>>
      %dma_wait3A_785 = tpu.memref_squeeze %dma_wait3A_784 : memref<1x1x10000xf32, #tpu.memory_space<hbm>> -> memref<10000xf32, #tpu.memory_space<hbm>>
      tpu.wait_dma2 semaphore(%run_scoped3A_773 : memref<!tpu.dma_semaphore, #tpu.memory_space<semaphore_mem>>) src(%arg20 : memref<10000xf32, #tpu.memory_space<vmem>>) dst(%dma_wait3A_785 : memref<10000xf32, #tpu.memory_space<hbm>>)
      tpu.yield
    }) : () -> ()
    %run_scoped3A_757 = arith.constant 10 : i32
    "tpu.region"() ({
      %run_scoped3A_773 = tpu.sem_alloc : memref<!tpu.dma_semaphore, #tpu.memory_space<semaphore_mem>>
      %dma_start3A_774 = arith.constant 0 : i32
      %dma_start3A_775 = tpu.memref_slice %arg5[%add3A, %run_scoped3A_757, %dma_start3A_774] : memref<32x16x10000xf32, #tpu.memory_space<hbm>> -> memref<1x1x10000xf32, #tpu.memory_space<hbm>>
      %dma_start3A_776 = tpu.memref_squeeze %dma_start3A_775 : memref<1x1x10000xf32, #tpu.memory_space<hbm>> -> memref<10000xf32, #tpu.memory_space<hbm>>
      %dma_start3A_777 = arith.constant 0 : i32
      %dma_start3A_778 = tpu.memref_slice %arg5[%add3A, %run_scoped3A_757, %dma_start3A_777] : memref<32x16x10000xf32, #tpu.memory_space<hbm>> -> memref<1x1x10000xf32, #tpu.memory_space<hbm>>
      %dma_start3A_779 = tpu.memref_squeeze %dma_start3A_778 : memref<1x1x10000xf32, #tpu.memory_space<hbm>> -> memref<10000xf32, #tpu.memory_space<hbm>>
      tpu.enqueue_dma source(%arg21 : memref<10000xf32, #tpu.memory_space<vmem>>) target(%dma_start3A_779 : memref<10000xf32, #tpu.memory_space<hbm>>) target_semaphore(%run_scoped3A_773 : memref<!tpu.dma_semaphore, #tpu.memory_space<semaphore_mem>>)
      %dma_wait3A_780 = arith.constant 0 : i32
      %dma_wait3A_781 = tpu.memref_slice %arg5[%add3A, %run_scoped3A_757, %dma_wait3A_780] : memref<32x16x10000xf32, #tpu.memory_space<hbm>> -> memref<1x1x10000xf32, #tpu.memory_space<hbm>>
      %dma_wait3A_782 = tpu.memref_squeeze %dma_wait3A_781 : memref<1x1x10000xf32, #tpu.memory_space<hbm>> -> memref<10000xf32, #tpu.memory_space<hbm>>
      %dma_wait3A_783 = arith.constant 0 : i32
      %dma_wait3A_784 = tpu.memref_slice %arg5[%add3A, %run_scoped3A_757, %dma_wait3A_783] : memref<32x16x10000xf32, #tpu.memory_space<hbm>> -> memref<1x1x10000xf32, #tpu.memory_space<hbm>>
      %dma_wait3A_785 = tpu.memref_squeeze %dma_wait3A_784 : memref<1x1x10000xf32, #tpu.memory_space<hbm>> -> memref<10000xf32, #tpu.memory_space<hbm>>
      tpu.wait_dma2 semaphore(%run_scoped3A_773 : memref<!tpu.dma_semaphore, #tpu.memory_space<semaphore_mem>>) src(%arg21 : memref<10000xf32, #tpu.memory_space<vmem>>) dst(%dma_wait3A_785 : memref<10000xf32, #tpu.memory_space<hbm>>)
      tpu.yield
    }) : () -> ()
    %run_scoped3A_758 = arith.constant 11 : i32
    "tpu.region"() ({
      %run_scoped3A_773 = tpu.sem_alloc : memref<!tpu.dma_semaphore, #tpu.memory_space<semaphore_mem>>
      %dma_start3A_774 = arith.constant 0 : i32
      %dma_start3A_775 = tpu.memref_slice %arg5[%add3A, %run_scoped3A_758, %dma_start3A_774] : memref<32x16x10000xf32, #tpu.memory_space<hbm>> -> memref<1x1x10000xf32, #tpu.memory_space<hbm>>
      %dma_start3A_776 = tpu.memref_squeeze %dma_start3A_775 : memref<1x1x10000xf32, #tpu.memory_space<hbm>> -> memref<10000xf32, #tpu.memory_space<hbm>>
      %dma_start3A_777 = arith.constant 0 : i32
      %dma_start3A_778 = tpu.memref_slice %arg5[%add3A, %run_scoped3A_758, %dma_start3A_777] : memref<32x16x10000xf32, #tpu.memory_space<hbm>> -> memref<1x1x10000xf32, #tpu.memory_space<hbm>>
      %dma_start3A_779 = tpu.memref_squeeze %dma_start3A_778 : memref<1x1x10000xf32, #tpu.memory_space<hbm>> -> memref<10000xf32, #tpu.memory_space<hbm>>
      tpu.enqueue_dma source(%arg22 : memref<10000xf32, #tpu.memory_space<vmem>>) target(%dma_start3A_779 : memref<10000xf32, #tpu.memory_space<hbm>>) target_semaphore(%run_scoped3A_773 : memref<!tpu.dma_semaphore, #tpu.memory_space<semaphore_mem>>)
      %dma_wait3A_780 = arith.constant 0 : i32
      %dma_wait3A_781 = tpu.memref_slice %arg5[%add3A, %run_scoped3A_758, %dma_wait3A_780] : memref<32x16x10000xf32, #tpu.memory_space<hbm>> -> memref<1x1x10000xf32, #tpu.memory_space<hbm>>
      %dma_wait3A_782 = tpu.memref_squeeze %dma_wait3A_781 : memref<1x1x10000xf32, #tpu.memory_space<hbm>> -> memref<10000xf32, #tpu.memory_space<hbm>>
      %dma_wait3A_783 = arith.constant 0 : i32
      %dma_wait3A_784 = tpu.memref_slice %arg5[%add3A, %run_scoped3A_758, %dma_wait3A_783] : memref<32x16x10000xf32, #tpu.memory_space<hbm>> -> memref<1x1x10000xf32, #tpu.memory_space<hbm>>
      %dma_wait3A_785 = tpu.memref_squeeze %dma_wait3A_784 : memref<1x1x10000xf32, #tpu.memory_space<hbm>> -> memref<10000xf32, #tpu.memory_space<hbm>>
      tpu.wait_dma2 semaphore(%run_scoped3A_773 : memref<!tpu.dma_semaphore, #tpu.memory_space<semaphore_mem>>) src(%arg22 : memref<10000xf32, #tpu.memory_space<vmem>>) dst(%dma_wait3A_785 : memref<10000xf32, #tpu.memory_space<hbm>>)
      tpu.yield
    }) : () -> ()
    %run_scoped3A_759 = arith.constant 12 : i32
    "tpu.region"() ({
      %run_scoped3A_773 = tpu.sem_alloc : memref<!tpu.dma_semaphore, #tpu.memory_space<semaphore_mem>>
      %dma_start3A_774 = arith.constant 0 : i32
      %dma_start3A_775 = tpu.memref_slice %arg4[%run_scoped3A_759, %dma_start3A_774] : memref<16x10000xf32, #tpu.memory_space<hbm>> -> memref<1x10000xf32, #tpu.memory_space<hbm>>
      %dma_start3A_776 = tpu.memref_squeeze %dma_start3A_775 : memref<1x10000xf32, #tpu.memory_space<hbm>> -> memref<10000xf32, #tpu.memory_space<hbm>>
      %dma_start3A_777 = arith.constant 0 : i32
      %dma_start3A_778 = tpu.memref_slice %arg4[%run_scoped3A_759, %dma_start3A_777] : memref<16x10000xf32, #tpu.memory_space<hbm>> -> memref<1x10000xf32, #tpu.memory_space<hbm>>
      %dma_start3A_779 = tpu.memref_squeeze %dma_start3A_778 : memref<1x10000xf32, #tpu.memory_space<hbm>> -> memref<10000xf32, #tpu.memory_space<hbm>>
      tpu.enqueue_dma source(%dma_start3A_779 : memref<10000xf32, #tpu.memory_space<hbm>>) target(%arg15 : memref<10000xf32, #tpu.memory_space<vmem>>) target_semaphore(%run_scoped3A_773 : memref<!tpu.dma_semaphore, #tpu.memory_space<semaphore_mem>>)
      %dma_wait3A_780 = arith.constant 0 : i32
      %dma_wait3A_781 = tpu.memref_slice %arg4[%run_scoped3A_759, %dma_wait3A_780] : memref<16x10000xf32, #tpu.memory_space<hbm>> -> memref<1x10000xf32, #tpu.memory_space<hbm>>
      %dma_wait3A_782 = tpu.memref_squeeze %dma_wait3A_781 : memref<1x10000xf32, #tpu.memory_space<hbm>> -> memref<10000xf32, #tpu.memory_space<hbm>>
      %dma_wait3A_783 = arith.constant 0 : i32
      %dma_wait3A_784 = tpu.memref_slice %arg4[%run_scoped3A_759, %dma_wait3A_783] : memref<16x10000xf32, #tpu.memory_space<hbm>> -> memref<1x10000xf32, #tpu.memory_space<hbm>>
      %dma_wait3A_785 = tpu.memref_squeeze %dma_wait3A_784 : memref<1x10000xf32, #tpu.memory_space<hbm>> -> memref<10000xf32, #tpu.memory_space<hbm>>
      tpu.wait_dma2 semaphore(%run_scoped3A_773 : memref<!tpu.dma_semaphore, #tpu.memory_space<semaphore_mem>>) src(%dma_wait3A_785 : memref<10000xf32, #tpu.memory_space<hbm>>) dst(%arg15 : memref<10000xf32, #tpu.memory_space<vmem>>)
      tpu.yield
    }) : () -> ()
    %run_scoped3A_760 = arith.constant 13 : i32
    "tpu.region"() ({
      %run_scoped3A_773 = tpu.sem_alloc : memref<!tpu.dma_semaphore, #tpu.memory_space<semaphore_mem>>
      %dma_start3A_774 = arith.constant 0 : i32
      %dma_start3A_775 = tpu.memref_slice %arg4[%run_scoped3A_760, %dma_start3A_774] : memref<16x10000xf32, #tpu.memory_space<hbm>> -> memref<1x10000xf32, #tpu.memory_space<hbm>>
      %dma_start3A_776 = tpu.memref_squeeze %dma_start3A_775 : memref<1x10000xf32, #tpu.memory_space<hbm>> -> memref<10000xf32, #tpu.memory_space<hbm>>
      %dma_start3A_777 = arith.constant 0 : i32
      %dma_start3A_778 = tpu.memref_slice %arg4[%run_scoped3A_760, %dma_start3A_777] : memref<16x10000xf32, #tpu.memory_space<hbm>> -> memref<1x10000xf32, #tpu.memory_space<hbm>>
      %dma_start3A_779 = tpu.memref_squeeze %dma_start3A_778 : memref<1x10000xf32, #tpu.memory_space<hbm>> -> memref<10000xf32, #tpu.memory_space<hbm>>
      tpu.enqueue_dma source(%dma_start3A_779 : memref<10000xf32, #tpu.memory_space<hbm>>) target(%arg16 : memref<10000xf32, #tpu.memory_space<vmem>>) target_semaphore(%run_scoped3A_773 : memref<!tpu.dma_semaphore, #tpu.memory_space<semaphore_mem>>)
      %dma_wait3A_780 = arith.constant 0 : i32
      %dma_wait3A_781 = tpu.memref_slice %arg4[%run_scoped3A_760, %dma_wait3A_780] : memref<16x10000xf32, #tpu.memory_space<hbm>> -> memref<1x10000xf32, #tpu.memory_space<hbm>>
      %dma_wait3A_782 = tpu.memref_squeeze %dma_wait3A_781 : memref<1x10000xf32, #tpu.memory_space<hbm>> -> memref<10000xf32, #tpu.memory_space<hbm>>
      %dma_wait3A_783 = arith.constant 0 : i32
      %dma_wait3A_784 = tpu.memref_slice %arg4[%run_scoped3A_760, %dma_wait3A_783] : memref<16x10000xf32, #tpu.memory_space<hbm>> -> memref<1x10000xf32, #tpu.memory_space<hbm>>
      %dma_wait3A_785 = tpu.memref_squeeze %dma_wait3A_784 : memref<1x10000xf32, #tpu.memory_space<hbm>> -> memref<10000xf32, #tpu.memory_space<hbm>>
      tpu.wait_dma2 semaphore(%run_scoped3A_773 : memref<!tpu.dma_semaphore, #tpu.memory_space<semaphore_mem>>) src(%dma_wait3A_785 : memref<10000xf32, #tpu.memory_space<hbm>>) dst(%arg16 : memref<10000xf32, #tpu.memory_space<vmem>>)
      tpu.yield
    }) : () -> ()
    %run_scoped3A_761 = arith.constant 14 : i32
    "tpu.region"() ({
      %run_scoped3A_773 = tpu.sem_alloc : memref<!tpu.dma_semaphore, #tpu.memory_space<semaphore_mem>>
      %dma_start3A_774 = arith.constant 0 : i32
      %dma_start3A_775 = tpu.memref_slice %arg4[%run_scoped3A_761, %dma_start3A_774] : memref<16x10000xf32, #tpu.memory_space<hbm>> -> memref<1x10000xf32, #tpu.memory_space<hbm>>
      %dma_start3A_776 = tpu.memref_squeeze %dma_start3A_775 : memref<1x10000xf32, #tpu.memory_space<hbm>> -> memref<10000xf32, #tpu.memory_space<hbm>>
      %dma_start3A_777 = arith.constant 0 : i32
      %dma_start3A_778 = tpu.memref_slice %arg4[%run_scoped3A_761, %dma_start3A_777] : memref<16x10000xf32, #tpu.memory_space<hbm>> -> memref<1x10000xf32, #tpu.memory_space<hbm>>
      %dma_start3A_779 = tpu.memref_squeeze %dma_start3A_778 : memref<1x10000xf32, #tpu.memory_space<hbm>> -> memref<10000xf32, #tpu.memory_space<hbm>>
      tpu.enqueue_dma source(%dma_start3A_779 : memref<10000xf32, #tpu.memory_space<hbm>>) target(%arg17 : memref<10000xf32, #tpu.memory_space<vmem>>) target_semaphore(%run_scoped3A_773 : memref<!tpu.dma_semaphore, #tpu.memory_space<semaphore_mem>>)
      %dma_wait3A_780 = arith.constant 0 : i32
      %dma_wait3A_781 = tpu.memref_slice %arg4[%run_scoped3A_761, %dma_wait3A_780] : memref<16x10000xf32, #tpu.memory_space<hbm>> -> memref<1x10000xf32, #tpu.memory_space<hbm>>
      %dma_wait3A_782 = tpu.memref_squeeze %dma_wait3A_781 : memref<1x10000xf32, #tpu.memory_space<hbm>> -> memref<10000xf32, #tpu.memory_space<hbm>>
      %dma_wait3A_783 = arith.constant 0 : i32
      %dma_wait3A_784 = tpu.memref_slice %arg4[%run_scoped3A_761, %dma_wait3A_783] : memref<16x10000xf32, #tpu.memory_space<hbm>> -> memref<1x10000xf32, #tpu.memory_space<hbm>>
      %dma_wait3A_785 = tpu.memref_squeeze %dma_wait3A_784 : memref<1x10000xf32, #tpu.memory_space<hbm>> -> memref<10000xf32, #tpu.memory_space<hbm>>
      tpu.wait_dma2 semaphore(%run_scoped3A_773 : memref<!tpu.dma_semaphore, #tpu.memory_space<semaphore_mem>>) src(%dma_wait3A_785 : memref<10000xf32, #tpu.memory_space<hbm>>) dst(%arg17 : memref<10000xf32, #tpu.memory_space<vmem>>)
      tpu.yield
    }) : () -> ()
    %run_scoped3A_762 = arith.constant 15 : i32
    "tpu.region"() ({
      %run_scoped3A_773 = tpu.sem_alloc : memref<!tpu.dma_semaphore, #tpu.memory_space<semaphore_mem>>
      %dma_start3A_774 = arith.constant 0 : i32
      %dma_start3A_775 = tpu.memref_slice %arg4[%run_scoped3A_762, %dma_start3A_774] : memref<16x10000xf32, #tpu.memory_space<hbm>> -> memref<1x10000xf32, #tpu.memory_space<hbm>>
      %dma_start3A_776 = tpu.memref_squeeze %dma_start3A_775 : memref<1x10000xf32, #tpu.memory_space<hbm>> -> memref<10000xf32, #tpu.memory_space<hbm>>
      %dma_start3A_777 = arith.constant 0 : i32
      %dma_start3A_778 = tpu.memref_slice %arg4[%run_scoped3A_762, %dma_start3A_777] : memref<16x10000xf32, #tpu.memory_space<hbm>> -> memref<1x10000xf32, #tpu.memory_space<hbm>>
      %dma_start3A_779 = tpu.memref_squeeze %dma_start3A_778 : memref<1x10000xf32, #tpu.memory_space<hbm>> -> memref<10000xf32, #tpu.memory_space<hbm>>
      tpu.enqueue_dma source(%dma_start3A_779 : memref<10000xf32, #tpu.memory_space<hbm>>) target(%arg18 : memref<10000xf32, #tpu.memory_space<vmem>>) target_semaphore(%run_scoped3A_773 : memref<!tpu.dma_semaphore, #tpu.memory_space<semaphore_mem>>)
      %dma_wait3A_780 = arith.constant 0 : i32
      %dma_wait3A_781 = tpu.memref_slice %arg4[%run_scoped3A_762, %dma_wait3A_780] : memref<16x10000xf32, #tpu.memory_space<hbm>> -> memref<1x10000xf32, #tpu.memory_space<hbm>>
      %dma_wait3A_782 = tpu.memref_squeeze %dma_wait3A_781 : memref<1x10000xf32, #tpu.memory_space<hbm>> -> memref<10000xf32, #tpu.memory_space<hbm>>
      %dma_wait3A_783 = arith.constant 0 : i32
      %dma_wait3A_784 = tpu.memref_slice %arg4[%run_scoped3A_762, %dma_wait3A_783] : memref<16x10000xf32, #tpu.memory_space<hbm>> -> memref<1x10000xf32, #tpu.memory_space<hbm>>
      %dma_wait3A_785 = tpu.memref_squeeze %dma_wait3A_784 : memref<1x10000xf32, #tpu.memory_space<hbm>> -> memref<10000xf32, #tpu.memory_space<hbm>>
      tpu.wait_dma2 semaphore(%run_scoped3A_773 : memref<!tpu.dma_semaphore, #tpu.memory_space<semaphore_mem>>) src(%dma_wait3A_785 : memref<10000xf32, #tpu.memory_space<hbm>>) dst(%arg18 : memref<10000xf32, #tpu.memory_space<vmem>>)
      tpu.yield
    }) : () -> ()
    %parallel_loop3A_763 = arith.constant 0 : i32
    %parallel_loop3A_764 = arith.constant 10000 : i32
    %parallel_loop3A_765 = arith.constant 16 : i32
    scf.for %parallel_loop3A_773 = %parallel_loop3A_763 to %parallel_loop3A_764 step %parallel_loop3A_765  : i32 {
      %parallel_loop3A_774 = arith.index_cast %parallel_loop3A_773 : i32 to index
      %parallel_loop3A_775 = tpu.vector_load %arg19[%parallel_loop3A_774] {strides = array<i32>} : memref<10000xf32, #tpu.memory_space<vmem>>, vector<16xf32>,
      tpu.vector_store %arg19[%parallel_loop3A_774], %broadcast_in_dim3A_1 {strides = array<i32>} : memref<10000xf32, #tpu.memory_space<vmem>>, vector<16xf32>,
      %parallel_loop3A_776 = arith.index_cast %parallel_loop3A_773 : i32 to index
      %parallel_loop3A_777 = tpu.vector_load %arg20[%parallel_loop3A_776] {strides = array<i32>} : memref<10000xf32, #tpu.memory_space<vmem>>, vector<16xf32>,
      tpu.vector_store %arg20[%parallel_loop3A_776], %broadcast_in_dim3A_1 {strides = array<i32>} : memref<10000xf32, #tpu.memory_space<vmem>>, vector<16xf32>,
      %parallel_loop3A_778 = arith.index_cast %parallel_loop3A_773 : i32 to index
      %parallel_loop3A_779 = tpu.vector_load %arg21[%parallel_loop3A_778] {strides = array<i32>} : memref<10000xf32, #tpu.memory_space<vmem>>, vector<16xf32>,
      tpu.vector_store %arg21[%parallel_loop3A_778], %broadcast_in_dim3A_1 {strides = array<i32>} : memref<10000xf32, #tpu.memory_space<vmem>>, vector<16xf32>,
      %parallel_loop3A_780 = arith.index_cast %parallel_loop3A_773 : i32 to index
      %parallel_loop3A_781 = tpu.vector_load %arg22[%parallel_loop3A_780] {strides = array<i32>} : memref<10000xf32, #tpu.memory_space<vmem>>, vector<16xf32>,
      tpu.vector_store %arg22[%parallel_loop3A_780], %broadcast_in_dim3A_1 {strides = array<i32>} : memref<10000xf32, #tpu.memory_space<vmem>>, vector<16xf32>,
    } {sc.loop_unroll_factor = 8 : i64, sc.parallel_access}
    %parallel_loop3A_766 = arith.constant 0 : i32
    %parallel_loop3A_767 = arith.constant 10000 : i32
    %parallel_loop3A_768 = arith.constant 16 : i32
    scf.for %parallel_loop3A_773 = %parallel_loop3A_766 to %parallel_loop3A_767 step %parallel_loop3A_768  : i32 {
      %parallel_loop3A_774 = arith.index_cast %parallel_loop3A_773 : i32 to index
      %parallel_loop3A_775 = tpu.vector_load %arg11[%parallel_loop3A_774] {strides = array<i32>} : memref<10000xi32, #tpu.memory_space<vmem>>, vector<16xi32>,
      %parallel_loop3A_776 = arith.index_cast %parallel_loop3A_773 : i32 to index
      %parallel_loop3A_777 = tpu.vector_load %arg12[%parallel_loop3A_776] {strides = array<i32>} : memref<10000xi32, #tpu.memory_space<vmem>>, vector<16xi32>,
      %parallel_loop3A_778 = arith.index_cast %parallel_loop3A_773 : i32 to index
      %parallel_loop3A_779 = tpu.vector_load %arg10[%parallel_loop3A_778] {strides = array<i32>} : memref<10000xf32, #tpu.memory_space<vmem>>, vector<16xf32>,
      %parallel_loop3A_780 = tpu.vector_load_idx %arg15[%parallel_loop3A_775] : memref<10000xf32, #tpu.memory_space<vmem>>[vector<16xi32>], vector<16xf32>,
      %parallel_loop3A_781 = arith.mulf %parallel_loop3A_780, %parallel_loop3A_779 : vector<16xf32>
      tpu.vector_store_idx %arg19[%parallel_loop3A_777], %parallel_loop3A_781 {add = true} : memref<10000xf32, #tpu.memory_space<vmem>>[vector<16xi32>], vector<16xf32>,
      %parallel_loop3A_782 = tpu.vector_load_idx %arg16[%parallel_loop3A_775] : memref<10000xf32, #tpu.memory_space<vmem>>[vector<16xi32>], vector<16xf32>,
      %parallel_loop3A_783 = arith.mulf %parallel_loop3A_782, %parallel_loop3A_779 : vector<16xf32>
      tpu.vector_store_idx %arg20[%parallel_loop3A_777], %parallel_loop3A_783 {add = true} : memref<10000xf32, #tpu.memory_space<vmem>>[vector<16xi32>], vector<16xf32>,
      %parallel_loop3A_784 = tpu.vector_load_idx %arg17[%parallel_loop3A_775] : memref<10000xf32, #tpu.memory_space<vmem>>[vector<16xi32>], vector<16xf32>,
      %parallel_loop3A_785 = arith.mulf %parallel_loop3A_784, %parallel_loop3A_779 : vector<16xf32>
      tpu.vector_store_idx %arg21[%parallel_loop3A_777], %parallel_loop3A_785 {add = true} : memref<10000xf32, #tpu.memory_space<vmem>>[vector<16xi32>], vector<16xf32>,
      %parallel_loop3A_786 = tpu.vector_load_idx %arg18[%parallel_loop3A_775] : memref<10000xf32, #tpu.memory_space<vmem>>[vector<16xi32>], vector<16xf32>,
      %parallel_loop3A_787 = arith.mulf %parallel_loop3A_786, %parallel_loop3A_779 : vector<16xf32>
      tpu.vector_store_idx %arg22[%parallel_loop3A_777], %parallel_loop3A_787 {add = true} : memref<10000xf32, #tpu.memory_space<vmem>>[vector<16xi32>], vector<16xf32>,
    } {sc.loop_unroll_factor = 8 : i64, sc.parallel_access}
    %run_scoped3A_769 = arith.constant 12 : i32
    "tpu.region"() ({
      %run_scoped3A_773 = tpu.sem_alloc : memref<!tpu.dma_semaphore, #tpu.memory_space<semaphore_mem>>
      %dma_start3A_774 = arith.constant 0 : i32
      %dma_start3A_775 = tpu.memref_slice %arg5[%add3A, %run_scoped3A_769, %dma_start3A_774] : memref<32x16x10000xf32, #tpu.memory_space<hbm>> -> memref<1x1x10000xf32, #tpu.memory_space<hbm>>
      %dma_start3A_776 = tpu.memref_squeeze %dma_start3A_775 : memref<1x1x10000xf32, #tpu.memory_space<hbm>> -> memref<10000xf32, #tpu.memory_space<hbm>>
      %dma_start3A_777 = arith.constant 0 : i32
      %dma_start3A_778 = tpu.memref_slice %arg5[%add3A, %run_scoped3A_769, %dma_start3A_777] : memref<32x16x10000xf32, #tpu.memory_space<hbm>> -> memref<1x1x10000xf32, #tpu.memory_space<hbm>>
      %dma_start3A_779 = tpu.memref_squeeze %dma_start3A_778 : memref<1x1x10000xf32, #tpu.memory_space<hbm>> -> memref<10000xf32, #tpu.memory_space<hbm>>
      tpu.enqueue_dma source(%arg19 : memref<10000xf32, #tpu.memory_space<vmem>>) target(%dma_start3A_779 : memref<10000xf32, #tpu.memory_space<hbm>>) target_semaphore(%run_scoped3A_773 : memref<!tpu.dma_semaphore, #tpu.memory_space<semaphore_mem>>)
      %dma_wait3A_780 = arith.constant 0 : i32
      %dma_wait3A_781 = tpu.memref_slice %arg5[%add3A, %run_scoped3A_769, %dma_wait3A_780] : memref<32x16x10000xf32, #tpu.memory_space<hbm>> -> memref<1x1x10000xf32, #tpu.memory_space<hbm>>
      %dma_wait3A_782 = tpu.memref_squeeze %dma_wait3A_781 : memref<1x1x10000xf32, #tpu.memory_space<hbm>> -> memref<10000xf32, #tpu.memory_space<hbm>>
      %dma_wait3A_783 = arith.constant 0 : i32
      %dma_wait3A_784 = tpu.memref_slice %arg5[%add3A, %run_scoped3A_769, %dma_wait3A_783] : memref<32x16x10000xf32, #tpu.memory_space<hbm>> -> memref<1x1x10000xf32, #tpu.memory_space<hbm>>
      %dma_wait3A_785 = tpu.memref_squeeze %dma_wait3A_784 : memref<1x1x10000xf32, #tpu.memory_space<hbm>> -> memref<10000xf32, #tpu.memory_space<hbm>>
      tpu.wait_dma2 semaphore(%run_scoped3A_773 : memref<!tpu.dma_semaphore, #tpu.memory_space<semaphore_mem>>) src(%arg19 : memref<10000xf32, #tpu.memory_space<vmem>>) dst(%dma_wait3A_785 : memref<10000xf32, #tpu.memory_space<hbm>>)
      tpu.yield
    }) : () -> ()
    %run_scoped3A_770 = arith.constant 13 : i32
    "tpu.region"() ({
      %run_scoped3A_773 = tpu.sem_alloc : memref<!tpu.dma_semaphore, #tpu.memory_space<semaphore_mem>>
      %dma_start3A_774 = arith.constant 0 : i32
      %dma_start3A_775 = tpu.memref_slice %arg5[%add3A, %run_scoped3A_770, %dma_start3A_774] : memref<32x16x10000xf32, #tpu.memory_space<hbm>> -> memref<1x1x10000xf32, #tpu.memory_space<hbm>>
      %dma_start3A_776 = tpu.memref_squeeze %dma_start3A_775 : memref<1x1x10000xf32, #tpu.memory_space<hbm>> -> memref<10000xf32, #tpu.memory_space<hbm>>
      %dma_start3A_777 = arith.constant 0 : i32
      %dma_start3A_778 = tpu.memref_slice %arg5[%add3A, %run_scoped3A_770, %dma_start3A_777] : memref<32x16x10000xf32, #tpu.memory_space<hbm>> -> memref<1x1x10000xf32, #tpu.memory_space<hbm>>
      %dma_start3A_779 = tpu.memref_squeeze %dma_start3A_778 : memref<1x1x10000xf32, #tpu.memory_space<hbm>> -> memref<10000xf32, #tpu.memory_space<hbm>>
      tpu.enqueue_dma source(%arg20 : memref<10000xf32, #tpu.memory_space<vmem>>) target(%dma_start3A_779 : memref<10000xf32, #tpu.memory_space<hbm>>) target_semaphore(%run_scoped3A_773 : memref<!tpu.dma_semaphore, #tpu.memory_space<semaphore_mem>>)
      %dma_wait3A_780 = arith.constant 0 : i32
      %dma_wait3A_781 = tpu.memref_slice %arg5[%add3A, %run_scoped3A_770, %dma_wait3A_780] : memref<32x16x10000xf32, #tpu.memory_space<hbm>> -> memref<1x1x10000xf32, #tpu.memory_space<hbm>>
      %dma_wait3A_782 = tpu.memref_squeeze %dma_wait3A_781 : memref<1x1x10000xf32, #tpu.memory_space<hbm>> -> memref<10000xf32, #tpu.memory_space<hbm>>
      %dma_wait3A_783 = arith.constant 0 : i32
      %dma_wait3A_784 = tpu.memref_slice %arg5[%add3A, %run_scoped3A_770, %dma_wait3A_783] : memref<32x16x10000xf32, #tpu.memory_space<hbm>> -> memref<1x1x10000xf32, #tpu.memory_space<hbm>>
      %dma_wait3A_785 = tpu.memref_squeeze %dma_wait3A_784 : memref<1x1x10000xf32, #tpu.memory_space<hbm>> -> memref<10000xf32, #tpu.memory_space<hbm>>
      tpu.wait_dma2 semaphore(%run_scoped3A_773 : memref<!tpu.dma_semaphore, #tpu.memory_space<semaphore_mem>>) src(%arg20 : memref<10000xf32, #tpu.memory_space<vmem>>) dst(%dma_wait3A_785 : memref<10000xf32, #tpu.memory_space<hbm>>)
      tpu.yield
    }) : () -> ()
    %run_scoped3A_771 = arith.constant 14 : i32
    "tpu.region"() ({
      %run_scoped3A_773 = tpu.sem_alloc : memref<!tpu.dma_semaphore, #tpu.memory_space<semaphore_mem>>
      %dma_start3A_774 = arith.constant 0 : i32
      %dma_start3A_775 = tpu.memref_slice %arg5[%add3A, %run_scoped3A_771, %dma_start3A_774] : memref<32x16x10000xf32, #tpu.memory_space<hbm>> -> memref<1x1x10000xf32, #tpu.memory_space<hbm>>
      %dma_start3A_776 = tpu.memref_squeeze %dma_start3A_775 : memref<1x1x10000xf32, #tpu.memory_space<hbm>> -> memref<10000xf32, #tpu.memory_space<hbm>>
      %dma_start3A_777 = arith.constant 0 : i32
      %dma_start3A_778 = tpu.memref_slice %arg5[%add3A, %run_scoped3A_771, %dma_start3A_777] : memref<32x16x10000xf32, #tpu.memory_space<hbm>> -> memref<1x1x10000xf32, #tpu.memory_space<hbm>>
      %dma_start3A_779 = tpu.memref_squeeze %dma_start3A_778 : memref<1x1x10000xf32, #tpu.memory_space<hbm>> -> memref<10000xf32, #tpu.memory_space<hbm>>
      tpu.enqueue_dma source(%arg21 : memref<10000xf32, #tpu.memory_space<vmem>>) target(%dma_start3A_779 : memref<10000xf32, #tpu.memory_space<hbm>>) target_semaphore(%run_scoped3A_773 : memref<!tpu.dma_semaphore, #tpu.memory_space<semaphore_mem>>)
      %dma_wait3A_780 = arith.constant 0 : i32
      %dma_wait3A_781 = tpu.memref_slice %arg5[%add3A, %run_scoped3A_771, %dma_wait3A_780] : memref<32x16x10000xf32, #tpu.memory_space<hbm>> -> memref<1x1x10000xf32, #tpu.memory_space<hbm>>
      %dma_wait3A_782 = tpu.memref_squeeze %dma_wait3A_781 : memref<1x1x10000xf32, #tpu.memory_space<hbm>> -> memref<10000xf32, #tpu.memory_space<hbm>>
      %dma_wait3A_783 = arith.constant 0 : i32
      %dma_wait3A_784 = tpu.memref_slice %arg5[%add3A, %run_scoped3A_771, %dma_wait3A_783] : memref<32x16x10000xf32, #tpu.memory_space<hbm>> -> memref<1x1x10000xf32, #tpu.memory_space<hbm>>
      %dma_wait3A_785 = tpu.memref_squeeze %dma_wait3A_784 : memref<1x1x10000xf32, #tpu.memory_space<hbm>> -> memref<10000xf32, #tpu.memory_space<hbm>>
      tpu.wait_dma2 semaphore(%run_scoped3A_773 : memref<!tpu.dma_semaphore, #tpu.memory_space<semaphore_mem>>) src(%arg21 : memref<10000xf32, #tpu.memory_space<vmem>>) dst(%dma_wait3A_785 : memref<10000xf32, #tpu.memory_space<hbm>>)
      tpu.yield
    }) : () -> ()
    %run_scoped3A_772 = arith.constant 15 : i32
    "tpu.region"() ({
      %run_scoped3A_773 = tpu.sem_alloc : memref<!tpu.dma_semaphore, #tpu.memory_space<semaphore_mem>>
      %dma_start3A_774 = arith.constant 0 : i32
      %dma_start3A_775 = tpu.memref_slice %arg5[%add3A, %run_scoped3A_772, %dma_start3A_774] : memref<32x16x10000xf32, #tpu.memory_space<hbm>> -> memref<1x1x10000xf32, #tpu.memory_space<hbm>>
      %dma_start3A_776 = tpu.memref_squeeze %dma_start3A_775 : memref<1x1x10000xf32, #tpu.memory_space<hbm>> -> memref<10000xf32, #tpu.memory_space<hbm>>
      %dma_start3A_777 = arith.constant 0 : i32
      %dma_start3A_778 = tpu.memref_slice %arg5[%add3A, %run_scoped3A_772, %dma_start3A_777] : memref<32x16x10000xf32, #tpu.memory_space<hbm>> -> memref<1x1x10000xf32, #tpu.memory_space<hbm>>
      %dma_start3A_779 = tpu.memref_squeeze %dma_start3A_778 : memref<1x1x10000xf32, #tpu.memory_space<hbm>> -> memref<10000xf32, #tpu.memory_space<hbm>>
      tpu.enqueue_dma source(%arg22 : memref<10000xf32, #tpu.memory_space<vmem>>) target(%dma_start3A_779 : memref<10000xf32, #tpu.memory_space<hbm>>) target_semaphore(%run_scoped3A_773 : memref<!tpu.dma_semaphore, #tpu.memory_space<semaphore_mem>>)
      %dma_wait3A_780 = arith.constant 0 : i32
      %dma_wait3A_781 = tpu.memref_slice %arg5[%add3A, %run_scoped3A_772, %dma_wait3A_780] : memref<32x16x10000xf32, #tpu.memory_space<hbm>> -> memref<1x1x10000xf32, #tpu.memory_space<hbm>>
      %dma_wait3A_782 = tpu.memref_squeeze %dma_wait3A_781 : memref<1x1x10000xf32, #tpu.memory_space<hbm>> -> memref<10000xf32, #tpu.memory_space<hbm>>
      %dma_wait3A_783 = arith.constant 0 : i32
      %dma_wait3A_784 = tpu.memref_slice %arg5[%add3A, %run_scoped3A_772, %dma_wait3A_783] : memref<32x16x10000xf32, #tpu.memory_space<hbm>> -> memref<1x1x10000xf32, #tpu.memory_space<hbm>>
      %dma_wait3A_785 = tpu.memref_squeeze %dma_wait3A_784 : memref<1x1x10000xf32, #tpu.memory_space<hbm>> -> memref<10000xf32, #tpu.memory_space<hbm>>
      tpu.wait_dma2 semaphore(%run_scoped3A_773 : memref<!tpu.dma_semaphore, #tpu.memory_space<semaphore_mem>>) src(%arg22 : memref<10000xf32, #tpu.memory_space<vmem>>) dst(%dma_wait3A_785 : memref<10000xf32, #tpu.memory_space<hbm>>)
      tpu.yield
    }) : () -> ()
    return
  }
}

#map = affine_map<(d0, d1) -> (0)>
#map1 = affine_map<(d0, d1) -> (0, 0)>
#map2 = affine_map<(d0, d1) -> (0, 0, 0)>
module attributes {stable_mosaic.version = 14 : i64} {
  func.func @sc_agg2(%arg0: i32, %arg1: i32, %arg2: memref<640000xi32, #tpu.memory_space<hbm>>, %arg3: memref<320000xf32, #tpu.memory_space<hbm>>, %arg4: memref<2x10000xf32, #tpu.memory_space<hbm>>, %arg5: memref<32x2x10000xf32, #tpu.memory_space<hbm>>, %arg6: memref<10000xf32, #tpu.memory_space<vmem>>, %arg7: memref<10000xi32, #tpu.memory_space<vmem>>, %arg8: memref<10000xi32, #tpu.memory_space<vmem>>, %arg9: memref<10000xf32, #tpu.memory_space<vmem>>, %arg10: memref<10000xf32, #tpu.memory_space<vmem>>, %arg11: memref<10000xf32, #tpu.memory_space<vmem>>, %arg12: memref<10000xf32, #tpu.memory_space<vmem>>) attributes {dimension_semantics = [#tpu.dimension_semantics<core_parallel>, #tpu.dimension_semantics<subcore_parallel>], iteration_bounds = array<i64: 2, 16>, scalar_prefetch = 0 : i64, scratch_operands = 7 : i64, tpu.core_type = #tpu.core_type<sc_vector_subcore>, window_params = [{transform_indices = #map}, {transform_indices = #map}, {transform_indices = #map1}, {transform_indices = #map2}]} {
    %mul3A = arith.constant 16 : i32
    %mul3A_0 = arith.muli %arg0, %mul3A : i32
    %add3A = arith.addi %mul3A_0, %arg1 : i32
    %mul3A_1 = arith.constant 10000 : i32
    %mul3A_2 = arith.muli %add3A, %mul3A_1 : i32
    "tpu.region"() ({
      %run_scoped3A_14 = tpu.sem_alloc : memref<!tpu.dma_semaphore, #tpu.memory_space<semaphore_mem>>
      %dma_start3A = tpu.memref_slice %arg2[%mul3A_2] : memref<640000xi32, #tpu.memory_space<hbm>> -> memref<10000xi32, #tpu.memory_space<hbm>>
      %dma_start3A_15 = tpu.memref_slice %arg2[%mul3A_2] : memref<640000xi32, #tpu.memory_space<hbm>> -> memref<10000xi32, #tpu.memory_space<hbm>>
      tpu.enqueue_dma source(%dma_start3A_15 : memref<10000xi32, #tpu.memory_space<hbm>>) target(%arg7 : memref<10000xi32, #tpu.memory_space<vmem>>) target_semaphore(%run_scoped3A_14 : memref<!tpu.dma_semaphore, #tpu.memory_space<semaphore_mem>>)
      %dma_wait3A = tpu.memref_slice %arg2[%mul3A_2] : memref<640000xi32, #tpu.memory_space<hbm>> -> memref<10000xi32, #tpu.memory_space<hbm>>
      %dma_wait3A_16 = tpu.memref_slice %arg2[%mul3A_2] : memref<640000xi32, #tpu.memory_space<hbm>> -> memref<10000xi32, #tpu.memory_space<hbm>>
      tpu.wait_dma2 semaphore(%run_scoped3A_14 : memref<!tpu.dma_semaphore, #tpu.memory_space<semaphore_mem>>) src(%dma_wait3A_16 : memref<10000xi32, #tpu.memory_space<hbm>>) dst(%arg7 : memref<10000xi32, #tpu.memory_space<vmem>>)
      tpu.yield
    }) : () -> ()
    %add3A_3 = arith.constant 320000 : i32
    %add3A_4 = arith.addi %add3A_3, %mul3A_2 : i32
    "tpu.region"() ({
      %run_scoped3A_14 = tpu.sem_alloc : memref<!tpu.dma_semaphore, #tpu.memory_space<semaphore_mem>>
      %dma_start3A = tpu.memref_slice %arg2[%add3A_4] : memref<640000xi32, #tpu.memory_space<hbm>> -> memref<10000xi32, #tpu.memory_space<hbm>>
      %dma_start3A_15 = tpu.memref_slice %arg2[%add3A_4] : memref<640000xi32, #tpu.memory_space<hbm>> -> memref<10000xi32, #tpu.memory_space<hbm>>
      tpu.enqueue_dma source(%dma_start3A_15 : memref<10000xi32, #tpu.memory_space<hbm>>) target(%arg8 : memref<10000xi32, #tpu.memory_space<vmem>>) target_semaphore(%run_scoped3A_14 : memref<!tpu.dma_semaphore, #tpu.memory_space<semaphore_mem>>)
      %dma_wait3A = tpu.memref_slice %arg2[%add3A_4] : memref<640000xi32, #tpu.memory_space<hbm>> -> memref<10000xi32, #tpu.memory_space<hbm>>
      %dma_wait3A_16 = tpu.memref_slice %arg2[%add3A_4] : memref<640000xi32, #tpu.memory_space<hbm>> -> memref<10000xi32, #tpu.memory_space<hbm>>
      tpu.wait_dma2 semaphore(%run_scoped3A_14 : memref<!tpu.dma_semaphore, #tpu.memory_space<semaphore_mem>>) src(%dma_wait3A_16 : memref<10000xi32, #tpu.memory_space<hbm>>) dst(%arg8 : memref<10000xi32, #tpu.memory_space<vmem>>)
      tpu.yield
    }) : () -> ()
    "tpu.region"() ({
      %run_scoped3A_14 = tpu.sem_alloc : memref<!tpu.dma_semaphore, #tpu.memory_space<semaphore_mem>>
      %dma_start3A = tpu.memref_slice %arg3[%mul3A_2] : memref<320000xf32, #tpu.memory_space<hbm>> -> memref<10000xf32, #tpu.memory_space<hbm>>
      %dma_start3A_15 = tpu.memref_slice %arg3[%mul3A_2] : memref<320000xf32, #tpu.memory_space<hbm>> -> memref<10000xf32, #tpu.memory_space<hbm>>
      tpu.enqueue_dma source(%dma_start3A_15 : memref<10000xf32, #tpu.memory_space<hbm>>) target(%arg6 : memref<10000xf32, #tpu.memory_space<vmem>>) target_semaphore(%run_scoped3A_14 : memref<!tpu.dma_semaphore, #tpu.memory_space<semaphore_mem>>)
      %dma_wait3A = tpu.memref_slice %arg3[%mul3A_2] : memref<320000xf32, #tpu.memory_space<hbm>> -> memref<10000xf32, #tpu.memory_space<hbm>>
      %dma_wait3A_16 = tpu.memref_slice %arg3[%mul3A_2] : memref<320000xf32, #tpu.memory_space<hbm>> -> memref<10000xf32, #tpu.memory_space<hbm>>
      tpu.wait_dma2 semaphore(%run_scoped3A_14 : memref<!tpu.dma_semaphore, #tpu.memory_space<semaphore_mem>>) src(%dma_wait3A_16 : memref<10000xf32, #tpu.memory_space<hbm>>) dst(%arg6 : memref<10000xf32, #tpu.memory_space<vmem>>)
      tpu.yield
    }) : () -> ()
    %run_scoped3A = arith.constant 0 : i32
    "tpu.region"() ({
      %run_scoped3A_14 = tpu.sem_alloc : memref<!tpu.dma_semaphore, #tpu.memory_space<semaphore_mem>>
      %dma_start3A = arith.constant 0 : i32
      %dma_start3A_15 = tpu.memref_slice %arg4[%run_scoped3A, %dma_start3A] : memref<2x10000xf32, #tpu.memory_space<hbm>> -> memref<1x10000xf32, #tpu.memory_space<hbm>>
      %dma_start3A_16 = tpu.memref_squeeze %dma_start3A_15 : memref<1x10000xf32, #tpu.memory_space<hbm>> -> memref<10000xf32, #tpu.memory_space<hbm>>
      %dma_start3A_17 = arith.constant 0 : i32
      %dma_start3A_18 = tpu.memref_slice %arg4[%run_scoped3A, %dma_start3A_17] : memref<2x10000xf32, #tpu.memory_space<hbm>> -> memref<1x10000xf32, #tpu.memory_space<hbm>>
      %dma_start3A_19 = tpu.memref_squeeze %dma_start3A_18 : memref<1x10000xf32, #tpu.memory_space<hbm>> -> memref<10000xf32, #tpu.memory_space<hbm>>
      tpu.enqueue_dma source(%dma_start3A_19 : memref<10000xf32, #tpu.memory_space<hbm>>) target(%arg9 : memref<10000xf32, #tpu.memory_space<vmem>>) target_semaphore(%run_scoped3A_14 : memref<!tpu.dma_semaphore, #tpu.memory_space<semaphore_mem>>)
      %dma_wait3A = arith.constant 0 : i32
      %dma_wait3A_20 = tpu.memref_slice %arg4[%run_scoped3A, %dma_wait3A] : memref<2x10000xf32, #tpu.memory_space<hbm>> -> memref<1x10000xf32, #tpu.memory_space<hbm>>
      %dma_wait3A_21 = tpu.memref_squeeze %dma_wait3A_20 : memref<1x10000xf32, #tpu.memory_space<hbm>> -> memref<10000xf32, #tpu.memory_space<hbm>>
      %dma_wait3A_22 = arith.constant 0 : i32
      %dma_wait3A_23 = tpu.memref_slice %arg4[%run_scoped3A, %dma_wait3A_22] : memref<2x10000xf32, #tpu.memory_space<hbm>> -> memref<1x10000xf32, #tpu.memory_space<hbm>>
      %dma_wait3A_24 = tpu.memref_squeeze %dma_wait3A_23 : memref<1x10000xf32, #tpu.memory_space<hbm>> -> memref<10000xf32, #tpu.memory_space<hbm>>
      tpu.wait_dma2 semaphore(%run_scoped3A_14 : memref<!tpu.dma_semaphore, #tpu.memory_space<semaphore_mem>>) src(%dma_wait3A_24 : memref<10000xf32, #tpu.memory_space<hbm>>) dst(%arg9 : memref<10000xf32, #tpu.memory_space<vmem>>)
      tpu.yield
    }) : () -> ()
    %run_scoped3A_5 = arith.constant 1 : i32
    "tpu.region"() ({
      %run_scoped3A_14 = tpu.sem_alloc : memref<!tpu.dma_semaphore, #tpu.memory_space<semaphore_mem>>
      %dma_start3A = arith.constant 0 : i32
      %dma_start3A_15 = tpu.memref_slice %arg4[%run_scoped3A_5, %dma_start3A] : memref<2x10000xf32, #tpu.memory_space<hbm>> -> memref<1x10000xf32, #tpu.memory_space<hbm>>
      %dma_start3A_16 = tpu.memref_squeeze %dma_start3A_15 : memref<1x10000xf32, #tpu.memory_space<hbm>> -> memref<10000xf32, #tpu.memory_space<hbm>>
      %dma_start3A_17 = arith.constant 0 : i32
      %dma_start3A_18 = tpu.memref_slice %arg4[%run_scoped3A_5, %dma_start3A_17] : memref<2x10000xf32, #tpu.memory_space<hbm>> -> memref<1x10000xf32, #tpu.memory_space<hbm>>
      %dma_start3A_19 = tpu.memref_squeeze %dma_start3A_18 : memref<1x10000xf32, #tpu.memory_space<hbm>> -> memref<10000xf32, #tpu.memory_space<hbm>>
      tpu.enqueue_dma source(%dma_start3A_19 : memref<10000xf32, #tpu.memory_space<hbm>>) target(%arg10 : memref<10000xf32, #tpu.memory_space<vmem>>) target_semaphore(%run_scoped3A_14 : memref<!tpu.dma_semaphore, #tpu.memory_space<semaphore_mem>>)
      %dma_wait3A = arith.constant 0 : i32
      %dma_wait3A_20 = tpu.memref_slice %arg4[%run_scoped3A_5, %dma_wait3A] : memref<2x10000xf32, #tpu.memory_space<hbm>> -> memref<1x10000xf32, #tpu.memory_space<hbm>>
      %dma_wait3A_21 = tpu.memref_squeeze %dma_wait3A_20 : memref<1x10000xf32, #tpu.memory_space<hbm>> -> memref<10000xf32, #tpu.memory_space<hbm>>
      %dma_wait3A_22 = arith.constant 0 : i32
      %dma_wait3A_23 = tpu.memref_slice %arg4[%run_scoped3A_5, %dma_wait3A_22] : memref<2x10000xf32, #tpu.memory_space<hbm>> -> memref<1x10000xf32, #tpu.memory_space<hbm>>
      %dma_wait3A_24 = tpu.memref_squeeze %dma_wait3A_23 : memref<1x10000xf32, #tpu.memory_space<hbm>> -> memref<10000xf32, #tpu.memory_space<hbm>>
      tpu.wait_dma2 semaphore(%run_scoped3A_14 : memref<!tpu.dma_semaphore, #tpu.memory_space<semaphore_mem>>) src(%dma_wait3A_24 : memref<10000xf32, #tpu.memory_space<hbm>>) dst(%arg10 : memref<10000xf32, #tpu.memory_space<vmem>>)
      tpu.yield
    }) : () -> ()
    %broadcast_in_dim3A = arith.constant 0.000000e+00 : f32
    %broadcast_in_dim3A_6 = vector.broadcast %broadcast_in_dim3A : f32 to vector<16xf32>
    %parallel_loop3A = arith.constant 0 : i32
    %parallel_loop3A_7 = arith.constant 10000 : i32
    %parallel_loop3A_8 = arith.constant 16 : i32
    scf.for %parallel_loop3A_14 = %parallel_loop3A to %parallel_loop3A_7 step %parallel_loop3A_8  : i32 {
      %parallel_loop3A_15 = arith.index_cast %parallel_loop3A_14 : i32 to index
      %parallel_loop3A_16 = tpu.vector_load %arg11[%parallel_loop3A_15] {strides = array<i32>} : memref<10000xf32, #tpu.memory_space<vmem>>, vector<16xf32>,
      tpu.vector_store %arg11[%parallel_loop3A_15], %broadcast_in_dim3A_6 {strides = array<i32>} : memref<10000xf32, #tpu.memory_space<vmem>>, vector<16xf32>,
      %parallel_loop3A_17 = arith.index_cast %parallel_loop3A_14 : i32 to index
      %parallel_loop3A_18 = tpu.vector_load %arg12[%parallel_loop3A_17] {strides = array<i32>} : memref<10000xf32, #tpu.memory_space<vmem>>, vector<16xf32>,
      tpu.vector_store %arg12[%parallel_loop3A_17], %broadcast_in_dim3A_6 {strides = array<i32>} : memref<10000xf32, #tpu.memory_space<vmem>>, vector<16xf32>,
    } {sc.loop_unroll_factor = 8 : i64, sc.parallel_access}
    %parallel_loop3A_9 = arith.constant 0 : i32
    %parallel_loop3A_10 = arith.constant 10000 : i32
    %parallel_loop3A_11 = arith.constant 16 : i32
    scf.for %parallel_loop3A_14 = %parallel_loop3A_9 to %parallel_loop3A_10 step %parallel_loop3A_11  : i32 {
      %parallel_loop3A_15 = arith.index_cast %parallel_loop3A_14 : i32 to index
      %parallel_loop3A_16 = tpu.vector_load %arg7[%parallel_loop3A_15] {strides = array<i32>} : memref<10000xi32, #tpu.memory_space<vmem>>, vector<16xi32>,
      %parallel_loop3A_17 = arith.index_cast %parallel_loop3A_14 : i32 to index
      %parallel_loop3A_18 = tpu.vector_load %arg8[%parallel_loop3A_17] {strides = array<i32>} : memref<10000xi32, #tpu.memory_space<vmem>>, vector<16xi32>,
      %parallel_loop3A_19 = arith.index_cast %parallel_loop3A_14 : i32 to index
      %parallel_loop3A_20 = tpu.vector_load %arg6[%parallel_loop3A_19] {strides = array<i32>} : memref<10000xf32, #tpu.memory_space<vmem>>, vector<16xf32>,
      %parallel_loop3A_21 = tpu.vector_load_idx %arg9[%parallel_loop3A_16] : memref<10000xf32, #tpu.memory_space<vmem>>[vector<16xi32>], vector<16xf32>,
      %parallel_loop3A_22 = arith.mulf %parallel_loop3A_21, %parallel_loop3A_20 : vector<16xf32>
      tpu.vector_store_idx %arg11[%parallel_loop3A_18], %parallel_loop3A_22 {add = true} : memref<10000xf32, #tpu.memory_space<vmem>>[vector<16xi32>], vector<16xf32>,
      %parallel_loop3A_23 = tpu.vector_load_idx %arg10[%parallel_loop3A_16] : memref<10000xf32, #tpu.memory_space<vmem>>[vector<16xi32>], vector<16xf32>,
      %parallel_loop3A_24 = arith.mulf %parallel_loop3A_23, %parallel_loop3A_20 : vector<16xf32>
      tpu.vector_store_idx %arg12[%parallel_loop3A_18], %parallel_loop3A_24 {add = true} : memref<10000xf32, #tpu.memory_space<vmem>>[vector<16xi32>], vector<16xf32>,
    } {sc.loop_unroll_factor = 8 : i64, sc.parallel_access}
    %run_scoped3A_12 = arith.constant 0 : i32
    "tpu.region"() ({
      %run_scoped3A_14 = tpu.sem_alloc : memref<!tpu.dma_semaphore, #tpu.memory_space<semaphore_mem>>
      %dma_start3A = arith.constant 0 : i32
      %dma_start3A_15 = tpu.memref_slice %arg5[%add3A, %run_scoped3A_12, %dma_start3A] : memref<32x2x10000xf32, #tpu.memory_space<hbm>> -> memref<1x1x10000xf32, #tpu.memory_space<hbm>>
      %dma_start3A_16 = tpu.memref_squeeze %dma_start3A_15 : memref<1x1x10000xf32, #tpu.memory_space<hbm>> -> memref<10000xf32, #tpu.memory_space<hbm>>
      %dma_start3A_17 = arith.constant 0 : i32
      %dma_start3A_18 = tpu.memref_slice %arg5[%add3A, %run_scoped3A_12, %dma_start3A_17] : memref<32x2x10000xf32, #tpu.memory_space<hbm>> -> memref<1x1x10000xf32, #tpu.memory_space<hbm>>
      %dma_start3A_19 = tpu.memref_squeeze %dma_start3A_18 : memref<1x1x10000xf32, #tpu.memory_space<hbm>> -> memref<10000xf32, #tpu.memory_space<hbm>>
      tpu.enqueue_dma source(%arg11 : memref<10000xf32, #tpu.memory_space<vmem>>) target(%dma_start3A_19 : memref<10000xf32, #tpu.memory_space<hbm>>) target_semaphore(%run_scoped3A_14 : memref<!tpu.dma_semaphore, #tpu.memory_space<semaphore_mem>>)
      %dma_wait3A = arith.constant 0 : i32
      %dma_wait3A_20 = tpu.memref_slice %arg5[%add3A, %run_scoped3A_12, %dma_wait3A] : memref<32x2x10000xf32, #tpu.memory_space<hbm>> -> memref<1x1x10000xf32, #tpu.memory_space<hbm>>
      %dma_wait3A_21 = tpu.memref_squeeze %dma_wait3A_20 : memref<1x1x10000xf32, #tpu.memory_space<hbm>> -> memref<10000xf32, #tpu.memory_space<hbm>>
      %dma_wait3A_22 = arith.constant 0 : i32
      %dma_wait3A_23 = tpu.memref_slice %arg5[%add3A, %run_scoped3A_12, %dma_wait3A_22] : memref<32x2x10000xf32, #tpu.memory_space<hbm>> -> memref<1x1x10000xf32, #tpu.memory_space<hbm>>
      %dma_wait3A_24 = tpu.memref_squeeze %dma_wait3A_23 : memref<1x1x10000xf32, #tpu.memory_space<hbm>> -> memref<10000xf32, #tpu.memory_space<hbm>>
      tpu.wait_dma2 semaphore(%run_scoped3A_14 : memref<!tpu.dma_semaphore, #tpu.memory_space<semaphore_mem>>) src(%arg11 : memref<10000xf32, #tpu.memory_space<vmem>>) dst(%dma_wait3A_24 : memref<10000xf32, #tpu.memory_space<hbm>>)
      tpu.yield
    }) : () -> ()
    %run_scoped3A_13 = arith.constant 1 : i32
    "tpu.region"() ({
      %run_scoped3A_14 = tpu.sem_alloc : memref<!tpu.dma_semaphore, #tpu.memory_space<semaphore_mem>>
      %dma_start3A = arith.constant 0 : i32
      %dma_start3A_15 = tpu.memref_slice %arg5[%add3A, %run_scoped3A_13, %dma_start3A] : memref<32x2x10000xf32, #tpu.memory_space<hbm>> -> memref<1x1x10000xf32, #tpu.memory_space<hbm>>
      %dma_start3A_16 = tpu.memref_squeeze %dma_start3A_15 : memref<1x1x10000xf32, #tpu.memory_space<hbm>> -> memref<10000xf32, #tpu.memory_space<hbm>>
      %dma_start3A_17 = arith.constant 0 : i32
      %dma_start3A_18 = tpu.memref_slice %arg5[%add3A, %run_scoped3A_13, %dma_start3A_17] : memref<32x2x10000xf32, #tpu.memory_space<hbm>> -> memref<1x1x10000xf32, #tpu.memory_space<hbm>>
      %dma_start3A_19 = tpu.memref_squeeze %dma_start3A_18 : memref<1x1x10000xf32, #tpu.memory_space<hbm>> -> memref<10000xf32, #tpu.memory_space<hbm>>
      tpu.enqueue_dma source(%arg12 : memref<10000xf32, #tpu.memory_space<vmem>>) target(%dma_start3A_19 : memref<10000xf32, #tpu.memory_space<hbm>>) target_semaphore(%run_scoped3A_14 : memref<!tpu.dma_semaphore, #tpu.memory_space<semaphore_mem>>)
      %dma_wait3A = arith.constant 0 : i32
      %dma_wait3A_20 = tpu.memref_slice %arg5[%add3A, %run_scoped3A_13, %dma_wait3A] : memref<32x2x10000xf32, #tpu.memory_space<hbm>> -> memref<1x1x10000xf32, #tpu.memory_space<hbm>>
      %dma_wait3A_21 = tpu.memref_squeeze %dma_wait3A_20 : memref<1x1x10000xf32, #tpu.memory_space<hbm>> -> memref<10000xf32, #tpu.memory_space<hbm>>
      %dma_wait3A_22 = arith.constant 0 : i32
      %dma_wait3A_23 = tpu.memref_slice %arg5[%add3A, %run_scoped3A_13, %dma_wait3A_22] : memref<32x2x10000xf32, #tpu.memory_space<hbm>> -> memref<1x1x10000xf32, #tpu.memory_space<hbm>>
      %dma_wait3A_24 = tpu.memref_squeeze %dma_wait3A_23 : memref<1x1x10000xf32, #tpu.memory_space<hbm>> -> memref<10000xf32, #tpu.memory_space<hbm>>
      tpu.wait_dma2 semaphore(%run_scoped3A_14 : memref<!tpu.dma_semaphore, #tpu.memory_space<semaphore_mem>>) src(%arg12 : memref<10000xf32, #tpu.memory_space<vmem>>) dst(%dma_wait3A_24 : memref<10000xf32, #tpu.memory_space<hbm>>)
      tpu.yield
    }) : () -> ()
    return
  }
}

module attributes {stable_mosaic.version = 14 : i64} {
  func.func @body(%arg0: memref<32x16x10000xf32, #tpu.memory_space<vmem>>, %arg1: memref<16x10000xf32, #tpu.memory_space<vmem>>, %arg2: memref<1x10000xf32, #tpu.memory_space<vmem>>, %arg3: memref<16x1xf32, #tpu.memory_space<vmem>>, %arg4: memref<16x2xf32, #tpu.memory_space<vmem>>, %arg5: memref<2x10000xf32, #tpu.memory_space<vmem>>) attributes {dimension_semantics = [], scalar_prefetch = 0 : i64, scratch_operands = 0 : i64, tpu.core_type = #tpu.core_type<tc>} {
    %get3A = arith.constant 0 : index
    %get3A_0 = arith.constant 0 : index
    %get3A_1 = arith.constant 0 : index
    %get3A_2 = vector.load %arg0[%get3A, %get3A_0, %get3A_1] : memref<32x16x10000xf32, #tpu.memory_space<vmem>>, vector<32x16x10000xf32>
    %reduce_sum3A = arith.constant dense<0.000000e+00> : vector<16x10000xf32>
    %reduce_sum3A_3 = vector.multi_reduction <add>, %get3A_2, %reduce_sum3A [0] : vector<32x16x10000xf32> to vector<16x10000xf32>
    %get3A_4 = arith.constant 0 : index
    %get3A_5 = arith.constant 0 : index
    %get3A_6 = vector.load %arg2[%get3A_4, %get3A_5] : memref<1x10000xf32, #tpu.memory_space<vmem>>, vector<1x10000xf32>
    %get3A_7 = arith.constant 0 : index
    %get3A_8 = arith.constant 0 : index
    %get3A_9 = vector.load %arg2[%get3A_7, %get3A_8] : memref<1x10000xf32, #tpu.memory_space<vmem>>, vector<1x10000xf32>
    %mul3A = arith.mulf %get3A_6, %get3A_9 : vector<1x10000xf32>
    %get3A_10 = arith.constant 0 : index
    %get3A_11 = arith.constant 0 : index
    %get3A_12 = vector.load %arg1[%get3A_10, %get3A_11] : memref<16x10000xf32, #tpu.memory_space<vmem>>, vector<16x10000xf32>
    %mul3A_13 = vector.broadcast %mul3A : vector<1x10000xf32> to vector<16x10000xf32>
    %mul3A_14 = arith.mulf %get3A_12, %mul3A_13 : vector<16x10000xf32>
    %add3A = arith.addf %reduce_sum3A_3, %mul3A_14 : vector<16x10000xf32>
    %get3A_15 = arith.constant 0 : index
    %get3A_16 = arith.constant 0 : index
    %get3A_17 = vector.load %arg3[%get3A_15, %get3A_16] : memref<16x1xf32, #tpu.memory_space<vmem>>, vector<16x1xf32>
    %add3A_18 = vector.broadcast %get3A_17 : vector<16x1xf32> to vector<16x10000xf32>
    %add3A_19 = arith.addf %add3A, %add3A_18 : vector<16x10000xf32>
    %max3A = arith.constant 0.000000e+00 : f32
    %max3A_20 = vector.broadcast %max3A : f32 to vector<16x10000xf32>
    %max3A_21 = arith.maximumf %add3A_19, %max3A_20 : vector<16x10000xf32>
    %get3A_22 = arith.constant 0 : index
    %get3A_23 = arith.constant 0 : index
    %get3A_24 = vector.load %arg4[%get3A_22, %get3A_23] : memref<16x2xf32, #tpu.memory_space<vmem>>, vector<16x2xf32>
    %dot_general3A = arith.constant dense<0.000000e+00> : vector<2x10000xf32>
    %dot_general3A_25 = tpu.matmul %get3A_24, %max3A_21, %dot_general3A {dimension_numbers = #tpu.dot_dimension_numbers<[0], [0], [1], [1], [0, 1, 1, 1], [], []>, transpose_lhs_hint = false} : vector<16x2xf32>, vector<16x10000xf32>, vector<2x10000xf32> -> vector<2x10000xf32>
    %swap3A = arith.constant 0 : index
    %swap3A_26 = arith.constant 0 : index
    %swap3A_27 = vector.load %arg5[%swap3A, %swap3A_26] : memref<2x10000xf32, #tpu.memory_space<vmem>>, vector<2x10000xf32>
    tpu.vector_store %arg5[%swap3A, %swap3A_26], %dot_general3A_25 {strides = array<i32>} : memref<2x10000xf32, #tpu.memory_space<vmem>>, vector<2x10000xf32>,
    return
  }
}

module attributes {stable_mosaic.version = 14 : i64} {
  func.func @body(%arg0: memref<128x16xf32, #tpu.memory_space<vmem>>, %arg1: memref<10000x128xf32, #tpu.memory_space<vmem>>, %arg2: memref<16x10000xf32, #tpu.memory_space<vmem>>) attributes {dimension_semantics = [], scalar_prefetch = 0 : i64, scratch_operands = 0 : i64, tpu.core_type = #tpu.core_type<tc>} {
    %get3A = arith.constant 0 : index
    %get3A_0 = arith.constant 0 : index
    %get3A_1 = vector.load %arg0[%get3A, %get3A_0] : memref<128x16xf32, #tpu.memory_space<vmem>>, vector<128x16xf32>
    %get3A_2 = arith.constant 0 : index
    %get3A_3 = arith.constant 0 : index
    %get3A_4 = vector.load %arg1[%get3A_2, %get3A_3] : memref<10000x128xf32, #tpu.memory_space<vmem>>, vector<10000x128xf32>
    %dot_general3A = arith.constant dense<0.000000e+00> : vector<16x10000xf32>
    %dot_general3A_5 = tpu.matmul %get3A_1, %get3A_4, %dot_general3A {dimension_numbers = #tpu.dot_dimension_numbers<[0], [1], [1], [0], [0, 1, 1, 0], [], []>, transpose_lhs_hint = false} : vector<128x16xf32>, vector<10000x128xf32>, vector<16x10000xf32> -> vector<16x10000xf32>
    %swap3A = arith.constant 0 : index
    %swap3A_6 = arith.constant 0 : index
    %swap3A_7 = vector.load %arg2[%swap3A, %swap3A_6] : memref<16x10000xf32, #tpu.memory_space<vmem>>, vector<16x10000xf32>
    tpu.vector_store %arg2[%swap3A, %swap3A_6], %dot_general3A_5 {strides = array<i32>} : memref<16x10000xf32, #tpu.memory_space<vmem>>, vector<16x10000xf32>,
    return
  }
}

module attributes {stable_mosaic.version = 14 : i64} {
  func.func @body(%arg0: memref<32x2x10000xf32, #tpu.memory_space<vmem>>, %arg1: memref<2x10000xf32, #tpu.memory_space<vmem>>, %arg2: memref<1x10000xf32, #tpu.memory_space<vmem>>, %arg3: memref<2x1xf32, #tpu.memory_space<vmem>>, %arg4: memref<2x10000xf32, #tpu.memory_space<vmem>>) attributes {dimension_semantics = [], scalar_prefetch = 0 : i64, scratch_operands = 0 : i64, tpu.core_type = #tpu.core_type<tc>} {
    %get3A = arith.constant 0 : index
    %get3A_0 = arith.constant 0 : index
    %get3A_1 = arith.constant 0 : index
    %get3A_2 = vector.load %arg0[%get3A, %get3A_0, %get3A_1] : memref<32x2x10000xf32, #tpu.memory_space<vmem>>, vector<32x2x10000xf32>
    %reduce_sum3A = arith.constant dense<0.000000e+00> : vector<2x10000xf32>
    %reduce_sum3A_3 = vector.multi_reduction <add>, %get3A_2, %reduce_sum3A [0] : vector<32x2x10000xf32> to vector<2x10000xf32>
    %get3A_4 = arith.constant 0 : index
    %get3A_5 = arith.constant 0 : index
    %get3A_6 = vector.load %arg2[%get3A_4, %get3A_5] : memref<1x10000xf32, #tpu.memory_space<vmem>>, vector<1x10000xf32>
    %get3A_7 = arith.constant 0 : index
    %get3A_8 = arith.constant 0 : index
    %get3A_9 = vector.load %arg2[%get3A_7, %get3A_8] : memref<1x10000xf32, #tpu.memory_space<vmem>>, vector<1x10000xf32>
    %mul3A = arith.mulf %get3A_6, %get3A_9 : vector<1x10000xf32>
    %get3A_10 = arith.constant 0 : index
    %get3A_11 = arith.constant 0 : index
    %get3A_12 = vector.load %arg1[%get3A_10, %get3A_11] : memref<2x10000xf32, #tpu.memory_space<vmem>>, vector<2x10000xf32>
    %mul3A_13 = vector.broadcast %mul3A : vector<1x10000xf32> to vector<2x10000xf32>
    %mul3A_14 = arith.mulf %get3A_12, %mul3A_13 : vector<2x10000xf32>
    %add3A = arith.addf %reduce_sum3A_3, %mul3A_14 : vector<2x10000xf32>
    %get3A_15 = arith.constant 0 : index
    %get3A_16 = arith.constant 0 : index
    %get3A_17 = vector.load %arg3[%get3A_15, %get3A_16] : memref<2x1xf32, #tpu.memory_space<vmem>>, vector<2x1xf32>
    %add3A_18 = vector.broadcast %get3A_17 : vector<2x1xf32> to vector<2x10000xf32>
    %add3A_19 = arith.addf %add3A, %add3A_18 : vector<2x10000xf32>
    %reduce_max3A = arith.constant dense<0xFF800000> : vector<10000xf32>
    %reduce_max3A_20 = vector.multi_reduction <maximumf>, %add3A_19, %reduce_max3A [0] : vector<2x10000xf32> to vector<10000xf32>
    %broadcast_in_dim3A = vector.shape_cast %reduce_max3A_20 : vector<10000xf32> to vector<1x10000xf32>
    %sub3A = vector.broadcast %broadcast_in_dim3A : vector<1x10000xf32> to vector<2x10000xf32>
    %sub3A_21 = arith.subf %add3A_19, %sub3A : vector<2x10000xf32>
    %exp3A = math.exp %sub3A_21 : vector<2x10000xf32>
    %reduce_sum3A_22 = arith.constant dense<0.000000e+00> : vector<10000xf32>
    %reduce_sum3A_23 = vector.multi_reduction <add>, %exp3A, %reduce_sum3A_22 [0] : vector<2x10000xf32> to vector<10000xf32>
    %broadcast_in_dim3A_24 = vector.shape_cast %reduce_sum3A_23 : vector<10000xf32> to vector<1x10000xf32>
    %log3A = math.log %broadcast_in_dim3A_24 : vector<1x10000xf32>
    %add3A_25 = arith.addf %broadcast_in_dim3A, %log3A : vector<1x10000xf32>
    %sub3A_26 = vector.broadcast %add3A_25 : vector<1x10000xf32> to vector<2x10000xf32>
    %sub3A_27 = arith.subf %add3A_19, %sub3A_26 : vector<2x10000xf32>
    %swap3A = arith.constant 0 : index
    %swap3A_28 = arith.constant 0 : index
    %swap3A_29 = vector.load %arg4[%swap3A, %swap3A_28] : memref<2x10000xf32, #tpu.memory_space<vmem>>, vector<2x10000xf32>
    tpu.vector_store %arg4[%swap3A, %swap3A_28], %sub3A_27 {strides = array<i32>} : memref<2x10000xf32, #tpu.memory_space<vmem>>, vector<2x10000xf32>,
    return
  }
}

</mosaic_0001>

<sc_bundles>
// kernel: sc_agg2.3.cloned.1.call-start
scs
__scs_entry_jumppad:
0x0: {  	(pc) =	sbr.rel $0x88, $3  }
0x1: {  	(tag) =	ssettag $0x0;
	lr =	simm.s32 $0x1  }
0x2: {  	[smem:$0x3F9A] =	sst lr;
	_ =	strace $0xD0000000  }
0x3: {  	_ = 	snop  }
0x4: {  	_ = 	snop  }
0x5: {  	_ = 	snop  }
0x6: {  	_ = 	snop  }
0x7: {  	_ = 	snop  }
__scs_overlays_trampoline_lowered:
0x8: {  	[smem:$0x3FA9] =	sst s0  }
0x9: {  	[smem:$0x3FAA] =	sst s1  }
0xa: {  	[smem:$0x3FAB] =	sst s2  }
0xb: {  	[smem:$0x3FAC] =	sst s3  }
0xc: {  	[smem:$0x3FAD] =	sst s4  }
0xd: {  	[smem:$0x3FAE] =	sst s5  }
0xe: {  	[smem:$0x3FAF] =	sst s6  }
0xf: {  	[smem:$0x3FB0] =	sst s7  }
0x10: {  	[smem:$0x3FB1] =	sst s8  }
0x11: {  	[smem:$0x3FB2] =	sst s9;
	s0 =	simm.s32 @!p0 $0x0  }
0x12: {  	s1 =	sld [smem:$0x3F98];
	s0 =	simm.s32 @p0 $0x1  }
0x13: {  	[smem:$0x3FB3] =	sst s0;
	s0 =	simm.s32 @!p1 $0x0  }
0x14: {  	s2 =	sld [smem:$0x3F97];
	s0 =	simm.s32 @p1 $0x1  }
0x15: {  	[smem:$0x3FB4] =	sst s0;
	s0 =	simm.s32 @!p2 $0x0  }
0x16: {  	s3 =	sld [smem:$0x3FDB];
	s0 =	simm.s32 @p2 $0x1  }
0x17: {  	s4 =	simm.s32 $0x1BF5;
	[smem:$0x3FB6] =	sst s0  }
0x18: {  	s0 =	sld [smem:$0x3F99];
	_ =	swait.ge [sflag:s4], $0x0  }
0x19: {  	s7 =	sld [smem:$0x3F9A]  }
0x1a: {  	s8 =	sadd.s32 $0xFFFFE003, lr  }
0x1b: {  	s9 =	sadd.s32 $0xFFFFFEF7, lr;
	s5 =	simm.s32 $0xFFFFFFFF;
	p2 =	slt.u32 s8, $0xFFFFF086  }
0x1c: {  	p1 =	slt.u32 s9, $0xF7A;
	s5 =	simm.s32 @!p2 $0x0  }
0x1d: {  	s5 =	simm.s32 @p1 $0x1;
	p0 =	seq.s32 s7, s2  }
0x1e: {  	s7 =	smul.u32 @!p0 $0xF7A, s2;
	p2 =	seq.s32 @!p0 s5, $0x0  }
0x1f: {  	s9 =	smul.u32 $0xF7A, s1;
	s8 =	simm.s32 @!p0 $0x1BF5;
	p2 =	por !p2, p0  }
0x20: {  	[sflag:s8] =	ssyncset.s32 @!p0 $0xFFFFF086;
	s6 =	sadd.s32 @!p0 s3, s7;
	s7 =	simm.s32 @!p0 $0x108  }
0x21: {  	s3 =	sadd.s32 s3, s9;
	s6 =	sadd.s32 @!p0 $0x88, s6;
	s7 =	simm.s32 @p2 $0x1082  }
0x22: {  	[simem:s7], [sflag:s8] =	dma.local @!p0 [hbm:s6], $0xF7A  }
0x23: {  	s9 =	sor.u32 $0xD0000000, s2;
	s6 =	simm.s32 $0x108;
	_ =	swait.ge @!p0 [sflag:s8], $0x0  }
0x24: {  	s3 =	sadd.s32 $0x88, s3;
	s6 =	simm.s32 @!p1 $0x1082;
	[sflag:s4] =	ssyncset.s32 $0xFFFFF086  }
0x25: {  	[simem:s6], [sflag:s4] =	dma.local [hbm:s3], $0xF7A  }
0x26: {  	[smem:$0x3F9A] =	sst s1;
	(tag) =	ssettag s2;
	_ =	strace s9  }
0x27: {  	s1 =	sld [smem:$0x3FAA]  }
0x28: {  	s2 =	sld [smem:$0x3FAB]  }
0x29: {  	s4 =	sld [smem:$0x3FAD]  }
0x2a: {  	p0 =	seq.s32 s5, $0x0;
	s5 =	sld [smem:$0x3FAE]  }
0x2b: {  	s6 =	sld [smem:$0x3FAF]  }
0x2c: {  	s7 =	sld [smem:$0x3FB0]  }
0x2d: {  	s3 =	simm.s32 $0x108;
	s8 =	sld [smem:$0x3FB1]  }
0x2e: {  	s3 =	simm.s32 @!p0 $0x1082;
	s9 =	sld [smem:$0x3FB2]  }
0x2f: {  	lr =	sadd.s32 s0, s3;
	s0 =	sld [smem:$0x3FA9]  }
0x30: {  	s3 =	sld [smem:$0x3FAC]  }
0x31: {  	[smem:$0x3FB5] =	sst s10  }
0x32: {  	s10 =	sld [smem:$0x3FB3];
	_ =	sdelay $0x3  }
0x33: {  	p0 =	seq.s32 s10, $0x1;
	s10 =	sld [smem:$0x3FB5];
	_ =	sdelay $0x3  }
0x34: {  	[smem:$0x3FB5] =	sst s10  }
0x35: {  	s10 =	sld [smem:$0x3FB4];
	_ =	sdelay $0x3  }
0x36: {  	p1 =	seq.s32 s10, $0x1;
	s10 =	sld [smem:$0x3FB5];
	_ =	sdelay $0x3  }
0x37: {  	[smem:$0x3FB5] =	sst s10  }
0x38: {  	s10 =	sld [smem:$0x3FB6]  }
0x39: {  	_ = 	snop;
	(pc) =	sbr.ind lr, $3  }
0x3a: {  	_ = 	snop  }
0x3b: {  	_ = 	snop  }
0x3c: {  	p2 =	seq.s32 s10, $0x1;
	s10 =	sld [smem:$0x3FB5]  }
0x3d: {  	_ =	shalt  }
0x3e: {  	_ =	shalt  }
0x3f: {  	_ =	shalt  }
0x40: {  	_ =	shalt  }
0x41: {  	_ =	shalt  }
0x42: {  	_ =	shalt  }
0x43: {  	_ =	shalt  }
0x44: {  	_ =	shalt  }
0x45: {  	_ =	shalt  }
0x46: {  	_ =	shalt  }
0x47: {  	_ =	shalt  }
0x48: {  	_ =	shalt  }
0x49: {  	_ =	shalt  }
0x4a: {  	_ =	shalt  }
0x4b: {  	_ =	shalt  }
0x4c: {  	_ =	shalt  }
0x4d: {  	_ =	shalt  }
0x4e: {  	_ =	shalt  }
0x4f: {  	_ =	shalt  }
0x50: {  	_ =	shalt  }
0x51: {  	_ =	shalt  }
0x52: {  	_ =	shalt  }
0x53: {  	_ =	shalt  }
0x54: {  	_ =	shalt  }
0x55: {  	_ =	shalt  }
0x56: {  	_ =	shalt  }
0x57: {  	_ =	shalt  }
0x58: {  	_ =	shalt  }
0x59: {  	_ =	shalt  }
0x5a: {  	_ =	shalt  }
0x5b: {  	_ =	shalt  }
0x5c: {  	_ =	shalt  }
0x5d: {  	_ =	shalt  }
0x5e: {  	_ =	shalt  }
0x5f: {  	_ =	shalt  }
0x60: {  	_ =	shalt  }
0x61: {  	_ =	shalt  }
0x62: {  	_ =	shalt  }
0x63: {  	_ =	shalt  }
0x64: {  	_ =	shalt  }
0x65: {  	_ =	shalt  }
0x66: {  	_ =	shalt  }
0x67: {  	_ =	shalt  }
0x68: {  	_ =	shalt  }
0x69: {  	_ =	shalt  }
0x6a: {  	_ =	shalt  }
0x6b: {  	_ =	shalt  }
0x6c: {  	_ =	shalt  }
0x6d: {  	_ =	shalt  }
0x6e: {  	_ =	shalt  }
0x6f: {  	_ =	shalt  }
0x70: {  	_ =	shalt  }
0x71: {  	_ =	shalt  }
0x72: {  	_ =	shalt  }
0x73: {  	_ =	shalt  }
0x74: {  	_ =	shalt  }
0x75: {  	_ =	shalt  }
0x76: {  	_ =	shalt  }
0x77: {  	_ =	shalt  }
0x78: {  	_ =	shalt  }
0x79: {  	_ =	shalt  }
0x7a: {  	_ =	shalt  }
0x7b: {  	_ =	shalt  }
0x7c: {  	_ =	shalt  }
0x7d: {  	_ =	shalt  }
0x7e: {  	_ =	shalt  }
0x7f: {  	_ =	shalt  }
0x80: {  	_ =	shalt  }
0x81: {  	_ =	shalt  }
0x82: {  	_ =	shalt  }
0x83: {  	_ =	shalt  }
0x84: {  	_ =	shalt  }
0x85: {  	_ =	shalt  }
0x86: {  	_ =	shalt  }
0x87: {  	_ =	shalt  }
.Lfunc_end0:
.L_simem_size_0:
called_computation.1_lowered:
.L_overlay_start_0:
0x88: {  	s2 =	sld [smem:$0x3FD9]  }
0x89: {  	s3 =	sld [smem:$0x3FFE];
	_ =	sdelay $0x1  }
0x8a: {  	s1 =	srdreg.scid  }
0x8b: {  	s0 =	sand.u32 $0x1, s1  }
0x8c: {  	s17 =	sshll.u32 s0, $0xA;
	s2 =	sadd.s32 s3, s2  }
0x8d: {  	s2 =	sadd.s32 s2, s17  }
0x8e: {  	[smem:$0x3FC1] =	sst s2  }
0x8f: {  	_ = 	snop  }
0x90: {  	s2 =	sld [smem:$0x3FD0];
	(tm) =	ssettm $0x1  }
0x91: {  	s18 =	sld [smem:$0x3FFB];
	_ =	sdelay $0x3  }
0x92: {  	_ =	strace s18  }
0x93: {  	s3 =	sld [smem:$0x3FFC];
	_ =	sdelay $0x3  }
0x94: {  	_ =	strace s3  }
0x95: {  	s3 =	sld [smem:$0x3FFD];
	_ =	sdelay $0x3  }
0x96: {  	_ =	strace s3  }
0x97: {  	_ =	strace $0x8FFFFFFF  }
0x98: {  	s19 =	sld [smem:$0x3FDB];
	_ =	sdelay $0x1  }
0x99: {  	s4 =	simm.s32 $_scs_section_size  }
0x9a: {  	s5 =	simm.s32 $_size__tile_overlayer_lowered;
	s6 =	simm.s32 $_tile_overlayer_lowered  }
0x9b: {  	s22 =	simm.s32 $0x1BFF;
	s21 =	sshll.u32 s6, $0x1;
	s3 =	sadd.s32 s4, s19  }
0x9c: {  	s7 =	simm.s32 $0x0;
	s20 =	sshll.u32 s5, $0x1;
	s5 =	sadd.s32 s21, s3  }
0x9d: {  	[timem:s7], [sflag:s22] =	dma.local [hbm:s5], s20  }
0x9e: {  	_ =	swait.ge [sflag:s22], s20  }
0x9f: {  	s4 =	ssub.s32 $0x0, s20;
	[sflag:s22] =	ssyncset.done $0x0  }
0xa0: {  	[sflag:s22] =	ssyncadd.s32 s4;
	_ =	sdelay $0x1  }
0xa1: {  	s23 =	simm.s32 $0x1B8B  }
0xa2: {  	_ =	swait.ge [sflag:s23], $0x1  }
0xa3: {  	[sflag:s23] =	ssyncset.done $0x0  }
0xa4: {  	s25 =	simm.s32 $0x1B8E;
	s24 =	sld [smem:$0x3FFE];
	[sflag:s23] =	ssyncadd.s32 $0xFFFFFFFF  }
0xa5: {  	s26 =	simm.s32 $execute0_lowered;
	[smem:$0x3FD2] =	sst s25  }
0xa6: {  	s5 =	sshll.u32 s26, $0x1;
	_ =	strace $0x80000049;
	[dreg:$0x1] =	wrdreg $0xFFFFFFFF  }
0xa7: {  	s28 =	simm.s32 $_size_execute0_lowered;
	s3 =	sadd.s32 s3, s5;
	[dreg:$0x0] =	wrdreg $0x0  }
0xa8: {  	s5 =	sshll.u32 s28, $0x1;
	[dreg:$0x2] =	wrdreg s3  }
0xa9: {  	[dreg:$0x3] =	wrdreg s5  }
0xaa: {  	[dreg:$0x4] =	wrdreg $0xC0  }
0xab: {  	_ =	task [dreg:s7], $0x5FFFF  }
0xac: {  	[dreg:$0x1] =	wrdreg $0xFFFFFFFF  }
0xad: {  	[dreg:$0x0] =	wrdreg $0x60  }
0xae: {  	[dreg:$0x2] =	wrdreg s24  }
0xaf: {  	[dreg:$0x3] =	wrdreg s2  }
0xb0: {  	[dreg:$0x4] =	wrdreg $0x9  }
0xb1: {  	_ =	task.clear_ibuf [dreg:s7], $0x5FFFF;
	_ =	strace $0x90000049  }
0xb2: {  	s29 =	simm.s32 $0x9;
	_ =	strace $0x8000004B  }
0xb3: {  	_ =	swait.ge [sflag:s29], $0x1  }
0xb4: {  	[sflag:s29] =	ssyncadd.s32 $0xFFFFFFFF  }
0xb5: {  	_ =	strace $0x9000004B  }
0xb6: {  	_ =	sfence  }
0xb7: {  	s30 =	sld [smem:$0x0];
	_ =	sdelay $0x2  }
0xb8: {  	s31 =	sshll.u32 s1, $0xD;
	s1 =	sshrl.u32 s1, $0x2  }
0xb9: {  	s3 =	sand.u32 $0x4000, s31;
	s1 =	sadd.s32 s1, s30  }
0xba: {  	s0 =	sor.u32 s3, s0;
	s1 =	sshll.u32 s1, $0x11  }
0xbb: {  	s0 =	sor.u32 s1, s0  }
0xbc: {  	s0 =	sadd.s32 $0x8F2B, s0  }
0xbd: {  	[sflag:s0] =	ssyncadd.remote.s32 $0x1  }
0xbe: {  	_ =	sfence.sel $0xFFFF  }
0xbf: {  	[dreg:$0x0] =	wrdreg $0xFFFFFFFF;
	(pc) =	sbr.abs _section_cstart, $3  }
0xc0: {  	[dreg:$0x1] =	wrdreg $0xFFFFFFFF  }
0xc1: {  	_ =	task.clear_ibuf [dreg:s7], $0x2FFFF;
	_ =	strace $0x9FFFFFFF  }
0xc2: {  	(tm) =	ssettm $0x7FFFFFFF  }
0xc3: {  	_ =	shalt  }
tec
execute0_lowered:
.L_overlay_start_1:
0x0: {  	(tag) =	ssettag $0x1  }
0x1: {  	s5 =	rddreg [dreg:$0x0]  }
0x2: {  	s0 =	srdreg.scid;
	s2 =	rddreg [dreg:$0x1]  }
0x3: {  	s3 =	simm.s32 $0x0;
	s11 =	simm.s32 $0x2780;
	s12 =	simm.s32 $0x1  }
0x4: {  	s13 =	simm.s32 $0x4F00;
	s14 =	simm.s32 $0x80;
	s15 =	simm.s32 $0x100  }
0x5: {  	s16 =	simm.s32 $0x7680;
	s17 =	simm.s32 $0x9E00;
	s4 =	sand.u32 $0x1, s0  }
0x6: {  	s18 =	simm.s32 $0xC580;
	s0 =	stileid.u32;
	s1 =	sshll.u32 s4, $0x4  }
0x7: {  	s19 =	simm.s32 $0xED00;
	s20 =	simm.s32 $0x0;
	s6 =	sor.u32 s0, s1  }
0x8: {  	[smem:$0x7FF] =	sst s3;
	s4 =	ssub.s32 $0x2, s4;
	s7 =	smul.u32 $0x2710, s6  }
0x9: {  	s1 =	rddreg [dreg:$0x2];
	s31 =	sshrl.u32 s4, $0x1;
	s6 =	smul.u32 $0x9E0, s6  }
0xa: {  	_ =	strace $0x8000004A;
	s10 =	ssub.s32 s4, s31;
	s7 =	sshrl.u32 s7, $0x3  }
0xb: {  	s10 =	smax.u32 s10, $0x1;
	s9 =	sadd.s32 s6, s5;
	s7 =	sadd.s32 s7, s5  }
0xc: {  	s8 =	sadd.s32 $0x15A00, s9;
	s9 =	sadd.s32 $0x15A10, s9;
	s4 =	sadd.s32 $0x2000, s7  }
0xd: {  	v0 =	vimm.f32 $0.0e+00;
	s5 =	sadd.s32 $0xBC40, s7;
	s6 =	sadd.s32 $0xC3200, s7;
	s7 =	sadd.s32 $0x10, s2  }
.LBB2_1:
0xe: {  	[tilespmem:s11], [sflag:$0x1] =	stream.linear.gather [hbm4b:s4+s3], $0x2710, $0x38;
	[tilespmem:$0x11480] =	vst v63  }
0xf: {  	_ =	swait.ge [sflag:s12], $0x2710  }
0x10: {  	[sflag:s12] =	ssyncset.done $0x0  }
0x11: {  	[sflag:s12] =	ssyncadd.s32 $0xFFFFD8F0  }
0x12: {  	[tilespmem:s13], [sflag:$0x1] =	stream.linear.gather [hbm4b:s5+s3], $0x2710, $0x38;
	[tilespmem:$0x11480] =	vst v63  }
0x13: {  	_ =	swait.ge [sflag:s12], $0x2710  }
0x14: {  	[sflag:s12] =	ssyncset.done $0x0  }
0x15: {  	[sflag:s12] =	ssyncadd.s32 $0xFFFFD8F0  }
0x16: {  	[tilespmem:s3], [sflag:$0x1] =	stream.linear.gather [hbm4b:s6+s3], $0x2710, $0x38;
	[tilespmem:$0x11480] =	vst v63  }
0x17: {  	_ =	swait.ge [sflag:s12], $0x2710  }
0x18: {  	[sflag:s12] =	ssyncset.done $0x0  }
0x19: {  	[sflag:s12] =	ssyncadd.s32 $0xFFFFD8F0  }
0x1a: {  	[tilespmem:s16], [sflag:$0x1] =	stream.strided.gather [hbm4b:s2+s14], $0x2780, s15, s14, $0x38;
	[tilespmem:$0x11480] =	vst v63  }
0x1b: {  	_ =	swait.ge [sflag:s12], $0x2780  }
0x1c: {  	[sflag:s12] =	ssyncset.done $0x0  }
0x1d: {  	[sflag:s12] =	ssyncadd.s32 $0xFFFFD880  }
0x1e: {  	[tilespmem:s17], [sflag:$0x1] =	stream.strided.gather [hbm4b:s7+s14], $0x2780, s15, s14, $0x38;
	[tilespmem:$0x11480] =	vst v63  }
0x1f: {  	_ =	swait.ge [sflag:s12], $0x2780  }
0x20: {  	[sflag:s12] =	ssyncset.done $0x0  }
0x21: {  	s21 =	simm.s32 $0xC5C0;
	[sflag:s12] =	ssyncadd.s32 $0xFFFFD880  }
0x22: {  	[tilespmem:s21+$0x30] =	vst v0  }
0x23: {  	[tilespmem:s21+$0xFFFFFFF0] =	vst v0  }
0x24: {  	[tilespmem:s21+$0xFFFFFFC0] =	vst v0  }
0x25: {  	[tilespmem:s21+$0xFFFFFFE0] =	vst v0  }
0x26: {  	[tilespmem:s21+$0x10] =	vst v0  }
0x27: {  	[tilespmem:s21+$0x20] =	vst v0  }
0x28: {  	[tilespmem:s21+$0x0] =	vst v0  }
0x29: {  	s22 =	simm.s32 $0xED40;
	[tilespmem:s21+$0xFFFFFFD0] =	vst v0  }
0x2a: {  	[tilespmem:s22+$0xFFFFFFC0] =	vst v0  }
0x2b: {  	[tilespmem:s22+$0x30] =	vst v0  }
0x2c: {  	[tilespmem:s22+$0x20] =	vst v0  }
0x2d: {  	[tilespmem:s22+$0x10] =	vst v0  }
0x2e: {  	[tilespmem:s22+$0xFFFFFFE0] =	vst v0  }
0x2f: {  	[tilespmem:s22+$0x0] =	vst v0  }
0x30: {  	s23 =	simm.s32 $0x0;
	[tilespmem:s22+$0xFFFFFFF0] =	vst v0  }
.LBB2_2:
0x31: {  	s23 =	sadd.s32 $0x80, s23;
	[tilespmem:s22+$0xFFFFFFD0] =	vst v0;
	s21 =	sadd.s32 $0x80, s21;
	s22 =	sadd.s32 $0x80, s22  }
0x32: {  	[tilespmem:s21+$0x30] =	vst v0;
	p0 =	slt.u32 s23, $0x2680  }
0x33: {  	[tilespmem:s21+$0xFFFFFFF0] =	vst v0  }
0x34: {  	[tilespmem:s21+$0xFFFFFFC0] =	vst v0  }
0x35: {  	[tilespmem:s22+$0xFFFFFFC0] =	vst v0  }
0x36: {  	[tilespmem:s22+$0x30] =	vst v0  }
0x37: {  	[tilespmem:s21+$0xFFFFFFE0] =	vst v0  }
0x38: {  	[tilespmem:s21+$0x10] =	vst v0  }
0x39: {  	[tilespmem:s21+$0x20] =	vst v0  }
0x3a: {  	[tilespmem:s22+$0x20] =	vst v0  }
0x3b: {  	[tilespmem:s22+$0x10] =	vst v0  }
.Ltmp0:
0x3c: {  	[tilespmem:s22+$0xFFFFFFE0] =	vst v0;
	(pc) =	sbr.rel @p0 .LBB2_2-.Ltmp0, $4  }
0x3d: {  	[tilespmem:s21+$0x0] =	vst v0  }
0x3e: {  	[tilespmem:s22+$0x0] =	vst v0  }
0x3f: {  	[tilespmem:s22+$0xFFFFFFF0] =	vst v0  }
0x40: {  	[tilespmem:s21+$0xFFFFFFD0] =	vst v0  }
0x41: {  	[tilespmem:s22+$0xFFFFFFD0] =	vst v0  }
0x42: {  	[tilespmem:$0xEC80] =	vst v0  }
0x43: {  	s23 =	simm.s32 $0x27C0;
	[tilespmem:$0x11400] =	vst v0  }
0x44: {  	v1 =	vld [tilespmem:s23+$0x30]  }
0x45: {  	v3 =	vld [tilespmem:s23+$0xFFFFFFD0]  }
0x46: {  	v4 =	vld [tilespmem:s23+$0xFFFFFFE0]  }
0x47: {  	v5 =	vld [tilespmem:s23+$0xFFFFFFF0]  }
0x48: {  	v6 =	vld [tilespmem:s23+$0x0]  }
0x49: {  	v7 =	vld [tilespmem:s23+$0x10]  }
0x4a: {  	s21 =	simm.s32 $0x4F40;
	v8 =	vld [tilespmem:s23+$0x20]  }
0x4b: {  	s22 =	simm.s32 $0x40;
	v2 =	vld [tilespmem:s21+$0x30]  }
0x4c: {  	v10 =	vld [tilespmem:s22+$0x30]  }
0x4d: {  	v11 =	vld [tilespmem:s23+$0xFFFFFFC0]  }
0x4e: {  	v18 =	vld [tilespmem:s22+$0xFFFFFFC0]  }
0x4f: {  	v19 =	vld [tilespmem:s22+$0xFFFFFFD0]  }
0x50: {  	v20 =	vld [tilespmem:s22+$0xFFFFFFE0]  }
0x51: {  	v21 =	vld [tilespmem:s22+$0xFFFFFFF0]  }
0x52: {  	v58 =	vld [tilespmem:s22+$0x0]  }
0x53: {  	v22 =	vld [tilespmem:s22+$0x10]  }
0x54: {  	v23 =	vld [tilespmem:s21+$0xFFFFFFC0]  }
0x55: {  	v24 =	vld [tilespmem:s21+$0xFFFFFFD0]  }
0x56: {  	v25 =	vld [tilespmem:s21+$0xFFFFFFE0]  }
0x57: {  	v26 =	vld [tilespmem:s21+$0xFFFFFFF0]  }
0x58: {  	v27 =	vld [tilespmem:s21+$0x0]  }
0x59: {  	v9 =	vld.idx.msk [tilespmem:v1+s16+$0x0], $0xffff  }
0x5a: {  	v28 =	vld [tilespmem:s22+$0x20]  }
0x5b: {  	v12 =	vld.idx.msk [tilespmem:v3+s16+$0x0], $0xffff  }
0x5c: {  	v13 =	vld.idx.msk [tilespmem:v4+s16+$0x0], $0xffff  }
0x5d: {  	v14 =	vld.idx.msk [tilespmem:v5+s16+$0x0], $0xffff  }
0x5e: {  	v15 =	vld.idx.msk [tilespmem:v6+s16+$0x0], $0xffff;
	v9 =	vmul.f32 v9, v10  }
0x5f: {  	v16 =	vld.idx.msk [tilespmem:v7+s16+$0x0], $0xffff  }
0x60: {  	[tilespmem:v2+s18+$0x0] =	vst.idx.add.f32.msk $0xffff, v9  }
0x61: {  	v1 =	vld.idx.msk [tilespmem:v1+s17+$0x0], $0xffff  }
0x62: {  	v57 =	vld.idx.msk [tilespmem:v11+s16+$0x0], $0xffff;
	v12 =	vmul.f32 v12, v19  }
0x63: {  	v17 =	vld.idx.msk [tilespmem:v8+s16+$0x0], $0xffff;
	v13 =	vmul.f32 v13, v20  }
0x64: {  	v59 =	vmul.f32 v14, v21;
	[tilespmem:v24+s18+$0x0] =	vst.idx.add.f32.msk $0xffff, v12  }
0x65: {  	v60 =	vmul.f32 v15, v58;
	[tilespmem:v25+s18+$0x0] =	vst.idx.add.f32.msk $0xffff, v13  }
0x66: {  	[tilespmem:v26+s18+$0x0] =	vst.idx.add.f32.msk $0xffff, v59;
	v1 =	vmul.f32 v1, v10  }
0x67: {  	[tilespmem:v27+s18+$0x0] =	vst.idx.add.f32.msk $0xffff, v60  }
0x68: {  	[tilespmem:v2+s19+$0x0] =	vst.idx.add.f32.msk $0xffff, v1  }
0x69: {  	v2 =	vld [tilespmem:s21+$0x10]  }
0x6a: {  	v1 =	vld [tilespmem:s21+$0x20]  }
0x6b: {  	v3 =	vld.idx.msk [tilespmem:v3+s17+$0x0], $0xffff  }
0x6c: {  	v4 =	vld.idx.msk [tilespmem:v4+s17+$0x0], $0xffff  }
0x6d: {  	v9 =	vmul.f32 v57, v18;
	v5 =	vld.idx.msk [tilespmem:v5+s17+$0x0], $0xffff  }
0x6e: {  	v6 =	vld.idx.msk [tilespmem:v6+s17+$0x0], $0xffff  }
0x6f: {  	v61 =	vmul.f32 v16, v22;
	[tilespmem:v23+s18+$0x0] =	vst.idx.add.f32.msk $0xffff, v9  }
0x70: {  	v62 =	vmul.f32 v17, v28;
	v63 =	vld.idx.msk [tilespmem:v11+s17+$0x0], $0xffff  }
0x71: {  	[tilespmem:v2+s18+$0x0] =	vst.idx.add.f32.msk $0xffff, v61  }
0x72: {  	[tilespmem:v1+s18+$0x0] =	vst.idx.add.f32.msk $0xffff, v62  }
0x73: {  	v3 =	vmul.f32 v3, v19;
	v7 =	vld.idx.msk [tilespmem:v7+s17+$0x0], $0xffff  }
0x74: {  	v4 =	vmul.f32 v4, v20;
	v8 =	vld.idx.msk [tilespmem:v8+s17+$0x0], $0xffff  }
0x75: {  	v9 =	vmul.f32 v63, v18;
	[tilespmem:v24+s19+$0x0] =	vst.idx.add.f32.msk $0xffff, v3  }
0x76: {  	v3 =	vmul.f32 v5, v21;
	[tilespmem:v25+s19+$0x0] =	vst.idx.add.f32.msk $0xffff, v4  }
0x77: {  	v5 =	vmul.f32 v6, v58;
	[tilespmem:v23+s19+$0x0] =	vst.idx.add.f32.msk $0xffff, v9  }
0x78: {  	[tilespmem:v26+s19+$0x0] =	vst.idx.add.f32.msk $0xffff, v3  }
0x79: {  	s24 =	simm.s32 $0x2840;
	s23 =	simm.s32 $0x0;
	[tilespmem:v27+s19+$0x0] =	vst.idx.add.f32.msk $0xffff, v5;
	v4 =	vmul.f32 v7, v22;
	v3 =	vmul.f32 v8, v28  }
.LBB2_4:
0x7a: {  	v5 =	vld [tilespmem:s24+$0x30];
	s23 =	sadd.s32 $0x80, s23  }
0x7b: {  	v6 =	vld [tilespmem:s24+$0xFFFFFFD0];
	p0 =	slt.u32 s23, $0x2680  }
0x7c: {  	v7 =	vld [tilespmem:s24+$0xFFFFFFE0]  }
0x7d: {  	v8 =	vld [tilespmem:s24+$0xFFFFFFF0]  }
0x7e: {  	v9 =	vld [tilespmem:s24+$0x0]  }
0x7f: {  	v10 =	vld [tilespmem:s24+$0x10]  }
0x80: {  	s21 =	sadd.s32 $0x80, s21;
	v11 =	vld [tilespmem:s24+$0x20]  }
0x81: {  	v12 =	vld [tilespmem:s21+$0x30]  }
0x82: {  	s22 =	sadd.s32 $0x80, s22;
	v13 =	vld.idx.msk [tilespmem:v5+s16+$0x0], $0xffff  }
0x83: {  	v14 =	vld [tilespmem:s22+$0x30]  }
0x84: {  	v15 =	vld [tilespmem:s24+$0xFFFFFFC0]  }
0x85: {  	v16 =	vld.idx.msk [tilespmem:v6+s16+$0x0], $0xffff  }
0x86: {  	v17 =	vld.idx.msk [tilespmem:v7+s16+$0x0], $0xffff  }
0x87: {  	v18 =	vld.idx.msk [tilespmem:v8+s16+$0x0], $0xffff  }
0x88: {  	v19 =	vld.idx.msk [tilespmem:v9+s16+$0x0], $0xffff;
	v13 =	vmul.f32 v13, v14  }
0x89: {  	v20 =	vld.idx.msk [tilespmem:v10+s16+$0x0], $0xffff  }
0x8a: {  	[tilespmem:v12+s18+$0x0] =	vst.idx.add.f32.msk $0xffff, v13  }
0x8b: {  	v5 =	vld.idx.msk [tilespmem:v5+s17+$0x0], $0xffff  }
0x8c: {  	v13 =	vld.idx.msk [tilespmem:v15+s16+$0x0], $0xffff  }
0x8d: {  	v21 =	vld.idx.msk [tilespmem:v11+s16+$0x0], $0xffff  }
0x8e: {  	v22 =	vld [tilespmem:s22+$0xFFFFFFC0]  }
0x8f: {  	v23 =	vld [tilespmem:s22+$0xFFFFFFD0]  }
0x90: {  	v24 =	vld [tilespmem:s22+$0xFFFFFFE0]  }
0x91: {  	v5 =	vmul.f32 v5, v14;
	v25 =	vld [tilespmem:s22+$0xFFFFFFF0]  }
0x92: {  	v14 =	vld [tilespmem:s22+$0x0]  }
0x93: {  	v13 =	vmul.f32 v13, v22;
	[tilespmem:v12+s19+$0x0] =	vst.idx.add.f32.msk $0xffff, v5  }
0x94: {  	v5 =	vmul.f32 v16, v23;
	v12 =	vld [tilespmem:s22+$0x10]  }
0x95: {  	v16 =	vmul.f32 v17, v24;
	v17 =	vld [tilespmem:s22+$0x20]  }
0x96: {  	v26 =	vld [tilespmem:s21+$0xFFFFFFC0];
	v18 =	vmul.f32 v18, v25  }
0x97: {  	v27 =	vld [tilespmem:s21+$0xFFFFFFD0];
	v19 =	vmul.f32 v19, v14  }
0x98: {  	v28 =	vld [tilespmem:s21+$0xFFFFFFE0]  }
0x99: {  	v29 =	vld [tilespmem:s21+$0xFFFFFFF0];
	v20 =	vmul.f32 v20, v12  }
0x9a: {  	v30 =	vld [tilespmem:s21+$0x0];
	v21 =	vmul.f32 v21, v17  }
0x9b: {  	v31 =	vld [tilespmem:s21+$0x10]  }
0x9c: {  	v32 =	vld [tilespmem:s21+$0x20]  }
0x9d: {  	[tilespmem:v2+s19+$0x0] =	vst.idx.add.f32.msk $0xffff, v4  }
0x9e: {  	[tilespmem:v26+s18+$0x0] =	vst.idx.add.f32.msk $0xffff, v13  }
0x9f: {  	[tilespmem:v27+s18+$0x0] =	vst.idx.add.f32.msk $0xffff, v5  }
0xa0: {  	[tilespmem:v28+s18+$0x0] =	vst.idx.add.f32.msk $0xffff, v16;
	v2 =	vmov v31  }
0xa1: {  	[tilespmem:v29+s18+$0x0] =	vst.idx.add.f32.msk $0xffff, v18  }
0xa2: {  	[tilespmem:v30+s18+$0x0] =	vst.idx.add.f32.msk $0xffff, v19  }
0xa3: {  	[tilespmem:v31+s18+$0x0] =	vst.idx.add.f32.msk $0xffff, v20  }
0xa4: {  	[tilespmem:v32+s18+$0x0] =	vst.idx.add.f32.msk $0xffff, v21  }
0xa5: {  	v4 =	vld.idx.msk [tilespmem:v15+s17+$0x0], $0xffff  }
0xa6: {  	v5 =	vld.idx.msk [tilespmem:v6+s17+$0x0], $0xffff  }
0xa7: {  	v6 =	vld.idx.msk [tilespmem:v7+s17+$0x0], $0xffff  }
0xa8: {  	v7 =	vld.idx.msk [tilespmem:v8+s17+$0x0], $0xffff  }
0xa9: {  	v8 =	vld.idx.msk [tilespmem:v9+s17+$0x0], $0xffff  }
0xaa: {  	v9 =	vld.idx.msk [tilespmem:v10+s17+$0x0], $0xffff  }
0xab: {  	v4 =	vmul.f32 v4, v22;
	v10 =	vld.idx.msk [tilespmem:v11+s17+$0x0], $0xffff  }
0xac: {  	v5 =	vmul.f32 v5, v23;
	[tilespmem:v1+s19+$0x0] =	vst.idx.add.f32.msk $0xffff, v3;
	v1 =	vmov v32  }
.Ltmp1:
0xad: {  	v3 =	vmul.f32 v6, v24;
	[tilespmem:v26+s19+$0x0] =	vst.idx.add.f32.msk $0xffff, v4;
	(pc) =	sbr.rel @p0 .LBB2_4-.Ltmp1, $4  }
0xae: {  	v4 =	vmul.f32 v7, v25;
	[tilespmem:v27+s19+$0x0] =	vst.idx.add.f32.msk $0xffff, v5  }
0xaf: {  	[tilespmem:v28+s19+$0x0] =	vst.idx.add.f32.msk $0xffff, v3;
	v3 =	vmul.f32 v8, v14  }
0xb0: {  	[tilespmem:v29+s19+$0x0] =	vst.idx.add.f32.msk $0xffff, v4;
	v4 =	vmul.f32 v9, v12  }
0xb1: {  	s24 =	sadd.s32 $0x80, s24;
	[tilespmem:v30+s19+$0x0] =	vst.idx.add.f32.msk $0xffff, v3;
	v3 =	vmul.f32 v10, v17  }
0xb2: {  	_ =	sdelay $0x3  }
0xb3: {  	[tilespmem:v2+s19+$0x0] =	vst.idx.add.f32.msk $0xffff, v4  }
0xb4: {  	[tilespmem:v1+s19+$0x0] =	vst.idx.add.f32.msk $0xffff, v3  }
0xb5: {  	v1 =	vld [tilespmem:$0x4E80];
	_ =	sdelay $0x5  }
0xb6: {  	v2 =	vld [tilespmem:$0x7600]  }
0xb7: {  	v3 =	vld [tilespmem:$0x2700]  }
0xb8: {  	v4 =	vld.idx.msk [tilespmem:v1+s16+$0x0], $0xffff;
	_ =	sdelay $0x4  }
0xb9: {  	v4 =	vmul.f32 v4, v3;
	_ =	sdelay $0x1  }
0xba: {  	[tilespmem:v2+s18+$0x0] =	vst.idx.add.f32.msk $0xffff, v4  }
0xbb: {  	v1 =	vld.idx.msk [tilespmem:v1+s17+$0x0], $0xffff;
	_ =	sdelay $0x4  }
0xbc: {  	v1 =	vmul.f32 v1, v3;
	_ =	sdelay $0x1  }
0xbd: {  	[tilespmem:v2+s19+$0x0] =	vst.idx.add.f32.msk $0xffff, v1  }
0xbe: {  	[hbm4b:s8+s14] =	stream.strided.scatter [tilespmem:s18], [sflag:$0x1], $0x2780, s15, s14, $0x38;
	[tilespmem:$0x11480] =	vst v63  }
0xbf: {  	s20 =	sadd.s32 $0x1, s20;
	_ =	swait.ge [sflag:s12], $0x2780  }
0xc0: {  	p0 =	sne.s32 s20, s10;
	[sflag:s12] =	ssyncset.done $0x0  }
.Ltmp2:
0xc1: {  	[sflag:s12] =	ssyncadd.s32 $0xFFFFD880;
	(pc) =	sbr.rel @p0 .LBB2_1-.Ltmp2, $4  }
0xc2: {  	[hbm4b:s9+s14] =	stream.strided.scatter [tilespmem:s19], [sflag:$0x1], $0x2780, s15, s14, $0x38;
	[tilespmem:$0x11480] =	vst v63  }
0xc3: {  	_ =	swait.ge [sflag:s12], $0x2780  }
0xc4: {  	[sflag:s12] =	ssyncset.done $0x0  }
0xc5: {  	[sflag:s12] =	ssyncadd.s32 $0xFFFFD880  }
0xc6: {  	_ =	sfence.sel $0x180000  }
0xc7: {  	[bflag:$0x0] =	sbarrier.arrive $0xFFFF  }
0xc8: {  	p0 =	sne.s32 s0, $0x0;
	_ =	strace $0x9000004A  }
0xc9: {  	s0 =	sadd.s32 @!p0 $0x100000, s1;
	[bflag:$0x2] =	sbarrier.arrive $0xFFFF  }
0xca: {  	[sflag:s0] =	ssyncadd.tile.s32 @!p0 $0x1;
	_ =	shalt  }
.Lfunc_end2:
_tile_overlayer_lowered:
.L_overlay_start_2:
0xcb: {  	(tag) =	ssettag $0x2  }
0xcc: {  	s0 =	rddreg [dreg:$0x0];
	s2 =	stileid.u32  }
0xcd: {  	s1 =	rddreg [dreg:$0x1];
	p0 =	sne.s32 s2, $0x0  }
0xce: {  	s3 =	rddreg [dreg:$0x2];
	[bflag:$0x3] =	sbarrier.arrive $0xFFFF;
	s2 =	simm.s32 @!p0 $0x1C01  }
0xcf: {  	[timem:s3], [sflag:s2] =	dma.local @!p0 [hbm:s0], s1  }
0xd0: {  	s0 =	simm.s32 @!p0 $0x1  }
0xd1: {  	_ =	swait.ge @!p0 [sflag:s0], s1  }
0xd2: {  	s1 =	ssub.s32 @!p0 $0x0, s1;
	[sflag:s0] =	ssyncset.done @!p0 $0x0  }
0xd3: {  	[sflag:s0] =	ssyncadd.s32 @!p0 s1  }
0xd4: {  	[bflag:$0x3] =	sbarrier.arrive $0xFFFF  }
0xd5: {  	_ =	shalt  }

// kernel: sc_layer1.3.cloned.1.call-start
scs
__scs_entry_jumppad:
0x0: {  	(pc) =	sbr.rel $0x88, $3  }
0x1: {  	(tag) =	ssettag $0x0;
	lr =	simm.s32 $0x1  }
0x2: {  	[smem:$0x3F9A] =	sst lr;
	_ =	strace $0xD0000000  }
0x3: {  	_ = 	snop  }
0x4: {  	_ = 	snop  }
0x5: {  	_ = 	snop  }
0x6: {  	_ = 	snop  }
0x7: {  	_ = 	snop  }
__scs_overlays_trampoline_lowered:
0x8: {  	[smem:$0x3FA9] =	sst s0  }
0x9: {  	[smem:$0x3FAA] =	sst s1  }
0xa: {  	[smem:$0x3FAB] =	sst s2  }
0xb: {  	[smem:$0x3FAC] =	sst s3  }
0xc: {  	[smem:$0x3FAD] =	sst s4  }
0xd: {  	[smem:$0x3FAE] =	sst s5  }
0xe: {  	[smem:$0x3FAF] =	sst s6  }
0xf: {  	[smem:$0x3FB0] =	sst s7  }
0x10: {  	[smem:$0x3FB1] =	sst s8  }
0x11: {  	[smem:$0x3FB2] =	sst s9;
	s0 =	simm.s32 @!p0 $0x0  }
0x12: {  	s1 =	sld [smem:$0x3F98];
	s0 =	simm.s32 @p0 $0x1  }
0x13: {  	[smem:$0x3FB3] =	sst s0;
	s0 =	simm.s32 @!p1 $0x0  }
0x14: {  	s2 =	sld [smem:$0x3F97];
	s0 =	simm.s32 @p1 $0x1  }
0x15: {  	[smem:$0x3FB4] =	sst s0;
	s0 =	simm.s32 @!p2 $0x0  }
0x16: {  	s3 =	sld [smem:$0x3FDB];
	s0 =	simm.s32 @p2 $0x1  }
0x17: {  	s4 =	simm.s32 $0x1BF5;
	[smem:$0x3FB6] =	sst s0  }
0x18: {  	s0 =	sld [smem:$0x3F99];
	_ =	swait.ge [sflag:s4], $0x0  }
0x19: {  	s7 =	sld [smem:$0x3F9A]  }
0x1a: {  	s8 =	sadd.s32 $0xFFFFE003, lr  }
0x1b: {  	s9 =	sadd.s32 $0xFFFFFEF7, lr;
	s5 =	simm.s32 $0xFFFFFFFF;
	p2 =	slt.u32 s8, $0xFFFFF086  }
0x1c: {  	p1 =	slt.u32 s9, $0xF7A;
	s5 =	simm.s32 @!p2 $0x0  }
0x1d: {  	s5 =	simm.s32 @p1 $0x1;
	p0 =	seq.s32 s7, s2  }
0x1e: {  	s7 =	smul.u32 @!p0 $0xF7A, s2;
	p2 =	seq.s32 @!p0 s5, $0x0  }
0x1f: {  	s9 =	smul.u32 $0xF7A, s1;
	s8 =	simm.s32 @!p0 $0x1BF5;
	p2 =	por !p2, p0  }
0x20: {  	[sflag:s8] =	ssyncset.s32 @!p0 $0xFFFFF086;
	s6 =	sadd.s32 @!p0 s3, s7;
	s7 =	simm.s32 @!p0 $0x108  }
0x21: {  	s3 =	sadd.s32 s3, s9;
	s6 =	sadd.s32 @!p0 $0x88, s6;
	s7 =	simm.s32 @p2 $0x1082  }
0x22: {  	[simem:s7], [sflag:s8] =	dma.local @!p0 [hbm:s6], $0xF7A  }
0x23: {  	s9 =	sor.u32 $0xD0000000, s2;
	s6 =	simm.s32 $0x108;
	_ =	swait.ge @!p0 [sflag:s8], $0x0  }
0x24: {  	s3 =	sadd.s32 $0x88, s3;
	s6 =	simm.s32 @!p1 $0x1082;
	[sflag:s4] =	ssyncset.s32 $0xFFFFF086  }
0x25: {  	[simem:s6], [sflag:s4] =	dma.local [hbm:s3], $0xF7A  }
0x26: {  	[smem:$0x3F9A] =	sst s1;
	(tag) =	ssettag s2;
	_ =	strace s9  }
0x27: {  	s1 =	sld [smem:$0x3FAA]  }
0x28: {  	s2 =	sld [smem:$0x3FAB]  }
0x29: {  	s4 =	sld [smem:$0x3FAD]  }
0x2a: {  	p0 =	seq.s32 s5, $0x0;
	s5 =	sld [smem:$0x3FAE]  }
0x2b: {  	s6 =	sld [smem:$0x3FAF]  }
0x2c: {  	s7 =	sld [smem:$0x3FB0]  }
0x2d: {  	s3 =	simm.s32 $0x108;
	s8 =	sld [smem:$0x3FB1]  }
0x2e: {  	s3 =	simm.s32 @!p0 $0x1082;
	s9 =	sld [smem:$0x3FB2]  }
0x2f: {  	lr =	sadd.s32 s0, s3;
	s0 =	sld [smem:$0x3FA9]  }
0x30: {  	s3 =	sld [smem:$0x3FAC]  }
0x31: {  	[smem:$0x3FB5] =	sst s10  }
0x32: {  	s10 =	sld [smem:$0x3FB3];
	_ =	sdelay $0x3  }
0x33: {  	p0 =	seq.s32 s10, $0x1;
	s10 =	sld [smem:$0x3FB5];
	_ =	sdelay $0x3  }
0x34: {  	[smem:$0x3FB5] =	sst s10  }
0x35: {  	s10 =	sld [smem:$0x3FB4];
	_ =	sdelay $0x3  }
0x36: {  	p1 =	seq.s32 s10, $0x1;
	s10 =	sld [smem:$0x3FB5];
	_ =	sdelay $0x3  }
0x37: {  	[smem:$0x3FB5] =	sst s10  }
0x38: {  	s10 =	sld [smem:$0x3FB6]  }
0x39: {  	_ = 	snop;
	(pc) =	sbr.ind lr, $3  }
0x3a: {  	_ = 	snop  }
0x3b: {  	_ = 	snop  }
0x3c: {  	p2 =	seq.s32 s10, $0x1;
	s10 =	sld [smem:$0x3FB5]  }
0x3d: {  	_ =	shalt  }
0x3e: {  	_ =	shalt  }
0x3f: {  	_ =	shalt  }
0x40: {  	_ =	shalt  }
0x41: {  	_ =	shalt  }
0x42: {  	_ =	shalt  }
0x43: {  	_ =	shalt  }
0x44: {  	_ =	shalt  }
0x45: {  	_ =	shalt  }
0x46: {  	_ =	shalt  }
0x47: {  	_ =	shalt  }
0x48: {  	_ =	shalt  }
0x49: {  	_ =	shalt  }
0x4a: {  	_ =	shalt  }
0x4b: {  	_ =	shalt  }
0x4c: {  	_ =	shalt  }
0x4d: {  	_ =	shalt  }
0x4e: {  	_ =	shalt  }
0x4f: {  	_ =	shalt  }
0x50: {  	_ =	shalt  }
0x51: {  	_ =	shalt  }
0x52: {  	_ =	shalt  }
0x53: {  	_ =	shalt  }
0x54: {  	_ =	shalt  }
0x55: {  	_ =	shalt  }
0x56: {  	_ =	shalt  }
0x57: {  	_ =	shalt  }
0x58: {  	_ =	shalt  }
0x59: {  	_ =	shalt  }
0x5a: {  	_ =	shalt  }
0x5b: {  	_ =	shalt  }
0x5c: {  	_ =	shalt  }
0x5d: {  	_ =	shalt  }
0x5e: {  	_ =	shalt  }
0x5f: {  	_ =	shalt  }
0x60: {  	_ =	shalt  }
0x61: {  	_ =	shalt  }
0x62: {  	_ =	shalt  }
0x63: {  	_ =	shalt  }
0x64: {  	_ =	shalt  }
0x65: {  	_ =	shalt  }
0x66: {  	_ =	shalt  }
0x67: {  	_ =	shalt  }
0x68: {  	_ =	shalt  }
0x69: {  	_ =	shalt  }
0x6a: {  	_ =	shalt  }
0x6b: {  	_ =	shalt  }
0x6c: {  	_ =	shalt  }
0x6d: {  	_ =	shalt  }
0x6e: {  	_ =	shalt  }
0x6f: {  	_ =	shalt  }
0x70: {  	_ =	shalt  }
0x71: {  	_ =	shalt  }
0x72: {  	_ =	shalt  }
0x73: {  	_ =	shalt  }
0x74: {  	_ =	shalt  }
0x75: {  	_ =	shalt  }
0x76: {  	_ =	shalt  }
0x77: {  	_ =	shalt  }
0x78: {  	_ =	shalt  }
0x79: {  	_ =	shalt  }
0x7a: {  	_ =	shalt  }
0x7b: {  	_ =	shalt  }
0x7c: {  	_ =	shalt  }
0x7d: {  	_ =	shalt  }
0x7e: {  	_ =	shalt  }
0x7f: {  	_ =	shalt  }
0x80: {  	_ =	shalt  }
0x81: {  	_ =	shalt  }
0x82: {  	_ =	shalt  }
0x83: {  	_ =	shalt  }
0x84: {  	_ =	shalt  }
0x85: {  	_ =	shalt  }
0x86: {  	_ =	shalt  }
0x87: {  	_ =	shalt  }
.Lfunc_end0:
.L_simem_size_0:
called_computation_lowered:
.L_overlay_start_0:
0x88: {  	s2 =	sld [smem:$0x3FD9]  }
0x89: {  	s3 =	sld [smem:$0x3FFE];
	_ =	sdelay $0x1  }
0x8a: {  	s1 =	srdreg.scid  }
0x8b: {  	s0 =	sand.u32 $0x1, s1  }
0x8c: {  	s17 =	sshll.u32 s0, $0xA;
	s2 =	sadd.s32 s3, s2  }
0x8d: {  	s2 =	sadd.s32 s2, s17  }
0x8e: {  	[smem:$0x3FC1] =	sst s2  }
0x8f: {  	_ = 	snop  }
0x90: {  	s2 =	sld [smem:$0x3FC7];
	(tm) =	ssettm $0x1  }
0x91: {  	s18 =	sld [smem:$0x3FFB];
	_ =	sdelay $0x3  }
0x92: {  	_ =	strace s18  }
0x93: {  	s3 =	sld [smem:$0x3FFC];
	_ =	sdelay $0x3  }
0x94: {  	_ =	strace s3  }
0x95: {  	s3 =	sld [smem:$0x3FFD];
	_ =	sdelay $0x3  }
0x96: {  	_ =	strace s3  }
0x97: {  	_ =	strace $0x8FFFFFFF  }
0x98: {  	s19 =	sld [smem:$0x3FDB];
	_ =	sdelay $0x1  }
0x99: {  	s4 =	simm.s32 $_scs_section_size  }
0x9a: {  	s5 =	simm.s32 $_size__tile_overlayer_lowered;
	s6 =	simm.s32 $_tile_overlayer_lowered  }
0x9b: {  	s22 =	simm.s32 $0x1BFF;
	s21 =	sshll.u32 s6, $0x1;
	s3 =	sadd.s32 s4, s19  }
0x9c: {  	s7 =	simm.s32 $0x0;
	s20 =	sshll.u32 s5, $0x1;
	s5 =	sadd.s32 s21, s3  }
0x9d: {  	[timem:s7], [sflag:s22] =	dma.local [hbm:s5], s20  }
0x9e: {  	_ =	swait.ge [sflag:s22], s20  }
0x9f: {  	s4 =	ssub.s32 $0x0, s20;
	[sflag:s22] =	ssyncset.done $0x0  }
0xa0: {  	[sflag:s22] =	ssyncadd.s32 s4;
	_ =	sdelay $0x1  }
0xa1: {  	s23 =	simm.s32 $0x1B8B  }
0xa2: {  	_ =	swait.ge [sflag:s23], $0x1  }
0xa3: {  	[sflag:s23] =	ssyncset.done $0x0  }
0xa4: {  	s25 =	simm.s32 $0x1B8E;
	s24 =	sld [smem:$0x3FFE];
	[sflag:s23] =	ssyncadd.s32 $0xFFFFFFFF  }
0xa5: {  	s26 =	simm.s32 $execute0_lowered;
	[smem:$0x3FD2] =	sst s25  }
0xa6: {  	s5 =	sshll.u32 s26, $0x1;
	_ =	strace $0x80000046;
	[dreg:$0x1] =	wrdreg $0xFFFFFFFF  }
0xa7: {  	s28 =	simm.s32 $_size_execute0_lowered;
	s3 =	sadd.s32 s3, s5;
	[dreg:$0x0] =	wrdreg $0x0  }
0xa8: {  	s5 =	sshll.u32 s28, $0x1;
	[dreg:$0x2] =	wrdreg s3  }
0xa9: {  	[dreg:$0x3] =	wrdreg s5  }
0xaa: {  	[dreg:$0x4] =	wrdreg $0xC0  }
0xab: {  	_ =	task [dreg:s7], $0x5FFFF  }
0xac: {  	[dreg:$0x1] =	wrdreg $0xFFFFFFFF  }
0xad: {  	[dreg:$0x0] =	wrdreg $0x60  }
0xae: {  	[dreg:$0x2] =	wrdreg s24  }
0xaf: {  	[dreg:$0x3] =	wrdreg s2  }
0xb0: {  	[dreg:$0x4] =	wrdreg $0x9  }
0xb1: {  	_ =	task.clear_ibuf [dreg:s7], $0x5FFFF;
	_ =	strace $0x90000046  }
0xb2: {  	s29 =	simm.s32 $0x9;
	_ =	strace $0x80000048  }
0xb3: {  	_ =	swait.ge [sflag:s29], $0x1  }
0xb4: {  	[sflag:s29] =	ssyncadd.s32 $0xFFFFFFFF  }
0xb5: {  	_ =	strace $0x90000048  }
0xb6: {  	_ =	sfence  }
0xb7: {  	s30 =	sld [smem:$0x0];
	_ =	sdelay $0x2  }
0xb8: {  	s31 =	sshll.u32 s1, $0xD;
	s1 =	sshrl.u32 s1, $0x2  }
0xb9: {  	s3 =	sand.u32 $0x4000, s31;
	s1 =	sadd.s32 s1, s30  }
0xba: {  	s0 =	sor.u32 s3, s0;
	s1 =	sshll.u32 s1, $0x11  }
0xbb: {  	s0 =	sor.u32 s1, s0  }
0xbc: {  	s0 =	sadd.s32 $0x8F2B, s0  }
0xbd: {  	[sflag:s0] =	ssyncadd.remote.s32 $0x1  }
0xbe: {  	_ =	sfence.sel $0xFFFF  }
0xbf: {  	[dreg:$0x0] =	wrdreg $0xFFFFFFFF;
	(pc) =	sbr.abs _section_cstart, $3  }
0xc0: {  	[dreg:$0x1] =	wrdreg $0xFFFFFFFF  }
0xc1: {  	_ =	task.clear_ibuf [dreg:s7], $0x2FFFF;
	_ =	strace $0x9FFFFFFF  }
0xc2: {  	(tm) =	ssettm $0x7FFFFFFF  }
0xc3: {  	_ =	shalt  }
tec
execute0_lowered:
.L_overlay_start_1:
0x0: {  	(tag) =	ssettag $0x1  }
0x1: {  	s1 =	rddreg [dreg:$0x0]  }
0x2: {  	s0 =	srdreg.scid;
	s3 =	rddreg [dreg:$0x1];
	s2 =	simm.s32 $0x0  }
0x3: {  	s12 =	stileid.u32;
	s0 =	sand.u32 $0x1, s0;
	[smem:$0x7FF] =	sst s2  }
0x4: {  	s6 =	sadd.s32 $0x2000, s1;
	s7 =	sadd.s32 $0x15A00, s1;
	s20 =	smul.u32 $0x4E20, s12  }
0x5: {  	s10 =	sadd.s32 $0x24800, s1;
	s8 =	sadd.s32 $0x1AA00, s1;
	s16 =	sadd.s32 $0x18180, s1  }
0x6: {  	s17 =	sadd.s32 $0x18190, s1;
	s18 =	sadd.s32 $0x181A0, s1;
	s4 =	sshll.u32 s0, $0x4  }
0x7: {  	_ =	strace $0x80000047;
	[dreg:$0x3] =	wrdreg s7;
	s15 =	smul.u32 $0x27100, s0  }
0x8: {  	s11 =	ssub.s32 $0x2, s0;
	s0 =	smul.u32 $0x2800, s0;
	[dreg:$0x12] =	wrdreg s16  }
0x9: {  	[dreg:$0x13] =	wrdreg s17;
	s4 =	sor.u32 s12, s4;
	s12 =	smul.u32 $0x280, s12  }
0xa: {  	s19 =	sadd.s32 $0x181B0, s1;
	[dreg:$0x14] =	wrdreg s18;
	s5 =	smul.u32 $0x27800, s4  }
0xb: {  	[dreg:$0x15] =	wrdreg s19;
	s13 =	sshrl.u32 s11, $0x1;
	s4 =	smul.u32 $0x2710, s4  }
0xc: {  	s13 =	ssub.s32 s11, s13;
	s23 =	sadd.s32 s12, s15;
	s12 =	sadd.s32 s12, s0  }
0xd: {  	s0 =	sshrl.u32 s0, $0x3;
	s15 =	sadd.s32 $0x15A70, s1;
	s5 =	sshrl.u32 s5, $0x3  }
0xe: {  	s4 =	sshrl.u32 s4, $0x3;
	s0 =	sadd.s32 s10, s0;
	[dreg:$0x11] =	wrdreg s15  }
0xf: {  	s25 =	sshrl.u32 s12, $0x3;
	s12 =	sadd.s32 $0x15A50, s1;
	[dreg:$0x8] =	wrdreg s0  }
0x10: {  	s11 =	sshrl.u32 s23, $0x3;
	s23 =	sadd.s32 $0x181F0, s1;
	[dreg:$0xf] =	wrdreg s12  }
0x11: {  	s7 =	sadd.s32 s5, s1;
	s24 =	sadd.s32 s8, s4;
	[dreg:$0x19] =	wrdreg s23  }
0x12: {  	s8 =	sadd.s32 s8, s11;
	s11 =	sadd.s32 s10, s25;
	[dreg:$0x6] =	wrdreg s24  }
0x13: {  	s9 =	sadd.s32 s4, s1;
	s26 =	sadd.s32 s3, s4;
	[dreg:$0x7] =	wrdreg s11  }
0x14: {  	s5 =	sshrl.u32 s20, $0x3;
	s10 =	sadd.s32 $0x15A40, s1;
	[dreg:$0x9] =	wrdreg s26  }
0x15: {  	s20 =	sadd.s32 $0x181C0, s1;
	s14 =	sadd.s32 s6, s5;
	[dreg:$0xe] =	wrdreg s10  }
0x16: {  	s5 =	sadd.s32 s3, s5;
	s3 =	sadd.s32 $0xC3200, s9;
	[dreg:$0x16] =	wrdreg s20  }
0x17: {  	s11 =	sadd.s32 s6, s4;
	s4 =	sadd.s32 $0x15A10, s1;
	[dreg:$0xa] =	wrdreg s3  }
0x18: {  	s6 =	sadd.s32 $0x15A20, s1;
	[dreg:$0xb] =	wrdreg s4  }
0x19: {  	s9 =	sadd.s32 $0x15A30, s1;
	[dreg:$0xc] =	wrdreg s6  }
0x1a: {  	s24 =	sadd.s32 $0x25200, s7;
	[dreg:$0xd] =	wrdreg s9  }
0x1b: {  	s25 =	sadd.s32 $0x25210, s7;
	[dreg:$0x1a] =	wrdreg s24  }
0x1c: {  	s26 =	sadd.s32 $0x25220, s7;
	[dreg:$0x1b] =	wrdreg s25  }
0x1d: {  	s10 =	sadd.s32 $0x27980, s7;
	[dreg:$0x1c] =	wrdreg s26  }
0x1e: {  	s12 =	sadd.s32 $0x27990, s7;
	[smem:$0x7D9] =	sst s10  }
0x1f: {  	s15 =	sadd.s32 $0x279B0, s7;
	[smem:$0x7DA] =	sst s12  }
0x20: {  	s16 =	sadd.s32 $0x279C0, s7;
	[smem:$0x7DC] =	sst s15  }
0x21: {  	s17 =	sadd.s32 $0x279D0, s7;
	[smem:$0x7DD] =	sst s16  }
0x22: {  	s18 =	sadd.s32 $0x279E0, s7;
	[smem:$0x7DE] =	sst s17  }
0x23: {  	s19 =	sadd.s32 $0x279F0, s7;
	[smem:$0x7DF] =	sst s18  }
0x24: {  	s20 =	smax.u32 s13, $0x1;
	[smem:$0x7E0] =	sst s19  }
0x25: {  	s23 =	sadd.s32 $0x9C4, s8;
	[smem:$0x7E1] =	sst s20  }
0x26: {  	s13 =	sadd.s32 $0x445C, s8;
	[smem:$0x7E4] =	sst s23  }
0x27: {  	s21 =	sadd.s32 $0x9C40, s14;
	[smem:$0x7F0] =	sst s13  }
0x28: {  	s22 =	sadd.s32 $0xA122, s14;
	[dreg:$0x4] =	wrdreg s21  }
0x29: {  	s14 =	sadd.s32 $0x15A60, s1;
	[dreg:$0x5] =	wrdreg s22  }
0x2a: {  	s3 =	sadd.s32 $0x25240, s7;
	[dreg:$0x10] =	wrdreg s14  }
0x2b: {  	s4 =	sadd.s32 $0x25250, s7;
	[dreg:$0x1e] =	wrdreg s3  }
0x2c: {  	s6 =	sadd.s32 $0x25260, s7;
	[dreg:$0x1f] =	wrdreg s4  }
0x2d: {  	s9 =	sadd.s32 $0x25270, s7;
	[smem:$0x7D7] =	sst s6  }
0x2e: {  	s24 =	sadd.s32 $0xEA6, s8;
	[smem:$0x7D8] =	sst s9  }
0x2f: {  	s25 =	sadd.s32 $0x1388, s8;
	[smem:$0x7E5] =	sst s24  }
0x30: {  	s26 =	sadd.s32 $0x186A, s8;
	[smem:$0x7E6] =	sst s25  }
0x31: {  	s10 =	sadd.s32 $0x3A98, s8;
	[smem:$0x7E7] =	sst s26  }
0x32: {  	s12 =	sadd.s32 $0x3F7A, s8;
	[smem:$0x7EE] =	sst s10  }
0x33: {  	s15 =	sadd.s32 $0x28, s8;
	[smem:$0x7EF] =	sst s12  }
0x34: {  	s16 =	sadd.s32 $0x50A, s8;
	[smem:$0x7F2] =	sst s15  }
0x35: {  	s17 =	sadd.s32 $0x9EC, s8;
	[smem:$0x7F3] =	sst s16  }
0x36: {  	s18 =	sadd.s32 $0xECE, s8;
	[smem:$0x7F4] =	sst s17  }
0x37: {  	s28 =	simm.s32 $0x2780;
	s19 =	sadd.s32 $0x13B0, s8;
	[smem:$0x7F5] =	sst s18  }
0x38: {  	s29 =	simm.s32 $0x1;
	s20 =	sadd.s32 $0x1892, s8;
	[smem:$0x7F6] =	sst s19  }
0x39: {  	s30 =	simm.s32 $0x80;
	s23 =	sadd.s32 $0x2738, s8;
	[smem:$0x7F7] =	sst s20  }
0x3a: {  	s31 =	simm.s32 $0x400;
	s21 =	sadd.s32 $0x181D0, s1;
	[smem:$0x7FA] =	sst s23  }
0x3b: {  	s0 =	simm.s32 $0xB200;
	s22 =	sadd.s32 $0x181E0, s1;
	[dreg:$0x17] =	wrdreg s21  }
0x3c: {  	s1 =	sadd.s32 $0x25230, s7;
	s14 =	sadd.s32 $0x279A0, s7;
	[dreg:$0x18] =	wrdreg s22  }
0x3d: {  	s3 =	sadd.s32 $0x222E, s8;
	s4 =	sadd.s32 $0x2710, s8;
	[dreg:$0x1d] =	wrdreg s1  }
0x3e: {  	s6 =	sadd.s32 $0x2BF2, s8;
	s7 =	sadd.s32 $0x30D4, s8;
	[smem:$0x7DB] =	sst s14  }
0x3f: {  	s9 =	sadd.s32 $0x35B6, s8;
	s24 =	sadd.s32 $0x2C1A, s8;
	[smem:$0x7E9] =	sst s3  }
0x40: {  	s25 =	sadd.s32 $0x30FC, s8;
	s26 =	sadd.s32 $0x35DE, s8;
	[smem:$0x7EA] =	sst s4  }
0x41: {  	s20 =	sadd.s32 $0x3AC0, s8;
	s23 =	sadd.s32 $0x4966, s8;
	[smem:$0x7EB] =	sst s6  }
0x42: {  	s17 =	simm.s32 $0x9E00;
	s18 =	simm.s32 $0x9F40;
	[smem:$0x7EC] =	sst s7  }
0x43: {  	s19 =	simm.s32 $0xA080;
	s10 =	simm.s32 $0x1C680;
	[smem:$0x7ED] =	sst s9  }
0x44: {  	s12 =	simm.s32 $0x0;
	s21 =	sadd.s32 $0x4E2, s5;
	[smem:$0x7FB] =	sst s24  }
0x45: {  	s22 =	sadd.s32 $0x4E2, s8;
	s1 =	sadd.s32 $0x1D4C, s8;
	[smem:$0x7FC] =	sst s25  }
0x46: {  	s14 =	sadd.s32 $0x493E, s8;
	[smem:$0x7FD] =	sst s26;
	s24 =	sadd.s32 $0x9C40, s11  }
0x47: {  	s25 =	simm.s32 $0x4F00;
	s26 =	simm.s32 $0x2;
	[smem:$0x7E2] =	sst s21  }
0x48: {  	s3 =	simm.s32 $0x10100;
	s4 =	simm.s32 $0x12880;
	[smem:$0x7E3] =	sst s22  }
0x49: {  	s6 =	simm.s32 $0x15000;
	s7 =	simm.s32 $0x17780;
	[smem:$0x7E8] =	sst s1  }
0x4a: {  	s9 =	simm.s32 $0x19F00;
	[smem:$0x7F1] =	sst s14;
	s21 =	sadd.s32 $0x1D74, s8  }
0x4b: {  	s22 =	sadd.s32 $0x2256, s8;
	s1 =	simm.s32 $0xD980;
	[smem:$0x7F8] =	sst s21  }
0x4c: {  	v0 =	vimm.f32 $0.0e+00;
	[smem:$0x7F9] =	sst s22;
	s21 =	sadd.s32 $0x3FA2, s8;
	s22 =	sadd.s32 $0x4484, s8  }
.LBB2_1:
0x4d: {  	s13 =	simm.s32 $0x40  }
0x4e: {  	[tilespmem:s13+$0xFFFFFFC0] =	vst v0  }
0x4f: {  	[tilespmem:s13+$0x30] =	vst v0  }
0x50: {  	[tilespmem:s13+$0x20] =	vst v0  }
0x51: {  	[tilespmem:s13+$0x10] =	vst v0  }
0x52: {  	[tilespmem:s13+$0x0] =	vst v0  }
0x53: {  	[tilespmem:s13+$0xFFFFFFF0] =	vst v0  }
0x54: {  	s14 =	simm.s32 $0x0;
	[tilespmem:s13+$0xFFFFFFE0] =	vst v0  }
.LBB2_2:
0x55: {  	s14 =	sadd.s32 $0x80, s14;
	[tilespmem:s13+$0xFFFFFFD0] =	vst v0;
	s13 =	sadd.s32 $0x80, s13  }
0x56: {  	[tilespmem:s13+$0xFFFFFFC0] =	vst v0;
	p0 =	slt.u32 s14, $0x2680  }
0x57: {  	[tilespmem:s13+$0x30] =	vst v0  }
.Ltmp0:
0x58: {  	[tilespmem:s13+$0x20] =	vst v0;
	(pc) =	sbr.rel @p0 .LBB2_2-.Ltmp0, $4  }
0x59: {  	[tilespmem:s13+$0x10] =	vst v0  }
0x5a: {  	[tilespmem:s13+$0x0] =	vst v0  }
0x5b: {  	[tilespmem:s13+$0xFFFFFFF0] =	vst v0  }
0x5c: {  	[tilespmem:s13+$0xFFFFFFE0] =	vst v0  }
0x5d: {  	[tilespmem:s13+$0xFFFFFFD0] =	vst v0  }
0x5e: {  	[tilespmem:$0x2700] =	vst v0;
	s13 =	rddreg [dreg:$0x4]  }
0x5f: {  	[tilespmem:s25], [sflag:$0x2] =	stream.linear.gather [hbm4b:s13+s2], $0x2710, $0x38;
	[tilespmem:$0x1EE00] =	vst v63  }
0x60: {  	_ =	swait.ge [sflag:s26], $0x2710  }
0x61: {  	[sflag:s26] =	ssyncset.done $0x0  }
0x62: {  	[sflag:s26] =	ssyncadd.s32 $0xFFFFD8F0  }
0x63: {  	[tilespmem:s28], [sflag:$0x2] =	stream.linear.gather [hbm4b:s5+s2], $0x2710, $0x38;
	[tilespmem:$0x1EE00] =	vst v63  }
0x64: {  	_ =	swait.ge [sflag:s26], $0x2710  }
0x65: {  	[sflag:s26] =	ssyncset.done $0x0  }
0x66: {  	s14 =	simm.s32 $0x4F20;
	[sflag:s26] =	ssyncadd.s32 $0xFFFFD8F0  }
0x67: {  	v5 =	vld [tilespmem:s14+$0x10]  }
0x68: {  	v6 =	vld [tilespmem:s14+$0xFFFFFFF0]  }
0x69: {  	s13 =	simm.s32 $0x27A0;
	v1 =	vld [tilespmem:s14+$0x0]  }
0x6a: {  	v7 =	vld [tilespmem:s13+$0x10]  }
0x6b: {  	v8 =	vld [tilespmem:s13+$0xFFFFFFF0]  }
0x6c: {  	v4 =	vld [tilespmem:s13+$0x0]  }
0x6d: {  	v2 =	vld [tilespmem:s14+$0xFFFFFFE0]  }
0x6e: {  	v3 =	vld [tilespmem:s13+$0xFFFFFFE0]  }
0x6f: {  	[tilespmem:v5+s2+$0x0] =	vst.idx.add.f32.msk $0xffff, v7  }
0x70: {  	s15 =	simm.s32 $0x4F60;
	s14 =	simm.s32 $0x0;
	[tilespmem:v6+s2+$0x0] =	vst.idx.add.f32.msk $0xffff, v8  }
.LBB2_4:
0x71: {  	v5 =	vld [tilespmem:s15+$0x10];
	s14 =	sadd.s32 $0x40, s14;
	v6 =	vmov v4  }
0x72: {  	v7 =	vld [tilespmem:s15+$0xFFFFFFF0];
	p0 =	slt.u32 s14, $0x26C0  }
0x73: {  	s13 =	sadd.s32 $0x40, s13;
	v8 =	vld [tilespmem:s15+$0x0]  }
0x74: {  	v9 =	vld [tilespmem:s13+$0x10]  }
0x75: {  	v10 =	vld [tilespmem:s15+$0xFFFFFFE0]  }
0x76: {  	v11 =	vld [tilespmem:s13+$0xFFFFFFE0]  }
0x77: {  	v12 =	vld [tilespmem:s13+$0xFFFFFFF0]  }
.Ltmp1:
0x78: {  	v4 =	vld [tilespmem:s13+$0x0];
	(pc) =	sbr.rel @p0 .LBB2_4-.Ltmp1, $4  }
0x79: {  	[tilespmem:v5+s2+$0x0] =	vst.idx.add.f32.msk $0xffff, v9  }
0x7a: {  	[tilespmem:v2+s2+$0x0] =	vst.idx.add.f32.msk $0xffff, v3;
	v2 =	vmov v10  }
0x7b: {  	[tilespmem:v1+s2+$0x0] =	vst.idx.add.f32.msk $0xffff, v6;
	v1 =	vmov v8;
	v3 =	vmov v11  }
0x7c: {  	s15 =	sadd.s32 $0x40, s15;
	[tilespmem:v7+s2+$0x0] =	vst.idx.add.f32.msk $0xffff, v12  }
0x7d: {  	_ =	sdelay $0x3  }
0x7e: {  	[tilespmem:v2+s2+$0x0] =	vst.idx.add.f32.msk $0xffff, v3  }
0x7f: {  	[tilespmem:v1+s2+$0x0] =	vst.idx.add.f32.msk $0xffff, v4  }
0x80: {  	v1 =	vld [tilespmem:$0x7600];
	_ =	sdelay $0x2  }
0x81: {  	v2 =	vld [tilespmem:$0x4E80];
	_ =	sdelay $0x4  }
0x82: {  	s13 =	rddreg [dreg:$0x5];
	[tilespmem:v1+s2+$0x0] =	vst.idx.add.f32.msk $0xffff, v2  }
0x83: {  	[tilespmem:s25], [sflag:$0x2] =	stream.linear.gather [hbm4b:s13+s2], $0x2710, $0x38;
	[tilespmem:$0x1EE00] =	vst v63  }
0x84: {  	_ =	swait.ge [sflag:s26], $0x2710  }
0x85: {  	s16 =	sld [smem:$0x7E2]  }
0x86: {  	[sflag:s26] =	ssyncset.done $0x0  }
0x87: {  	[sflag:s26] =	ssyncadd.s32 $0xFFFFD8F0  }
0x88: {  	[tilespmem:s28], [sflag:$0x2] =	stream.linear.gather [hbm4b:s16+s2], $0x2710, $0x38;
	[tilespmem:$0x1EE00] =	vst v63  }
0x89: {  	_ =	swait.ge [sflag:s26], $0x2710  }
0x8a: {  	[sflag:s26] =	ssyncset.done $0x0  }
0x8b: {  	s14 =	simm.s32 $0x4F20;
	[sflag:s26] =	ssyncadd.s32 $0xFFFFD8F0  }
0x8c: {  	v5 =	vld [tilespmem:s14+$0x10]  }
0x8d: {  	v6 =	vld [tilespmem:s14+$0xFFFFFFF0]  }
0x8e: {  	s13 =	simm.s32 $0x27A0;
	v1 =	vld [tilespmem:s14+$0x0]  }
0x8f: {  	v7 =	vld [tilespmem:s13+$0x10]  }
0x90: {  	v8 =	vld [tilespmem:s13+$0xFFFFFFF0]  }
0x91: {  	v4 =	vld [tilespmem:s13+$0x0]  }
0x92: {  	v2 =	vld [tilespmem:s14+$0xFFFFFFE0]  }
0x93: {  	v3 =	vld [tilespmem:s13+$0xFFFFFFE0]  }
0x94: {  	[tilespmem:v5+s2+$0x0] =	vst.idx.add.f32.msk $0xffff, v7  }
0x95: {  	s15 =	simm.s32 $0x4F60;
	s14 =	simm.s32 $0x0;
	[tilespmem:v6+s2+$0x0] =	vst.idx.add.f32.msk $0xffff, v8  }
.LBB2_6:
0x96: {  	v5 =	vld [tilespmem:s15+$0x10];
	s14 =	sadd.s32 $0x40, s14;
	v6 =	vmov v4  }
0x97: {  	v7 =	vld [tilespmem:s15+$0xFFFFFFF0];
	p0 =	slt.u32 s14, $0x26C0  }
0x98: {  	s13 =	sadd.s32 $0x40, s13;
	v8 =	vld [tilespmem:s15+$0x0]  }
0x99: {  	v9 =	vld [tilespmem:s13+$0x10]  }
0x9a: {  	v10 =	vld [tilespmem:s15+$0xFFFFFFE0]  }
0x9b: {  	v11 =	vld [tilespmem:s13+$0xFFFFFFE0]  }
0x9c: {  	v12 =	vld [tilespmem:s13+$0xFFFFFFF0]  }
.Ltmp2:
0x9d: {  	v4 =	vld [tilespmem:s13+$0x0];
	(pc) =	sbr.rel @p0 .LBB2_6-.Ltmp2, $4  }
0x9e: {  	[tilespmem:v5+s2+$0x0] =	vst.idx.add.f32.msk $0xffff, v9  }
0x9f: {  	[tilespmem:v2+s2+$0x0] =	vst.idx.add.f32.msk $0xffff, v3;
	v2 =	vmov v10  }
0xa0: {  	[tilespmem:v1+s2+$0x0] =	vst.idx.add.f32.msk $0xffff, v6;
	v1 =	vmov v8;
	v3 =	vmov v11  }
0xa1: {  	s15 =	sadd.s32 $0x40, s15;
	[tilespmem:v7+s2+$0x0] =	vst.idx.add.f32.msk $0xffff, v12  }
0xa2: {  	_ =	sdelay $0x3  }
0xa3: {  	[tilespmem:v2+s2+$0x0] =	vst.idx.add.f32.msk $0xffff, v3  }
0xa4: {  	[tilespmem:v1+s2+$0x0] =	vst.idx.add.f32.msk $0xffff, v4  }
0xa5: {  	v1 =	vld [tilespmem:$0x7600];
	_ =	sdelay $0x2  }
0xa6: {  	v2 =	vld [tilespmem:$0x4E80];
	_ =	sdelay $0x4  }
0xa7: {  	s13 =	rddreg [dreg:$0x6];
	[tilespmem:v1+s2+$0x0] =	vst.idx.add.f32.msk $0xffff, v2  }
0xa8: {  	[hbm4b:s13+s2] =	stream.linear.scatter [tilespmem:s2], [sflag:$0x2], $0x2710, $0x38;
	[tilespmem:$0x1EE00] =	vst v63  }
0xa9: {  	_ =	swait.ge [sflag:s26], $0x2710  }
0xaa: {  	[sflag:s26] =	ssyncset.done $0x0  }
0xab: {  	[sflag:s26] =	ssyncadd.s32 $0xFFFFD8F0  }
0xac: {  	[bflag:$0x0] =	sbarrier.arrive $0xFFFF  }
0xad: {  	s14 =	sld [smem:$0x7E3]  }
0xae: {  	[tilespmem:s17], [sflag:$0x1] =	stream.linear.gather [hbm4b:s8+s2], $0x140, $0x38;
	[tilespmem:$0x1EE00] =	vst v63  }
0xaf: {  	s15 =	sld [smem:$0x7E4]  }
0xb0: {  	[tilespmem:s18], [sflag:$0x1] =	stream.linear.gather [hbm4b:s14+s2], $0x140, $0x38;
	[tilespmem:$0x1EE00] =	vst v63  }
0xb1: {  	s16 =	sld [smem:$0x7E5]  }
0xb2: {  	[tilespmem:s19], [sflag:$0x1] =	stream.linear.gather [hbm4b:s15+s2], $0x140, $0x38;
	[tilespmem:$0x1EE00] =	vst v63  }
0xb3: {  	s14 =	simm.s32 $0xA1C0;
	s15 =	sld [smem:$0x7E6]  }
0xb4: {  	[tilespmem:s14], [sflag:$0x1] =	stream.linear.gather [hbm4b:s16+s2], $0x140, $0x38;
	[tilespmem:$0x1EE00] =	vst v63  }
0xb5: {  	s16 =	simm.s32 $0xA300  }
0xb6: {  	[tilespmem:s16], [sflag:$0x1] =	stream.linear.gather [hbm4b:s15+s2], $0x140, $0x38;
	[tilespmem:$0x1EE00] =	vst v63  }
0xb7: {  	s15 =	sld [smem:$0x7E7];
	_ =	sdelay $0x1  }
0xb8: {  	s16 =	simm.s32 $0xA440  }
0xb9: {  	[tilespmem:s16], [sflag:$0x1] =	stream.linear.gather [hbm4b:s15+s2], $0x140, $0x38;
	[tilespmem:$0x1EE00] =	vst v63  }
0xba: {  	s15 =	sld [smem:$0x7E8];
	_ =	sdelay $0x1  }
0xbb: {  	s16 =	simm.s32 $0xA580  }
0xbc: {  	[tilespmem:s16], [sflag:$0x1] =	stream.linear.gather [hbm4b:s15+s2], $0x140, $0x38;
	[tilespmem:$0x1EE00] =	vst v63  }
0xbd: {  	s15 =	sld [smem:$0x7E9];
	_ =	sdelay $0x1  }
0xbe: {  	s16 =	simm.s32 $0xA6C0  }
0xbf: {  	[tilespmem:s16], [sflag:$0x1] =	stream.linear.gather [hbm4b:s15+s2], $0x140, $0x38;
	[tilespmem:$0x1EE00] =	vst v63  }
0xc0: {  	s15 =	sld [smem:$0x7EA];
	_ =	sdelay $0x1  }
0xc1: {  	s16 =	simm.s32 $0xA800  }
0xc2: {  	[tilespmem:s16], [sflag:$0x1] =	stream.linear.gather [hbm4b:s15+s2], $0x140, $0x38;
	[tilespmem:$0x1EE00] =	vst v63  }
0xc3: {  	s15 =	sld [smem:$0x7EB];
	_ =	sdelay $0x1  }
0xc4: {  	s16 =	simm.s32 $0xA940  }
0xc5: {  	[tilespmem:s16], [sflag:$0x1] =	stream.linear.gather [hbm4b:s15+s2], $0x140, $0x38;
	[tilespmem:$0x1EE00] =	vst v63  }
0xc6: {  	s15 =	sld [smem:$0x7EC];
	_ =	sdelay $0x1  }
0xc7: {  	s16 =	simm.s32 $0xAA80  }
0xc8: {  	[tilespmem:s16], [sflag:$0x1] =	stream.linear.gather [hbm4b:s15+s2], $0x140, $0x38;
	[tilespmem:$0x1EE00] =	vst v63  }
0xc9: {  	s15 =	sld [smem:$0x7ED];
	_ =	sdelay $0x1  }
0xca: {  	s16 =	simm.s32 $0xABC0  }
0xcb: {  	[tilespmem:s16], [sflag:$0x1] =	stream.linear.gather [hbm4b:s15+s2], $0x140, $0x38;
	[tilespmem:$0x1EE00] =	vst v63  }
0xcc: {  	s15 =	sld [smem:$0x7EE];
	_ =	sdelay $0x1  }
0xcd: {  	s16 =	simm.s32 $0xAD00  }
0xce: {  	[tilespmem:s16], [sflag:$0x1] =	stream.linear.gather [hbm4b:s15+s2], $0x140, $0x38;
	[tilespmem:$0x1EE00] =	vst v63  }
0xcf: {  	s15 =	sld [smem:$0x7EF];
	_ =	sdelay $0x1  }
0xd0: {  	s16 =	simm.s32 $0xAE40  }
0xd1: {  	[tilespmem:s16], [sflag:$0x1] =	stream.linear.gather [hbm4b:s15+s2], $0x140, $0x38;
	[tilespmem:$0x1EE00] =	vst v63  }
0xd2: {  	s15 =	sld [smem:$0x7F0];
	_ =	sdelay $0x1  }
0xd3: {  	s16 =	simm.s32 $0xAF80  }
0xd4: {  	[tilespmem:s16], [sflag:$0x1] =	stream.linear.gather [hbm4b:s15+s2], $0x140, $0x38;
	[tilespmem:$0x1EE00] =	vst v63  }
0xd5: {  	s15 =	sld [smem:$0x7F1];
	_ =	sdelay $0x1  }
0xd6: {  	s16 =	simm.s32 $0xB0C0  }
0xd7: {  	[tilespmem:s16], [sflag:$0x1] =	stream.linear.gather [hbm4b:s15+s2], $0x140, $0x38;
	[tilespmem:$0x1EE00] =	vst v63  }
0xd8: {  	_ =	swait.ge [sflag:s29], $0x140  }
0xd9: {  	[sflag:s29] =	ssyncset.done $0x0  }
0xda: {  	[sflag:s29] =	ssyncadd.s32 $0xFFFFFEC0  }
0xdb: {  	_ =	swait.ge [sflag:s29], $0x140  }
0xdc: {  	[sflag:s29] =	ssyncset.done $0x0  }
0xdd: {  	[sflag:s29] =	ssyncadd.s32 $0xFFFFFEC0  }
0xde: {  	_ =	swait.ge [sflag:s29], $0x140  }
0xdf: {  	[sflag:s29] =	ssyncset.done $0x0  }
0xe0: {  	[sflag:s29] =	ssyncadd.s32 $0xFFFFFEC0  }
0xe1: {  	_ =	swait.ge [sflag:s29], $0x140  }
0xe2: {  	[sflag:s29] =	ssyncset.done $0x0  }
0xe3: {  	[sflag:s29] =	ssyncadd.s32 $0xFFFFFEC0  }
0xe4: {  	_ =	swait.ge [sflag:s29], $0x140  }
0xe5: {  	[sflag:s29] =	ssyncset.done $0x0  }
0xe6: {  	[sflag:s29] =	ssyncadd.s32 $0xFFFFFEC0  }
0xe7: {  	_ =	swait.ge [sflag:s29], $0x140  }
0xe8: {  	[sflag:s29] =	ssyncset.done $0x0  }
0xe9: {  	[sflag:s29] =	ssyncadd.s32 $0xFFFFFEC0  }
0xea: {  	_ =	swait.ge [sflag:s29], $0x140  }
0xeb: {  	[sflag:s29] =	ssyncset.done $0x0  }
0xec: {  	[sflag:s29] =	ssyncadd.s32 $0xFFFFFEC0  }
0xed: {  	_ =	swait.ge [sflag:s29], $0x140  }
0xee: {  	[sflag:s29] =	ssyncset.done $0x0  }
0xef: {  	[sflag:s29] =	ssyncadd.s32 $0xFFFFFEC0  }
0xf0: {  	_ =	swait.ge [sflag:s29], $0x140  }
0xf1: {  	[sflag:s29] =	ssyncset.done $0x0  }
0xf2: {  	[sflag:s29] =	ssyncadd.s32 $0xFFFFFEC0  }
0xf3: {  	_ =	swait.ge [sflag:s29], $0x140  }
0xf4: {  	[sflag:s29] =	ssyncset.done $0x0  }
0xf5: {  	[sflag:s29] =	ssyncadd.s32 $0xFFFFFEC0  }
0xf6: {  	_ =	swait.ge [sflag:s29], $0x140  }
0xf7: {  	[sflag:s29] =	ssyncset.done $0x0  }
0xf8: {  	[sflag:s29] =	ssyncadd.s32 $0xFFFFFEC0  }
0xf9: {  	_ =	swait.ge [sflag:s29], $0x140  }
0xfa: {  	[sflag:s29] =	ssyncset.done $0x0  }
0xfb: {  	[sflag:s29] =	ssyncadd.s32 $0xFFFFFEC0  }
0xfc: {  	_ =	swait.ge [sflag:s29], $0x140  }
0xfd: {  	[sflag:s29] =	ssyncset.done $0x0  }
0xfe: {  	[sflag:s29] =	ssyncadd.s32 $0xFFFFFEC0  }
0xff: {  	_ =	swait.ge [sflag:s29], $0x140  }
0x100: {  	[sflag:s29] =	ssyncset.done $0x0  }
0x101: {  	[sflag:s29] =	ssyncadd.s32 $0xFFFFFEC0  }
0x102: {  	_ =	swait.ge [sflag:s29], $0x140  }
0x103: {  	[sflag:s29] =	ssyncset.done $0x0  }
0x104: {  	[sflag:s29] =	ssyncadd.s32 $0xFFFFFEC0  }
0x105: {  	_ =	swait.ge [sflag:s29], $0x140  }
0x106: {  	s15 =	simm.s32 $0x0;
	[sflag:s29] =	ssyncset.done $0x0  }
0x107: {  	s13 =	sand.u32 $0x1E0, s15;
	[sflag:s29] =	ssyncadd.s32 $0xFFFFFEC0  }
0x108: {  	v1 =	vld [tilespmem:s13+$0xA800]  }
0x109: {  	v2 =	vld [tilespmem:s13+$0xA580]  }
0x10a: {  	v3 =	vld [tilespmem:s13+$0xA300]  }
0x10b: {  	s15 =	simm.s32 $0xA810;
	v4 =	vld [tilespmem:s13+$0xA080]  }
0x10c: {  	v5 =	vld [tilespmem:s15+$0xFFFFF600]  }
0x10d: {  	v6 =	vld [tilespmem:s15+$0xFFFFF740]  }
0x10e: {  	v7 =	vld [tilespmem:s15+$0xFFFFF5F0]  }
0x10f: {  	v8 =	vld [tilespmem:s15+$0xFFFFF880]  }
0x110: {  	v9 =	vld [tilespmem:s15+$0xFFFFF730]  }
0x111: {  	v10 =	vld [tilespmem:s15+$0xFFFFF9C0]  }
0x112: {  	v11 =	vld [tilespmem:s15+$0xFFFFF9B0]  }
0x113: {  	v12 =	vld [tilespmem:s15+$0xFFFFFB00]  }
0x114: {  	v13 =	vld [tilespmem:s15+$0xFFFFFC30]  }
0x115: {  	v14 =	vld [tilespmem:s15+$0xFFFFFC40]  }
0x116: {  	v15 =	vld [tilespmem:s15+$0xFFFFFEB0]  }
0x117: {  	v16 =	vld [tilespmem:s15+$0xFFFFFD80]  }
0x118: {  	v17 =	vld [tilespmem:s15+$0x130]  }
0x119: {  	v18 =	vld [tilespmem:s15+$0xFFFFFEC0]  }
0x11a: {  	v19 =	vld [tilespmem:s15+$0x3B0]  }
0x11b: {  	v20 =	vld [tilespmem:s15+$0x0]  }
0x11c: {  	v21 =	vld [tilespmem:s15+$0x630]  }
0x11d: {  	v22 =	vld [tilespmem:s15+$0x140]  }
0x11e: {  	v23 =	vld [tilespmem:s15+$0x8B0]  }
0x11f: {  	v24 =	vld [tilespmem:s15+$0x280]  }
0x120: {  	v25 =	vld [tilespmem:s13+$0xAF80]  }
0x121: {  	v26 =	vld [tilespmem:s15+$0x3C0]  }
0x122: {  	s16 =	simm.s32 $0x20;
	v27 =	vld [tilespmem:s13+$0xAA80];
	v5 =	vadd.f32 v6, v5  }
0x123: {  	s14 =	sand.u32 $0x1E0, s16;
	s16 =	simm.s32 $0xA830;
	v28 =	vld [tilespmem:s13+$0xAD00]  }
0x124: {  	v55 =	vld [tilespmem:s16+$0xFFFFF9C0];
	v5 =	vadd.f32 v8, v5  }
0x125: {  	v6 =	vld [tilespmem:s15+$0x500];
	v7 =	vadd.f32 v9, v7  }
0x126: {  	v9 =	vld [tilespmem:s14+$0xA800];
	v5 =	vadd.f32 v10, v5  }
0x127: {  	v8 =	vld [tilespmem:s15+$0x640];
	v4 =	vadd.f32 v4, v7  }
0x128: {  	v7 =	vld [tilespmem:s14+$0xA580];
	v5 =	vadd.f32 v12, v5  }
0x129: {  	v10 =	vld [tilespmem:s15+$0x780];
	v4 =	vadd.f32 v11, v4  }
0x12a: {  	v11 =	vld [tilespmem:s14+$0xA300];
	v5 =	vadd.f32 v14, v5  }
0x12b: {  	v3 =	vadd.f32 v3, v4;
	v4 =	vld [tilespmem:s16+$0xFFFFF600]  }
0x12c: {  	v5 =	vadd.f32 v16, v5;
	v16 =	vld [tilespmem:s16+$0xFFFFF740]  }
0x12d: {  	v3 =	vadd.f32 v13, v3;
	v13 =	vld [tilespmem:s16+$0xFFFFF5F0]  }
0x12e: {  	v5 =	vadd.f32 v18, v5;
	v18 =	vld [tilespmem:s16+$0xFFFFF880]  }
0x12f: {  	v2 =	vadd.f32 v2, v3;
	v3 =	vld [tilespmem:s16+$0xFFFFF730]  }
0x130: {  	v12 =	vld [tilespmem:s15+$0x8C0];
	v5 =	vadd.f32 v20, v5  }
0x131: {  	v14 =	vld [tilespmem:s14+$0xA080];
	v2 =	vadd.f32 v15, v2;
	v4 =	vadd.f32 v16, v4  }
0x132: {  	v16 =	vld [tilespmem:s16+$0xFFFFFB00];
	v5 =	vadd.f32 v22, v5  }
0x133: {  	v15 =	vld [tilespmem:s16+$0xFFFFF9B0];
	v1 =	vadd.f32 v1, v2;
	v2 =	vadd.f32 v18, v4  }
0x134: {  	s15 =	simm.s32 $0xA850;
	v3 =	vadd.f32 v3, v13;
	v13 =	vld [tilespmem:s16+$0xFFFFFC40];
	v5 =	vadd.f32 v24, v5  }
0x135: {  	v56 =	vld [tilespmem:s15+$0xFFFFF9B0];
	v1 =	vadd.f32 v17, v1;
	v2 =	vadd.f32 v55, v2  }
0x136: {  	v3 =	vadd.f32 v14, v3;
	v14 =	vld [tilespmem:s16+$0xFFFFFD80];
	v5 =	vadd.f32 v26, v5  }
0x137: {  	v4 =	vld [tilespmem:s16+$0xFFFFFC30];
	v1 =	vadd.f32 v27, v1;
	v2 =	vadd.f32 v16, v2  }
0x138: {  	v3 =	vadd.f32 v15, v3;
	v5 =	vadd.f32 v6, v5;
	v6 =	vld [tilespmem:s16+$0xFFFFFEC0]  }
0x139: {  	v57 =	vld [tilespmem:s15+$0xFFFFFB00];
	v1 =	vadd.f32 v19, v1;
	v2 =	vadd.f32 v13, v2  }
0x13a: {  	v3 =	vadd.f32 v11, v3;
	v5 =	vadd.f32 v8, v5;
	v8 =	vld [tilespmem:s16+$0x0]  }
0x13b: {  	v17 =	vld [tilespmem:s16+$0xFFFFFEB0];
	v1 =	vadd.f32 v28, v1;
	v2 =	vadd.f32 v14, v2  }
0x13c: {  	v3 =	vadd.f32 v4, v3;
	v4 =	vld [tilespmem:s16+$0x140];
	v5 =	vadd.f32 v10, v5  }
0x13d: {  	v58 =	vld [tilespmem:s15+$0xFFFFFEB0];
	v1 =	vadd.f32 v21, v1;
	v2 =	vadd.f32 v6, v2  }
0x13e: {  	v3 =	vadd.f32 v7, v3;
	v6 =	vld [tilespmem:s16+$0x280];
	v5 =	vadd.f32 v12, v5  }
0x13f: {  	v16 =	vld [tilespmem:s16+$0x130];
	v1 =	vadd.f32 v25, v1;
	v2 =	vadd.f32 v8, v2  }
0x140: {  	v3 =	vadd.f32 v17, v3;
	v8 =	vld [tilespmem:s16+$0x3C0];
	v5 =	vadd.f32 $1.000000000e+00, v5  }
0x141: {  	v1 =	vadd.f32 v23, v1;
	v12 =	vld [tilespmem:s14+$0xAA80];
	v2 =	vadd.f32 v4, v2  }
0x142: {  	v3 =	vadd.f32 v9, v3;
	v9 =	vld [tilespmem:s16+$0x500];
	v4 =	vshrl.u32 v5, $0x1;
	v5 =	vmul.f32 $5.000000000e-01, v5  }
0x143: {  	v15 =	vld [tilespmem:s16+$0x3B0];
	v1 =	vadd.f32 $1.000000000e+00, v1;
	v4 =	vsub.s32 $0x5F3759DF, v4;
	v2 =	vadd.f32 v6, v2  }
0x144: {  	v14 =	vld [tilespmem:s16+$0x640];
	v3 =	vadd.f32 v16, v3;
	v6 =	vmul.f32 v4, v5  }
0x145: {  	v13 =	vld [tilespmem:s14+$0xAD00];
	v16 =	vshrl.u32 v1, $0x1;
	v2 =	vadd.f32 v8, v2  }
0x146: {  	v11 =	vld [tilespmem:s16+$0x630];
	v3 =	vadd.f32 v12, v3;
	v8 =	vmul.f32 $5.000000000e-01, v1;
	v1 =	vmul.f32 v4, v6  }
0x147: {  	v12 =	vsub.s32 $0x5F3759DF, v16;
	v6 =	vld [tilespmem:s16+$0x780];
	v2 =	vadd.f32 v9, v2  }
0x148: {  	v7 =	vld [tilespmem:s14+$0xAF80];
	v3 =	vadd.f32 v15, v3;
	v9 =	vmul.f32 v12, v8;
	v1 =	vsub.f32 $1.500000000e+00, v1  }
0x149: {  	v15 =	vld [tilespmem:s16+$0x8C0];
	v2 =	vadd.f32 v14, v2  }
0x14a: {  	v9 =	vmul.f32 v12, v9;
	v4 =	vmul.f32 v4, v1;
	v1 =	vadd.f32 v13, v3;
	v3 =	vld [tilespmem:s15+$0xFFFFF600]  }
0x14b: {  	v13 =	vld [tilespmem:s15+$0xFFFFF740]  }
0x14c: {  	v10 =	vld [tilespmem:s16+$0x8B0];
	v2 =	vadd.f32 v6, v2;
	v6 =	vsub.f32 $1.500000000e+00, v9  }
0x14d: {  	v9 =	vmul.f32 v4, v5;
	v1 =	vadd.f32 v11, v1;
	v11 =	vld [tilespmem:s15+$0xFFFFF5F0]  }
0x14e: {  	v2 =	vadd.f32 v15, v2;
	v6 =	vmul.f32 v12, v6;
	v12 =	vld [tilespmem:s15+$0xFFFFF880]  }
0x14f: {  	v9 =	vmul.f32 v9, v4;
	v1 =	vadd.f32 v7, v1;
	v7 =	vld [tilespmem:s15+$0xFFFFF730]  }
0x150: {  	s13 =	simm.s32 $0x40;
	v59 =	vld [tilespmem:s15+$0xFFFFFEC0];
	v2 =	vadd.f32 $1.000000000e+00, v2;
	v15 =	vmul.f32 v6, v8;
	v3 =	vadd.f32 v13, v3  }
0x151: {  	v19 =	vld [tilespmem:s15+$0xFFFFF9C0];
	s14 =	sand.u32 $0x1E0, s13;
	v9 =	vsub.f32 $1.500000000e+00, v9;
	v10 =	vadd.f32 v10, v1  }
0x152: {  	v14 =	vld [tilespmem:s14+$0xA080];
	v13 =	vshrl.u32 v2, $0x1;
	v1 =	vmul.f32 $5.000000000e-01, v2;
	v15 =	vmul.f32 v15, v6  }
0x153: {  	v62 =	vld [tilespmem:s15+$0x140];
	v2 =	vadd.f32 $1.000000000e+00, v10;
	v10 =	vsub.s32 $0x5F3759DF, v13;
	v9 =	vmul.f32 v9, v4  }
0x154: {  	v17 =	vld [tilespmem:s14+$0xA800];
	v3 =	vadd.f32 v12, v3;
	v4 =	vmul.f32 v10, v1;
	v7 =	vadd.f32 v7, v11  }
0x155: {  	v11 =	vld [tilespmem:s15+$0xFFFFFC40];
	v15 =	vsub.f32 $1.500000000e+00, v15;
	v12 =	vshrl.u32 v2, $0x1;
	v2 =	vmul.f32 $5.000000000e-01, v2  }
0x156: {  	v18 =	vld [tilespmem:s14+$0xA300];
	v3 =	vadd.f32 v19, v3;
	v12 =	vsub.s32 $0x5F3759DF, v12;
	v4 =	vmul.f32 v10, v4  }
0x157: {  	v7 =	vadd.f32 v14, v7;
	v14 =	vld [tilespmem:s15+$0xFFFFFD80];
	v19 =	vmul.f32 v12, v2  }
0x158: {  	v13 =	vld [tilespmem:s15+$0xFFFFFC30];
	v15 =	vmul.f32 v15, v6;
	v3 =	vadd.f32 v57, v3;
	v4 =	vsub.f32 $1.500000000e+00, v4  }
0x159: {  	v16 =	vld [tilespmem:s14+$0xA580];
	v5 =	vmul.f32 v9, v5;
	v7 =	vadd.f32 v56, v7;
	v19 =	vmul.f32 v12, v19  }
0x15a: {  	v6 =	vld [tilespmem:s15+$0x130];
	v8 =	vmul.f32 v15, v8;
	v3 =	vadd.f32 v11, v3;
	v10 =	vmul.f32 v10, v4  }
0x15b: {  	v60 =	vmul.f32 v5, v9;
	v7 =	vadd.f32 v18, v7;
	v18 =	vld [tilespmem:s15+$0x0];
	v11 =	vsub.f32 $1.500000000e+00, v19  }
0x15c: {  	v5 =	vld [tilespmem:s15+$0x3B0];
	v8 =	vmul.f32 v8, v15;
	v14 =	vadd.f32 v14, v3;
	v61 =	vmul.f32 v10, v1  }
0x15d: {  	v4 =	vld [tilespmem:s15+$0x630];
	v19 =	vsub.f32 $1.500000000e+00, v60;
	v13 =	vadd.f32 v13, v7;
	v7 =	vmul.f32 v12, v11  }
0x15e: {  	v3 =	vld [tilespmem:s15+$0x8B0];
	v8 =	vsub.f32 $1.500000000e+00, v8;
	v12 =	vadd.f32 v59, v14;
	v14 =	vmul.f32 v61, v10  }
0x15f: {  	v11 =	vld [tilespmem:s15+$0x280];
	v9 =	vmul.f32 v19, v9;
	v13 =	vadd.f32 v16, v13;
	v16 =	vmul.f32 v7, v2  }
0x160: {  	v19 =	vmul.f32 v8, v15;
	v8 =	vld [tilespmem:s14+$0xAF80];
	v15 =	vadd.f32 v18, v12;
	v14 =	vsub.f32 $1.500000000e+00, v14  }
0x161: {  	s16 =	simm.s32 $0x10;
	v12 =	vld [tilespmem:s15+$0x3C0];
	v18 =	vadd.f32 v58, v13;
	v63 =	vmul.f32 v16, v7  }
0x162: {  	[tilespmem:s16+$0x0] =	vst v9;
	v13 =	vld [tilespmem:s14+$0xAA80];
	v15 =	vadd.f32 v62, v15;
	v9 =	vmul.f32 v14, v10  }
0x163: {  	[tilespmem:s16+$0xFFFFFFF0] =	vst v19;
	v16 =	vadd.f32 v17, v18;
	v14 =	vld [tilespmem:s15+$0x500];
	v10 =	vsub.f32 $1.500000000e+00, v63  }
.LBB2_8:
0x164: {  	s13 =	sadd.s32 $0x20, s13;
	v17 =	vld [tilespmem:s14+$0xAD00];
	v11 =	vadd.f32 v11, v15;
	v1 =	vmul.f32 v9, v1  }
0x165: {  	s14 =	sand.u32 $0x1E0, s13;
	p0 =	slt.u32 s13, $0x120;
	v6 =	vadd.f32 v6, v16;
	v15 =	vld [tilespmem:s15+$0x640];
	v7 =	vmul.f32 v10, v7  }
0x166: {  	v10 =	vld [tilespmem:s14+$0xA800];
	v11 =	vadd.f32 v12, v11;
	v1 =	vmul.f32 v1, v9  }
0x167: {  	v6 =	vadd.f32 v13, v6;
	v12 =	vld [tilespmem:s15+$0x780];
	v2 =	vmul.f32 v7, v2  }
0x168: {  	v13 =	vld [tilespmem:s14+$0xA580];
	v11 =	vadd.f32 v14, v11;
	v1 =	vsub.f32 $1.500000000e+00, v1  }
0x169: {  	v5 =	vadd.f32 v5, v6;
	v6 =	vld [tilespmem:s15+$0x8C0];
	v2 =	vmul.f32 v2, v7  }
0x16a: {  	v14 =	vld [tilespmem:s14+$0xA300];
	v11 =	vadd.f32 v15, v11;
	v1 =	vmul.f32 v1, v9  }
0x16b: {  	s16 =	sadd.s32 $0x20, s16;
	s15 =	sadd.s32 $0x20, s15;
	v9 =	vld [tilespmem:s14+$0xA080];
	v5 =	vadd.f32 v17, v5;
	v2 =	vsub.f32 $1.500000000e+00, v2  }
0x16c: {  	v15 =	vld [tilespmem:s15+$0xFFFFF600];
	v11 =	vadd.f32 v12, v11;
	[tilespmem:s16+$0x0] =	vst v1  }
0x16d: {  	v1 =	vld [tilespmem:s15+$0xFFFFF740];
	v4 =	vadd.f32 v4, v5;
	v2 =	vmul.f32 v2, v7  }
0x16e: {  	v5 =	vld [tilespmem:s15+$0xFFFFF5F0];
	v6 =	vadd.f32 v6, v11  }
0x16f: {  	v7 =	vld [tilespmem:s15+$0xFFFFF880];
	v4 =	vadd.f32 v8, v4;
	[tilespmem:s16+$0xFFFFFFF0] =	vst v2  }
0x170: {  	v2 =	vld [tilespmem:s15+$0xFFFFF730];
	v6 =	vadd.f32 $1.000000000e+00, v6  }
0x171: {  	v8 =	vld [tilespmem:s15+$0xFFFFF9C0];
	v3 =	vadd.f32 v3, v4  }
0x172: {  	v4 =	vld [tilespmem:s15+$0xFFFFF9B0];
	v11 =	vadd.f32 v1, v15;
	v12 =	vshrl.u32 v6, $0x1;
	v1 =	vmul.f32 $5.000000000e-01, v6  }
0x173: {  	v15 =	vld [tilespmem:s15+$0xFFFFFB00];
	v3 =	vadd.f32 $1.000000000e+00, v3;
	v12 =	vsub.s32 $0x5F3759DF, v12  }
0x174: {  	v16 =	vld [tilespmem:s15+$0xFFFFFC30];
	v6 =	vadd.f32 v7, v11;
	v7 =	vmul.f32 v12, v1  }
0x175: {  	v5 =	vadd.f32 v2, v5;
	v11 =	vld [tilespmem:s15+$0xFFFFFC40];
	v17 =	vshrl.u32 v3, $0x1;
	v2 =	vmul.f32 $5.000000000e-01, v3  }
0x176: {  	v18 =	vld [tilespmem:s15+$0xFFFFFEB0];
	v3 =	vadd.f32 v8, v6;
	v8 =	vsub.s32 $0x5F3759DF, v17;
	v7 =	vmul.f32 v12, v7  }
0x177: {  	v5 =	vadd.f32 v9, v5;
	v9 =	vld [tilespmem:s15+$0xFFFFFD80];
	v17 =	vmul.f32 v8, v2  }
0x178: {  	v6 =	vld [tilespmem:s15+$0x130];
	v3 =	vadd.f32 v15, v3;
	v7 =	vsub.f32 $1.500000000e+00, v7  }
0x179: {  	v4 =	vadd.f32 v4, v5;
	v15 =	vld [tilespmem:s15+$0xFFFFFEC0];
	v17 =	vmul.f32 v8, v17  }
0x17a: {  	v5 =	vld [tilespmem:s15+$0x3B0];
	v3 =	vadd.f32 v11, v3;
	v19 =	vmul.f32 v12, v7  }
0x17b: {  	v7 =	vadd.f32 v14, v4;
	v12 =	vld [tilespmem:s15+$0x0];
	v11 =	vsub.f32 $1.500000000e+00, v17  }
0x17c: {  	v4 =	vld [tilespmem:s15+$0x630];
	v9 =	vadd.f32 v9, v3;
	v14 =	vmul.f32 v19, v1  }
0x17d: {  	v16 =	vadd.f32 v16, v7;
	v17 =	vld [tilespmem:s15+$0x140];
	v7 =	vmul.f32 v8, v11  }
0x17e: {  	v3 =	vld [tilespmem:s15+$0x8B0];
	v9 =	vadd.f32 v15, v9;
	v14 =	vmul.f32 v14, v19  }
.Ltmp3:
0x17f: {  	v13 =	vadd.f32 v13, v16;
	v11 =	vld [tilespmem:s15+$0x280];
	v15 =	vmul.f32 v7, v2;
	(pc) =	sbr.rel @p0 .LBB2_8-.Ltmp3, $4  }
0x180: {  	v8 =	vld [tilespmem:s14+$0xAF80];
	v9 =	vadd.f32 v12, v9;
	v14 =	vsub.f32 $1.500000000e+00, v14  }
0x181: {  	v16 =	vadd.f32 v18, v13;
	v12 =	vld [tilespmem:s15+$0x3C0];
	v18 =	vmul.f32 v15, v7  }
0x182: {  	v13 =	vld [tilespmem:s14+$0xAA80];
	v15 =	vadd.f32 v17, v9;
	v9 =	vmul.f32 v14, v19  }
0x183: {  	v16 =	vadd.f32 v10, v16;
	v14 =	vld [tilespmem:s15+$0x500];
	v10 =	vsub.f32 $1.500000000e+00, v18  }
0x184: {  	_ = 	snop  }
0x185: {  	v6 =	vadd.f32 v6, v16  }
0x186: {  	v11 =	vadd.f32 v11, v15;
	v16 =	vld [tilespmem:s14+$0xAD00]  }
0x187: {  	v15 =	vld [tilespmem:s15+$0x640];
	v6 =	vadd.f32 v13, v6  }
0x188: {  	v11 =	vadd.f32 v12, v11  }
0x189: {  	v12 =	vld [tilespmem:s15+$0x780];
	v5 =	vadd.f32 v5, v6  }
0x18a: {  	v6 =	vadd.f32 v14, v11  }
0x18b: {  	v11 =	vld [tilespmem:s15+$0x8C0];
	v5 =	vadd.f32 v16, v5  }
0x18c: {  	v6 =	vadd.f32 v15, v6  }
0x18d: {  	v4 =	vadd.f32 v4, v5  }
0x18e: {  	v5 =	vadd.f32 v12, v6  }
0x18f: {  	v4 =	vadd.f32 v8, v4  }
0x190: {  	v5 =	vadd.f32 v11, v5  }
0x191: {  	v3 =	vadd.f32 v3, v4  }
0x192: {  	v4 =	vadd.f32 $1.000000000e+00, v5  }
0x193: {  	v3 =	vadd.f32 $1.000000000e+00, v3  }
0x194: {  	v5 =	vshrl.u32 v4, $0x1;
	v4 =	vmul.f32 $5.000000000e-01, v4  }
0x195: {  	v5 =	vsub.s32 $0x5F3759DF, v5;
	v6 =	vshrl.u32 v3, $0x1;
	v3 =	vmul.f32 $5.000000000e-01, v3  }
0x196: {  	v8 =	vmul.f32 v5, v4;
	v6 =	vsub.s32 $0x5F3759DF, v6  }
0x197: {  	v11 =	vmul.f32 v6, v3  }
0x198: {  	v8 =	vmul.f32 v5, v8  }
0x199: {  	v11 =	vmul.f32 v6, v11  }
0x19a: {  	v8 =	vsub.f32 $1.500000000e+00, v8  }
0x19b: {  	v11 =	vsub.f32 $1.500000000e+00, v11  }
0x19c: {  	v5 =	vmul.f32 v5, v8  }
0x19d: {  	v6 =	vmul.f32 v6, v11  }
0x19e: {  	v8 =	vmul.f32 v5, v4  }
0x19f: {  	v11 =	vmul.f32 v6, v3  }
0x1a0: {  	v8 =	vmul.f32 v8, v5  }
0x1a1: {  	v11 =	vmul.f32 v11, v6  }
0x1a2: {  	v8 =	vsub.f32 $1.500000000e+00, v8  }
0x1a3: {  	v7 =	vmul.f32 v10, v7;
	v10 =	vsub.f32 $1.500000000e+00, v11  }
0x1a4: {  	v1 =	vmul.f32 v9, v1;
	v5 =	vmul.f32 v8, v5  }
0x1a5: {  	v2 =	vmul.f32 v7, v2;
	v6 =	vmul.f32 v10, v6  }
0x1a6: {  	v1 =	vmul.f32 v1, v9;
	v4 =	vmul.f32 v5, v4  }
0x1a7: {  	v2 =	vmul.f32 v2, v7;
	v3 =	vmul.f32 v6, v3  }
0x1a8: {  	v1 =	vsub.f32 $1.500000000e+00, v1;
	v4 =	vmul.f32 v4, v5  }
0x1a9: {  	v2 =	vsub.f32 $1.500000000e+00, v2;
	v3 =	vmul.f32 v3, v6  }
0x1aa: {  	v1 =	vmul.f32 v1, v9;
	v4 =	vsub.f32 $1.500000000e+00, v4  }
0x1ab: {  	s13 =	sadd.s32 $0x20, s16;
	v2 =	vmul.f32 v2, v7;
	v3 =	vsub.f32 $1.500000000e+00, v3  }
0x1ac: {  	[tilespmem:s13+$0x0] =	vst v1;
	v1 =	vmul.f32 v4, v5  }
0x1ad: {  	[tilespmem:s13+$0xFFFFFFF0] =	vst v2;
	s13 =	sadd.s32 $0x20, s13;
	v2 =	vmul.f32 v3, v6  }
0x1ae: {  	[tilespmem:s13+$0x0] =	vst v1  }
0x1af: {  	[tilespmem:s13+$0xFFFFFFF0] =	vst v2  }
0x1b0: {  	s13 =	sld [smem:$0x7F2];
	_ =	sdelay $0x1  }
0x1b1: {  	s16 =	sld [smem:$0x7F3]  }
0x1b2: {  	[tilespmem:s17], [sflag:$0x1] =	stream.linear.gather [hbm4b:s13+s2], $0x140, $0x38;
	[tilespmem:$0x1EE00] =	vst v63  }
0x1b3: {  	s17 =	sld [smem:$0x7F4]  }
0x1b4: {  	[tilespmem:s18], [sflag:$0x1] =	stream.linear.gather [hbm4b:s16+s2], $0x140, $0x38;
	[tilespmem:$0x1EE00] =	vst v63  }
0x1b5: {  	s18 =	sld [smem:$0x7F5]  }
0x1b6: {  	[tilespmem:s19], [sflag:$0x1] =	stream.linear.gather [hbm4b:s17+s2], $0x140, $0x38;
	[tilespmem:$0x1EE00] =	vst v63  }
0x1b7: {  	s14 =	sld [smem:$0x7F6];
	s19 =	simm.s32 $0xA1C0  }
0x1b8: {  	[tilespmem:s19], [sflag:$0x1] =	stream.linear.gather [hbm4b:s18+s2], $0x140, $0x38;
	[tilespmem:$0x1EE00] =	vst v63  }
0x1b9: {  	s15 =	simm.s32 $0xA300;
	s16 =	sld [smem:$0x7F7]  }
0x1ba: {  	[tilespmem:s15], [sflag:$0x1] =	stream.linear.gather [hbm4b:s14+s2], $0x140, $0x38;
	[tilespmem:$0x1EE00] =	vst v63  }
0x1bb: {  	s17 =	simm.s32 $0xA440;
	s18 =	sld [smem:$0x7F8]  }
0x1bc: {  	[tilespmem:s17], [sflag:$0x1] =	stream.linear.gather [hbm4b:s16+s2], $0x140, $0x38;
	[tilespmem:$0x1EE00] =	vst v63  }
0x1bd: {  	s19 =	simm.s32 $0xA580;
	s14 =	sld [smem:$0x7F9]  }
0x1be: {  	[tilespmem:s19], [sflag:$0x1] =	stream.linear.gather [hbm4b:s18+s2], $0x140, $0x38;
	[tilespmem:$0x1EE00] =	vst v63  }
0x1bf: {  	s15 =	simm.s32 $0xA6C0;
	s16 =	sld [smem:$0x7FA]  }
0x1c0: {  	[tilespmem:s15], [sflag:$0x1] =	stream.linear.gather [hbm4b:s14+s2], $0x140, $0x38;
	[tilespmem:$0x1EE00] =	vst v63  }
0x1c1: {  	s17 =	simm.s32 $0xA800;
	s18 =	sld [smem:$0x7FB]  }
0x1c2: {  	[tilespmem:s17], [sflag:$0x1] =	stream.linear.gather [hbm4b:s16+s2], $0x140, $0x38;
	[tilespmem:$0x1EE00] =	vst v63  }
0x1c3: {  	s19 =	simm.s32 $0xA940;
	s14 =	sld [smem:$0x7FC]  }
0x1c4: {  	[tilespmem:s19], [sflag:$0x1] =	stream.linear.gather [hbm4b:s18+s2], $0x140, $0x38;
	[tilespmem:$0x1EE00] =	vst v63  }
0x1c5: {  	s15 =	simm.s32 $0xAA80;
	s16 =	sld [smem:$0x7FD]  }
0x1c6: {  	[tilespmem:s15], [sflag:$0x1] =	stream.linear.gather [hbm4b:s14+s2], $0x140, $0x38;
	[tilespmem:$0x1EE00] =	vst v63  }
0x1c7: {  	s17 =	simm.s32 $0xABC0  }
0x1c8: {  	[tilespmem:s17], [sflag:$0x1] =	stream.linear.gather [hbm4b:s16+s2], $0x140, $0x38;
	[tilespmem:$0x1EE00] =	vst v63  }
0x1c9: {  	s18 =	simm.s32 $0xAD00  }
0x1ca: {  	[tilespmem:s18], [sflag:$0x1] =	stream.linear.gather [hbm4b:s20+s2], $0x140, $0x38;
	[tilespmem:$0x1EE00] =	vst v63  }
0x1cb: {  	s19 =	simm.s32 $0xAE40  }
0x1cc: {  	[tilespmem:s19], [sflag:$0x1] =	stream.linear.gather [hbm4b:s21+s2], $0x140, $0x38;
	[tilespmem:$0x1EE00] =	vst v63  }
0x1cd: {  	s14 =	simm.s32 $0xAF80  }
0x1ce: {  	[tilespmem:s14], [sflag:$0x1] =	stream.linear.gather [hbm4b:s22+s2], $0x140, $0x38;
	[tilespmem:$0x1EE00] =	vst v63  }
0x1cf: {  	s15 =	simm.s32 $0xB0C0  }
0x1d0: {  	[tilespmem:s15], [sflag:$0x1] =	stream.linear.gather [hbm4b:s23+s2], $0x140, $0x38;
	[tilespmem:$0x1EE00] =	vst v63  }
0x1d1: {  	_ =	swait.ge [sflag:s29], $0x140  }
0x1d2: {  	[sflag:s29] =	ssyncset.done $0x0  }
0x1d3: {  	[sflag:s29] =	ssyncadd.s32 $0xFFFFFEC0  }
0x1d4: {  	_ =	swait.ge [sflag:s29], $0x140  }
0x1d5: {  	[sflag:s29] =	ssyncset.done $0x0  }
0x1d6: {  	[sflag:s29] =	ssyncadd.s32 $0xFFFFFEC0  }
0x1d7: {  	_ =	swait.ge [sflag:s29], $0x140  }
0x1d8: {  	[sflag:s29] =	ssyncset.done $0x0  }
0x1d9: {  	[sflag:s29] =	ssyncadd.s32 $0xFFFFFEC0  }
0x1da: {  	_ =	swait.ge [sflag:s29], $0x140  }
0x1db: {  	[sflag:s29] =	ssyncset.done $0x0  }
0x1dc: {  	[sflag:s29] =	ssyncadd.s32 $0xFFFFFEC0  }
0x1dd: {  	_ =	swait.ge [sflag:s29], $0x140  }
0x1de: {  	[sflag:s29] =	ssyncset.done $0x0  }
0x1df: {  	[sflag:s29] =	ssyncadd.s32 $0xFFFFFEC0  }
0x1e0: {  	_ =	swait.ge [sflag:s29], $0x140  }
0x1e1: {  	[sflag:s29] =	ssyncset.done $0x0  }
0x1e2: {  	[sflag:s29] =	ssyncadd.s32 $0xFFFFFEC0  }
0x1e3: {  	_ =	swait.ge [sflag:s29], $0x140  }
0x1e4: {  	[sflag:s29] =	ssyncset.done $0x0  }
0x1e5: {  	[sflag:s29] =	ssyncadd.s32 $0xFFFFFEC0  }
0x1e6: {  	_ =	swait.ge [sflag:s29], $0x140  }
0x1e7: {  	[sflag:s29] =	ssyncset.done $0x0  }
0x1e8: {  	[sflag:s29] =	ssyncadd.s32 $0xFFFFFEC0  }
0x1e9: {  	_ =	swait.ge [sflag:s29], $0x140  }
0x1ea: {  	[sflag:s29] =	ssyncset.done $0x0  }
0x1eb: {  	[sflag:s29] =	ssyncadd.s32 $0xFFFFFEC0  }
0x1ec: {  	_ =	swait.ge [sflag:s29], $0x140  }
0x1ed: {  	[sflag:s29] =	ssyncset.done $0x0  }
0x1ee: {  	[sflag:s29] =	ssyncadd.s32 $0xFFFFFEC0  }
0x1ef: {  	_ =	swait.ge [sflag:s29], $0x140  }
0x1f0: {  	[sflag:s29] =	ssyncset.done $0x0  }
0x1f1: {  	[sflag:s29] =	ssyncadd.s32 $0xFFFFFEC0  }
0x1f2: {  	_ =	swait.ge [sflag:s29], $0x140  }
0x1f3: {  	[sflag:s29] =	ssyncset.done $0x0  }
0x1f4: {  	[sflag:s29] =	ssyncadd.s32 $0xFFFFFEC0  }
0x1f5: {  	_ =	swait.ge [sflag:s29], $0x140  }
0x1f6: {  	[sflag:s29] =	ssyncset.done $0x0  }
0x1f7: {  	[sflag:s29] =	ssyncadd.s32 $0xFFFFFEC0  }
0x1f8: {  	_ =	swait.ge [sflag:s29], $0x140  }
0x1f9: {  	[sflag:s29] =	ssyncset.done $0x0  }
0x1fa: {  	[sflag:s29] =	ssyncadd.s32 $0xFFFFFEC0  }
0x1fb: {  	_ =	swait.ge [sflag:s29], $0x140  }
0x1fc: {  	[sflag:s29] =	ssyncset.done $0x0  }
0x1fd: {  	[sflag:s29] =	ssyncadd.s32 $0xFFFFFEC0  }
0x1fe: {  	_ =	swait.ge [sflag:s29], $0x140  }
0x1ff: {  	s16 =	simm.s32 $0x0;
	[sflag:s29] =	ssyncset.done $0x0  }
0x200: {  	s13 =	sand.u32 $0x1E0, s16;
	[sflag:s29] =	ssyncadd.s32 $0xFFFFFEC0  }
0x201: {  	v1 =	vld [tilespmem:s13+$0xA800]  }
0x202: {  	v2 =	vld [tilespmem:s13+$0xA580]  }
0x203: {  	v3 =	vld [tilespmem:s13+$0xA300]  }
0x204: {  	s17 =	simm.s32 $0xA810;
	v4 =	vld [tilespmem:s13+$0xA080]  }
0x205: {  	v5 =	vld [tilespmem:s17+$0xFFFFF600]  }
0x206: {  	v6 =	vld [tilespmem:s17+$0xFFFFF740]  }
0x207: {  	v7 =	vld [tilespmem:s17+$0xFFFFF5F0]  }
0x208: {  	v8 =	vld [tilespmem:s17+$0xFFFFF880]  }
0x209: {  	v9 =	vld [tilespmem:s17+$0xFFFFF730]  }
0x20a: {  	v10 =	vld [tilespmem:s17+$0xFFFFF9C0]  }
0x20b: {  	v11 =	vld [tilespmem:s17+$0xFFFFF9B0]  }
0x20c: {  	v12 =	vld [tilespmem:s17+$0xFFFFFB00]  }
0x20d: {  	v13 =	vld [tilespmem:s17+$0xFFFFFC30]  }
0x20e: {  	v14 =	vld [tilespmem:s17+$0xFFFFFC40]  }
0x20f: {  	v15 =	vld [tilespmem:s17+$0xFFFFFEB0]  }
0x210: {  	v16 =	vld [tilespmem:s17+$0xFFFFFD80]  }
0x211: {  	v17 =	vld [tilespmem:s17+$0x130]  }
0x212: {  	v18 =	vld [tilespmem:s17+$0xFFFFFEC0]  }
0x213: {  	v19 =	vld [tilespmem:s17+$0x3B0]  }
0x214: {  	v20 =	vld [tilespmem:s17+$0x0]  }
0x215: {  	v21 =	vld [tilespmem:s17+$0x630]  }
0x216: {  	v22 =	vld [tilespmem:s17+$0x140]  }
0x217: {  	v23 =	vld [tilespmem:s17+$0x8B0]  }
0x218: {  	v24 =	vld [tilespmem:s17+$0x280]  }
0x219: {  	v25 =	vld [tilespmem:s13+$0xAF80]  }
0x21a: {  	v26 =	vld [tilespmem:s17+$0x3C0]  }
0x21b: {  	v27 =	vld [tilespmem:s13+$0xAA80];
	v5 =	vadd.f32 v6, v5  }
0x21c: {  	s19 =	simm.s32 $0xA830;
	v28 =	vld [tilespmem:s13+$0xAD00]  }
0x21d: {  	s15 =	simm.s32 $0xA850;
	v55 =	vld [tilespmem:s19+$0xFFFFF9C0];
	v5 =	vadd.f32 v8, v5  }
0x21e: {  	v56 =	vld [tilespmem:s15+$0xFFFFF9B0];
	v7 =	vadd.f32 v9, v7  }
0x21f: {  	v57 =	vld [tilespmem:s15+$0xFFFFFB00];
	v5 =	vadd.f32 v10, v5  }
0x220: {  	v58 =	vld [tilespmem:s15+$0xFFFFFEB0];
	v4 =	vadd.f32 v4, v7  }
0x221: {  	s18 =	simm.s32 $0x20;
	v6 =	vld [tilespmem:s17+$0x500];
	v5 =	vadd.f32 v12, v5  }
0x222: {  	s14 =	sand.u32 $0x1E0, s18;
	v8 =	vld [tilespmem:s17+$0x640];
	v4 =	vadd.f32 v11, v4  }
0x223: {  	v7 =	vld [tilespmem:s14+$0xA580];
	v5 =	vadd.f32 v14, v5  }
0x224: {  	v3 =	vadd.f32 v3, v4;
	v4 =	vld [tilespmem:s19+$0xFFFFF600]  }
0x225: {  	v5 =	vadd.f32 v16, v5;
	v16 =	vld [tilespmem:s19+$0xFFFFF740]  }
0x226: {  	v3 =	vadd.f32 v13, v3;
	v13 =	vld [tilespmem:s19+$0xFFFFF5F0]  }
0x227: {  	v5 =	vadd.f32 v18, v5;
	v18 =	vld [tilespmem:s19+$0xFFFFF880]  }
0x228: {  	v2 =	vadd.f32 v2, v3;
	v3 =	vld [tilespmem:s19+$0xFFFFF730]  }
0x229: {  	v10 =	vld [tilespmem:s17+$0x780];
	v5 =	vadd.f32 v20, v5  }
0x22a: {  	v14 =	vld [tilespmem:s14+$0xA080];
	v2 =	vadd.f32 v15, v2;
	v4 =	vadd.f32 v16, v4  }
0x22b: {  	v16 =	vld [tilespmem:s19+$0xFFFFFB00];
	v5 =	vadd.f32 v22, v5  }
0x22c: {  	v15 =	vld [tilespmem:s19+$0xFFFFF9B0];
	v1 =	vadd.f32 v1, v2;
	v2 =	vadd.f32 v18, v4  }
0x22d: {  	v3 =	vadd.f32 v3, v13;
	v13 =	vld [tilespmem:s19+$0xFFFFFC40];
	v5 =	vadd.f32 v24, v5  }
0x22e: {  	v11 =	vld [tilespmem:s14+$0xA300];
	v1 =	vadd.f32 v17, v1;
	v2 =	vadd.f32 v55, v2  }
0x22f: {  	v3 =	vadd.f32 v14, v3;
	v14 =	vld [tilespmem:s19+$0xFFFFFD80];
	v5 =	vadd.f32 v26, v5  }
0x230: {  	v4 =	vld [tilespmem:s19+$0xFFFFFC30];
	v1 =	vadd.f32 v27, v1;
	v2 =	vadd.f32 v16, v2  }
0x231: {  	v3 =	vadd.f32 v15, v3;
	v5 =	vadd.f32 v6, v5;
	v6 =	vld [tilespmem:s19+$0xFFFFFEC0]  }
0x232: {  	v12 =	vld [tilespmem:s17+$0x8C0];
	v1 =	vadd.f32 v19, v1;
	v2 =	vadd.f32 v13, v2  }
0x233: {  	v3 =	vadd.f32 v11, v3;
	v5 =	vadd.f32 v8, v5;
	v8 =	vld [tilespmem:s19+$0x0]  }
0x234: {  	v17 =	vld [tilespmem:s19+$0xFFFFFEB0];
	v1 =	vadd.f32 v28, v1;
	v2 =	vadd.f32 v14, v2  }
0x235: {  	v3 =	vadd.f32 v4, v3;
	v4 =	vld [tilespmem:s19+$0x140];
	v5 =	vadd.f32 v10, v5  }
0x236: {  	v9 =	vld [tilespmem:s14+$0xA800];
	v1 =	vadd.f32 v21, v1;
	v2 =	vadd.f32 v6, v2  }
0x237: {  	v3 =	vadd.f32 v7, v3;
	v6 =	vld [tilespmem:s19+$0x280];
	v5 =	vadd.f32 v12, v5  }
0x238: {  	v16 =	vld [tilespmem:s19+$0x130];
	v1 =	vadd.f32 v25, v1;
	v2 =	vadd.f32 v8, v2  }
0x239: {  	v3 =	vadd.f32 v17, v3;
	v8 =	vld [tilespmem:s19+$0x3C0];
	v5 =	vadd.f32 $1.000000000e+00, v5  }
0x23a: {  	v1 =	vadd.f32 v23, v1;
	v12 =	vld [tilespmem:s14+$0xAA80];
	v2 =	vadd.f32 v4, v2  }
0x23b: {  	v3 =	vadd.f32 v9, v3;
	v9 =	vld [tilespmem:s19+$0x500];
	v4 =	vshrl.u32 v5, $0x1;
	v5 =	vmul.f32 $5.000000000e-01, v5  }
0x23c: {  	v15 =	vld [tilespmem:s19+$0x3B0];
	v1 =	vadd.f32 $1.000000000e+00, v1;
	v4 =	vsub.s32 $0x5F3759DF, v4;
	v2 =	vadd.f32 v6, v2  }
0x23d: {  	v14 =	vld [tilespmem:s19+$0x640];
	v3 =	vadd.f32 v16, v3;
	v6 =	vmul.f32 v4, v5  }
0x23e: {  	v13 =	vld [tilespmem:s14+$0xAD00];
	v16 =	vshrl.u32 v1, $0x1;
	v2 =	vadd.f32 v8, v2  }
0x23f: {  	v11 =	vld [tilespmem:s19+$0x630];
	v3 =	vadd.f32 v12, v3;
	v8 =	vmul.f32 $5.000000000e-01, v1;
	v1 =	vmul.f32 v4, v6  }
0x240: {  	v12 =	vsub.s32 $0x5F3759DF, v16;
	v6 =	vld [tilespmem:s19+$0x780];
	v2 =	vadd.f32 v9, v2  }
0x241: {  	v7 =	vld [tilespmem:s14+$0xAF80];
	v3 =	vadd.f32 v15, v3;
	v9 =	vmul.f32 v12, v8;
	v1 =	vsub.f32 $1.500000000e+00, v1  }
0x242: {  	v15 =	vld [tilespmem:s19+$0x8C0];
	v2 =	vadd.f32 v14, v2  }
0x243: {  	v9 =	vmul.f32 v12, v9;
	v4 =	vmul.f32 v4, v1;
	v1 =	vadd.f32 v13, v3;
	v3 =	vld [tilespmem:s15+$0xFFFFF600]  }
0x244: {  	v13 =	vld [tilespmem:s15+$0xFFFFF740]  }
0x245: {  	v10 =	vld [tilespmem:s19+$0x8B0];
	v2 =	vadd.f32 v6, v2;
	v6 =	vsub.f32 $1.500000000e+00, v9  }
0x246: {  	v9 =	vmul.f32 v4, v5;
	v1 =	vadd.f32 v11, v1;
	v11 =	vld [tilespmem:s15+$0xFFFFF5F0]  }
0x247: {  	v2 =	vadd.f32 v15, v2;
	v6 =	vmul.f32 v12, v6;
	v12 =	vld [tilespmem:s15+$0xFFFFF880]  }
0x248: {  	v9 =	vmul.f32 v9, v4;
	v1 =	vadd.f32 v7, v1;
	v7 =	vld [tilespmem:s15+$0xFFFFF730]  }
0x249: {  	s13 =	simm.s32 $0x40;
	v59 =	vld [tilespmem:s15+$0xFFFFFEC0];
	v2 =	vadd.f32 $1.000000000e+00, v2;
	v15 =	vmul.f32 v6, v8;
	v3 =	vadd.f32 v13, v3  }
0x24a: {  	v19 =	vld [tilespmem:s15+$0xFFFFF9C0];
	s14 =	sand.u32 $0x1E0, s13;
	v9 =	vsub.f32 $1.500000000e+00, v9;
	v10 =	vadd.f32 v10, v1  }
0x24b: {  	v14 =	vld [tilespmem:s14+$0xA080];
	v13 =	vshrl.u32 v2, $0x1;
	v1 =	vmul.f32 $5.000000000e-01, v2;
	v15 =	vmul.f32 v15, v6  }
0x24c: {  	v62 =	vld [tilespmem:s15+$0x140];
	v2 =	vadd.f32 $1.000000000e+00, v10;
	v10 =	vsub.s32 $0x5F3759DF, v13;
	v9 =	vmul.f32 v9, v4  }
0x24d: {  	v17 =	vld [tilespmem:s14+$0xA800];
	v3 =	vadd.f32 v12, v3;
	v4 =	vmul.f32 v10, v1;
	v7 =	vadd.f32 v7, v11  }
0x24e: {  	v11 =	vld [tilespmem:s15+$0xFFFFFC40];
	v15 =	vsub.f32 $1.500000000e+00, v15;
	v12 =	vshrl.u32 v2, $0x1;
	v2 =	vmul.f32 $5.000000000e-01, v2  }
0x24f: {  	v18 =	vld [tilespmem:s14+$0xA300];
	v3 =	vadd.f32 v19, v3;
	v12 =	vsub.s32 $0x5F3759DF, v12;
	v4 =	vmul.f32 v10, v4  }
0x250: {  	v7 =	vadd.f32 v14, v7;
	v14 =	vld [tilespmem:s15+$0xFFFFFD80];
	v19 =	vmul.f32 v12, v2  }
0x251: {  	v13 =	vld [tilespmem:s15+$0xFFFFFC30];
	v15 =	vmul.f32 v15, v6;
	v3 =	vadd.f32 v57, v3;
	v4 =	vsub.f32 $1.500000000e+00, v4  }
0x252: {  	v16 =	vld [tilespmem:s14+$0xA580];
	v5 =	vmul.f32 v9, v5;
	v7 =	vadd.f32 v56, v7;
	v19 =	vmul.f32 v12, v19  }
0x253: {  	v6 =	vld [tilespmem:s15+$0x130];
	v8 =	vmul.f32 v15, v8;
	v3 =	vadd.f32 v11, v3;
	v10 =	vmul.f32 v10, v4  }
0x254: {  	v60 =	vmul.f32 v5, v9;
	v7 =	vadd.f32 v18, v7;
	v18 =	vld [tilespmem:s15+$0x0];
	v11 =	vsub.f32 $1.500000000e+00, v19  }
0x255: {  	v5 =	vld [tilespmem:s15+$0x3B0];
	v8 =	vmul.f32 v8, v15;
	v14 =	vadd.f32 v14, v3;
	v61 =	vmul.f32 v10, v1  }
0x256: {  	v4 =	vld [tilespmem:s15+$0x630];
	v19 =	vsub.f32 $1.500000000e+00, v60;
	v13 =	vadd.f32 v13, v7;
	v7 =	vmul.f32 v12, v11  }
0x257: {  	v3 =	vld [tilespmem:s15+$0x8B0];
	v8 =	vsub.f32 $1.500000000e+00, v8;
	v12 =	vadd.f32 v59, v14;
	v14 =	vmul.f32 v61, v10  }
0x258: {  	v11 =	vld [tilespmem:s15+$0x280];
	v9 =	vmul.f32 v19, v9;
	v13 =	vadd.f32 v16, v13;
	v16 =	vmul.f32 v7, v2  }
0x259: {  	v19 =	vmul.f32 v8, v15;
	v8 =	vld [tilespmem:s14+$0xAF80];
	v15 =	vadd.f32 v18, v12;
	v14 =	vsub.f32 $1.500000000e+00, v14  }
0x25a: {  	s16 =	simm.s32 $0x150;
	v12 =	vld [tilespmem:s15+$0x3C0];
	v18 =	vadd.f32 v58, v13;
	v63 =	vmul.f32 v16, v7  }
0x25b: {  	[tilespmem:s16+$0x0] =	vst v9;
	v13 =	vld [tilespmem:s14+$0xAA80];
	v15 =	vadd.f32 v62, v15;
	v9 =	vmul.f32 v14, v10  }
0x25c: {  	[tilespmem:s16+$0xFFFFFFF0] =	vst v19;
	v16 =	vadd.f32 v17, v18;
	v14 =	vld [tilespmem:s15+$0x500];
	v10 =	vsub.f32 $1.500000000e+00, v63  }
.LBB2_10:
0x25d: {  	s13 =	sadd.s32 $0x20, s13;
	v17 =	vld [tilespmem:s14+$0xAD00];
	v11 =	vadd.f32 v11, v15;
	v1 =	vmul.f32 v9, v1  }
0x25e: {  	s14 =	sand.u32 $0x1E0, s13;
	p0 =	slt.u32 s13, $0x120;
	v6 =	vadd.f32 v6, v16;
	v15 =	vld [tilespmem:s15+$0x640];
	v7 =	vmul.f32 v10, v7  }
0x25f: {  	v10 =	vld [tilespmem:s14+$0xA800];
	v11 =	vadd.f32 v12, v11;
	v1 =	vmul.f32 v1, v9  }
0x260: {  	v6 =	vadd.f32 v13, v6;
	v12 =	vld [tilespmem:s15+$0x780];
	v2 =	vmul.f32 v7, v2  }
0x261: {  	v13 =	vld [tilespmem:s14+$0xA580];
	v11 =	vadd.f32 v14, v11;
	v1 =	vsub.f32 $1.500000000e+00, v1  }
0x262: {  	v5 =	vadd.f32 v5, v6;
	v6 =	vld [tilespmem:s15+$0x8C0];
	v2 =	vmul.f32 v2, v7  }
0x263: {  	v14 =	vld [tilespmem:s14+$0xA300];
	v11 =	vadd.f32 v15, v11;
	v1 =	vmul.f32 v1, v9  }
0x264: {  	s16 =	sadd.s32 $0x20, s16;
	s15 =	sadd.s32 $0x20, s15;
	v9 =	vld [tilespmem:s14+$0xA080];
	v5 =	vadd.f32 v17, v5;
	v2 =	vsub.f32 $1.500000000e+00, v2  }
0x265: {  	v15 =	vld [tilespmem:s15+$0xFFFFF600];
	v11 =	vadd.f32 v12, v11;
	[tilespmem:s16+$0x0] =	vst v1  }
0x266: {  	v1 =	vld [tilespmem:s15+$0xFFFFF740];
	v4 =	vadd.f32 v4, v5;
	v2 =	vmul.f32 v2, v7  }
0x267: {  	v5 =	vld [tilespmem:s15+$0xFFFFF5F0];
	v6 =	vadd.f32 v6, v11  }
0x268: {  	v7 =	vld [tilespmem:s15+$0xFFFFF880];
	v4 =	vadd.f32 v8, v4;
	[tilespmem:s16+$0xFFFFFFF0] =	vst v2  }
0x269: {  	v2 =	vld [tilespmem:s15+$0xFFFFF730];
	v6 =	vadd.f32 $1.000000000e+00, v6  }
0x26a: {  	v8 =	vld [tilespmem:s15+$0xFFFFF9C0];
	v3 =	vadd.f32 v3, v4  }
0x26b: {  	v4 =	vld [tilespmem:s15+$0xFFFFF9B0];
	v11 =	vadd.f32 v1, v15;
	v12 =	vshrl.u32 v6, $0x1;
	v1 =	vmul.f32 $5.000000000e-01, v6  }
0x26c: {  	v15 =	vld [tilespmem:s15+$0xFFFFFB00];
	v3 =	vadd.f32 $1.000000000e+00, v3;
	v12 =	vsub.s32 $0x5F3759DF, v12  }
0x26d: {  	v16 =	vld [tilespmem:s15+$0xFFFFFC30];
	v6 =	vadd.f32 v7, v11;
	v7 =	vmul.f32 v12, v1  }
0x26e: {  	v5 =	vadd.f32 v2, v5;
	v11 =	vld [tilespmem:s15+$0xFFFFFC40];
	v17 =	vshrl.u32 v3, $0x1;
	v2 =	vmul.f32 $5.000000000e-01, v3  }
0x26f: {  	v18 =	vld [tilespmem:s15+$0xFFFFFEB0];
	v3 =	vadd.f32 v8, v6;
	v8 =	vsub.s32 $0x5F3759DF, v17;
	v7 =	vmul.f32 v12, v7  }
0x270: {  	v5 =	vadd.f32 v9, v5;
	v9 =	vld [tilespmem:s15+$0xFFFFFD80];
	v17 =	vmul.f32 v8, v2  }
0x271: {  	v6 =	vld [tilespmem:s15+$0x130];
	v3 =	vadd.f32 v15, v3;
	v7 =	vsub.f32 $1.500000000e+00, v7  }
0x272: {  	v4 =	vadd.f32 v4, v5;
	v15 =	vld [tilespmem:s15+$0xFFFFFEC0];
	v17 =	vmul.f32 v8, v17  }
0x273: {  	v5 =	vld [tilespmem:s15+$0x3B0];
	v3 =	vadd.f32 v11, v3;
	v19 =	vmul.f32 v12, v7  }
0x274: {  	v7 =	vadd.f32 v14, v4;
	v12 =	vld [tilespmem:s15+$0x0];
	v11 =	vsub.f32 $1.500000000e+00, v17  }
0x275: {  	v4 =	vld [tilespmem:s15+$0x630];
	v9 =	vadd.f32 v9, v3;
	v14 =	vmul.f32 v19, v1  }
0x276: {  	v16 =	vadd.f32 v16, v7;
	v17 =	vld [tilespmem:s15+$0x140];
	v7 =	vmul.f32 v8, v11  }
0x277: {  	v3 =	vld [tilespmem:s15+$0x8B0];
	v9 =	vadd.f32 v15, v9;
	v14 =	vmul.f32 v14, v19  }
.Ltmp4:
0x278: {  	v13 =	vadd.f32 v13, v16;
	v11 =	vld [tilespmem:s15+$0x280];
	v15 =	vmul.f32 v7, v2;
	(pc) =	sbr.rel @p0 .LBB2_10-.Ltmp4, $4  }
0x279: {  	v8 =	vld [tilespmem:s14+$0xAF80];
	v9 =	vadd.f32 v12, v9;
	v14 =	vsub.f32 $1.500000000e+00, v14  }
0x27a: {  	v16 =	vadd.f32 v18, v13;
	v12 =	vld [tilespmem:s15+$0x3C0];
	v18 =	vmul.f32 v15, v7  }
0x27b: {  	v13 =	vld [tilespmem:s14+$0xAA80];
	v15 =	vadd.f32 v17, v9;
	v9 =	vmul.f32 v14, v19  }
0x27c: {  	v16 =	vadd.f32 v10, v16;
	v14 =	vld [tilespmem:s15+$0x500];
	v10 =	vsub.f32 $1.500000000e+00, v18  }
0x27d: {  	_ = 	snop  }
0x27e: {  	v6 =	vadd.f32 v6, v16  }
0x27f: {  	v62 =	vld [tilespmem:s14+$0xAD00];
	v11 =	vadd.f32 v11, v15  }
0x280: {  	v15 =	vld [tilespmem:s15+$0x640];
	v6 =	vadd.f32 v13, v6  }
0x281: {  	v11 =	vadd.f32 v12, v11  }
0x282: {  	v12 =	vld [tilespmem:s15+$0x780];
	v5 =	vadd.f32 v5, v6  }
0x283: {  	v6 =	vadd.f32 v14, v11  }
0x284: {  	v11 =	vld [tilespmem:s15+$0x8C0];
	v5 =	vadd.f32 v62, v5  }
0x285: {  	v6 =	vadd.f32 v15, v6  }
0x286: {  	v4 =	vadd.f32 v4, v5  }
0x287: {  	v5 =	vadd.f32 v12, v6  }
0x288: {  	v4 =	vadd.f32 v8, v4  }
0x289: {  	v5 =	vadd.f32 v11, v5  }
0x28a: {  	v3 =	vadd.f32 v3, v4  }
0x28b: {  	v4 =	vadd.f32 $1.000000000e+00, v5  }
0x28c: {  	v3 =	vadd.f32 $1.000000000e+00, v3  }
0x28d: {  	v5 =	vshrl.u32 v4, $0x1;
	v4 =	vmul.f32 $5.000000000e-01, v4  }
0x28e: {  	v5 =	vsub.s32 $0x5F3759DF, v5;
	v6 =	vshrl.u32 v3, $0x1;
	v3 =	vmul.f32 $5.000000000e-01, v3  }
0x28f: {  	v8 =	vmul.f32 v5, v4;
	v6 =	vsub.s32 $0x5F3759DF, v6  }
0x290: {  	v11 =	vmul.f32 v6, v3  }
0x291: {  	v8 =	vmul.f32 v5, v8  }
0x292: {  	v11 =	vmul.f32 v6, v11  }
0x293: {  	v8 =	vsub.f32 $1.500000000e+00, v8  }
0x294: {  	v11 =	vsub.f32 $1.500000000e+00, v11  }
0x295: {  	v5 =	vmul.f32 v5, v8  }
0x296: {  	v6 =	vmul.f32 v6, v11  }
0x297: {  	v8 =	vmul.f32 v5, v4  }
0x298: {  	v11 =	vmul.f32 v6, v3  }
0x299: {  	v8 =	vmul.f32 v8, v5  }
0x29a: {  	v11 =	vmul.f32 v11, v6  }
0x29b: {  	v8 =	vsub.f32 $1.500000000e+00, v8  }
0x29c: {  	v7 =	vmul.f32 v10, v7;
	v10 =	vsub.f32 $1.500000000e+00, v11  }
0x29d: {  	v1 =	vmul.f32 v9, v1;
	v5 =	vmul.f32 v8, v5  }
0x29e: {  	v2 =	vmul.f32 v7, v2;
	v6 =	vmul.f32 v10, v6  }
0x29f: {  	v1 =	vmul.f32 v1, v9;
	v4 =	vmul.f32 v5, v4  }
0x2a0: {  	v2 =	vmul.f32 v2, v7;
	v3 =	vmul.f32 v6, v3  }
0x2a1: {  	v1 =	vsub.f32 $1.500000000e+00, v1;
	v4 =	vmul.f32 v4, v5  }
0x2a2: {  	v2 =	vsub.f32 $1.500000000e+00, v2;
	v3 =	vmul.f32 v3, v6  }
0x2a3: {  	v1 =	vmul.f32 v1, v9;
	v4 =	vsub.f32 $1.500000000e+00, v4  }
0x2a4: {  	s13 =	sadd.s32 $0x20, s16;
	v2 =	vmul.f32 v2, v7;
	v3 =	vsub.f32 $1.500000000e+00, v3  }
0x2a5: {  	[tilespmem:s13+$0x0] =	vst v1;
	v1 =	vmul.f32 v4, v5  }
0x2a6: {  	[tilespmem:s13+$0xFFFFFFF0] =	vst v2;
	s13 =	sadd.s32 $0x20, s13;
	v2 =	vmul.f32 v3, v6  }
0x2a7: {  	[tilespmem:s13+$0x0] =	vst v1  }
0x2a8: {  	[tilespmem:s13+$0xFFFFFFF0] =	vst v2  }
0x2a9: {  	s13 =	rddreg [dreg:$0x7]  }
0x2aa: {  	[hbm4b:s13+s2] =	stream.linear.scatter [tilespmem:s2], [sflag:$0x2], $0x280, $0x38;
	[tilespmem:$0x1EE00] =	vst v63  }
0x2ab: {  	_ =	swait.ge [sflag:s26], $0x280  }
0x2ac: {  	[sflag:s26] =	ssyncset.done $0x0  }
0x2ad: {  	[sflag:s26] =	ssyncadd.s32 $0xFFFFFD80  }
0x2ae: {  	[bflag:$0x0] =	sbarrier.arrive $0xFFFF  }
0x2af: {  	s16 =	rddreg [dreg:$0x8]  }
0x2b0: {  	[tilespmem:s2], [sflag:$0x2] =	stream.linear.gather [hbm4b:s16+s2], $0x2710, $0x38;
	[tilespmem:$0x1EE00] =	vst v63  }
0x2b1: {  	_ =	swait.ge [sflag:s26], $0x2710  }
0x2b2: {  	[sflag:s26] =	ssyncset.done $0x0  }
0x2b3: {  	[sflag:s26] =	ssyncadd.s32 $0xFFFFD8F0  }
0x2b4: {  	[tilespmem:s25], [sflag:$0x2] =	stream.linear.gather [hbm4b:s11+s2], $0x2710, $0x38;
	[tilespmem:$0x1EE00] =	vst v63  }
0x2b5: {  	_ =	swait.ge [sflag:s26], $0x2710  }
0x2b6: {  	[sflag:s26] =	ssyncset.done $0x0  }
0x2b7: {  	s17 =	simm.s32 $0x7680;
	[sflag:s26] =	ssyncadd.s32 $0xFFFFD8F0  }
0x2b8: {  	[tilespmem:s17], [sflag:$0x2] =	stream.linear.gather [hbm4b:s24+s2], $0x2710, $0x38;
	[tilespmem:$0x1EE00] =	vst v63  }
0x2b9: {  	_ =	swait.ge [sflag:s26], $0x2710  }
0x2ba: {  	[sflag:s26] =	ssyncset.done $0x0  }
0x2bb: {  	s18 =	rddreg [dreg:$0x9];
	[sflag:s26] =	ssyncadd.s32 $0xFFFFD8F0  }
0x2bc: {  	[tilespmem:s28], [sflag:$0x2] =	stream.linear.gather [hbm4b:s18+s2], $0x2710, $0x38;
	[tilespmem:$0x1EE00] =	vst v63  }
0x2bd: {  	_ =	swait.ge [sflag:s26], $0x2710  }
0x2be: {  	[sflag:s26] =	ssyncset.done $0x0  }
0x2bf: {  	s19 =	simm.s32 $0x4F40;
	[sflag:s26] =	ssyncadd.s32 $0xFFFFD8F0  }
0x2c0: {  	v1 =	vld [tilespmem:s19+$0x30]  }
0x2c1: {  	s14 =	simm.s32 $0x76C0;
	v2 =	vld [tilespmem:s19+$0xFFFFFFD0]  }
0x2c2: {  	v3 =	vld [tilespmem:s14+$0x30]  }
0x2c3: {  	v4 =	vld [tilespmem:s19+$0xFFFFFFE0]  }
0x2c4: {  	v5 =	vld [tilespmem:s19+$0xFFFFFFF0]  }
0x2c5: {  	v6 =	vld [tilespmem:s19+$0x0]  }
0x2c6: {  	v7 =	vld [tilespmem:s19+$0x10]  }
0x2c7: {  	s13 =	simm.s32 $0x27C0;
	v8 =	vld [tilespmem:s19+$0x20]  }
0x2c8: {  	v9 =	vld [tilespmem:s13+$0x30]  }
0x2c9: {  	v10 =	vld [tilespmem:s19+$0xFFFFFFC0]  }
0x2ca: {  	v11 =	vld [tilespmem:s14+$0xFFFFFFC0]  }
0x2cb: {  	v12 =	vld [tilespmem:s14+$0xFFFFFFD0]  }
0x2cc: {  	v13 =	vld [tilespmem:s14+$0xFFFFFFE0]  }
0x2cd: {  	v14 =	vld [tilespmem:s14+$0xFFFFFFF0]  }
0x2ce: {  	v15 =	vld [tilespmem:s14+$0x0]  }
0x2cf: {  	v63 =	vld [tilespmem:s14+$0x10]  }
0x2d0: {  	v17 =	vld [tilespmem:s14+$0x20]  }
0x2d1: {  	v23 =	vld [tilespmem:s13+$0x0]  }
0x2d2: {  	v24 =	vld [tilespmem:s13+$0x10]  }
0x2d3: {  	v25 =	vld [tilespmem:s13+$0x20]  }
0x2d4: {  	v1 =	vld.idx.msk [tilespmem:v1+s2+$0x0], $0xffff  }
0x2d5: {  	v3 =	vld.idx.msk [tilespmem:v3+s2+$0x0], $0xffff  }
0x2d6: {  	v18 =	vld.idx.msk [tilespmem:v10+s2+$0x0], $0xffff  }
0x2d7: {  	v2 =	vld.idx.msk [tilespmem:v2+s2+$0x0], $0xffff  }
0x2d8: {  	v4 =	vld.idx.msk [tilespmem:v4+s2+$0x0], $0xffff  }
0x2d9: {  	v19 =	vld.idx.msk [tilespmem:v5+s2+$0x0], $0xffff  }
0x2da: {  	v20 =	vld.idx.msk [tilespmem:v6+s2+$0x0], $0xffff  }
0x2db: {  	v21 =	vld.idx.msk [tilespmem:v7+s2+$0x0], $0xffff  }
0x2dc: {  	v22 =	vld.idx.msk [tilespmem:v8+s2+$0x0], $0xffff  }
0x2dd: {  	v5 =	vld [tilespmem:s13+$0xFFFFFFC0]  }
0x2de: {  	v6 =	vld [tilespmem:s13+$0xFFFFFFD0]  }
0x2df: {  	v7 =	vld [tilespmem:s13+$0xFFFFFFE0]  }
0x2e0: {  	v8 =	vld [tilespmem:s13+$0xFFFFFFF0]  }
0x2e1: {  	v11 =	vld.idx.msk [tilespmem:v11+s2+$0x0], $0xffff  }
0x2e2: {  	v12 =	vld.idx.msk [tilespmem:v12+s2+$0x0], $0xffff  }
0x2e3: {  	v10 =	vld.idx.msk [tilespmem:v13+s2+$0x0], $0xffff;
	v1 =	vmul.f32 v9, v1;
	v13 =	vmul.f32 v5, v18  }
0x2e4: {  	v9 =	vmul.f32 v6, v2;
	v6 =	vld.idx.msk [tilespmem:v14+s2+$0x0], $0xffff;
	v5 =	vmul.f32 v7, v4  }
0x2e5: {  	v4 =	vmul.f32 v8, v19;
	v7 =	vld.idx.msk [tilespmem:v15+s2+$0x0], $0xffff;
	v26 =	vmul.f32 v1, v3  }
0x2e6: {  	v8 =	vld.idx.msk [tilespmem:v63+s2+$0x0], $0xffff;
	v2 =	vmul.f32 v25, v22;
	v3 =	vmul.f32 v23, v20  }
0x2e7: {  	s15 =	simm.s32 $0x0;
	s16 =	simm.s32 $0x4FC0;
	v1 =	vmul.f32 v24, v21;
	v13 =	vmul.f32 v13, v11;
	v11 =	vld.idx.msk [tilespmem:v17+s2+$0x0], $0xffff;
	[tilespmem:s13+$0x30] =	vst v26  }
.LBB2_12:
0x2e8: {  	v14 =	vld [tilespmem:s16+$0x30];
	s15 =	sadd.s32 $0x80, s15;
	v9 =	vmul.f32 v9, v12  }
0x2e9: {  	v5 =	vmul.f32 v5, v10;
	s14 =	sadd.s32 $0x80, s14;
	v12 =	vld [tilespmem:s16+$0xFFFFFFD0];
	p0 =	slt.u32 s15, $0x2680;
	[tilespmem:s13+$0xFFFFFFC0] =	vst v13  }
0x2ea: {  	v4 =	vmul.f32 v4, v6;
	v10 =	vld [tilespmem:s14+$0x30];
	[tilespmem:s13+$0xFFFFFFD0] =	vst v9  }
0x2eb: {  	v3 =	vmul.f32 v3, v7;
	v6 =	vld [tilespmem:s16+$0xFFFFFFE0];
	[tilespmem:s13+$0xFFFFFFE0] =	vst v5  }
0x2ec: {  	v1 =	vmul.f32 v1, v8;
	v5 =	vld [tilespmem:s16+$0xFFFFFFF0];
	[tilespmem:s13+$0xFFFFFFF0] =	vst v4  }
0x2ed: {  	v2 =	vmul.f32 v2, v11;
	v4 =	vld [tilespmem:s16+$0x0];
	[tilespmem:s13+$0x0] =	vst v3  }
0x2ee: {  	v3 =	vld [tilespmem:s16+$0x10];
	[tilespmem:s13+$0x10] =	vst v1  }
0x2ef: {  	v1 =	vld [tilespmem:s16+$0x20];
	[tilespmem:s13+$0x20] =	vst v2  }
0x2f0: {  	s13 =	sadd.s32 $0x80, s13;
	v2 =	vld.idx.msk [tilespmem:v14+s2+$0x0], $0xffff  }
0x2f1: {  	v7 =	vld [tilespmem:s13+$0x30]  }
0x2f2: {  	v8 =	vld.idx.msk [tilespmem:v10+s2+$0x0], $0xffff  }
0x2f3: {  	v9 =	vld [tilespmem:s16+$0xFFFFFFC0]  }
0x2f4: {  	v10 =	vld [tilespmem:s14+$0xFFFFFFC0]  }
0x2f5: {  	v11 =	vld [tilespmem:s14+$0xFFFFFFD0]  }
0x2f6: {  	v13 =	vld [tilespmem:s14+$0xFFFFFFE0];
	v2 =	vmul.f32 v7, v2  }
0x2f7: {  	v7 =	vld [tilespmem:s14+$0xFFFFFFF0]  }
0x2f8: {  	v14 =	vld [tilespmem:s14+$0x0];
	v2 =	vmul.f32 v2, v8  }
0x2f9: {  	v8 =	vld [tilespmem:s14+$0x10]  }
0x2fa: {  	v15 =	vld [tilespmem:s14+$0x20];
	[tilespmem:s13+$0x30] =	vst v2  }
0x2fb: {  	v2 =	vld.idx.msk [tilespmem:v9+s2+$0x0], $0xffff  }
0x2fc: {  	v9 =	vld.idx.msk [tilespmem:v12+s2+$0x0], $0xffff  }
0x2fd: {  	v6 =	vld.idx.msk [tilespmem:v6+s2+$0x0], $0xffff  }
0x2fe: {  	v16 =	vld.idx.msk [tilespmem:v5+s2+$0x0], $0xffff  }
0x2ff: {  	v17 =	vld.idx.msk [tilespmem:v4+s2+$0x0], $0xffff  }
0x300: {  	v18 =	vld.idx.msk [tilespmem:v3+s2+$0x0], $0xffff  }
0x301: {  	v19 =	vld.idx.msk [tilespmem:v1+s2+$0x0], $0xffff  }
0x302: {  	v1 =	vld [tilespmem:s13+$0xFFFFFFC0]  }
0x303: {  	v3 =	vld [tilespmem:s13+$0xFFFFFFD0]  }
0x304: {  	v4 =	vld [tilespmem:s13+$0xFFFFFFE0]  }
0x305: {  	v20 =	vld [tilespmem:s13+$0xFFFFFFF0]  }
0x306: {  	v21 =	vld [tilespmem:s13+$0x0]  }
0x307: {  	v22 =	vmul.f32 v1, v2;
	v1 =	vld [tilespmem:s13+$0x10]  }
0x308: {  	v9 =	vmul.f32 v3, v9;
	v2 =	vld [tilespmem:s13+$0x20]  }
0x309: {  	v23 =	vld.idx.msk [tilespmem:v10+s2+$0x0], $0xffff;
	v5 =	vmul.f32 v4, v6  }
0x30a: {  	v12 =	vld.idx.msk [tilespmem:v11+s2+$0x0], $0xffff;
	v4 =	vmul.f32 v20, v16  }
.Ltmp5:
0x30b: {  	v10 =	vld.idx.msk [tilespmem:v13+s2+$0x0], $0xffff;
	v3 =	vmul.f32 v21, v17;
	(pc) =	sbr.rel @p0 .LBB2_12-.Ltmp5, $4  }
0x30c: {  	v6 =	vld.idx.msk [tilespmem:v7+s2+$0x0], $0xffff;
	v1 =	vmul.f32 v1, v18  }
0x30d: {  	v7 =	vld.idx.msk [tilespmem:v14+s2+$0x0], $0xffff;
	v2 =	vmul.f32 v2, v19  }
0x30e: {  	v8 =	vld.idx.msk [tilespmem:v8+s2+$0x0], $0xffff  }
0x30f: {  	s16 =	sadd.s32 $0x80, s16;
	v13 =	vmul.f32 v22, v23;
	v11 =	vld.idx.msk [tilespmem:v15+s2+$0x0], $0xffff  }
0x310: {  	v9 =	vmul.f32 v9, v12  }
0x311: {  	v5 =	vmul.f32 v5, v10;
	[tilespmem:s13+$0xFFFFFFC0] =	vst v13  }
0x312: {  	v4 =	vmul.f32 v4, v6;
	[tilespmem:s13+$0xFFFFFFD0] =	vst v9  }
0x313: {  	[tilespmem:s13+$0xFFFFFFE0] =	vst v5;
	v3 =	vmul.f32 v3, v7  }
0x314: {  	[tilespmem:s13+$0xFFFFFFF0] =	vst v4;
	v1 =	vmul.f32 v1, v8  }
0x315: {  	[tilespmem:s13+$0x0] =	vst v3;
	v2 =	vmul.f32 v2, v11  }
0x316: {  	[tilespmem:s13+$0x10] =	vst v1  }
0x317: {  	[tilespmem:s13+$0x20] =	vst v2  }
0x318: {  	v1 =	vld [tilespmem:$0x7600];
	_ =	sdelay $0x1  }
0x319: {  	v2 =	vld [tilespmem:$0x9D80];
	_ =	sdelay $0x4  }
0x31a: {  	v3 =	vld [tilespmem:$0x4E80]  }
0x31b: {  	v1 =	vld.idx.msk [tilespmem:v1+s2+$0x0], $0xffff;
	_ =	sdelay $0x1  }
0x31c: {  	v2 =	vld.idx.msk [tilespmem:v2+s2+$0x0], $0xffff;
	_ =	sdelay $0x2  }
0x31d: {  	v1 =	vmul.f32 v3, v1;
	_ =	sdelay $0x1  }
0x31e: {  	v1 =	vmul.f32 v1, v2;
	_ =	sdelay $0x1  }
0x31f: {  	s13 =	rddreg [dreg:$0xa];
	[tilespmem:$0x4E80] =	vst v1  }
0x320: {  	[hbm4b:s13+s2] =	stream.linear.scatter [tilespmem:s28], [sflag:$0x2], $0x2710, $0x38;
	[tilespmem:$0x1EE00] =	vst v63  }
0x321: {  	_ =	swait.ge [sflag:s26], $0x2710  }
0x322: {  	[sflag:s26] =	ssyncset.done $0x0  }
0x323: {  	s16 =	rddreg [dreg:$0x3];
	[sflag:s26] =	ssyncadd.s32 $0xFFFFD8F0  }
0x324: {  	[tilespmem:s0], [sflag:$0x2] =	stream.strided.gather [hbm4b:s16+s30], $0x2780, s31, s30, $0x38;
	[tilespmem:$0x1EE00] =	vst v63  }
0x325: {  	_ =	swait.ge [sflag:s26], $0x2780  }
0x326: {  	[sflag:s26] =	ssyncset.done $0x0  }
0x327: {  	s17 =	rddreg [dreg:$0xb];
	[sflag:s26] =	ssyncadd.s32 $0xFFFFD880  }
0x328: {  	[tilespmem:s1], [sflag:$0x2] =	stream.strided.gather [hbm4b:s17+s30], $0x2780, s31, s30, $0x38;
	[tilespmem:$0x1EE00] =	vst v63  }
0x329: {  	_ =	swait.ge [sflag:s26], $0x2780  }
0x32a: {  	[sflag:s26] =	ssyncset.done $0x0  }
0x32b: {  	s18 =	rddreg [dreg:$0xc];
	[sflag:s26] =	ssyncadd.s32 $0xFFFFD880  }
0x32c: {  	[tilespmem:s3], [sflag:$0x2] =	stream.strided.gather [hbm4b:s18+s30], $0x2780, s31, s30, $0x38;
	[tilespmem:$0x1EE00] =	vst v63  }
0x32d: {  	_ =	swait.ge [sflag:s26], $0x2780  }
0x32e: {  	[sflag:s26] =	ssyncset.done $0x0  }
0x32f: {  	s19 =	rddreg [dreg:$0xd];
	[sflag:s26] =	ssyncadd.s32 $0xFFFFD880  }
0x330: {  	[tilespmem:s4], [sflag:$0x2] =	stream.strided.gather [hbm4b:s19+s30], $0x2780, s31, s30, $0x38;
	[tilespmem:$0x1EE00] =	vst v63  }
0x331: {  	_ =	swait.ge [sflag:s26], $0x2780  }
0x332: {  	[sflag:s26] =	ssyncset.done $0x0  }
0x333: {  	s15 =	simm.s32 $0x15040;
	[sflag:s26] =	ssyncadd.s32 $0xFFFFD880  }
0x334: {  	[tilespmem:s15+$0x30] =	vst v0  }
0x335: {  	[tilespmem:s15+$0xFFFFFFE0] =	vst v0  }
0x336: {  	[tilespmem:s15+$0xFFFFFFF0] =	vst v0  }
0x337: {  	[tilespmem:s15+$0x0] =	vst v0  }
0x338: {  	[tilespmem:s15+$0xFFFFFFC0] =	vst v0  }
0x339: {  	[tilespmem:s15+$0x10] =	vst v0  }
0x33a: {  	[tilespmem:s15+$0x20] =	vst v0  }
0x33b: {  	s14 =	simm.s32 $0x177C0;
	[tilespmem:s15+$0xFFFFFFD0] =	vst v0  }
0x33c: {  	[tilespmem:s14+$0x30] =	vst v0  }
0x33d: {  	[tilespmem:s14+$0xFFFFFFC0] =	vst v0  }
0x33e: {  	[tilespmem:s14+$0x10] =	vst v0  }
0x33f: {  	[tilespmem:s14+$0xFFFFFFD0] =	vst v0  }
0x340: {  	[tilespmem:s14+$0x20] =	vst v0  }
0x341: {  	[tilespmem:s14+$0x0] =	vst v0  }
0x342: {  	s13 =	simm.s32 $0x19F40;
	[tilespmem:s14+$0xFFFFFFF0] =	vst v0  }
0x343: {  	[tilespmem:s13+$0x30] =	vst v0  }
0x344: {  	[tilespmem:s13+$0xFFFFFFC0] =	vst v0  }
0x345: {  	[tilespmem:s13+$0x10] =	vst v0  }
0x346: {  	[tilespmem:s13+$0xFFFFFFD0] =	vst v0  }
0x347: {  	[tilespmem:s13+$0x20] =	vst v0  }
0x348: {  	[tilespmem:s13+$0x0] =	vst v0  }
0x349: {  	s16 =	simm.s32 $0x1C6C0;
	[tilespmem:s13+$0xFFFFFFF0] =	vst v0  }
0x34a: {  	[tilespmem:s16+$0x30] =	vst v0  }
0x34b: {  	[tilespmem:s16+$0xFFFFFFC0] =	vst v0  }
0x34c: {  	[tilespmem:s16+$0x10] =	vst v0  }
0x34d: {  	[tilespmem:s16+$0xFFFFFFD0] =	vst v0  }
0x34e: {  	s17 =	simm.s32 $0x0;
	s18 =	simm.s32 $0x19FC0;
	s19 =	simm.s32 $0x1C740;
	[tilespmem:s16+$0x20] =	vst v0  }
.LBB2_14:
0x34f: {  	s17 =	sadd.s32 $0x80, s17;
	[tilespmem:s14+$0xFFFFFFE0] =	vst v0;
	s15 =	sadd.s32 $0x80, s15;
	s14 =	sadd.s32 $0x80, s14  }
0x350: {  	[tilespmem:s15+$0x30] =	vst v0;
	p0 =	slt.u32 s17, $0x2680  }
0x351: {  	[tilespmem:s14+$0x30] =	vst v0  }
0x352: {  	[tilespmem:s18+$0x30] =	vst v0  }
0x353: {  	[tilespmem:s16+$0xFFFFFFF0] =	vst v0  }
0x354: {  	[tilespmem:s16+$0x0] =	vst v0  }
0x355: {  	[tilespmem:s13+$0xFFFFFFE0] =	vst v0;
	s13 =	smov.u32 s18  }
0x356: {  	[tilespmem:s16+$0xFFFFFFE0] =	vst v0;
	s16 =	smov.u32 s19  }
0x357: {  	[tilespmem:s19+$0x30] =	vst v0  }
0x358: {  	[tilespmem:s15+$0xFFFFFFE0] =	vst v0  }
0x359: {  	[tilespmem:s15+$0xFFFFFFF0] =	vst v0  }
0x35a: {  	[tilespmem:s15+$0x0] =	vst v0  }
0x35b: {  	[tilespmem:s15+$0xFFFFFFC0] =	vst v0  }
0x35c: {  	[tilespmem:s14+$0xFFFFFFC0] =	vst v0  }
0x35d: {  	[tilespmem:s18+$0xFFFFFFC0] =	vst v0  }
0x35e: {  	[tilespmem:s19+$0xFFFFFFC0] =	vst v0  }
0x35f: {  	[tilespmem:s15+$0x10] =	vst v0  }
0x360: {  	[tilespmem:s14+$0x10] =	vst v0  }
0x361: {  	[tilespmem:s18+$0x10] =	vst v0  }
0x362: {  	[tilespmem:s19+$0x10] =	vst v0  }
0x363: {  	[tilespmem:s15+$0x20] =	vst v0  }
0x364: {  	[tilespmem:s15+$0xFFFFFFD0] =	vst v0  }
0x365: {  	[tilespmem:s14+$0xFFFFFFD0] =	vst v0  }
0x366: {  	[tilespmem:s18+$0xFFFFFFD0] =	vst v0  }
0x367: {  	[tilespmem:s19+$0xFFFFFFD0] =	vst v0  }
0x368: {  	[tilespmem:s14+$0x20] =	vst v0  }
0x369: {  	[tilespmem:s18+$0x20] =	vst v0  }
.Ltmp6:
0x36a: {  	[tilespmem:s19+$0x20] =	vst v0;
	(pc) =	sbr.rel @p0 .LBB2_14-.Ltmp6, $4  }
0x36b: {  	[tilespmem:s14+$0x0] =	vst v0  }
0x36c: {  	[tilespmem:s18+$0x0] =	vst v0  }
0x36d: {  	[tilespmem:s14+$0xFFFFFFF0] =	vst v0  }
0x36e: {  	s19 =	sadd.s32 $0x80, s19;
	s18 =	sadd.s32 $0x80, s18;
	[tilespmem:s13+$0xFFFFFFF0] =	vst v0  }
0x36f: {  	[tilespmem:s14+$0xFFFFFFE0] =	vst v0  }
0x370: {  	[tilespmem:s16+$0xFFFFFFF0] =	vst v0  }
0x371: {  	[tilespmem:s16+$0x0] =	vst v0  }
0x372: {  	[tilespmem:s13+$0xFFFFFFE0] =	vst v0  }
0x373: {  	[tilespmem:s16+$0xFFFFFFE0] =	vst v0  }
0x374: {  	[tilespmem:$0x17700] =	vst v0  }
0x375: {  	[tilespmem:$0x19E80] =	vst v0  }
0x376: {  	[tilespmem:$0x1C600] =	vst v0  }
0x377: {  	s15 =	simm.s32 $0x4F40;
	[tilespmem:$0x1ED80] =	vst v0  }
0x378: {  	v2 =	vld [tilespmem:s15+$0x30]  }
0x379: {  	v5 =	vld [tilespmem:s15+$0xFFFFFFD0]  }
0x37a: {  	v6 =	vld [tilespmem:s15+$0xFFFFFFE0]  }
0x37b: {  	v7 =	vld [tilespmem:s15+$0xFFFFFFF0]  }
0x37c: {  	v8 =	vld [tilespmem:s15+$0x0]  }
0x37d: {  	v9 =	vld [tilespmem:s15+$0x10]  }
0x37e: {  	s13 =	simm.s32 $0x76C0;
	v10 =	vld [tilespmem:s15+$0x20]  }
0x37f: {  	s14 =	simm.s32 $0x27C0;
	v11 =	vld [tilespmem:s13+$0x30]  }
0x380: {  	v12 =	vld [tilespmem:s14+$0x30]  }
0x381: {  	v13 =	vld [tilespmem:s15+$0xFFFFFFC0]  }
0x382: {  	v20 =	vld [tilespmem:s14+$0xFFFFFFC0]  }
0x383: {  	v21 =	vld [tilespmem:s14+$0xFFFFFFD0]  }
0x384: {  	v22 =	vld [tilespmem:s14+$0xFFFFFFE0]  }
0x385: {  	v23 =	vld [tilespmem:s14+$0xFFFFFFF0]  }
0x386: {  	v24 =	vld [tilespmem:s14+$0x0]  }
0x387: {  	v25 =	vld [tilespmem:s14+$0x10]  }
0x388: {  	v4 =	vld [tilespmem:s14+$0x20]  }
0x389: {  	v26 =	vld [tilespmem:s13+$0xFFFFFFC0]  }
0x38a: {  	v1 =	vld.idx.msk [tilespmem:v2+s0+$0x0], $0xffff  }
0x38b: {  	v3 =	vld.idx.msk [tilespmem:v5+s0+$0x0], $0xffff  }
0x38c: {  	v27 =	vld [tilespmem:s13+$0xFFFFFFD0]  }
0x38d: {  	v29 =	vld [tilespmem:s13+$0xFFFFFFF0]  }
0x38e: {  	v15 =	vld.idx.msk [tilespmem:v7+s0+$0x0], $0xffff  }
0x38f: {  	v18 =	vld.idx.msk [tilespmem:v13+s0+$0x0], $0xffff  }
0x390: {  	v1 =	vmul.f32 v1, v12;
	v31 =	vmul.f32 v3, v21;
	v3 =	vld [tilespmem:s13+$0x20]  }
0x391: {  	v19 =	vld.idx.msk [tilespmem:v10+s0+$0x0], $0xffff  }
0x392: {  	[tilespmem:v11+s6+$0x0] =	vst.idx.add.f32.msk $0xffff, v1  }
0x393: {  	v1 =	vld.idx.msk [tilespmem:v2+s1+$0x0], $0xffff  }
0x394: {  	v28 =	vld [tilespmem:s13+$0xFFFFFFE0];
	v15 =	vmul.f32 v15, v23  }
0x395: {  	v14 =	vld.idx.msk [tilespmem:v6+s0+$0x0], $0xffff;
	v18 =	vmul.f32 v18, v20  }
0x396: {  	[tilespmem:v29+s6+$0x0] =	vst.idx.add.f32.msk $0xffff, v15;
	v15 =	vmul.f32 v19, v4  }
0x397: {  	[tilespmem:v26+s6+$0x0] =	vst.idx.add.f32.msk $0xffff, v18  }
0x398: {  	v1 =	vmul.f32 v1, v12;
	[tilespmem:v3+s6+$0x0] =	vst.idx.add.f32.msk $0xffff, v15  }
0x399: {  	v18 =	vld.idx.msk [tilespmem:v10+s1+$0x0], $0xffff  }
0x39a: {  	[tilespmem:v11+s7+$0x0] =	vst.idx.add.f32.msk $0xffff, v1  }
0x39b: {  	v1 =	vld.idx.msk [tilespmem:v2+s3+$0x0], $0xffff  }
0x39c: {  	v16 =	vld.idx.msk [tilespmem:v8+s0+$0x0], $0xffff  }
0x39d: {  	v17 =	vld.idx.msk [tilespmem:v9+s0+$0x0], $0xffff;
	v14 =	vmul.f32 v14, v22  }
0x39e: {  	[tilespmem:v27+s6+$0x0] =	vst.idx.add.f32.msk $0xffff, v31  }
0x39f: {  	[tilespmem:v28+s6+$0x0] =	vst.idx.add.f32.msk $0xffff, v14;
	v55 =	vmul.f32 v18, v4  }
0x3a0: {  	v30 =	vmul.f32 v1, v12;
	v1 =	vld [tilespmem:s13+$0x0]  }
0x3a1: {  	[tilespmem:v3+s7+$0x0] =	vst.idx.add.f32.msk $0xffff, v55  }
0x3a2: {  	v18 =	vld.idx.msk [tilespmem:v10+s3+$0x0], $0xffff  }
0x3a3: {  	[tilespmem:v11+s9+$0x0] =	vst.idx.add.f32.msk $0xffff, v30  }
0x3a4: {  	v30 =	vld.idx.msk [tilespmem:v2+s4+$0x0], $0xffff  }
0x3a5: {  	v2 =	vld [tilespmem:s13+$0x10]  }
0x3a6: {  	v16 =	vmul.f32 v16, v24;
	v51 =	vld.idx.msk [tilespmem:v13+s1+$0x0], $0xffff  }
0x3a7: {  	v15 =	vld.idx.msk [tilespmem:v7+s1+$0x0], $0xffff;
	v61 =	vmul.f32 v18, v4  }
0x3a8: {  	[tilespmem:v1+s6+$0x0] =	vst.idx.add.f32.msk $0xffff, v16  }
0x3a9: {  	v12 =	vmul.f32 v30, v12;
	[tilespmem:v3+s9+$0x0] =	vst.idx.add.f32.msk $0xffff, v61  }
0x3aa: {  	v16 =	vld.idx.msk [tilespmem:v8+s1+$0x0], $0xffff  }
0x3ab: {  	v14 =	vmul.f32 v17, v25;
	[tilespmem:v11+s10+$0x0] =	vst.idx.add.f32.msk $0xffff, v12  }
0x3ac: {  	v12 =	vld.idx.msk [tilespmem:v5+s1+$0x0], $0xffff  }
0x3ad: {  	[tilespmem:v2+s6+$0x0] =	vst.idx.add.f32.msk $0xffff, v14  }
0x3ae: {  	v11 =	vmul.f32 v51, v20;
	v14 =	vld.idx.msk [tilespmem:v6+s1+$0x0], $0xffff  }
0x3af: {  	v52 =	vld.idx.msk [tilespmem:v9+s1+$0x0], $0xffff  }
0x3b0: {  	[tilespmem:v26+s7+$0x0] =	vst.idx.add.f32.msk $0xffff, v11;
	v54 =	vmul.f32 v16, v24  }
0x3b1: {  	v56 =	vld.idx.msk [tilespmem:v13+s3+$0x0], $0xffff;
	v12 =	vmul.f32 v12, v21  }
0x3b2: {  	[tilespmem:v1+s7+$0x0] =	vst.idx.add.f32.msk $0xffff, v54  }
0x3b3: {  	v53 =	vmul.f32 v14, v22;
	[tilespmem:v27+s7+$0x0] =	vst.idx.add.f32.msk $0xffff, v12  }
0x3b4: {  	v12 =	vmul.f32 v15, v23;
	v57 =	vld.idx.msk [tilespmem:v8+s3+$0x0], $0xffff  }
0x3b5: {  	[tilespmem:v28+s7+$0x0] =	vst.idx.add.f32.msk $0xffff, v53  }
0x3b6: {  	[tilespmem:v29+s7+$0x0] =	vst.idx.add.f32.msk $0xffff, v12;
	v12 =	vmul.f32 v52, v25  }
0x3b7: {  	v14 =	vld.idx.msk [tilespmem:v6+s3+$0x0], $0xffff  }
0x3b8: {  	[tilespmem:v2+s7+$0x0] =	vst.idx.add.f32.msk $0xffff, v12  }
0x3b9: {  	v11 =	vmul.f32 v56, v20;
	v12 =	vld.idx.msk [tilespmem:v5+s3+$0x0], $0xffff  }
0x3ba: {  	v15 =	vld.idx.msk [tilespmem:v7+s3+$0x0], $0xffff  }
0x3bb: {  	[tilespmem:v26+s9+$0x0] =	vst.idx.add.f32.msk $0xffff, v11  }
0x3bc: {  	v62 =	vld.idx.msk [tilespmem:v13+s4+$0x0], $0xffff;
	v60 =	vmul.f32 v57, v24  }
0x3bd: {  	v58 =	vld.idx.msk [tilespmem:v9+s3+$0x0], $0xffff;
	v59 =	vmul.f32 v14, v22  }
0x3be: {  	[tilespmem:v1+s9+$0x0] =	vst.idx.add.f32.msk $0xffff, v60;
	v12 =	vmul.f32 v12, v21  }
0x3bf: {  	[tilespmem:v28+s9+$0x0] =	vst.idx.add.f32.msk $0xffff, v59  }
0x3c0: {  	[tilespmem:v27+s9+$0x0] =	vst.idx.add.f32.msk $0xffff, v12;
	v12 =	vmul.f32 v15, v23  }
0x3c1: {  	v5 =	vld.idx.msk [tilespmem:v5+s4+$0x0], $0xffff  }
0x3c2: {  	[tilespmem:v29+s9+$0x0] =	vst.idx.add.f32.msk $0xffff, v12;
	v12 =	vmul.f32 v58, v25  }
0x3c3: {  	v7 =	vld.idx.msk [tilespmem:v7+s4+$0x0], $0xffff  }
0x3c4: {  	[tilespmem:v2+s9+$0x0] =	vst.idx.add.f32.msk $0xffff, v12  }
0x3c5: {  	v12 =	vld.idx.msk [tilespmem:v6+s4+$0x0], $0xffff  }
0x3c6: {  	v8 =	vld.idx.msk [tilespmem:v8+s4+$0x0], $0xffff  }
0x3c7: {  	v9 =	vld.idx.msk [tilespmem:v9+s4+$0x0], $0xffff;
	v5 =	vmul.f32 v5, v21  }
0x3c8: {  	v11 =	vmul.f32 v62, v20;
	v6 =	vld.idx.msk [tilespmem:v10+s4+$0x0], $0xffff  }
0x3c9: {  	[tilespmem:v27+s10+$0x0] =	vst.idx.add.f32.msk $0xffff, v5;
	v5 =	vmul.f32 v7, v23  }
0x3ca: {  	[tilespmem:v26+s10+$0x0] =	vst.idx.add.f32.msk $0xffff, v11;
	v63 =	vmul.f32 v12, v22  }
0x3cb: {  	[tilespmem:v29+s10+$0x0] =	vst.idx.add.f32.msk $0xffff, v5  }
0x3cc: {  	s16 =	simm.s32 $0x4FC0;
	s15 =	simm.s32 $0x0;
	v20 =	vmul.f32 v8, v24;
	v12 =	vmul.f32 v9, v25;
	[tilespmem:v28+s10+$0x0] =	vst.idx.add.f32.msk $0xffff, v63  }
.LBB2_16:
0x3cd: {  	v25 =	vld [tilespmem:s16+$0x30];
	s15 =	sadd.s32 $0x80, s15;
	v5 =	vmul.f32 v6, v4  }
0x3ce: {  	v6 =	vld [tilespmem:s16+$0xFFFFFFD0];
	p0 =	slt.u32 s15, $0x2680  }
0x3cf: {  	v8 =	vld [tilespmem:s16+$0xFFFFFFE0]  }
0x3d0: {  	v9 =	vld [tilespmem:s16+$0xFFFFFFF0]  }
0x3d1: {  	v10 =	vld [tilespmem:s16+$0x0]  }
0x3d2: {  	v11 =	vld [tilespmem:s16+$0x10]  }
0x3d3: {  	s13 =	sadd.s32 $0x80, s13;
	v7 =	vld [tilespmem:s16+$0x20]  }
0x3d4: {  	v26 =	vld [tilespmem:s13+$0x30]  }
0x3d5: {  	s14 =	sadd.s32 $0x80, s14;
	v4 =	vld.idx.msk [tilespmem:v25+s0+$0x0], $0xffff  }
0x3d6: {  	v27 =	vld [tilespmem:s14+$0x30]  }
0x3d7: {  	v13 =	vld [tilespmem:s16+$0xFFFFFFC0]  }
0x3d8: {  	v19 =	vld.idx.msk [tilespmem:v6+s0+$0x0], $0xffff  }
0x3d9: {  	v21 =	vld.idx.msk [tilespmem:v8+s0+$0x0], $0xffff  }
0x3da: {  	v22 =	vld.idx.msk [tilespmem:v9+s0+$0x0], $0xffff  }
0x3db: {  	v24 =	vld.idx.msk [tilespmem:v10+s0+$0x0], $0xffff;
	v4 =	vmul.f32 v4, v27  }
0x3dc: {  	v28 =	vld.idx.msk [tilespmem:v11+s0+$0x0], $0xffff  }
0x3dd: {  	[tilespmem:v26+s6+$0x0] =	vst.idx.add.f32.msk $0xffff, v4  }
0x3de: {  	v4 =	vld.idx.msk [tilespmem:v25+s1+$0x0], $0xffff  }
0x3df: {  	v23 =	vld.idx.msk [tilespmem:v13+s0+$0x0], $0xffff  }
0x3e0: {  	v29 =	vld.idx.msk [tilespmem:v7+s0+$0x0], $0xffff  }
0x3e1: {  	v18 =	vld [tilespmem:s14+$0xFFFFFFC0]  }
0x3e2: {  	v17 =	vld [tilespmem:s14+$0xFFFFFFD0]  }
0x3e3: {  	v16 =	vld [tilespmem:s14+$0xFFFFFFE0]  }
0x3e4: {  	v4 =	vmul.f32 v4, v27;
	v14 =	vld [tilespmem:s14+$0xFFFFFFF0]  }
0x3e5: {  	v15 =	vld [tilespmem:s14+$0x0]  }
0x3e6: {  	v30 =	vmul.f32 v23, v18;
	[tilespmem:v26+s7+$0x0] =	vst.idx.add.f32.msk $0xffff, v4  }
0x3e7: {  	v31 =	vmul.f32 v19, v17;
	v32 =	vld.idx.msk [tilespmem:v25+s3+$0x0], $0xffff  }
0x3e8: {  	v33 =	vmul.f32 v21, v16;
	v19 =	vld [tilespmem:s14+$0x10]  }
0x3e9: {  	v34 =	vmul.f32 v22, v14;
	v4 =	vld [tilespmem:s14+$0x20]  }
0x3ea: {  	v23 =	vld [tilespmem:s13+$0xFFFFFFC0];
	v35 =	vmul.f32 v24, v15  }
0x3eb: {  	v24 =	vld [tilespmem:s13+$0xFFFFFFD0]  }
0x3ec: {  	v22 =	vld [tilespmem:s13+$0xFFFFFFE0]  }
0x3ed: {  	v32 =	vmul.f32 v32, v27;
	v21 =	vld [tilespmem:s13+$0xFFFFFFF0];
	v28 =	vmul.f32 v28, v19  }
0x3ee: {  	v36 =	vld [tilespmem:s13+$0x0];
	v29 =	vmul.f32 v29, v4  }
0x3ef: {  	[tilespmem:v26+s9+$0x0] =	vst.idx.add.f32.msk $0xffff, v32  }
0x3f0: {  	v25 =	vld.idx.msk [tilespmem:v25+s4+$0x0], $0xffff  }
0x3f1: {  	v32 =	vld [tilespmem:s13+$0x10]  }
0x3f2: {  	v37 =	vld [tilespmem:s13+$0x20]  }
0x3f3: {  	[tilespmem:v23+s6+$0x0] =	vst.idx.add.f32.msk $0xffff, v30  }
0x3f4: {  	[tilespmem:v24+s6+$0x0] =	vst.idx.add.f32.msk $0xffff, v31  }
0x3f5: {  	[tilespmem:v22+s6+$0x0] =	vst.idx.add.f32.msk $0xffff, v33  }
0x3f6: {  	v25 =	vmul.f32 v25, v27;
	[tilespmem:v21+s6+$0x0] =	vst.idx.add.f32.msk $0xffff, v34  }
0x3f7: {  	[tilespmem:v36+s6+$0x0] =	vst.idx.add.f32.msk $0xffff, v35  }
0x3f8: {  	[tilespmem:v26+s10+$0x0] =	vst.idx.add.f32.msk $0xffff, v25  }
0x3f9: {  	[tilespmem:v32+s6+$0x0] =	vst.idx.add.f32.msk $0xffff, v28  }
0x3fa: {  	[tilespmem:v37+s6+$0x0] =	vst.idx.add.f32.msk $0xffff, v29  }
0x3fb: {  	v25 =	vld.idx.msk [tilespmem:v13+s1+$0x0], $0xffff  }
0x3fc: {  	v26 =	vld.idx.msk [tilespmem:v6+s1+$0x0], $0xffff  }
0x3fd: {  	v27 =	vld.idx.msk [tilespmem:v8+s1+$0x0], $0xffff  }
0x3fe: {  	v28 =	vld.idx.msk [tilespmem:v9+s1+$0x0], $0xffff  }
0x3ff: {  	v29 =	vld.idx.msk [tilespmem:v10+s1+$0x0], $0xffff  }
0x400: {  	v30 =	vld.idx.msk [tilespmem:v11+s1+$0x0], $0xffff  }
0x401: {  	v25 =	vmul.f32 v25, v18;
	v31 =	vld.idx.msk [tilespmem:v7+s1+$0x0], $0xffff  }
0x402: {  	v26 =	vmul.f32 v26, v17;
	[tilespmem:v1+s10+$0x0] =	vst.idx.add.f32.msk $0xffff, v20;
	v1 =	vmov v36  }
0x403: {  	v20 =	vmul.f32 v27, v16;
	[tilespmem:v23+s7+$0x0] =	vst.idx.add.f32.msk $0xffff, v25  }
0x404: {  	v25 =	vmul.f32 v28, v14;
	[tilespmem:v24+s7+$0x0] =	vst.idx.add.f32.msk $0xffff, v26  }
0x405: {  	[tilespmem:v22+s7+$0x0] =	vst.idx.add.f32.msk $0xffff, v20;
	v20 =	vmul.f32 v29, v15  }
0x406: {  	[tilespmem:v21+s7+$0x0] =	vst.idx.add.f32.msk $0xffff, v25;
	v25 =	vmul.f32 v30, v19  }
0x407: {  	[tilespmem:v36+s7+$0x0] =	vst.idx.add.f32.msk $0xffff, v20;
	v20 =	vmul.f32 v31, v4  }
0x408: {  	[tilespmem:v32+s7+$0x0] =	vst.idx.add.f32.msk $0xffff, v25  }
0x409: {  	[tilespmem:v37+s7+$0x0] =	vst.idx.add.f32.msk $0xffff, v20  }
0x40a: {  	v20 =	vld.idx.msk [tilespmem:v13+s3+$0x0], $0xffff  }
0x40b: {  	v25 =	vld.idx.msk [tilespmem:v6+s3+$0x0], $0xffff  }
0x40c: {  	v26 =	vld.idx.msk [tilespmem:v8+s3+$0x0], $0xffff  }
0x40d: {  	v27 =	vld.idx.msk [tilespmem:v9+s3+$0x0], $0xffff  }
0x40e: {  	v28 =	vld.idx.msk [tilespmem:v10+s3+$0x0], $0xffff  }
0x40f: {  	v29 =	vld.idx.msk [tilespmem:v11+s3+$0x0], $0xffff  }
0x410: {  	v20 =	vmul.f32 v20, v18;
	v30 =	vld.idx.msk [tilespmem:v7+s3+$0x0], $0xffff  }
0x411: {  	v25 =	vmul.f32 v25, v17;
	[tilespmem:v2+s10+$0x0] =	vst.idx.add.f32.msk $0xffff, v12;
	v2 =	vmov v32  }
0x412: {  	v12 =	vmul.f32 v26, v16;
	[tilespmem:v23+s9+$0x0] =	vst.idx.add.f32.msk $0xffff, v20  }
0x413: {  	v20 =	vmul.f32 v27, v14;
	[tilespmem:v24+s9+$0x0] =	vst.idx.add.f32.msk $0xffff, v25  }
0x414: {  	[tilespmem:v22+s9+$0x0] =	vst.idx.add.f32.msk $0xffff, v12;
	v12 =	vmul.f32 v28, v15  }
0x415: {  	[tilespmem:v21+s9+$0x0] =	vst.idx.add.f32.msk $0xffff, v20;
	v20 =	vmul.f32 v29, v19  }
0x416: {  	[tilespmem:v1+s9+$0x0] =	vst.idx.add.f32.msk $0xffff, v12;
	v12 =	vmul.f32 v30, v4  }
0x417: {  	[tilespmem:v32+s9+$0x0] =	vst.idx.add.f32.msk $0xffff, v20  }
0x418: {  	[tilespmem:v37+s9+$0x0] =	vst.idx.add.f32.msk $0xffff, v12  }
0x419: {  	v12 =	vld.idx.msk [tilespmem:v13+s4+$0x0], $0xffff  }
0x41a: {  	v13 =	vld.idx.msk [tilespmem:v6+s4+$0x0], $0xffff  }
0x41b: {  	v8 =	vld.idx.msk [tilespmem:v8+s4+$0x0], $0xffff  }
0x41c: {  	v9 =	vld.idx.msk [tilespmem:v9+s4+$0x0], $0xffff  }
0x41d: {  	v10 =	vld.idx.msk [tilespmem:v10+s4+$0x0], $0xffff  }
0x41e: {  	v11 =	vld.idx.msk [tilespmem:v11+s4+$0x0], $0xffff  }
0x41f: {  	v12 =	vmul.f32 v12, v18;
	v6 =	vld.idx.msk [tilespmem:v7+s4+$0x0], $0xffff  }
.Ltmp7:
0x420: {  	v7 =	vmul.f32 v13, v17;
	[tilespmem:v3+s10+$0x0] =	vst.idx.add.f32.msk $0xffff, v5;
	v3 =	vmov v37;
	(pc) =	sbr.rel @p0 .LBB2_16-.Ltmp7, $4  }
0x421: {  	v5 =	vmul.f32 v8, v16;
	[tilespmem:v23+s10+$0x0] =	vst.idx.add.f32.msk $0xffff, v12  }
0x422: {  	[tilespmem:v24+s10+$0x0] =	vst.idx.add.f32.msk $0xffff, v7;
	v7 =	vmul.f32 v9, v14  }
0x423: {  	v20 =	vmul.f32 v10, v15;
	[tilespmem:v22+s10+$0x0] =	vst.idx.add.f32.msk $0xffff, v5  }
0x424: {  	s16 =	sadd.s32 $0x80, s16;
	v12 =	vmul.f32 v11, v19;
	[tilespmem:v21+s10+$0x0] =	vst.idx.add.f32.msk $0xffff, v7  }
0x425: {  	_ =	sdelay $0x3  }
0x426: {  	v4 =	vmul.f32 v6, v4;
	[tilespmem:v1+s10+$0x0] =	vst.idx.add.f32.msk $0xffff, v20  }
0x427: {  	[tilespmem:v2+s10+$0x0] =	vst.idx.add.f32.msk $0xffff, v12  }
0x428: {  	[tilespmem:v3+s10+$0x0] =	vst.idx.add.f32.msk $0xffff, v4  }
0x429: {  	v1 =	vld [tilespmem:$0x7600];
	_ =	sdelay $0x5  }
0x42a: {  	v2 =	vld [tilespmem:$0x9D80]  }
0x42b: {  	v3 =	vld [tilespmem:$0x4E80]  }
0x42c: {  	v4 =	vld.idx.msk [tilespmem:v1+s0+$0x0], $0xffff;
	_ =	sdelay $0x4  }
0x42d: {  	v4 =	vmul.f32 v4, v3;
	_ =	sdelay $0x1  }
0x42e: {  	[tilespmem:v2+s6+$0x0] =	vst.idx.add.f32.msk $0xffff, v4  }
0x42f: {  	v4 =	vld.idx.msk [tilespmem:v1+s1+$0x0], $0xffff;
	_ =	sdelay $0x4  }
0x430: {  	v4 =	vmul.f32 v4, v3;
	_ =	sdelay $0x1  }
0x431: {  	[tilespmem:v2+s7+$0x0] =	vst.idx.add.f32.msk $0xffff, v4  }
0x432: {  	v4 =	vld.idx.msk [tilespmem:v1+s3+$0x0], $0xffff;
	_ =	sdelay $0x4  }
0x433: {  	v4 =	vmul.f32 v4, v3;
	_ =	sdelay $0x1  }
0x434: {  	[tilespmem:v2+s9+$0x0] =	vst.idx.add.f32.msk $0xffff, v4  }
0x435: {  	v1 =	vld.idx.msk [tilespmem:v1+s4+$0x0], $0xffff;
	_ =	sdelay $0x4  }
0x436: {  	v1 =	vmul.f32 v1, v3;
	_ =	sdelay $0x1  }
0x437: {  	s13 =	rddreg [dreg:$0x1a];
	[tilespmem:v2+s10+$0x0] =	vst.idx.add.f32.msk $0xffff, v1  }
0x438: {  	[hbm4b:s13+s30] =	stream.strided.scatter [tilespmem:s6], [sflag:$0x2], $0x2780, s31, s30, $0x38;
	[tilespmem:$0x1EE00] =	vst v63  }
0x439: {  	_ =	swait.ge [sflag:s26], $0x2780  }
0x43a: {  	[sflag:s26] =	ssyncset.done $0x0  }
0x43b: {  	s19 =	rddreg [dreg:$0x1b];
	[sflag:s26] =	ssyncadd.s32 $0xFFFFD880  }
0x43c: {  	[hbm4b:s19+s30] =	stream.strided.scatter [tilespmem:s7], [sflag:$0x2], $0x2780, s31, s30, $0x38;
	[tilespmem:$0x1EE00] =	vst v63  }
0x43d: {  	_ =	swait.ge [sflag:s26], $0x2780  }
0x43e: {  	[sflag:s26] =	ssyncset.done $0x0  }
0x43f: {  	s14 =	rddreg [dreg:$0x1c];
	[sflag:s26] =	ssyncadd.s32 $0xFFFFD880  }
0x440: {  	[hbm4b:s14+s30] =	stream.strided.scatter [tilespmem:s9], [sflag:$0x2], $0x2780, s31, s30, $0x38;
	[tilespmem:$0x1EE00] =	vst v63  }
0x441: {  	_ =	swait.ge [sflag:s26], $0x2780  }
0x442: {  	[sflag:s26] =	ssyncset.done $0x0  }
0x443: {  	s15 =	rddreg [dreg:$0x1d];
	[sflag:s26] =	ssyncadd.s32 $0xFFFFD880  }
0x444: {  	[hbm4b:s15+s30] =	stream.strided.scatter [tilespmem:s10], [sflag:$0x2], $0x2780, s31, s30, $0x38;
	[tilespmem:$0x1EE00] =	vst v63  }
0x445: {  	_ =	swait.ge [sflag:s26], $0x2780  }
0x446: {  	[sflag:s26] =	ssyncset.done $0x0  }
0x447: {  	s16 =	rddreg [dreg:$0xe];
	[sflag:s26] =	ssyncadd.s32 $0xFFFFD880  }
0x448: {  	[tilespmem:s0], [sflag:$0x2] =	stream.strided.gather [hbm4b:s16+s30], $0x2780, s31, s30, $0x38;
	[tilespmem:$0x1EE00] =	vst v63  }
0x449: {  	_ =	swait.ge [sflag:s26], $0x2780  }
0x44a: {  	[sflag:s26] =	ssyncset.done $0x0  }
0x44b: {  	s17 =	rddreg [dreg:$0xf];
	[sflag:s26] =	ssyncadd.s32 $0xFFFFD880  }
0x44c: {  	[tilespmem:s1], [sflag:$0x2] =	stream.strided.gather [hbm4b:s17+s30], $0x2780, s31, s30, $0x38;
	[tilespmem:$0x1EE00] =	vst v63  }
0x44d: {  	_ =	swait.ge [sflag:s26], $0x2780  }
0x44e: {  	[sflag:s26] =	ssyncset.done $0x0  }
0x44f: {  	s18 =	rddreg [dreg:$0x10];
	[sflag:s26] =	ssyncadd.s32 $0xFFFFD880  }
0x450: {  	[tilespmem:s3], [sflag:$0x2] =	stream.strided.gather [hbm4b:s18+s30], $0x2780, s31, s30, $0x38;
	[tilespmem:$0x1EE00] =	vst v63  }
0x451: {  	_ =	swait.ge [sflag:s26], $0x2780  }
0x452: {  	[sflag:s26] =	ssyncset.done $0x0  }
0x453: {  	s19 =	rddreg [dreg:$0x11];
	[sflag:s26] =	ssyncadd.s32 $0xFFFFD880  }
0x454: {  	[tilespmem:s4], [sflag:$0x2] =	stream.strided.gather [hbm4b:s19+s30], $0x2780, s31, s30, $0x38;
	[tilespmem:$0x1EE00] =	vst v63  }
0x455: {  	_ =	swait.ge [sflag:s26], $0x2780  }
0x456: {  	[sflag:s26] =	ssyncset.done $0x0  }
0x457: {  	s15 =	simm.s32 $0x15040;
	[sflag:s26] =	ssyncadd.s32 $0xFFFFD880  }
0x458: {  	[tilespmem:s15+$0x30] =	vst v0  }
0x459: {  	[tilespmem:s15+$0xFFFFFFE0] =	vst v0  }
0x45a: {  	[tilespmem:s15+$0xFFFFFFF0] =	vst v0  }
0x45b: {  	[tilespmem:s15+$0x0] =	vst v0  }
0x45c: {  	[tilespmem:s15+$0xFFFFFFC0] =	vst v0  }
0x45d: {  	[tilespmem:s15+$0x10] =	vst v0  }
0x45e: {  	[tilespmem:s15+$0x20] =	vst v0  }
0x45f: {  	s14 =	simm.s32 $0x177C0;
	[tilespmem:s15+$0xFFFFFFD0] =	vst v0  }
0x460: {  	[tilespmem:s14+$0x30] =	vst v0  }
0x461: {  	[tilespmem:s14+$0xFFFFFFC0] =	vst v0  }
0x462: {  	[tilespmem:s14+$0x10] =	vst v0  }
0x463: {  	[tilespmem:s14+$0xFFFFFFD0] =	vst v0  }
0x464: {  	[tilespmem:s14+$0x20] =	vst v0  }
0x465: {  	[tilespmem:s14+$0x0] =	vst v0  }
0x466: {  	s13 =	simm.s32 $0x19F40;
	[tilespmem:s14+$0xFFFFFFF0] =	vst v0  }
0x467: {  	[tilespmem:s13+$0x30] =	vst v0  }
0x468: {  	[tilespmem:s13+$0xFFFFFFC0] =	vst v0  }
0x469: {  	[tilespmem:s13+$0x10] =	vst v0  }
0x46a: {  	[tilespmem:s13+$0xFFFFFFD0] =	vst v0  }
0x46b: {  	[tilespmem:s13+$0x20] =	vst v0  }
0x46c: {  	[tilespmem:s13+$0x0] =	vst v0  }
0x46d: {  	s16 =	simm.s32 $0x1C6C0;
	[tilespmem:s13+$0xFFFFFFF0] =	vst v0  }
0x46e: {  	[tilespmem:s16+$0x30] =	vst v0  }
0x46f: {  	[tilespmem:s16+$0xFFFFFFC0] =	vst v0  }
0x470: {  	[tilespmem:s16+$0x10] =	vst v0  }
0x471: {  	[tilespmem:s16+$0xFFFFFFD0] =	vst v0  }
0x472: {  	s17 =	simm.s32 $0x0;
	s18 =	simm.s32 $0x19FC0;
	s19 =	simm.s32 $0x1C740;
	[tilespmem:s16+$0x20] =	vst v0  }
.LBB2_18:
0x473: {  	s17 =	sadd.s32 $0x80, s17;
	[tilespmem:s14+$0xFFFFFFE0] =	vst v0;
	s15 =	sadd.s32 $0x80, s15;
	s14 =	sadd.s32 $0x80, s14  }
0x474: {  	[tilespmem:s15+$0x30] =	vst v0;
	p0 =	slt.u32 s17, $0x2680  }
0x475: {  	[tilespmem:s14+$0x30] =	vst v0  }
0x476: {  	[tilespmem:s18+$0x30] =	vst v0  }
0x477: {  	[tilespmem:s16+$0xFFFFFFF0] =	vst v0  }
0x478: {  	[tilespmem:s16+$0x0] =	vst v0  }
0x479: {  	[tilespmem:s13+$0xFFFFFFE0] =	vst v0;
	s13 =	smov.u32 s18  }
0x47a: {  	[tilespmem:s16+$0xFFFFFFE0] =	vst v0;
	s16 =	smov.u32 s19  }
0x47b: {  	[tilespmem:s19+$0x30] =	vst v0  }
0x47c: {  	[tilespmem:s15+$0xFFFFFFE0] =	vst v0  }
0x47d: {  	[tilespmem:s15+$0xFFFFFFF0] =	vst v0  }
0x47e: {  	[tilespmem:s15+$0x0] =	vst v0  }
0x47f: {  	[tilespmem:s15+$0xFFFFFFC0] =	vst v0  }
0x480: {  	[tilespmem:s14+$0xFFFFFFC0] =	vst v0  }
0x481: {  	[tilespmem:s18+$0xFFFFFFC0] =	vst v0  }
0x482: {  	[tilespmem:s19+$0xFFFFFFC0] =	vst v0  }
0x483: {  	[tilespmem:s15+$0x10] =	vst v0  }
0x484: {  	[tilespmem:s14+$0x10] =	vst v0  }
0x485: {  	[tilespmem:s18+$0x10] =	vst v0  }
0x486: {  	[tilespmem:s19+$0x10] =	vst v0  }
0x487: {  	[tilespmem:s15+$0x20] =	vst v0  }
0x488: {  	[tilespmem:s15+$0xFFFFFFD0] =	vst v0  }
0x489: {  	[tilespmem:s14+$0xFFFFFFD0] =	vst v0  }
0x48a: {  	[tilespmem:s18+$0xFFFFFFD0] =	vst v0  }
0x48b: {  	[tilespmem:s19+$0xFFFFFFD0] =	vst v0  }
0x48c: {  	[tilespmem:s14+$0x20] =	vst v0  }
0x48d: {  	[tilespmem:s18+$0x20] =	vst v0  }
.Ltmp8:
0x48e: {  	[tilespmem:s19+$0x20] =	vst v0;
	(pc) =	sbr.rel @p0 .LBB2_18-.Ltmp8, $4  }
0x48f: {  	[tilespmem:s14+$0x0] =	vst v0  }
0x490: {  	[tilespmem:s18+$0x0] =	vst v0  }
0x491: {  	[tilespmem:s14+$0xFFFFFFF0] =	vst v0  }
0x492: {  	s19 =	sadd.s32 $0x80, s19;
	s18 =	sadd.s32 $0x80, s18;
	[tilespmem:s13+$0xFFFFFFF0] =	vst v0  }
0x493: {  	[tilespmem:s14+$0xFFFFFFE0] =	vst v0  }
0x494: {  	[tilespmem:s16+$0xFFFFFFF0] =	vst v0  }
0x495: {  	[tilespmem:s16+$0x0] =	vst v0  }
0x496: {  	[tilespmem:s13+$0xFFFFFFE0] =	vst v0  }
0x497: {  	[tilespmem:s16+$0xFFFFFFE0] =	vst v0  }
0x498: {  	[tilespmem:$0x17700] =	vst v0  }
0x499: {  	[tilespmem:$0x19E80] =	vst v0  }
0x49a: {  	[tilespmem:$0x1C600] =	vst v0  }
0x49b: {  	s15 =	simm.s32 $0x4F40;
	[tilespmem:$0x1ED80] =	vst v0  }
0x49c: {  	v2 =	vld [tilespmem:s15+$0x30]  }
0x49d: {  	v5 =	vld [tilespmem:s15+$0xFFFFFFD0]  }
0x49e: {  	v6 =	vld [tilespmem:s15+$0xFFFFFFE0]  }
0x49f: {  	v7 =	vld [tilespmem:s15+$0xFFFFFFF0]  }
0x4a0: {  	v8 =	vld [tilespmem:s15+$0x0]  }
0x4a1: {  	v9 =	vld [tilespmem:s15+$0x10]  }
0x4a2: {  	s13 =	simm.s32 $0x76C0;
	v10 =	vld [tilespmem:s15+$0x20]  }
0x4a3: {  	s14 =	simm.s32 $0x27C0;
	v11 =	vld [tilespmem:s13+$0x30]  }
0x4a4: {  	v12 =	vld [tilespmem:s14+$0x30]  }
0x4a5: {  	v13 =	vld [tilespmem:s15+$0xFFFFFFC0]  }
0x4a6: {  	v20 =	vld [tilespmem:s14+$0xFFFFFFC0]  }
0x4a7: {  	v21 =	vld [tilespmem:s14+$0xFFFFFFD0]  }
0x4a8: {  	v22 =	vld [tilespmem:s14+$0xFFFFFFE0]  }
0x4a9: {  	v23 =	vld [tilespmem:s14+$0xFFFFFFF0]  }
0x4aa: {  	v24 =	vld [tilespmem:s14+$0x0]  }
0x4ab: {  	v25 =	vld [tilespmem:s14+$0x10]  }
0x4ac: {  	v4 =	vld [tilespmem:s14+$0x20]  }
0x4ad: {  	v26 =	vld [tilespmem:s13+$0xFFFFFFC0]  }
0x4ae: {  	v1 =	vld.idx.msk [tilespmem:v2+s0+$0x0], $0xffff  }
0x4af: {  	v3 =	vld.idx.msk [tilespmem:v5+s0+$0x0], $0xffff  }
0x4b0: {  	v27 =	vld [tilespmem:s13+$0xFFFFFFD0]  }
0x4b1: {  	v29 =	vld [tilespmem:s13+$0xFFFFFFF0]  }
0x4b2: {  	v15 =	vld.idx.msk [tilespmem:v7+s0+$0x0], $0xffff  }
0x4b3: {  	v18 =	vld.idx.msk [tilespmem:v13+s0+$0x0], $0xffff  }
0x4b4: {  	v1 =	vmul.f32 v1, v12;
	v31 =	vmul.f32 v3, v21;
	v3 =	vld [tilespmem:s13+$0x20]  }
0x4b5: {  	v19 =	vld.idx.msk [tilespmem:v10+s0+$0x0], $0xffff  }
0x4b6: {  	[tilespmem:v11+s6+$0x0] =	vst.idx.add.f32.msk $0xffff, v1  }
0x4b7: {  	v1 =	vld.idx.msk [tilespmem:v2+s1+$0x0], $0xffff  }
0x4b8: {  	v28 =	vld [tilespmem:s13+$0xFFFFFFE0];
	v15 =	vmul.f32 v15, v23  }
0x4b9: {  	v14 =	vld.idx.msk [tilespmem:v6+s0+$0x0], $0xffff;
	v18 =	vmul.f32 v18, v20  }
0x4ba: {  	[tilespmem:v29+s6+$0x0] =	vst.idx.add.f32.msk $0xffff, v15;
	v15 =	vmul.f32 v19, v4  }
0x4bb: {  	[tilespmem:v26+s6+$0x0] =	vst.idx.add.f32.msk $0xffff, v18  }
0x4bc: {  	v1 =	vmul.f32 v1, v12;
	[tilespmem:v3+s6+$0x0] =	vst.idx.add.f32.msk $0xffff, v15  }
0x4bd: {  	v18 =	vld.idx.msk [tilespmem:v10+s1+$0x0], $0xffff  }
0x4be: {  	[tilespmem:v11+s7+$0x0] =	vst.idx.add.f32.msk $0xffff, v1  }
0x4bf: {  	v1 =	vld.idx.msk [tilespmem:v2+s3+$0x0], $0xffff  }
0x4c0: {  	v16 =	vld.idx.msk [tilespmem:v8+s0+$0x0], $0xffff  }
0x4c1: {  	v17 =	vld.idx.msk [tilespmem:v9+s0+$0x0], $0xffff;
	v14 =	vmul.f32 v14, v22  }
0x4c2: {  	[tilespmem:v27+s6+$0x0] =	vst.idx.add.f32.msk $0xffff, v31  }
0x4c3: {  	[tilespmem:v28+s6+$0x0] =	vst.idx.add.f32.msk $0xffff, v14;
	v55 =	vmul.f32 v18, v4  }
0x4c4: {  	v30 =	vmul.f32 v1, v12;
	v1 =	vld [tilespmem:s13+$0x0]  }
0x4c5: {  	[tilespmem:v3+s7+$0x0] =	vst.idx.add.f32.msk $0xffff, v55  }
0x4c6: {  	v18 =	vld.idx.msk [tilespmem:v10+s3+$0x0], $0xffff  }
0x4c7: {  	[tilespmem:v11+s9+$0x0] =	vst.idx.add.f32.msk $0xffff, v30  }
0x4c8: {  	v30 =	vld.idx.msk [tilespmem:v2+s4+$0x0], $0xffff  }
0x4c9: {  	v2 =	vld [tilespmem:s13+$0x10]  }
0x4ca: {  	v16 =	vmul.f32 v16, v24;
	v51 =	vld.idx.msk [tilespmem:v13+s1+$0x0], $0xffff  }
0x4cb: {  	v15 =	vld.idx.msk [tilespmem:v7+s1+$0x0], $0xffff;
	v61 =	vmul.f32 v18, v4  }
0x4cc: {  	[tilespmem:v1+s6+$0x0] =	vst.idx.add.f32.msk $0xffff, v16  }
0x4cd: {  	v12 =	vmul.f32 v30, v12;
	[tilespmem:v3+s9+$0x0] =	vst.idx.add.f32.msk $0xffff, v61  }
0x4ce: {  	v16 =	vld.idx.msk [tilespmem:v8+s1+$0x0], $0xffff  }
0x4cf: {  	v14 =	vmul.f32 v17, v25;
	[tilespmem:v11+s10+$0x0] =	vst.idx.add.f32.msk $0xffff, v12  }
0x4d0: {  	v12 =	vld.idx.msk [tilespmem:v5+s1+$0x0], $0xffff  }
0x4d1: {  	[tilespmem:v2+s6+$0x0] =	vst.idx.add.f32.msk $0xffff, v14  }
0x4d2: {  	v11 =	vmul.f32 v51, v20;
	v14 =	vld.idx.msk [tilespmem:v6+s1+$0x0], $0xffff  }
0x4d3: {  	v52 =	vld.idx.msk [tilespmem:v9+s1+$0x0], $0xffff  }
0x4d4: {  	[tilespmem:v26+s7+$0x0] =	vst.idx.add.f32.msk $0xffff, v11;
	v54 =	vmul.f32 v16, v24  }
0x4d5: {  	v56 =	vld.idx.msk [tilespmem:v13+s3+$0x0], $0xffff;
	v12 =	vmul.f32 v12, v21  }
0x4d6: {  	[tilespmem:v1+s7+$0x0] =	vst.idx.add.f32.msk $0xffff, v54  }
0x4d7: {  	v53 =	vmul.f32 v14, v22;
	[tilespmem:v27+s7+$0x0] =	vst.idx.add.f32.msk $0xffff, v12  }
0x4d8: {  	v12 =	vmul.f32 v15, v23;
	v57 =	vld.idx.msk [tilespmem:v8+s3+$0x0], $0xffff  }
0x4d9: {  	[tilespmem:v28+s7+$0x0] =	vst.idx.add.f32.msk $0xffff, v53  }
0x4da: {  	[tilespmem:v29+s7+$0x0] =	vst.idx.add.f32.msk $0xffff, v12;
	v12 =	vmul.f32 v52, v25  }
0x4db: {  	v14 =	vld.idx.msk [tilespmem:v6+s3+$0x0], $0xffff  }
0x4dc: {  	[tilespmem:v2+s7+$0x0] =	vst.idx.add.f32.msk $0xffff, v12  }
0x4dd: {  	v11 =	vmul.f32 v56, v20;
	v12 =	vld.idx.msk [tilespmem:v5+s3+$0x0], $0xffff  }
0x4de: {  	v15 =	vld.idx.msk [tilespmem:v7+s3+$0x0], $0xffff  }
0x4df: {  	[tilespmem:v26+s9+$0x0] =	vst.idx.add.f32.msk $0xffff, v11  }
0x4e0: {  	v62 =	vld.idx.msk [tilespmem:v13+s4+$0x0], $0xffff;
	v60 =	vmul.f32 v57, v24  }
0x4e1: {  	v58 =	vld.idx.msk [tilespmem:v9+s3+$0x0], $0xffff;
	v59 =	vmul.f32 v14, v22  }
0x4e2: {  	[tilespmem:v1+s9+$0x0] =	vst.idx.add.f32.msk $0xffff, v60;
	v12 =	vmul.f32 v12, v21  }
0x4e3: {  	[tilespmem:v28+s9+$0x0] =	vst.idx.add.f32.msk $0xffff, v59  }
0x4e4: {  	[tilespmem:v27+s9+$0x0] =	vst.idx.add.f32.msk $0xffff, v12;
	v12 =	vmul.f32 v15, v23  }
0x4e5: {  	v5 =	vld.idx.msk [tilespmem:v5+s4+$0x0], $0xffff  }
0x4e6: {  	[tilespmem:v29+s9+$0x0] =	vst.idx.add.f32.msk $0xffff, v12;
	v12 =	vmul.f32 v58, v25  }
0x4e7: {  	v7 =	vld.idx.msk [tilespmem:v7+s4+$0x0], $0xffff  }
0x4e8: {  	[tilespmem:v2+s9+$0x0] =	vst.idx.add.f32.msk $0xffff, v12  }
0x4e9: {  	v12 =	vld.idx.msk [tilespmem:v6+s4+$0x0], $0xffff  }
0x4ea: {  	v8 =	vld.idx.msk [tilespmem:v8+s4+$0x0], $0xffff  }
0x4eb: {  	v9 =	vld.idx.msk [tilespmem:v9+s4+$0x0], $0xffff;
	v5 =	vmul.f32 v5, v21  }
0x4ec: {  	v11 =	vmul.f32 v62, v20;
	v6 =	vld.idx.msk [tilespmem:v10+s4+$0x0], $0xffff  }
0x4ed: {  	[tilespmem:v27+s10+$0x0] =	vst.idx.add.f32.msk $0xffff, v5;
	v5 =	vmul.f32 v7, v23  }
0x4ee: {  	[tilespmem:v26+s10+$0x0] =	vst.idx.add.f32.msk $0xffff, v11;
	v63 =	vmul.f32 v12, v22  }
0x4ef: {  	[tilespmem:v29+s10+$0x0] =	vst.idx.add.f32.msk $0xffff, v5  }
0x4f0: {  	s16 =	simm.s32 $0x4FC0;
	s15 =	simm.s32 $0x0;
	v20 =	vmul.f32 v8, v24;
	v12 =	vmul.f32 v9, v25;
	[tilespmem:v28+s10+$0x0] =	vst.idx.add.f32.msk $0xffff, v63  }
.LBB2_20:
0x4f1: {  	v25 =	vld [tilespmem:s16+$0x30];
	s15 =	sadd.s32 $0x80, s15;
	v5 =	vmul.f32 v6, v4  }
0x4f2: {  	v6 =	vld [tilespmem:s16+$0xFFFFFFD0];
	p0 =	slt.u32 s15, $0x2680  }
0x4f3: {  	v8 =	vld [tilespmem:s16+$0xFFFFFFE0]  }
0x4f4: {  	v9 =	vld [tilespmem:s16+$0xFFFFFFF0]  }
0x4f5: {  	v10 =	vld [tilespmem:s16+$0x0]  }
0x4f6: {  	v11 =	vld [tilespmem:s16+$0x10]  }
0x4f7: {  	s13 =	sadd.s32 $0x80, s13;
	v7 =	vld [tilespmem:s16+$0x20]  }
0x4f8: {  	v26 =	vld [tilespmem:s13+$0x30]  }
0x4f9: {  	s14 =	sadd.s32 $0x80, s14;
	v4 =	vld.idx.msk [tilespmem:v25+s0+$0x0], $0xffff  }
0x4fa: {  	v27 =	vld [tilespmem:s14+$0x30]  }
0x4fb: {  	v13 =	vld [tilespmem:s16+$0xFFFFFFC0]  }
0x4fc: {  	v19 =	vld.idx.msk [tilespmem:v6+s0+$0x0], $0xffff  }
0x4fd: {  	v21 =	vld.idx.msk [tilespmem:v8+s0+$0x0], $0xffff  }
0x4fe: {  	v22 =	vld.idx.msk [tilespmem:v9+s0+$0x0], $0xffff  }
0x4ff: {  	v24 =	vld.idx.msk [tilespmem:v10+s0+$0x0], $0xffff;
	v4 =	vmul.f32 v4, v27  }
0x500: {  	v28 =	vld.idx.msk [tilespmem:v11+s0+$0x0], $0xffff  }
0x501: {  	[tilespmem:v26+s6+$0x0] =	vst.idx.add.f32.msk $0xffff, v4  }
0x502: {  	v4 =	vld.idx.msk [tilespmem:v25+s1+$0x0], $0xffff  }
0x503: {  	v23 =	vld.idx.msk [tilespmem:v13+s0+$0x0], $0xffff  }
0x504: {  	v29 =	vld.idx.msk [tilespmem:v7+s0+$0x0], $0xffff  }
0x505: {  	v18 =	vld [tilespmem:s14+$0xFFFFFFC0]  }
0x506: {  	v17 =	vld [tilespmem:s14+$0xFFFFFFD0]  }
0x507: {  	v16 =	vld [tilespmem:s14+$0xFFFFFFE0]  }
0x508: {  	v4 =	vmul.f32 v4, v27;
	v14 =	vld [tilespmem:s14+$0xFFFFFFF0]  }
0x509: {  	v15 =	vld [tilespmem:s14+$0x0]  }
0x50a: {  	v30 =	vmul.f32 v23, v18;
	[tilespmem:v26+s7+$0x0] =	vst.idx.add.f32.msk $0xffff, v4  }
0x50b: {  	v31 =	vmul.f32 v19, v17;
	v32 =	vld.idx.msk [tilespmem:v25+s3+$0x0], $0xffff  }
0x50c: {  	v33 =	vmul.f32 v21, v16;
	v19 =	vld [tilespmem:s14+$0x10]  }
0x50d: {  	v34 =	vmul.f32 v22, v14;
	v4 =	vld [tilespmem:s14+$0x20]  }
0x50e: {  	v23 =	vld [tilespmem:s13+$0xFFFFFFC0];
	v35 =	vmul.f32 v24, v15  }
0x50f: {  	v24 =	vld [tilespmem:s13+$0xFFFFFFD0]  }
0x510: {  	v22 =	vld [tilespmem:s13+$0xFFFFFFE0]  }
0x511: {  	v32 =	vmul.f32 v32, v27;
	v21 =	vld [tilespmem:s13+$0xFFFFFFF0];
	v28 =	vmul.f32 v28, v19  }
0x512: {  	v36 =	vld [tilespmem:s13+$0x0];
	v29 =	vmul.f32 v29, v4  }
0x513: {  	[tilespmem:v26+s9+$0x0] =	vst.idx.add.f32.msk $0xffff, v32  }
0x514: {  	v25 =	vld.idx.msk [tilespmem:v25+s4+$0x0], $0xffff  }
0x515: {  	v32 =	vld [tilespmem:s13+$0x10]  }
0x516: {  	v37 =	vld [tilespmem:s13+$0x20]  }
0x517: {  	[tilespmem:v23+s6+$0x0] =	vst.idx.add.f32.msk $0xffff, v30  }
0x518: {  	[tilespmem:v24+s6+$0x0] =	vst.idx.add.f32.msk $0xffff, v31  }
0x519: {  	[tilespmem:v22+s6+$0x0] =	vst.idx.add.f32.msk $0xffff, v33  }
0x51a: {  	v25 =	vmul.f32 v25, v27;
	[tilespmem:v21+s6+$0x0] =	vst.idx.add.f32.msk $0xffff, v34  }
0x51b: {  	[tilespmem:v36+s6+$0x0] =	vst.idx.add.f32.msk $0xffff, v35  }
0x51c: {  	[tilespmem:v26+s10+$0x0] =	vst.idx.add.f32.msk $0xffff, v25  }
0x51d: {  	[tilespmem:v32+s6+$0x0] =	vst.idx.add.f32.msk $0xffff, v28  }
0x51e: {  	[tilespmem:v37+s6+$0x0] =	vst.idx.add.f32.msk $0xffff, v29  }
0x51f: {  	v25 =	vld.idx.msk [tilespmem:v13+s1+$0x0], $0xffff  }
0x520: {  	v26 =	vld.idx.msk [tilespmem:v6+s1+$0x0], $0xffff  }
0x521: {  	v27 =	vld.idx.msk [tilespmem:v8+s1+$0x0], $0xffff  }
0x522: {  	v28 =	vld.idx.msk [tilespmem:v9+s1+$0x0], $0xffff  }
0x523: {  	v29 =	vld.idx.msk [tilespmem:v10+s1+$0x0], $0xffff  }
0x524: {  	v30 =	vld.idx.msk [tilespmem:v11+s1+$0x0], $0xffff  }
0x525: {  	v25 =	vmul.f32 v25, v18;
	v31 =	vld.idx.msk [tilespmem:v7+s1+$0x0], $0xffff  }
0x526: {  	v26 =	vmul.f32 v26, v17;
	[tilespmem:v1+s10+$0x0] =	vst.idx.add.f32.msk $0xffff, v20;
	v1 =	vmov v36  }
0x527: {  	v20 =	vmul.f32 v27, v16;
	[tilespmem:v23+s7+$0x0] =	vst.idx.add.f32.msk $0xffff, v25  }
0x528: {  	v25 =	vmul.f32 v28, v14;
	[tilespmem:v24+s7+$0x0] =	vst.idx.add.f32.msk $0xffff, v26  }
0x529: {  	[tilespmem:v22+s7+$0x0] =	vst.idx.add.f32.msk $0xffff, v20;
	v20 =	vmul.f32 v29, v15  }
0x52a: {  	[tilespmem:v21+s7+$0x0] =	vst.idx.add.f32.msk $0xffff, v25;
	v25 =	vmul.f32 v30, v19  }
0x52b: {  	[tilespmem:v36+s7+$0x0] =	vst.idx.add.f32.msk $0xffff, v20;
	v20 =	vmul.f32 v31, v4  }
0x52c: {  	[tilespmem:v32+s7+$0x0] =	vst.idx.add.f32.msk $0xffff, v25  }
0x52d: {  	[tilespmem:v37+s7+$0x0] =	vst.idx.add.f32.msk $0xffff, v20  }
0x52e: {  	v20 =	vld.idx.msk [tilespmem:v13+s3+$0x0], $0xffff  }
0x52f: {  	v25 =	vld.idx.msk [tilespmem:v6+s3+$0x0], $0xffff  }
0x530: {  	v26 =	vld.idx.msk [tilespmem:v8+s3+$0x0], $0xffff  }
0x531: {  	v27 =	vld.idx.msk [tilespmem:v9+s3+$0x0], $0xffff  }
0x532: {  	v28 =	vld.idx.msk [tilespmem:v10+s3+$0x0], $0xffff  }
0x533: {  	v29 =	vld.idx.msk [tilespmem:v11+s3+$0x0], $0xffff  }
0x534: {  	v20 =	vmul.f32 v20, v18;
	v30 =	vld.idx.msk [tilespmem:v7+s3+$0x0], $0xffff  }
0x535: {  	v25 =	vmul.f32 v25, v17;
	[tilespmem:v2+s10+$0x0] =	vst.idx.add.f32.msk $0xffff, v12;
	v2 =	vmov v32  }
0x536: {  	v12 =	vmul.f32 v26, v16;
	[tilespmem:v23+s9+$0x0] =	vst.idx.add.f32.msk $0xffff, v20  }
0x537: {  	v20 =	vmul.f32 v27, v14;
	[tilespmem:v24+s9+$0x0] =	vst.idx.add.f32.msk $0xffff, v25  }
0x538: {  	[tilespmem:v22+s9+$0x0] =	vst.idx.add.f32.msk $0xffff, v12;
	v12 =	vmul.f32 v28, v15  }
0x539: {  	[tilespmem:v21+s9+$0x0] =	vst.idx.add.f32.msk $0xffff, v20;
	v20 =	vmul.f32 v29, v19  }
0x53a: {  	[tilespmem:v1+s9+$0x0] =	vst.idx.add.f32.msk $0xffff, v12;
	v12 =	vmul.f32 v30, v4  }
0x53b: {  	[tilespmem:v32+s9+$0x0] =	vst.idx.add.f32.msk $0xffff, v20  }
0x53c: {  	[tilespmem:v37+s9+$0x0] =	vst.idx.add.f32.msk $0xffff, v12  }
0x53d: {  	v12 =	vld.idx.msk [tilespmem:v13+s4+$0x0], $0xffff  }
0x53e: {  	v13 =	vld.idx.msk [tilespmem:v6+s4+$0x0], $0xffff  }
0x53f: {  	v8 =	vld.idx.msk [tilespmem:v8+s4+$0x0], $0xffff  }
0x540: {  	v9 =	vld.idx.msk [tilespmem:v9+s4+$0x0], $0xffff  }
0x541: {  	v10 =	vld.idx.msk [tilespmem:v10+s4+$0x0], $0xffff  }
0x542: {  	v11 =	vld.idx.msk [tilespmem:v11+s4+$0x0], $0xffff  }
0x543: {  	v12 =	vmul.f32 v12, v18;
	v6 =	vld.idx.msk [tilespmem:v7+s4+$0x0], $0xffff  }
.Ltmp9:
0x544: {  	v7 =	vmul.f32 v13, v17;
	[tilespmem:v3+s10+$0x0] =	vst.idx.add.f32.msk $0xffff, v5;
	v3 =	vmov v37;
	(pc) =	sbr.rel @p0 .LBB2_20-.Ltmp9, $4  }
0x545: {  	v5 =	vmul.f32 v8, v16;
	[tilespmem:v23+s10+$0x0] =	vst.idx.add.f32.msk $0xffff, v12  }
0x546: {  	[tilespmem:v24+s10+$0x0] =	vst.idx.add.f32.msk $0xffff, v7;
	v7 =	vmul.f32 v9, v14  }
0x547: {  	v20 =	vmul.f32 v10, v15;
	[tilespmem:v22+s10+$0x0] =	vst.idx.add.f32.msk $0xffff, v5  }
0x548: {  	s16 =	sadd.s32 $0x80, s16;
	v12 =	vmul.f32 v11, v19;
	[tilespmem:v21+s10+$0x0] =	vst.idx.add.f32.msk $0xffff, v7  }
0x549: {  	_ =	sdelay $0x3  }
0x54a: {  	v4 =	vmul.f32 v6, v4;
	[tilespmem:v1+s10+$0x0] =	vst.idx.add.f32.msk $0xffff, v20  }
0x54b: {  	[tilespmem:v2+s10+$0x0] =	vst.idx.add.f32.msk $0xffff, v12  }
0x54c: {  	[tilespmem:v3+s10+$0x0] =	vst.idx.add.f32.msk $0xffff, v4  }
0x54d: {  	v1 =	vld [tilespmem:$0x7600];
	_ =	sdelay $0x5  }
0x54e: {  	v2 =	vld [tilespmem:$0x9D80]  }
0x54f: {  	v3 =	vld [tilespmem:$0x4E80]  }
0x550: {  	v4 =	vld.idx.msk [tilespmem:v1+s0+$0x0], $0xffff;
	_ =	sdelay $0x4  }
0x551: {  	v4 =	vmul.f32 v4, v3;
	_ =	sdelay $0x1  }
0x552: {  	[tilespmem:v2+s6+$0x0] =	vst.idx.add.f32.msk $0xffff, v4  }
0x553: {  	v4 =	vld.idx.msk [tilespmem:v1+s1+$0x0], $0xffff;
	_ =	sdelay $0x4  }
0x554: {  	v4 =	vmul.f32 v4, v3;
	_ =	sdelay $0x1  }
0x555: {  	[tilespmem:v2+s7+$0x0] =	vst.idx.add.f32.msk $0xffff, v4  }
0x556: {  	v4 =	vld.idx.msk [tilespmem:v1+s3+$0x0], $0xffff;
	_ =	sdelay $0x4  }
0x557: {  	v4 =	vmul.f32 v4, v3;
	_ =	sdelay $0x1  }
0x558: {  	[tilespmem:v2+s9+$0x0] =	vst.idx.add.f32.msk $0xffff, v4  }
0x559: {  	v1 =	vld.idx.msk [tilespmem:v1+s4+$0x0], $0xffff;
	_ =	sdelay $0x4  }
0x55a: {  	v1 =	vmul.f32 v1, v3;
	_ =	sdelay $0x1  }
0x55b: {  	s13 =	rddreg [dreg:$0x1e];
	[tilespmem:v2+s10+$0x0] =	vst.idx.add.f32.msk $0xffff, v1  }
0x55c: {  	[hbm4b:s13+s30] =	stream.strided.scatter [tilespmem:s6], [sflag:$0x2], $0x2780, s31, s30, $0x38;
	[tilespmem:$0x1EE00] =	vst v63  }
0x55d: {  	_ =	swait.ge [sflag:s26], $0x2780  }
0x55e: {  	[sflag:s26] =	ssyncset.done $0x0  }
0x55f: {  	s19 =	rddreg [dreg:$0x1f];
	[sflag:s26] =	ssyncadd.s32 $0xFFFFD880  }
0x560: {  	[hbm4b:s19+s30] =	stream.strided.scatter [tilespmem:s7], [sflag:$0x2], $0x2780, s31, s30, $0x38;
	[tilespmem:$0x1EE00] =	vst v63  }
0x561: {  	_ =	swait.ge [sflag:s26], $0x2780  }
0x562: {  	s14 =	sld [smem:$0x7D7]  }
0x563: {  	[sflag:s26] =	ssyncset.done $0x0  }
0x564: {  	[sflag:s26] =	ssyncadd.s32 $0xFFFFD880  }
0x565: {  	[hbm4b:s14+s30] =	stream.strided.scatter [tilespmem:s9], [sflag:$0x2], $0x2780, s31, s30, $0x38;
	[tilespmem:$0x1EE00] =	vst v63  }
0x566: {  	_ =	swait.ge [sflag:s26], $0x2780  }
0x567: {  	s15 =	sld [smem:$0x7D8]  }
0x568: {  	[sflag:s26] =	ssyncset.done $0x0  }
0x569: {  	[sflag:s26] =	ssyncadd.s32 $0xFFFFD880  }
0x56a: {  	[hbm4b:s15+s30] =	stream.strided.scatter [tilespmem:s10], [sflag:$0x2], $0x2780, s31, s30, $0x38;
	[tilespmem:$0x1EE00] =	vst v63  }
0x56b: {  	_ =	swait.ge [sflag:s26], $0x2780  }
0x56c: {  	[sflag:s26] =	ssyncset.done $0x0  }
0x56d: {  	s16 =	rddreg [dreg:$0x12];
	[sflag:s26] =	ssyncadd.s32 $0xFFFFD880  }
0x56e: {  	[tilespmem:s0], [sflag:$0x2] =	stream.strided.gather [hbm4b:s16+s30], $0x2780, s31, s30, $0x38;
	[tilespmem:$0x1EE00] =	vst v63  }
0x56f: {  	_ =	swait.ge [sflag:s26], $0x2780  }
0x570: {  	[sflag:s26] =	ssyncset.done $0x0  }
0x571: {  	s17 =	rddreg [dreg:$0x13];
	[sflag:s26] =	ssyncadd.s32 $0xFFFFD880  }
0x572: {  	[tilespmem:s1], [sflag:$0x2] =	stream.strided.gather [hbm4b:s17+s30], $0x2780, s31, s30, $0x38;
	[tilespmem:$0x1EE00] =	vst v63  }
0x573: {  	_ =	swait.ge [sflag:s26], $0x2780  }
0x574: {  	[sflag:s26] =	ssyncset.done $0x0  }
0x575: {  	s18 =	rddreg [dreg:$0x14];
	[sflag:s26] =	ssyncadd.s32 $0xFFFFD880  }
0x576: {  	[tilespmem:s3], [sflag:$0x2] =	stream.strided.gather [hbm4b:s18+s30], $0x2780, s31, s30, $0x38;
	[tilespmem:$0x1EE00] =	vst v63  }
0x577: {  	_ =	swait.ge [sflag:s26], $0x2780  }
0x578: {  	[sflag:s26] =	ssyncset.done $0x0  }
0x579: {  	s19 =	rddreg [dreg:$0x15];
	[sflag:s26] =	ssyncadd.s32 $0xFFFFD880  }
0x57a: {  	[tilespmem:s4], [sflag:$0x2] =	stream.strided.gather [hbm4b:s19+s30], $0x2780, s31, s30, $0x38;
	[tilespmem:$0x1EE00] =	vst v63  }
0x57b: {  	_ =	swait.ge [sflag:s26], $0x2780  }
0x57c: {  	[sflag:s26] =	ssyncset.done $0x0  }
0x57d: {  	s15 =	simm.s32 $0x15040;
	[sflag:s26] =	ssyncadd.s32 $0xFFFFD880  }
0x57e: {  	[tilespmem:s15+$0x30] =	vst v0  }
0x57f: {  	[tilespmem:s15+$0xFFFFFFE0] =	vst v0  }
0x580: {  	[tilespmem:s15+$0xFFFFFFF0] =	vst v0  }
0x581: {  	[tilespmem:s15+$0x0] =	vst v0  }
0x582: {  	[tilespmem:s15+$0xFFFFFFC0] =	vst v0  }
0x583: {  	[tilespmem:s15+$0x10] =	vst v0  }
0x584: {  	[tilespmem:s15+$0x20] =	vst v0  }
0x585: {  	s14 =	simm.s32 $0x177C0;
	[tilespmem:s15+$0xFFFFFFD0] =	vst v0  }
0x586: {  	[tilespmem:s14+$0x30] =	vst v0  }
0x587: {  	[tilespmem:s14+$0xFFFFFFC0] =	vst v0  }
0x588: {  	[tilespmem:s14+$0x10] =	vst v0  }
0x589: {  	[tilespmem:s14+$0xFFFFFFD0] =	vst v0  }
0x58a: {  	[tilespmem:s14+$0x20] =	vst v0  }
0x58b: {  	[tilespmem:s14+$0x0] =	vst v0  }
0x58c: {  	s13 =	simm.s32 $0x19F40;
	[tilespmem:s14+$0xFFFFFFF0] =	vst v0  }
0x58d: {  	[tilespmem:s13+$0x30] =	vst v0  }
0x58e: {  	[tilespmem:s13+$0xFFFFFFC0] =	vst v0  }
0x58f: {  	[tilespmem:s13+$0x10] =	vst v0  }
0x590: {  	[tilespmem:s13+$0xFFFFFFD0] =	vst v0  }
0x591: {  	[tilespmem:s13+$0x20] =	vst v0  }
0x592: {  	[tilespmem:s13+$0x0] =	vst v0  }
0x593: {  	s16 =	simm.s32 $0x1C6C0;
	[tilespmem:s13+$0xFFFFFFF0] =	vst v0  }
0x594: {  	[tilespmem:s16+$0x30] =	vst v0  }
0x595: {  	[tilespmem:s16+$0xFFFFFFC0] =	vst v0  }
0x596: {  	[tilespmem:s16+$0x10] =	vst v0  }
0x597: {  	[tilespmem:s16+$0xFFFFFFD0] =	vst v0  }
0x598: {  	s17 =	simm.s32 $0x0;
	s18 =	simm.s32 $0x19FC0;
	s19 =	simm.s32 $0x1C740;
	[tilespmem:s16+$0x20] =	vst v0  }
.LBB2_22:
0x599: {  	s17 =	sadd.s32 $0x80, s17;
	[tilespmem:s14+$0xFFFFFFE0] =	vst v0;
	s15 =	sadd.s32 $0x80, s15;
	s14 =	sadd.s32 $0x80, s14  }
0x59a: {  	[tilespmem:s15+$0x30] =	vst v0;
	p0 =	slt.u32 s17, $0x2680  }
0x59b: {  	[tilespmem:s14+$0x30] =	vst v0  }
0x59c: {  	[tilespmem:s18+$0x30] =	vst v0  }
0x59d: {  	[tilespmem:s16+$0xFFFFFFF0] =	vst v0  }
0x59e: {  	[tilespmem:s16+$0x0] =	vst v0  }
0x59f: {  	[tilespmem:s13+$0xFFFFFFE0] =	vst v0;
	s13 =	smov.u32 s18  }
0x5a0: {  	[tilespmem:s16+$0xFFFFFFE0] =	vst v0;
	s16 =	smov.u32 s19  }
0x5a1: {  	[tilespmem:s19+$0x30] =	vst v0  }
0x5a2: {  	[tilespmem:s15+$0xFFFFFFE0] =	vst v0  }
0x5a3: {  	[tilespmem:s15+$0xFFFFFFF0] =	vst v0  }
0x5a4: {  	[tilespmem:s15+$0x0] =	vst v0  }
0x5a5: {  	[tilespmem:s15+$0xFFFFFFC0] =	vst v0  }
0x5a6: {  	[tilespmem:s14+$0xFFFFFFC0] =	vst v0  }
0x5a7: {  	[tilespmem:s18+$0xFFFFFFC0] =	vst v0  }
0x5a8: {  	[tilespmem:s19+$0xFFFFFFC0] =	vst v0  }
0x5a9: {  	[tilespmem:s15+$0x10] =	vst v0  }
0x5aa: {  	[tilespmem:s14+$0x10] =	vst v0  }
0x5ab: {  	[tilespmem:s18+$0x10] =	vst v0  }
0x5ac: {  	[tilespmem:s19+$0x10] =	vst v0  }
0x5ad: {  	[tilespmem:s15+$0x20] =	vst v0  }
0x5ae: {  	[tilespmem:s15+$0xFFFFFFD0] =	vst v0  }
0x5af: {  	[tilespmem:s14+$0xFFFFFFD0] =	vst v0  }
0x5b0: {  	[tilespmem:s18+$0xFFFFFFD0] =	vst v0  }
0x5b1: {  	[tilespmem:s19+$0xFFFFFFD0] =	vst v0  }
0x5b2: {  	[tilespmem:s14+$0x20] =	vst v0  }
0x5b3: {  	[tilespmem:s18+$0x20] =	vst v0  }
.Ltmp10:
0x5b4: {  	[tilespmem:s19+$0x20] =	vst v0;
	(pc) =	sbr.rel @p0 .LBB2_22-.Ltmp10, $4  }
0x5b5: {  	[tilespmem:s14+$0x0] =	vst v0  }
0x5b6: {  	[tilespmem:s18+$0x0] =	vst v0  }
0x5b7: {  	[tilespmem:s14+$0xFFFFFFF0] =	vst v0  }
0x5b8: {  	s19 =	sadd.s32 $0x80, s19;
	s18 =	sadd.s32 $0x80, s18;
	[tilespmem:s13+$0xFFFFFFF0] =	vst v0  }
0x5b9: {  	[tilespmem:s14+$0xFFFFFFE0] =	vst v0  }
0x5ba: {  	[tilespmem:s16+$0xFFFFFFF0] =	vst v0  }
0x5bb: {  	[tilespmem:s16+$0x0] =	vst v0  }
0x5bc: {  	[tilespmem:s13+$0xFFFFFFE0] =	vst v0  }
0x5bd: {  	[tilespmem:s16+$0xFFFFFFE0] =	vst v0  }
0x5be: {  	[tilespmem:$0x17700] =	vst v0  }
0x5bf: {  	[tilespmem:$0x19E80] =	vst v0  }
0x5c0: {  	[tilespmem:$0x1C600] =	vst v0  }
0x5c1: {  	s15 =	simm.s32 $0x4F40;
	[tilespmem:$0x1ED80] =	vst v0  }
0x5c2: {  	v2 =	vld [tilespmem:s15+$0x30]  }
0x5c3: {  	v5 =	vld [tilespmem:s15+$0xFFFFFFD0]  }
0x5c4: {  	v6 =	vld [tilespmem:s15+$0xFFFFFFE0]  }
0x5c5: {  	v7 =	vld [tilespmem:s15+$0xFFFFFFF0]  }
0x5c6: {  	v8 =	vld [tilespmem:s15+$0x0]  }
0x5c7: {  	v9 =	vld [tilespmem:s15+$0x10]  }
0x5c8: {  	s13 =	simm.s32 $0x76C0;
	v10 =	vld [tilespmem:s15+$0x20]  }
0x5c9: {  	s14 =	simm.s32 $0x27C0;
	v11 =	vld [tilespmem:s13+$0x30]  }
0x5ca: {  	v12 =	vld [tilespmem:s14+$0x30]  }
0x5cb: {  	v13 =	vld [tilespmem:s15+$0xFFFFFFC0]  }
0x5cc: {  	v20 =	vld [tilespmem:s14+$0xFFFFFFC0]  }
0x5cd: {  	v21 =	vld [tilespmem:s14+$0xFFFFFFD0]  }
0x5ce: {  	v22 =	vld [tilespmem:s14+$0xFFFFFFE0]  }
0x5cf: {  	v23 =	vld [tilespmem:s14+$0xFFFFFFF0]  }
0x5d0: {  	v24 =	vld [tilespmem:s14+$0x0]  }
0x5d1: {  	v25 =	vld [tilespmem:s14+$0x10]  }
0x5d2: {  	v4 =	vld [tilespmem:s14+$0x20]  }
0x5d3: {  	v26 =	vld [tilespmem:s13+$0xFFFFFFC0]  }
0x5d4: {  	v1 =	vld.idx.msk [tilespmem:v2+s0+$0x0], $0xffff  }
0x5d5: {  	v3 =	vld.idx.msk [tilespmem:v5+s0+$0x0], $0xffff  }
0x5d6: {  	v27 =	vld [tilespmem:s13+$0xFFFFFFD0]  }
0x5d7: {  	v29 =	vld [tilespmem:s13+$0xFFFFFFF0]  }
0x5d8: {  	v15 =	vld.idx.msk [tilespmem:v7+s0+$0x0], $0xffff  }
0x5d9: {  	v18 =	vld.idx.msk [tilespmem:v13+s0+$0x0], $0xffff  }
0x5da: {  	v1 =	vmul.f32 v1, v12;
	v31 =	vmul.f32 v3, v21;
	v3 =	vld [tilespmem:s13+$0x20]  }
0x5db: {  	v19 =	vld.idx.msk [tilespmem:v10+s0+$0x0], $0xffff  }
0x5dc: {  	[tilespmem:v11+s6+$0x0] =	vst.idx.add.f32.msk $0xffff, v1  }
0x5dd: {  	v1 =	vld.idx.msk [tilespmem:v2+s1+$0x0], $0xffff  }
0x5de: {  	v28 =	vld [tilespmem:s13+$0xFFFFFFE0];
	v15 =	vmul.f32 v15, v23  }
0x5df: {  	v14 =	vld.idx.msk [tilespmem:v6+s0+$0x0], $0xffff;
	v18 =	vmul.f32 v18, v20  }
0x5e0: {  	[tilespmem:v29+s6+$0x0] =	vst.idx.add.f32.msk $0xffff, v15;
	v15 =	vmul.f32 v19, v4  }
0x5e1: {  	[tilespmem:v26+s6+$0x0] =	vst.idx.add.f32.msk $0xffff, v18  }
0x5e2: {  	v1 =	vmul.f32 v1, v12;
	[tilespmem:v3+s6+$0x0] =	vst.idx.add.f32.msk $0xffff, v15  }
0x5e3: {  	v18 =	vld.idx.msk [tilespmem:v10+s1+$0x0], $0xffff  }
0x5e4: {  	[tilespmem:v11+s7+$0x0] =	vst.idx.add.f32.msk $0xffff, v1  }
0x5e5: {  	v1 =	vld.idx.msk [tilespmem:v2+s3+$0x0], $0xffff  }
0x5e6: {  	v16 =	vld.idx.msk [tilespmem:v8+s0+$0x0], $0xffff  }
0x5e7: {  	v17 =	vld.idx.msk [tilespmem:v9+s0+$0x0], $0xffff;
	v14 =	vmul.f32 v14, v22  }
0x5e8: {  	[tilespmem:v27+s6+$0x0] =	vst.idx.add.f32.msk $0xffff, v31  }
0x5e9: {  	[tilespmem:v28+s6+$0x0] =	vst.idx.add.f32.msk $0xffff, v14;
	v55 =	vmul.f32 v18, v4  }
0x5ea: {  	v30 =	vmul.f32 v1, v12;
	v1 =	vld [tilespmem:s13+$0x0]  }
0x5eb: {  	[tilespmem:v3+s7+$0x0] =	vst.idx.add.f32.msk $0xffff, v55  }
0x5ec: {  	v18 =	vld.idx.msk [tilespmem:v10+s3+$0x0], $0xffff  }
0x5ed: {  	[tilespmem:v11+s9+$0x0] =	vst.idx.add.f32.msk $0xffff, v30  }
0x5ee: {  	v30 =	vld.idx.msk [tilespmem:v2+s4+$0x0], $0xffff  }
0x5ef: {  	v2 =	vld [tilespmem:s13+$0x10]  }
0x5f0: {  	v16 =	vmul.f32 v16, v24;
	v51 =	vld.idx.msk [tilespmem:v13+s1+$0x0], $0xffff  }
0x5f1: {  	v15 =	vld.idx.msk [tilespmem:v7+s1+$0x0], $0xffff;
	v61 =	vmul.f32 v18, v4  }
0x5f2: {  	[tilespmem:v1+s6+$0x0] =	vst.idx.add.f32.msk $0xffff, v16  }
0x5f3: {  	v12 =	vmul.f32 v30, v12;
	[tilespmem:v3+s9+$0x0] =	vst.idx.add.f32.msk $0xffff, v61  }
0x5f4: {  	v16 =	vld.idx.msk [tilespmem:v8+s1+$0x0], $0xffff  }
0x5f5: {  	v14 =	vmul.f32 v17, v25;
	[tilespmem:v11+s10+$0x0] =	vst.idx.add.f32.msk $0xffff, v12  }
0x5f6: {  	v12 =	vld.idx.msk [tilespmem:v5+s1+$0x0], $0xffff  }
0x5f7: {  	[tilespmem:v2+s6+$0x0] =	vst.idx.add.f32.msk $0xffff, v14  }
0x5f8: {  	v11 =	vmul.f32 v51, v20;
	v14 =	vld.idx.msk [tilespmem:v6+s1+$0x0], $0xffff  }
0x5f9: {  	v52 =	vld.idx.msk [tilespmem:v9+s1+$0x0], $0xffff  }
0x5fa: {  	[tilespmem:v26+s7+$0x0] =	vst.idx.add.f32.msk $0xffff, v11;
	v54 =	vmul.f32 v16, v24  }
0x5fb: {  	v56 =	vld.idx.msk [tilespmem:v13+s3+$0x0], $0xffff;
	v12 =	vmul.f32 v12, v21  }
0x5fc: {  	[tilespmem:v1+s7+$0x0] =	vst.idx.add.f32.msk $0xffff, v54  }
0x5fd: {  	v53 =	vmul.f32 v14, v22;
	[tilespmem:v27+s7+$0x0] =	vst.idx.add.f32.msk $0xffff, v12  }
0x5fe: {  	v12 =	vmul.f32 v15, v23;
	v57 =	vld.idx.msk [tilespmem:v8+s3+$0x0], $0xffff  }
0x5ff: {  	[tilespmem:v28+s7+$0x0] =	vst.idx.add.f32.msk $0xffff, v53  }
0x600: {  	[tilespmem:v29+s7+$0x0] =	vst.idx.add.f32.msk $0xffff, v12;
	v12 =	vmul.f32 v52, v25  }
0x601: {  	v14 =	vld.idx.msk [tilespmem:v6+s3+$0x0], $0xffff  }
0x602: {  	[tilespmem:v2+s7+$0x0] =	vst.idx.add.f32.msk $0xffff, v12  }
0x603: {  	v11 =	vmul.f32 v56, v20;
	v12 =	vld.idx.msk [tilespmem:v5+s3+$0x0], $0xffff  }
0x604: {  	v15 =	vld.idx.msk [tilespmem:v7+s3+$0x0], $0xffff  }
0x605: {  	[tilespmem:v26+s9+$0x0] =	vst.idx.add.f32.msk $0xffff, v11  }
0x606: {  	v62 =	vld.idx.msk [tilespmem:v13+s4+$0x0], $0xffff;
	v60 =	vmul.f32 v57, v24  }
0x607: {  	v58 =	vld.idx.msk [tilespmem:v9+s3+$0x0], $0xffff;
	v59 =	vmul.f32 v14, v22  }
0x608: {  	[tilespmem:v1+s9+$0x0] =	vst.idx.add.f32.msk $0xffff, v60;
	v12 =	vmul.f32 v12, v21  }
0x609: {  	[tilespmem:v28+s9+$0x0] =	vst.idx.add.f32.msk $0xffff, v59  }
0x60a: {  	[tilespmem:v27+s9+$0x0] =	vst.idx.add.f32.msk $0xffff, v12;
	v12 =	vmul.f32 v15, v23  }
0x60b: {  	v5 =	vld.idx.msk [tilespmem:v5+s4+$0x0], $0xffff  }
0x60c: {  	[tilespmem:v29+s9+$0x0] =	vst.idx.add.f32.msk $0xffff, v12;
	v12 =	vmul.f32 v58, v25  }
0x60d: {  	v7 =	vld.idx.msk [tilespmem:v7+s4+$0x0], $0xffff  }
0x60e: {  	[tilespmem:v2+s9+$0x0] =	vst.idx.add.f32.msk $0xffff, v12  }
0x60f: {  	v12 =	vld.idx.msk [tilespmem:v6+s4+$0x0], $0xffff  }
0x610: {  	v8 =	vld.idx.msk [tilespmem:v8+s4+$0x0], $0xffff  }
0x611: {  	v9 =	vld.idx.msk [tilespmem:v9+s4+$0x0], $0xffff;
	v5 =	vmul.f32 v5, v21  }
0x612: {  	v11 =	vmul.f32 v62, v20;
	v6 =	vld.idx.msk [tilespmem:v10+s4+$0x0], $0xffff  }
0x613: {  	[tilespmem:v27+s10+$0x0] =	vst.idx.add.f32.msk $0xffff, v5;
	v5 =	vmul.f32 v7, v23  }
0x614: {  	[tilespmem:v26+s10+$0x0] =	vst.idx.add.f32.msk $0xffff, v11;
	v63 =	vmul.f32 v12, v22  }
0x615: {  	[tilespmem:v29+s10+$0x0] =	vst.idx.add.f32.msk $0xffff, v5  }
0x616: {  	s16 =	simm.s32 $0x4FC0;
	s15 =	simm.s32 $0x0;
	v20 =	vmul.f32 v8, v24;
	v12 =	vmul.f32 v9, v25;
	[tilespmem:v28+s10+$0x0] =	vst.idx.add.f32.msk $0xffff, v63  }
.LBB2_24:
0x617: {  	v25 =	vld [tilespmem:s16+$0x30];
	s15 =	sadd.s32 $0x80, s15;
	v5 =	vmul.f32 v6, v4  }
0x618: {  	v6 =	vld [tilespmem:s16+$0xFFFFFFD0];
	p0 =	slt.u32 s15, $0x2680  }
0x619: {  	v8 =	vld [tilespmem:s16+$0xFFFFFFE0]  }
0x61a: {  	v9 =	vld [tilespmem:s16+$0xFFFFFFF0]  }
0x61b: {  	v10 =	vld [tilespmem:s16+$0x0]  }
0x61c: {  	v11 =	vld [tilespmem:s16+$0x10]  }
0x61d: {  	s13 =	sadd.s32 $0x80, s13;
	v7 =	vld [tilespmem:s16+$0x20]  }
0x61e: {  	v26 =	vld [tilespmem:s13+$0x30]  }
0x61f: {  	s14 =	sadd.s32 $0x80, s14;
	v4 =	vld.idx.msk [tilespmem:v25+s0+$0x0], $0xffff  }
0x620: {  	v27 =	vld [tilespmem:s14+$0x30]  }
0x621: {  	v13 =	vld [tilespmem:s16+$0xFFFFFFC0]  }
0x622: {  	v19 =	vld.idx.msk [tilespmem:v6+s0+$0x0], $0xffff  }
0x623: {  	v21 =	vld.idx.msk [tilespmem:v8+s0+$0x0], $0xffff  }
0x624: {  	v22 =	vld.idx.msk [tilespmem:v9+s0+$0x0], $0xffff  }
0x625: {  	v24 =	vld.idx.msk [tilespmem:v10+s0+$0x0], $0xffff;
	v4 =	vmul.f32 v4, v27  }
0x626: {  	v28 =	vld.idx.msk [tilespmem:v11+s0+$0x0], $0xffff  }
0x627: {  	[tilespmem:v26+s6+$0x0] =	vst.idx.add.f32.msk $0xffff, v4  }
0x628: {  	v4 =	vld.idx.msk [tilespmem:v25+s1+$0x0], $0xffff  }
0x629: {  	v23 =	vld.idx.msk [tilespmem:v13+s0+$0x0], $0xffff  }
0x62a: {  	v29 =	vld.idx.msk [tilespmem:v7+s0+$0x0], $0xffff  }
0x62b: {  	v18 =	vld [tilespmem:s14+$0xFFFFFFC0]  }
0x62c: {  	v17 =	vld [tilespmem:s14+$0xFFFFFFD0]  }
0x62d: {  	v16 =	vld [tilespmem:s14+$0xFFFFFFE0]  }
0x62e: {  	v4 =	vmul.f32 v4, v27;
	v14 =	vld [tilespmem:s14+$0xFFFFFFF0]  }
0x62f: {  	v15 =	vld [tilespmem:s14+$0x0]  }
0x630: {  	v30 =	vmul.f32 v23, v18;
	[tilespmem:v26+s7+$0x0] =	vst.idx.add.f32.msk $0xffff, v4  }
0x631: {  	v31 =	vmul.f32 v19, v17;
	v32 =	vld.idx.msk [tilespmem:v25+s3+$0x0], $0xffff  }
0x632: {  	v33 =	vmul.f32 v21, v16;
	v19 =	vld [tilespmem:s14+$0x10]  }
0x633: {  	v34 =	vmul.f32 v22, v14;
	v4 =	vld [tilespmem:s14+$0x20]  }
0x634: {  	v23 =	vld [tilespmem:s13+$0xFFFFFFC0];
	v35 =	vmul.f32 v24, v15  }
0x635: {  	v24 =	vld [tilespmem:s13+$0xFFFFFFD0]  }
0x636: {  	v22 =	vld [tilespmem:s13+$0xFFFFFFE0]  }
0x637: {  	v32 =	vmul.f32 v32, v27;
	v21 =	vld [tilespmem:s13+$0xFFFFFFF0];
	v28 =	vmul.f32 v28, v19  }
0x638: {  	v36 =	vld [tilespmem:s13+$0x0];
	v29 =	vmul.f32 v29, v4  }
0x639: {  	[tilespmem:v26+s9+$0x0] =	vst.idx.add.f32.msk $0xffff, v32  }
0x63a: {  	v25 =	vld.idx.msk [tilespmem:v25+s4+$0x0], $0xffff  }
0x63b: {  	v32 =	vld [tilespmem:s13+$0x10]  }
0x63c: {  	v37 =	vld [tilespmem:s13+$0x20]  }
0x63d: {  	[tilespmem:v23+s6+$0x0] =	vst.idx.add.f32.msk $0xffff, v30  }
0x63e: {  	[tilespmem:v24+s6+$0x0] =	vst.idx.add.f32.msk $0xffff, v31  }
0x63f: {  	[tilespmem:v22+s6+$0x0] =	vst.idx.add.f32.msk $0xffff, v33  }
0x640: {  	v25 =	vmul.f32 v25, v27;
	[tilespmem:v21+s6+$0x0] =	vst.idx.add.f32.msk $0xffff, v34  }
0x641: {  	[tilespmem:v36+s6+$0x0] =	vst.idx.add.f32.msk $0xffff, v35  }
0x642: {  	[tilespmem:v26+s10+$0x0] =	vst.idx.add.f32.msk $0xffff, v25  }
0x643: {  	[tilespmem:v32+s6+$0x0] =	vst.idx.add.f32.msk $0xffff, v28  }
0x644: {  	[tilespmem:v37+s6+$0x0] =	vst.idx.add.f32.msk $0xffff, v29  }
0x645: {  	v25 =	vld.idx.msk [tilespmem:v13+s1+$0x0], $0xffff  }
0x646: {  	v26 =	vld.idx.msk [tilespmem:v6+s1+$0x0], $0xffff  }
0x647: {  	v27 =	vld.idx.msk [tilespmem:v8+s1+$0x0], $0xffff  }
0x648: {  	v28 =	vld.idx.msk [tilespmem:v9+s1+$0x0], $0xffff  }
0x649: {  	v29 =	vld.idx.msk [tilespmem:v10+s1+$0x0], $0xffff  }
0x64a: {  	v30 =	vld.idx.msk [tilespmem:v11+s1+$0x0], $0xffff  }
0x64b: {  	v25 =	vmul.f32 v25, v18;
	v31 =	vld.idx.msk [tilespmem:v7+s1+$0x0], $0xffff  }
0x64c: {  	v26 =	vmul.f32 v26, v17;
	[tilespmem:v1+s10+$0x0] =	vst.idx.add.f32.msk $0xffff, v20;
	v1 =	vmov v36  }
0x64d: {  	v20 =	vmul.f32 v27, v16;
	[tilespmem:v23+s7+$0x0] =	vst.idx.add.f32.msk $0xffff, v25  }
0x64e: {  	v25 =	vmul.f32 v28, v14;
	[tilespmem:v24+s7+$0x0] =	vst.idx.add.f32.msk $0xffff, v26  }
0x64f: {  	[tilespmem:v22+s7+$0x0] =	vst.idx.add.f32.msk $0xffff, v20;
	v20 =	vmul.f32 v29, v15  }
0x650: {  	[tilespmem:v21+s7+$0x0] =	vst.idx.add.f32.msk $0xffff, v25;
	v25 =	vmul.f32 v30, v19  }
0x651: {  	[tilespmem:v36+s7+$0x0] =	vst.idx.add.f32.msk $0xffff, v20;
	v20 =	vmul.f32 v31, v4  }
0x652: {  	[tilespmem:v32+s7+$0x0] =	vst.idx.add.f32.msk $0xffff, v25  }
0x653: {  	[tilespmem:v37+s7+$0x0] =	vst.idx.add.f32.msk $0xffff, v20  }
0x654: {  	v20 =	vld.idx.msk [tilespmem:v13+s3+$0x0], $0xffff  }
0x655: {  	v25 =	vld.idx.msk [tilespmem:v6+s3+$0x0], $0xffff  }
0x656: {  	v26 =	vld.idx.msk [tilespmem:v8+s3+$0x0], $0xffff  }
0x657: {  	v27 =	vld.idx.msk [tilespmem:v9+s3+$0x0], $0xffff  }
0x658: {  	v28 =	vld.idx.msk [tilespmem:v10+s3+$0x0], $0xffff  }
0x659: {  	v29 =	vld.idx.msk [tilespmem:v11+s3+$0x0], $0xffff  }
0x65a: {  	v20 =	vmul.f32 v20, v18;
	v30 =	vld.idx.msk [tilespmem:v7+s3+$0x0], $0xffff  }
0x65b: {  	v25 =	vmul.f32 v25, v17;
	[tilespmem:v2+s10+$0x0] =	vst.idx.add.f32.msk $0xffff, v12;
	v2 =	vmov v32  }
0x65c: {  	v12 =	vmul.f32 v26, v16;
	[tilespmem:v23+s9+$0x0] =	vst.idx.add.f32.msk $0xffff, v20  }
0x65d: {  	v20 =	vmul.f32 v27, v14;
	[tilespmem:v24+s9+$0x0] =	vst.idx.add.f32.msk $0xffff, v25  }
0x65e: {  	[tilespmem:v22+s9+$0x0] =	vst.idx.add.f32.msk $0xffff, v12;
	v12 =	vmul.f32 v28, v15  }
0x65f: {  	[tilespmem:v21+s9+$0x0] =	vst.idx.add.f32.msk $0xffff, v20;
	v20 =	vmul.f32 v29, v19  }
0x660: {  	[tilespmem:v1+s9+$0x0] =	vst.idx.add.f32.msk $0xffff, v12;
	v12 =	vmul.f32 v30, v4  }
0x661: {  	[tilespmem:v32+s9+$0x0] =	vst.idx.add.f32.msk $0xffff, v20  }
0x662: {  	[tilespmem:v37+s9+$0x0] =	vst.idx.add.f32.msk $0xffff, v12  }
0x663: {  	v12 =	vld.idx.msk [tilespmem:v13+s4+$0x0], $0xffff  }
0x664: {  	v13 =	vld.idx.msk [tilespmem:v6+s4+$0x0], $0xffff  }
0x665: {  	v8 =	vld.idx.msk [tilespmem:v8+s4+$0x0], $0xffff  }
0x666: {  	v9 =	vld.idx.msk [tilespmem:v9+s4+$0x0], $0xffff  }
0x667: {  	v10 =	vld.idx.msk [tilespmem:v10+s4+$0x0], $0xffff  }
0x668: {  	v11 =	vld.idx.msk [tilespmem:v11+s4+$0x0], $0xffff  }
0x669: {  	v12 =	vmul.f32 v12, v18;
	v6 =	vld.idx.msk [tilespmem:v7+s4+$0x0], $0xffff  }
.Ltmp11:
0x66a: {  	v7 =	vmul.f32 v13, v17;
	[tilespmem:v3+s10+$0x0] =	vst.idx.add.f32.msk $0xffff, v5;
	v3 =	vmov v37;
	(pc) =	sbr.rel @p0 .LBB2_24-.Ltmp11, $4  }
0x66b: {  	v5 =	vmul.f32 v8, v16;
	[tilespmem:v23+s10+$0x0] =	vst.idx.add.f32.msk $0xffff, v12  }
0x66c: {  	[tilespmem:v24+s10+$0x0] =	vst.idx.add.f32.msk $0xffff, v7;
	v7 =	vmul.f32 v9, v14  }
0x66d: {  	v20 =	vmul.f32 v10, v15;
	[tilespmem:v22+s10+$0x0] =	vst.idx.add.f32.msk $0xffff, v5  }
0x66e: {  	s16 =	sadd.s32 $0x80, s16;
	v12 =	vmul.f32 v11, v19;
	[tilespmem:v21+s10+$0x0] =	vst.idx.add.f32.msk $0xffff, v7  }
0x66f: {  	_ =	sdelay $0x3  }
0x670: {  	v4 =	vmul.f32 v6, v4;
	[tilespmem:v1+s10+$0x0] =	vst.idx.add.f32.msk $0xffff, v20  }
0x671: {  	[tilespmem:v2+s10+$0x0] =	vst.idx.add.f32.msk $0xffff, v12  }
0x672: {  	[tilespmem:v3+s10+$0x0] =	vst.idx.add.f32.msk $0xffff, v4  }
0x673: {  	v1 =	vld [tilespmem:$0x7600];
	_ =	sdelay $0x5  }
0x674: {  	v2 =	vld [tilespmem:$0x9D80]  }
0x675: {  	v3 =	vld [tilespmem:$0x4E80]  }
0x676: {  	v4 =	vld.idx.msk [tilespmem:v1+s0+$0x0], $0xffff;
	_ =	sdelay $0x4  }
0x677: {  	v4 =	vmul.f32 v4, v3;
	_ =	sdelay $0x1  }
0x678: {  	[tilespmem:v2+s6+$0x0] =	vst.idx.add.f32.msk $0xffff, v4  }
0x679: {  	v4 =	vld.idx.msk [tilespmem:v1+s1+$0x0], $0xffff;
	_ =	sdelay $0x4  }
0x67a: {  	v4 =	vmul.f32 v4, v3;
	_ =	sdelay $0x1  }
0x67b: {  	[tilespmem:v2+s7+$0x0] =	vst.idx.add.f32.msk $0xffff, v4  }
0x67c: {  	v4 =	vld.idx.msk [tilespmem:v1+s3+$0x0], $0xffff;
	_ =	sdelay $0x4  }
0x67d: {  	v4 =	vmul.f32 v4, v3;
	_ =	sdelay $0x1  }
0x67e: {  	[tilespmem:v2+s9+$0x0] =	vst.idx.add.f32.msk $0xffff, v4  }
0x67f: {  	v1 =	vld.idx.msk [tilespmem:v1+s4+$0x0], $0xffff;
	_ =	sdelay $0x4  }
0x680: {  	s13 =	sld [smem:$0x7D9];
	v1 =	vmul.f32 v1, v3;
	_ =	sdelay $0x1  }
0x681: {  	[tilespmem:v2+s10+$0x0] =	vst.idx.add.f32.msk $0xffff, v1  }
0x682: {  	[hbm4b:s13+s30] =	stream.strided.scatter [tilespmem:s6], [sflag:$0x2], $0x2780, s31, s30, $0x38;
	[tilespmem:$0x1EE00] =	vst v63  }
0x683: {  	_ =	swait.ge [sflag:s26], $0x2780  }
0x684: {  	s19 =	sld [smem:$0x7DA]  }
0x685: {  	[sflag:s26] =	ssyncset.done $0x0  }
0x686: {  	[sflag:s26] =	ssyncadd.s32 $0xFFFFD880  }
0x687: {  	[hbm4b:s19+s30] =	stream.strided.scatter [tilespmem:s7], [sflag:$0x2], $0x2780, s31, s30, $0x38;
	[tilespmem:$0x1EE00] =	vst v63  }
0x688: {  	_ =	swait.ge [sflag:s26], $0x2780  }
0x689: {  	s14 =	sld [smem:$0x7DB]  }
0x68a: {  	[sflag:s26] =	ssyncset.done $0x0  }
0x68b: {  	[sflag:s26] =	ssyncadd.s32 $0xFFFFD880  }
0x68c: {  	[hbm4b:s14+s30] =	stream.strided.scatter [tilespmem:s9], [sflag:$0x2], $0x2780, s31, s30, $0x38;
	[tilespmem:$0x1EE00] =	vst v63  }
0x68d: {  	_ =	swait.ge [sflag:s26], $0x2780  }
0x68e: {  	s15 =	sld [smem:$0x7DC]  }
0x68f: {  	[sflag:s26] =	ssyncset.done $0x0  }
0x690: {  	[sflag:s26] =	ssyncadd.s32 $0xFFFFD880  }
0x691: {  	[hbm4b:s15+s30] =	stream.strided.scatter [tilespmem:s10], [sflag:$0x2], $0x2780, s31, s30, $0x38;
	[tilespmem:$0x1EE00] =	vst v63  }
0x692: {  	_ =	swait.ge [sflag:s26], $0x2780  }
0x693: {  	[sflag:s26] =	ssyncset.done $0x0  }
0x694: {  	s16 =	rddreg [dreg:$0x16];
	[sflag:s26] =	ssyncadd.s32 $0xFFFFD880  }
0x695: {  	[tilespmem:s0], [sflag:$0x2] =	stream.strided.gather [hbm4b:s16+s30], $0x2780, s31, s30, $0x38;
	[tilespmem:$0x1EE00] =	vst v63  }
0x696: {  	_ =	swait.ge [sflag:s26], $0x2780  }
0x697: {  	[sflag:s26] =	ssyncset.done $0x0  }
0x698: {  	s17 =	rddreg [dreg:$0x17];
	[sflag:s26] =	ssyncadd.s32 $0xFFFFD880  }
0x699: {  	[tilespmem:s1], [sflag:$0x2] =	stream.strided.gather [hbm4b:s17+s30], $0x2780, s31, s30, $0x38;
	[tilespmem:$0x1EE00] =	vst v63  }
0x69a: {  	_ =	swait.ge [sflag:s26], $0x2780  }
0x69b: {  	[sflag:s26] =	ssyncset.done $0x0  }
0x69c: {  	s18 =	rddreg [dreg:$0x18];
	[sflag:s26] =	ssyncadd.s32 $0xFFFFD880  }
0x69d: {  	[tilespmem:s3], [sflag:$0x2] =	stream.strided.gather [hbm4b:s18+s30], $0x2780, s31, s30, $0x38;
	[tilespmem:$0x1EE00] =	vst v63  }
0x69e: {  	_ =	swait.ge [sflag:s26], $0x2780  }
0x69f: {  	[sflag:s26] =	ssyncset.done $0x0  }
0x6a0: {  	s19 =	rddreg [dreg:$0x19];
	[sflag:s26] =	ssyncadd.s32 $0xFFFFD880  }
0x6a1: {  	[tilespmem:s4], [sflag:$0x2] =	stream.strided.gather [hbm4b:s19+s30], $0x2780, s31, s30, $0x38;
	[tilespmem:$0x1EE00] =	vst v63  }
0x6a2: {  	_ =	swait.ge [sflag:s26], $0x2780  }
0x6a3: {  	[sflag:s26] =	ssyncset.done $0x0  }
0x6a4: {  	s15 =	simm.s32 $0x15040;
	[sflag:s26] =	ssyncadd.s32 $0xFFFFD880  }
0x6a5: {  	[tilespmem:s15+$0x30] =	vst v0  }
0x6a6: {  	[tilespmem:s15+$0xFFFFFFE0] =	vst v0  }
0x6a7: {  	[tilespmem:s15+$0xFFFFFFF0] =	vst v0  }
0x6a8: {  	[tilespmem:s15+$0x0] =	vst v0  }
0x6a9: {  	[tilespmem:s15+$0xFFFFFFC0] =	vst v0  }
0x6aa: {  	[tilespmem:s15+$0x10] =	vst v0  }
0x6ab: {  	[tilespmem:s15+$0x20] =	vst v0  }
0x6ac: {  	s14 =	simm.s32 $0x177C0;
	[tilespmem:s15+$0xFFFFFFD0] =	vst v0  }
0x6ad: {  	[tilespmem:s14+$0x30] =	vst v0  }
0x6ae: {  	[tilespmem:s14+$0xFFFFFFC0] =	vst v0  }
0x6af: {  	[tilespmem:s14+$0x10] =	vst v0  }
0x6b0: {  	[tilespmem:s14+$0xFFFFFFD0] =	vst v0  }
0x6b1: {  	[tilespmem:s14+$0x20] =	vst v0  }
0x6b2: {  	[tilespmem:s14+$0x0] =	vst v0  }
0x6b3: {  	s13 =	simm.s32 $0x19F40;
	[tilespmem:s14+$0xFFFFFFF0] =	vst v0  }
0x6b4: {  	[tilespmem:s13+$0x30] =	vst v0  }
0x6b5: {  	[tilespmem:s13+$0xFFFFFFC0] =	vst v0  }
0x6b6: {  	[tilespmem:s13+$0x10] =	vst v0  }
0x6b7: {  	[tilespmem:s13+$0xFFFFFFD0] =	vst v0  }
0x6b8: {  	[tilespmem:s13+$0x20] =	vst v0  }
0x6b9: {  	[tilespmem:s13+$0x0] =	vst v0  }
0x6ba: {  	s16 =	simm.s32 $0x1C6C0;
	[tilespmem:s13+$0xFFFFFFF0] =	vst v0  }
0x6bb: {  	[tilespmem:s16+$0x30] =	vst v0  }
0x6bc: {  	[tilespmem:s16+$0xFFFFFFC0] =	vst v0  }
0x6bd: {  	[tilespmem:s16+$0x10] =	vst v0  }
0x6be: {  	[tilespmem:s16+$0xFFFFFFD0] =	vst v0  }
0x6bf: {  	s17 =	simm.s32 $0x0;
	s18 =	simm.s32 $0x19FC0;
	s19 =	simm.s32 $0x1C740;
	[tilespmem:s16+$0x20] =	vst v0  }
.LBB2_26:
0x6c0: {  	s17 =	sadd.s32 $0x80, s17;
	[tilespmem:s14+$0xFFFFFFE0] =	vst v0;
	s15 =	sadd.s32 $0x80, s15;
	s14 =	sadd.s32 $0x80, s14  }
0x6c1: {  	[tilespmem:s15+$0x30] =	vst v0;
	p0 =	slt.u32 s17, $0x2680  }
0x6c2: {  	[tilespmem:s14+$0x30] =	vst v0  }
0x6c3: {  	[tilespmem:s18+$0x30] =	vst v0  }
0x6c4: {  	[tilespmem:s16+$0xFFFFFFF0] =	vst v0  }
0x6c5: {  	[tilespmem:s16+$0x0] =	vst v0  }
0x6c6: {  	[tilespmem:s13+$0xFFFFFFE0] =	vst v0;
	s13 =	smov.u32 s18  }
0x6c7: {  	[tilespmem:s16+$0xFFFFFFE0] =	vst v0;
	s16 =	smov.u32 s19  }
0x6c8: {  	[tilespmem:s19+$0x30] =	vst v0  }
0x6c9: {  	[tilespmem:s15+$0xFFFFFFE0] =	vst v0  }
0x6ca: {  	[tilespmem:s15+$0xFFFFFFF0] =	vst v0  }
0x6cb: {  	[tilespmem:s15+$0x0] =	vst v0  }
0x6cc: {  	[tilespmem:s15+$0xFFFFFFC0] =	vst v0  }
0x6cd: {  	[tilespmem:s14+$0xFFFFFFC0] =	vst v0  }
0x6ce: {  	[tilespmem:s18+$0xFFFFFFC0] =	vst v0  }
0x6cf: {  	[tilespmem:s19+$0xFFFFFFC0] =	vst v0  }
0x6d0: {  	[tilespmem:s15+$0x10] =	vst v0  }
0x6d1: {  	[tilespmem:s14+$0x10] =	vst v0  }
0x6d2: {  	[tilespmem:s18+$0x10] =	vst v0  }
0x6d3: {  	[tilespmem:s19+$0x10] =	vst v0  }
0x6d4: {  	[tilespmem:s15+$0x20] =	vst v0  }
0x6d5: {  	[tilespmem:s15+$0xFFFFFFD0] =	vst v0  }
0x6d6: {  	[tilespmem:s14+$0xFFFFFFD0] =	vst v0  }
0x6d7: {  	[tilespmem:s18+$0xFFFFFFD0] =	vst v0  }
0x6d8: {  	[tilespmem:s19+$0xFFFFFFD0] =	vst v0  }
0x6d9: {  	[tilespmem:s14+$0x20] =	vst v0  }
0x6da: {  	[tilespmem:s18+$0x20] =	vst v0  }
.Ltmp12:
0x6db: {  	[tilespmem:s19+$0x20] =	vst v0;
	(pc) =	sbr.rel @p0 .LBB2_26-.Ltmp12, $4  }
0x6dc: {  	[tilespmem:s14+$0x0] =	vst v0  }
0x6dd: {  	[tilespmem:s18+$0x0] =	vst v0  }
0x6de: {  	[tilespmem:s14+$0xFFFFFFF0] =	vst v0  }
0x6df: {  	s19 =	sadd.s32 $0x80, s19;
	s18 =	sadd.s32 $0x80, s18;
	[tilespmem:s13+$0xFFFFFFF0] =	vst v0  }
0x6e0: {  	[tilespmem:s14+$0xFFFFFFE0] =	vst v0  }
0x6e1: {  	[tilespmem:s16+$0xFFFFFFF0] =	vst v0  }
0x6e2: {  	[tilespmem:s16+$0x0] =	vst v0  }
0x6e3: {  	[tilespmem:s13+$0xFFFFFFE0] =	vst v0  }
0x6e4: {  	[tilespmem:s16+$0xFFFFFFE0] =	vst v0  }
0x6e5: {  	[tilespmem:$0x17700] =	vst v0  }
0x6e6: {  	[tilespmem:$0x19E80] =	vst v0  }
0x6e7: {  	[tilespmem:$0x1C600] =	vst v0  }
0x6e8: {  	s15 =	simm.s32 $0x4F40;
	[tilespmem:$0x1ED80] =	vst v0  }
0x6e9: {  	v2 =	vld [tilespmem:s15+$0x30]  }
0x6ea: {  	v5 =	vld [tilespmem:s15+$0xFFFFFFD0]  }
0x6eb: {  	v6 =	vld [tilespmem:s15+$0xFFFFFFE0]  }
0x6ec: {  	v7 =	vld [tilespmem:s15+$0xFFFFFFF0]  }
0x6ed: {  	v8 =	vld [tilespmem:s15+$0x0]  }
0x6ee: {  	v9 =	vld [tilespmem:s15+$0x10]  }
0x6ef: {  	s13 =	simm.s32 $0x76C0;
	v10 =	vld [tilespmem:s15+$0x20]  }
0x6f0: {  	s14 =	simm.s32 $0x27C0;
	v11 =	vld [tilespmem:s13+$0x30]  }
0x6f1: {  	v12 =	vld [tilespmem:s14+$0x30]  }
0x6f2: {  	v13 =	vld [tilespmem:s15+$0xFFFFFFC0]  }
0x6f3: {  	v20 =	vld [tilespmem:s14+$0xFFFFFFC0]  }
0x6f4: {  	v21 =	vld [tilespmem:s14+$0xFFFFFFD0]  }
0x6f5: {  	v22 =	vld [tilespmem:s14+$0xFFFFFFE0]  }
0x6f6: {  	v23 =	vld [tilespmem:s14+$0xFFFFFFF0]  }
0x6f7: {  	v24 =	vld [tilespmem:s14+$0x0]  }
0x6f8: {  	v25 =	vld [tilespmem:s14+$0x10]  }
0x6f9: {  	v4 =	vld [tilespmem:s14+$0x20]  }
0x6fa: {  	v26 =	vld [tilespmem:s13+$0xFFFFFFC0]  }
0x6fb: {  	v1 =	vld.idx.msk [tilespmem:v2+s0+$0x0], $0xffff  }
0x6fc: {  	v3 =	vld.idx.msk [tilespmem:v5+s0+$0x0], $0xffff  }
0x6fd: {  	v27 =	vld [tilespmem:s13+$0xFFFFFFD0]  }
0x6fe: {  	v29 =	vld [tilespmem:s13+$0xFFFFFFF0]  }
0x6ff: {  	v15 =	vld.idx.msk [tilespmem:v7+s0+$0x0], $0xffff  }
0x700: {  	v18 =	vld.idx.msk [tilespmem:v13+s0+$0x0], $0xffff  }
0x701: {  	v1 =	vmul.f32 v1, v12;
	v31 =	vmul.f32 v3, v21;
	v3 =	vld [tilespmem:s13+$0x20]  }
0x702: {  	v19 =	vld.idx.msk [tilespmem:v10+s0+$0x0], $0xffff  }
0x703: {  	[tilespmem:v11+s6+$0x0] =	vst.idx.add.f32.msk $0xffff, v1  }
0x704: {  	v1 =	vld.idx.msk [tilespmem:v2+s1+$0x0], $0xffff  }
0x705: {  	v28 =	vld [tilespmem:s13+$0xFFFFFFE0];
	v15 =	vmul.f32 v15, v23  }
0x706: {  	v14 =	vld.idx.msk [tilespmem:v6+s0+$0x0], $0xffff;
	v18 =	vmul.f32 v18, v20  }
0x707: {  	[tilespmem:v29+s6+$0x0] =	vst.idx.add.f32.msk $0xffff, v15;
	v15 =	vmul.f32 v19, v4  }
0x708: {  	[tilespmem:v26+s6+$0x0] =	vst.idx.add.f32.msk $0xffff, v18  }
0x709: {  	v1 =	vmul.f32 v1, v12;
	[tilespmem:v3+s6+$0x0] =	vst.idx.add.f32.msk $0xffff, v15  }
0x70a: {  	v18 =	vld.idx.msk [tilespmem:v10+s1+$0x0], $0xffff  }
0x70b: {  	[tilespmem:v11+s7+$0x0] =	vst.idx.add.f32.msk $0xffff, v1  }
0x70c: {  	v1 =	vld.idx.msk [tilespmem:v2+s3+$0x0], $0xffff  }
0x70d: {  	v16 =	vld.idx.msk [tilespmem:v8+s0+$0x0], $0xffff  }
0x70e: {  	v17 =	vld.idx.msk [tilespmem:v9+s0+$0x0], $0xffff;
	v14 =	vmul.f32 v14, v22  }
0x70f: {  	[tilespmem:v27+s6+$0x0] =	vst.idx.add.f32.msk $0xffff, v31  }
0x710: {  	[tilespmem:v28+s6+$0x0] =	vst.idx.add.f32.msk $0xffff, v14;
	v55 =	vmul.f32 v18, v4  }
0x711: {  	v30 =	vmul.f32 v1, v12;
	v1 =	vld [tilespmem:s13+$0x0]  }
0x712: {  	[tilespmem:v3+s7+$0x0] =	vst.idx.add.f32.msk $0xffff, v55  }
0x713: {  	v18 =	vld.idx.msk [tilespmem:v10+s3+$0x0], $0xffff  }
0x714: {  	[tilespmem:v11+s9+$0x0] =	vst.idx.add.f32.msk $0xffff, v30  }
0x715: {  	v30 =	vld.idx.msk [tilespmem:v2+s4+$0x0], $0xffff  }
0x716: {  	v2 =	vld [tilespmem:s13+$0x10]  }
0x717: {  	v16 =	vmul.f32 v16, v24;
	v51 =	vld.idx.msk [tilespmem:v13+s1+$0x0], $0xffff  }
0x718: {  	v15 =	vld.idx.msk [tilespmem:v7+s1+$0x0], $0xffff;
	v61 =	vmul.f32 v18, v4  }
0x719: {  	[tilespmem:v1+s6+$0x0] =	vst.idx.add.f32.msk $0xffff, v16  }
0x71a: {  	v12 =	vmul.f32 v30, v12;
	[tilespmem:v3+s9+$0x0] =	vst.idx.add.f32.msk $0xffff, v61  }
0x71b: {  	v16 =	vld.idx.msk [tilespmem:v8+s1+$0x0], $0xffff  }
0x71c: {  	v14 =	vmul.f32 v17, v25;
	[tilespmem:v11+s10+$0x0] =	vst.idx.add.f32.msk $0xffff, v12  }
0x71d: {  	v12 =	vld.idx.msk [tilespmem:v5+s1+$0x0], $0xffff  }
0x71e: {  	[tilespmem:v2+s6+$0x0] =	vst.idx.add.f32.msk $0xffff, v14  }
0x71f: {  	v11 =	vmul.f32 v51, v20;
	v14 =	vld.idx.msk [tilespmem:v6+s1+$0x0], $0xffff  }
0x720: {  	v52 =	vld.idx.msk [tilespmem:v9+s1+$0x0], $0xffff  }
0x721: {  	[tilespmem:v26+s7+$0x0] =	vst.idx.add.f32.msk $0xffff, v11;
	v54 =	vmul.f32 v16, v24  }
0x722: {  	v56 =	vld.idx.msk [tilespmem:v13+s3+$0x0], $0xffff;
	v12 =	vmul.f32 v12, v21  }
0x723: {  	[tilespmem:v1+s7+$0x0] =	vst.idx.add.f32.msk $0xffff, v54  }
0x724: {  	v53 =	vmul.f32 v14, v22;
	[tilespmem:v27+s7+$0x0] =	vst.idx.add.f32.msk $0xffff, v12  }
0x725: {  	v12 =	vmul.f32 v15, v23;
	v57 =	vld.idx.msk [tilespmem:v8+s3+$0x0], $0xffff  }
0x726: {  	[tilespmem:v28+s7+$0x0] =	vst.idx.add.f32.msk $0xffff, v53  }
0x727: {  	[tilespmem:v29+s7+$0x0] =	vst.idx.add.f32.msk $0xffff, v12;
	v12 =	vmul.f32 v52, v25  }
0x728: {  	v14 =	vld.idx.msk [tilespmem:v6+s3+$0x0], $0xffff  }
0x729: {  	[tilespmem:v2+s7+$0x0] =	vst.idx.add.f32.msk $0xffff, v12  }
0x72a: {  	v11 =	vmul.f32 v56, v20;
	v12 =	vld.idx.msk [tilespmem:v5+s3+$0x0], $0xffff  }
0x72b: {  	v15 =	vld.idx.msk [tilespmem:v7+s3+$0x0], $0xffff  }
0x72c: {  	[tilespmem:v26+s9+$0x0] =	vst.idx.add.f32.msk $0xffff, v11  }
0x72d: {  	v62 =	vld.idx.msk [tilespmem:v13+s4+$0x0], $0xffff;
	v60 =	vmul.f32 v57, v24  }
0x72e: {  	v58 =	vld.idx.msk [tilespmem:v9+s3+$0x0], $0xffff;
	v59 =	vmul.f32 v14, v22  }
0x72f: {  	[tilespmem:v1+s9+$0x0] =	vst.idx.add.f32.msk $0xffff, v60;
	v12 =	vmul.f32 v12, v21  }
0x730: {  	[tilespmem:v28+s9+$0x0] =	vst.idx.add.f32.msk $0xffff, v59  }
0x731: {  	[tilespmem:v27+s9+$0x0] =	vst.idx.add.f32.msk $0xffff, v12;
	v12 =	vmul.f32 v15, v23  }
0x732: {  	v5 =	vld.idx.msk [tilespmem:v5+s4+$0x0], $0xffff  }
0x733: {  	[tilespmem:v29+s9+$0x0] =	vst.idx.add.f32.msk $0xffff, v12;
	v12 =	vmul.f32 v58, v25  }
0x734: {  	v7 =	vld.idx.msk [tilespmem:v7+s4+$0x0], $0xffff  }
0x735: {  	[tilespmem:v2+s9+$0x0] =	vst.idx.add.f32.msk $0xffff, v12  }
0x736: {  	v12 =	vld.idx.msk [tilespmem:v6+s4+$0x0], $0xffff  }
0x737: {  	v8 =	vld.idx.msk [tilespmem:v8+s4+$0x0], $0xffff  }
0x738: {  	v9 =	vld.idx.msk [tilespmem:v9+s4+$0x0], $0xffff;
	v5 =	vmul.f32 v5, v21  }
0x739: {  	v11 =	vmul.f32 v62, v20;
	v6 =	vld.idx.msk [tilespmem:v10+s4+$0x0], $0xffff  }
0x73a: {  	[tilespmem:v27+s10+$0x0] =	vst.idx.add.f32.msk $0xffff, v5;
	v5 =	vmul.f32 v7, v23  }
0x73b: {  	[tilespmem:v26+s10+$0x0] =	vst.idx.add.f32.msk $0xffff, v11;
	v63 =	vmul.f32 v12, v22  }
0x73c: {  	[tilespmem:v29+s10+$0x0] =	vst.idx.add.f32.msk $0xffff, v5  }
0x73d: {  	s16 =	simm.s32 $0x4FC0;
	s15 =	simm.s32 $0x0;
	v20 =	vmul.f32 v8, v24;
	v12 =	vmul.f32 v9, v25;
	[tilespmem:v28+s10+$0x0] =	vst.idx.add.f32.msk $0xffff, v63  }
.LBB2_28:
0x73e: {  	v25 =	vld [tilespmem:s16+$0x30];
	s15 =	sadd.s32 $0x80, s15;
	v5 =	vmul.f32 v6, v4  }
0x73f: {  	v6 =	vld [tilespmem:s16+$0xFFFFFFD0];
	p0 =	slt.u32 s15, $0x2680  }
0x740: {  	v8 =	vld [tilespmem:s16+$0xFFFFFFE0]  }
0x741: {  	v9 =	vld [tilespmem:s16+$0xFFFFFFF0]  }
0x742: {  	v10 =	vld [tilespmem:s16+$0x0]  }
0x743: {  	v11 =	vld [tilespmem:s16+$0x10]  }
0x744: {  	s13 =	sadd.s32 $0x80, s13;
	v7 =	vld [tilespmem:s16+$0x20]  }
0x745: {  	v26 =	vld [tilespmem:s13+$0x30]  }
0x746: {  	s14 =	sadd.s32 $0x80, s14;
	v4 =	vld.idx.msk [tilespmem:v25+s0+$0x0], $0xffff  }
0x747: {  	v27 =	vld [tilespmem:s14+$0x30]  }
0x748: {  	v13 =	vld [tilespmem:s16+$0xFFFFFFC0]  }
0x749: {  	v19 =	vld.idx.msk [tilespmem:v6+s0+$0x0], $0xffff  }
0x74a: {  	v21 =	vld.idx.msk [tilespmem:v8+s0+$0x0], $0xffff  }
0x74b: {  	v22 =	vld.idx.msk [tilespmem:v9+s0+$0x0], $0xffff  }
0x74c: {  	v24 =	vld.idx.msk [tilespmem:v10+s0+$0x0], $0xffff;
	v4 =	vmul.f32 v4, v27  }
0x74d: {  	v28 =	vld.idx.msk [tilespmem:v11+s0+$0x0], $0xffff  }
0x74e: {  	[tilespmem:v26+s6+$0x0] =	vst.idx.add.f32.msk $0xffff, v4  }
0x74f: {  	v4 =	vld.idx.msk [tilespmem:v25+s1+$0x0], $0xffff  }
0x750: {  	v23 =	vld.idx.msk [tilespmem:v13+s0+$0x0], $0xffff  }
0x751: {  	v29 =	vld.idx.msk [tilespmem:v7+s0+$0x0], $0xffff  }
0x752: {  	v18 =	vld [tilespmem:s14+$0xFFFFFFC0]  }
0x753: {  	v17 =	vld [tilespmem:s14+$0xFFFFFFD0]  }
0x754: {  	v16 =	vld [tilespmem:s14+$0xFFFFFFE0]  }
0x755: {  	v4 =	vmul.f32 v4, v27;
	v14 =	vld [tilespmem:s14+$0xFFFFFFF0]  }
0x756: {  	v15 =	vld [tilespmem:s14+$0x0]  }
0x757: {  	v30 =	vmul.f32 v23, v18;
	[tilespmem:v26+s7+$0x0] =	vst.idx.add.f32.msk $0xffff, v4  }
0x758: {  	v31 =	vmul.f32 v19, v17;
	v32 =	vld.idx.msk [tilespmem:v25+s3+$0x0], $0xffff  }
0x759: {  	v33 =	vmul.f32 v21, v16;
	v19 =	vld [tilespmem:s14+$0x10]  }
0x75a: {  	v34 =	vmul.f32 v22, v14;
	v4 =	vld [tilespmem:s14+$0x20]  }
0x75b: {  	v23 =	vld [tilespmem:s13+$0xFFFFFFC0];
	v35 =	vmul.f32 v24, v15  }
0x75c: {  	v24 =	vld [tilespmem:s13+$0xFFFFFFD0]  }
0x75d: {  	v22 =	vld [tilespmem:s13+$0xFFFFFFE0]  }
0x75e: {  	v32 =	vmul.f32 v32, v27;
	v21 =	vld [tilespmem:s13+$0xFFFFFFF0];
	v28 =	vmul.f32 v28, v19  }
0x75f: {  	v36 =	vld [tilespmem:s13+$0x0];
	v29 =	vmul.f32 v29, v4  }
0x760: {  	[tilespmem:v26+s9+$0x0] =	vst.idx.add.f32.msk $0xffff, v32  }
0x761: {  	v25 =	vld.idx.msk [tilespmem:v25+s4+$0x0], $0xffff  }
0x762: {  	v32 =	vld [tilespmem:s13+$0x10]  }
0x763: {  	v37 =	vld [tilespmem:s13+$0x20]  }
0x764: {  	[tilespmem:v23+s6+$0x0] =	vst.idx.add.f32.msk $0xffff, v30  }
0x765: {  	[tilespmem:v24+s6+$0x0] =	vst.idx.add.f32.msk $0xffff, v31  }
0x766: {  	[tilespmem:v22+s6+$0x0] =	vst.idx.add.f32.msk $0xffff, v33  }
0x767: {  	v25 =	vmul.f32 v25, v27;
	[tilespmem:v21+s6+$0x0] =	vst.idx.add.f32.msk $0xffff, v34  }
0x768: {  	[tilespmem:v36+s6+$0x0] =	vst.idx.add.f32.msk $0xffff, v35  }
0x769: {  	[tilespmem:v26+s10+$0x0] =	vst.idx.add.f32.msk $0xffff, v25  }
0x76a: {  	[tilespmem:v32+s6+$0x0] =	vst.idx.add.f32.msk $0xffff, v28  }
0x76b: {  	[tilespmem:v37+s6+$0x0] =	vst.idx.add.f32.msk $0xffff, v29  }
0x76c: {  	v25 =	vld.idx.msk [tilespmem:v13+s1+$0x0], $0xffff  }
0x76d: {  	v26 =	vld.idx.msk [tilespmem:v6+s1+$0x0], $0xffff  }
0x76e: {  	v27 =	vld.idx.msk [tilespmem:v8+s1+$0x0], $0xffff  }
0x76f: {  	v28 =	vld.idx.msk [tilespmem:v9+s1+$0x0], $0xffff  }
0x770: {  	v29 =	vld.idx.msk [tilespmem:v10+s1+$0x0], $0xffff  }
0x771: {  	v30 =	vld.idx.msk [tilespmem:v11+s1+$0x0], $0xffff  }
0x772: {  	v25 =	vmul.f32 v25, v18;
	v31 =	vld.idx.msk [tilespmem:v7+s1+$0x0], $0xffff  }
0x773: {  	v26 =	vmul.f32 v26, v17;
	[tilespmem:v1+s10+$0x0] =	vst.idx.add.f32.msk $0xffff, v20;
	v1 =	vmov v36  }
0x774: {  	v20 =	vmul.f32 v27, v16;
	[tilespmem:v23+s7+$0x0] =	vst.idx.add.f32.msk $0xffff, v25  }
0x775: {  	v25 =	vmul.f32 v28, v14;
	[tilespmem:v24+s7+$0x0] =	vst.idx.add.f32.msk $0xffff, v26  }
0x776: {  	[tilespmem:v22+s7+$0x0] =	vst.idx.add.f32.msk $0xffff, v20;
	v20 =	vmul.f32 v29, v15  }
0x777: {  	[tilespmem:v21+s7+$0x0] =	vst.idx.add.f32.msk $0xffff, v25;
	v25 =	vmul.f32 v30, v19  }
0x778: {  	[tilespmem:v36+s7+$0x0] =	vst.idx.add.f32.msk $0xffff, v20;
	v20 =	vmul.f32 v31, v4  }
0x779: {  	[tilespmem:v32+s7+$0x0] =	vst.idx.add.f32.msk $0xffff, v25  }
0x77a: {  	[tilespmem:v37+s7+$0x0] =	vst.idx.add.f32.msk $0xffff, v20  }
0x77b: {  	v20 =	vld.idx.msk [tilespmem:v13+s3+$0x0], $0xffff  }
0x77c: {  	v25 =	vld.idx.msk [tilespmem:v6+s3+$0x0], $0xffff  }
0x77d: {  	v26 =	vld.idx.msk [tilespmem:v8+s3+$0x0], $0xffff  }
0x77e: {  	v27 =	vld.idx.msk [tilespmem:v9+s3+$0x0], $0xffff  }
0x77f: {  	v28 =	vld.idx.msk [tilespmem:v10+s3+$0x0], $0xffff  }
0x780: {  	v29 =	vld.idx.msk [tilespmem:v11+s3+$0x0], $0xffff  }
0x781: {  	v20 =	vmul.f32 v20, v18;
	v30 =	vld.idx.msk [tilespmem:v7+s3+$0x0], $0xffff  }
0x782: {  	v25 =	vmul.f32 v25, v17;
	[tilespmem:v2+s10+$0x0] =	vst.idx.add.f32.msk $0xffff, v12;
	v2 =	vmov v32  }
0x783: {  	v12 =	vmul.f32 v26, v16;
	[tilespmem:v23+s9+$0x0] =	vst.idx.add.f32.msk $0xffff, v20  }
0x784: {  	v20 =	vmul.f32 v27, v14;
	[tilespmem:v24+s9+$0x0] =	vst.idx.add.f32.msk $0xffff, v25  }
0x785: {  	[tilespmem:v22+s9+$0x0] =	vst.idx.add.f32.msk $0xffff, v12;
	v12 =	vmul.f32 v28, v15  }
0x786: {  	[tilespmem:v21+s9+$0x0] =	vst.idx.add.f32.msk $0xffff, v20;
	v20 =	vmul.f32 v29, v19  }
0x787: {  	[tilespmem:v1+s9+$0x0] =	vst.idx.add.f32.msk $0xffff, v12;
	v12 =	vmul.f32 v30, v4  }
0x788: {  	[tilespmem:v32+s9+$0x0] =	vst.idx.add.f32.msk $0xffff, v20  }
0x789: {  	[tilespmem:v37+s9+$0x0] =	vst.idx.add.f32.msk $0xffff, v12  }
0x78a: {  	v12 =	vld.idx.msk [tilespmem:v13+s4+$0x0], $0xffff  }
0x78b: {  	v13 =	vld.idx.msk [tilespmem:v6+s4+$0x0], $0xffff  }
0x78c: {  	v8 =	vld.idx.msk [tilespmem:v8+s4+$0x0], $0xffff  }
0x78d: {  	v9 =	vld.idx.msk [tilespmem:v9+s4+$0x0], $0xffff  }
0x78e: {  	v10 =	vld.idx.msk [tilespmem:v10+s4+$0x0], $0xffff  }
0x78f: {  	v11 =	vld.idx.msk [tilespmem:v11+s4+$0x0], $0xffff  }
0x790: {  	v12 =	vmul.f32 v12, v18;
	v6 =	vld.idx.msk [tilespmem:v7+s4+$0x0], $0xffff  }
.Ltmp13:
0x791: {  	v7 =	vmul.f32 v13, v17;
	[tilespmem:v3+s10+$0x0] =	vst.idx.add.f32.msk $0xffff, v5;
	v3 =	vmov v37;
	(pc) =	sbr.rel @p0 .LBB2_28-.Ltmp13, $4  }
0x792: {  	v5 =	vmul.f32 v8, v16;
	[tilespmem:v23+s10+$0x0] =	vst.idx.add.f32.msk $0xffff, v12  }
0x793: {  	[tilespmem:v24+s10+$0x0] =	vst.idx.add.f32.msk $0xffff, v7;
	v7 =	vmul.f32 v9, v14  }
0x794: {  	v20 =	vmul.f32 v10, v15;
	[tilespmem:v22+s10+$0x0] =	vst.idx.add.f32.msk $0xffff, v5  }
0x795: {  	s16 =	sadd.s32 $0x80, s16;
	v12 =	vmul.f32 v11, v19;
	[tilespmem:v21+s10+$0x0] =	vst.idx.add.f32.msk $0xffff, v7  }
0x796: {  	_ =	sdelay $0x3  }
0x797: {  	v4 =	vmul.f32 v6, v4;
	[tilespmem:v1+s10+$0x0] =	vst.idx.add.f32.msk $0xffff, v20  }
0x798: {  	[tilespmem:v2+s10+$0x0] =	vst.idx.add.f32.msk $0xffff, v12  }
0x799: {  	[tilespmem:v3+s10+$0x0] =	vst.idx.add.f32.msk $0xffff, v4  }
0x79a: {  	v1 =	vld [tilespmem:$0x7600];
	_ =	sdelay $0x5  }
0x79b: {  	v2 =	vld [tilespmem:$0x9D80]  }
0x79c: {  	v3 =	vld [tilespmem:$0x4E80]  }
0x79d: {  	v4 =	vld.idx.msk [tilespmem:v1+s0+$0x0], $0xffff;
	_ =	sdelay $0x4  }
0x79e: {  	v4 =	vmul.f32 v4, v3;
	_ =	sdelay $0x1  }
0x79f: {  	[tilespmem:v2+s6+$0x0] =	vst.idx.add.f32.msk $0xffff, v4  }
0x7a0: {  	v4 =	vld.idx.msk [tilespmem:v1+s1+$0x0], $0xffff;
	_ =	sdelay $0x4  }
0x7a1: {  	v4 =	vmul.f32 v4, v3;
	_ =	sdelay $0x1  }
0x7a2: {  	[tilespmem:v2+s7+$0x0] =	vst.idx.add.f32.msk $0xffff, v4  }
0x7a3: {  	v4 =	vld.idx.msk [tilespmem:v1+s3+$0x0], $0xffff;
	_ =	sdelay $0x4  }
0x7a4: {  	v4 =	vmul.f32 v4, v3;
	_ =	sdelay $0x1  }
0x7a5: {  	[tilespmem:v2+s9+$0x0] =	vst.idx.add.f32.msk $0xffff, v4  }
0x7a6: {  	v1 =	vld.idx.msk [tilespmem:v1+s4+$0x0], $0xffff;
	_ =	sdelay $0x4  }
0x7a7: {  	s13 =	sld [smem:$0x7DD];
	v1 =	vmul.f32 v1, v3;
	_ =	sdelay $0x1  }
0x7a8: {  	[tilespmem:v2+s10+$0x0] =	vst.idx.add.f32.msk $0xffff, v1  }
0x7a9: {  	[hbm4b:s13+s30] =	stream.strided.scatter [tilespmem:s6], [sflag:$0x2], $0x2780, s31, s30, $0x38;
	[tilespmem:$0x1EE00] =	vst v63  }
0x7aa: {  	_ =	swait.ge [sflag:s26], $0x2780  }
0x7ab: {  	s16 =	sld [smem:$0x7DE]  }
0x7ac: {  	[sflag:s26] =	ssyncset.done $0x0  }
0x7ad: {  	[sflag:s26] =	ssyncadd.s32 $0xFFFFD880  }
0x7ae: {  	[hbm4b:s16+s30] =	stream.strided.scatter [tilespmem:s7], [sflag:$0x2], $0x2780, s31, s30, $0x38;
	[tilespmem:$0x1EE00] =	vst v63  }
0x7af: {  	_ =	swait.ge [sflag:s26], $0x2780  }
0x7b0: {  	s17 =	sld [smem:$0x7DF]  }
0x7b1: {  	[sflag:s26] =	ssyncset.done $0x0  }
0x7b2: {  	[sflag:s26] =	ssyncadd.s32 $0xFFFFD880  }
0x7b3: {  	[hbm4b:s17+s30] =	stream.strided.scatter [tilespmem:s9], [sflag:$0x2], $0x2780, s31, s30, $0x38;
	[tilespmem:$0x1EE00] =	vst v63  }
0x7b4: {  	_ =	swait.ge [sflag:s26], $0x2780  }
0x7b5: {  	s18 =	sld [smem:$0x7E0]  }
0x7b6: {  	[sflag:s26] =	ssyncset.done $0x0  }
0x7b7: {  	[sflag:s26] =	ssyncadd.s32 $0xFFFFD880  }
0x7b8: {  	[hbm4b:s18+s30] =	stream.strided.scatter [tilespmem:s10], [sflag:$0x2], $0x2780, s31, s30, $0x38;
	[tilespmem:$0x1EE00] =	vst v63  }
0x7b9: {  	_ =	swait.ge [sflag:s26], $0x2780  }
0x7ba: {  	s19 =	sld [smem:$0x7E1];
	_ =	sdelay $0x1  }
0x7bb: {  	s12 =	sadd.s32 $0x1, s12  }
0x7bc: {  	p0 =	sne.s32 s12, s19  }
.Ltmp14:
0x7bd: {  	_ = 	snop;
	(pc) =	sbr.rel @p0 .LBB2_1-.Ltmp14, $3  }
0x7be: {  	_ =	sdelay $0x1  }
0x7bf: {  	s17 =	simm.s32 $0x9E00;
	[sflag:s26] =	ssyncset.done $0x0  }
0x7c0: {  	s18 =	simm.s32 $0x9F40;
	[sflag:s26] =	ssyncadd.s32 $0xFFFFD880;
	s19 =	simm.s32 $0xA080  }
0x7c1: {  	_ =	sfence.sel $0x180000  }
0x7c2: {  	[bflag:$0x0] =	sbarrier.arrive $0xFFFF  }
0x7c3: {  	_ =	strace $0x90000047  }
0x7c4: {  	s0 =	stileid.u32;
	[bflag:$0x2] =	sbarrier.arrive $0xFFFF  }
0x7c5: {  	p0 =	sne.s32 s0, $0x0;
	s0 =	rddreg [dreg:$0x2]  }
0x7c6: {  	s0 =	sadd.s32 @!p0 $0x100000, s0  }
0x7c7: {  	[sflag:s0] =	ssyncadd.tile.s32 @!p0 $0x1;
	_ =	shalt  }
.Lfunc_end2:
_tile_overlayer_lowered:
.L_overlay_start_2:
0x7c8: {  	(tag) =	ssettag $0x2  }
0x7c9: {  	s0 =	rddreg [dreg:$0x0];
	s2 =	stileid.u32  }
0x7ca: {  	s1 =	rddreg [dreg:$0x1];
	p0 =	sne.s32 s2, $0x0  }
0x7cb: {  	s3 =	rddreg [dreg:$0x2];
	[bflag:$0x3] =	sbarrier.arrive $0xFFFF;
	s2 =	simm.s32 @!p0 $0x1C02  }
0x7cc: {  	[timem:s3], [sflag:s2] =	dma.local @!p0 [hbm:s0], s1  }
0x7cd: {  	s0 =	simm.s32 @!p0 $0x2  }
0x7ce: {  	_ =	swait.ge @!p0 [sflag:s0], s1  }
0x7cf: {  	s1 =	ssub.s32 @!p0 $0x0, s1;
	[sflag:s0] =	ssyncset.done @!p0 $0x0  }
0x7d0: {  	[sflag:s0] =	ssyncadd.s32 @!p0 s1  }
0x7d1: {  	[bflag:$0x3] =	sbarrier.arrive $0xFFFF  }
0x7d2: {  	_ =	shalt  }

</sc_bundles>
